<compile_context>
chip_gen: v7x
topology: tpu7x:2x2x1
jax: 0.10.2.dev20260603
libtpu: 0.0.44.dev20260713+nightly
codegen_flags: <defaults>
</compile_context>

<pallas_src>
import math

import jax
import jax.numpy as jnp
from jax import lax
from jax.experimental import pallas as pl
from jax.experimental.pallas import tpu as pltpu
from jax.experimental.pallas import tpu_sc as plsc

_V = 1000000
_D = 64
_SCALE = math.sqrt(_D)
_NC = 2
_NS = 16
_NW = _NC * _NS
_NFULL = _V // 128
_TAIL = _NFULL * 128
_SROWS = _TAIL // 2 + 64
_SKEW = 137


def _transpose_body(nat_hbm, tail_hbm, scr_hbm, inb0, inb1, tb1, tbc0, tbc1,
                    isem0, isem1, osem0, osem1):
    wid = lax.axis_index("s") * _NC + lax.axis_index("c")
    iota = lax.iota(jnp.int32, 16)
    vbase = [(vg * 8 + (iota >> 1)) * _SKEW + (iota & 1) * 72
             for vg in range(8)]
    inbs = (inb0, inb1)
    isems = (isem0, isem1)
    tbcs = (tbc0, tbc1)
    osems = (osem0, osem1)
    nt = (_NFULL + _NW - 1) // _NW

    def cof(t):
        return (wid + t * _NW) * 128

    pltpu.async_copy(nat_hbm.at[:, pl.ds(cof(0), 128)], inb0, isem0)

    def do_block(t, buf):
        c = wid + t * _NW
        inb = inbs[buf]

        @pl.when(c + _NW < _NFULL)
        def _():
            pltpu.async_copy(nat_hbm.at[:, pl.ds(cof(t + 1), 128)],
                             inbs[1 - buf], isems[1 - buf])

        pltpu.make_async_copy(nat_hbm.at[:, pl.ds(cof(t), 128)], inb,
                              isems[buf]).wait()

        @plsc.parallel_loop(0, 64, unroll=4)
        def _(d):
            for vg in range(8):
                vec = inb[d, pl.ds(vg * 16, 16)]
                plsc.store_scatter(tb1, [vbase[vg] + d], vec)

        @pl.when(t >= 2)
        def _():
            cp = c - 2 * _NW
            pltpu.make_async_copy(tbcs[buf],
                                  scr_hbm.at[pl.ds(cp * 64, 64)],
                                  osems[buf]).wait()

        @plsc.parallel_loop(0, 64, unroll=4)
        def _(q):
            for h in range(2):
                for dg in range(4):
                    tbcs[buf][q, pl.ds(h * 64 + dg * 16, 16)] = tb1[
                        pl.ds(q * _SKEW + h * 72 + dg * 16, 16)]
        pltpu.async_copy(tbcs[buf], scr_hbm.at[pl.ds(c * 64, 64)],
                         osems[buf])

    def blk_loop(t0, carry):
        for b in range(2):
            t = t0 * 2 + b

            @pl.when(wid + t * _NW < _NFULL)
            def _():
                do_block(t, b)

        return carry

    lax.fori_loop(0, (nt + 1) // 2, blk_loop, 0)

    tmax = (_NFULL - 1 - wid) // _NW
    c1 = wid + tmax * _NW
    for b in range(2):
        cb = jnp.where(tmax % 2 == b, c1, c1 - _NW)
        pltpu.make_async_copy(tbcs[b], scr_hbm.at[pl.ds(cb * 64, 64)],
                              osems[b]).wait()

    @pl.when(wid == 0)
    def _():
        pltpu.sync_copy(tail_hbm, inb0)
        pltpu.sync_copy(inb0, scr_hbm.at[pl.ds(_TAIL // 2, 64)])


def _gather_body(tbl_hbm, xf_hbm, out_hbm, idxv, idxg0, idxg1, rows0, rows1,
                 outc0, outc1, gsem0, gsem1, wsem0, wsem1):
    wid = lax.axis_index("s") * _NC + lax.axis_index("c")
    ngrp = 2560 // _NW
    iota = lax.iota(jnp.int32, 16)
    dgrow = [dg * 16 + iota for dg in range(4)]
    idxgs = (idxg0, idxg1)
    rowss = (rows0, rows1)
    gsems = (gsem0, gsem1)
    outcs = (outc0, outc1)
    wsems = (wsem0, wsem1)

    def wb_waits(g, buf):
        s = g // 128
        cb = g % 128
        for gd in range(8):
            pltpu.make_async_copy(
                outcs[buf].at[pl.ds(gd * 8, 8), pl.ds(0, 128)],
                out_hbm.at[s, gd, cb], wsems[buf]).wait()

    def stage(i, buf):
        g = wid * ngrp + i
        base = (g // 128) * 16384 + (g % 128) * 128
        pltpu.sync_copy(xf_hbm.at[pl.ds(base, 128)], idxv)

        def remap(j, c2):
            vv = idxv[pl.ds(j * 16, 16)]
            idxgs[buf][pl.ds(j * 16, 16)] = jnp.where(vv < _TAIL, vv,
                                                      2 * vv - _TAIL)
            return c2

        lax.fori_loop(0, 8, remap, 0, unroll=8)
        pltpu.async_copy(tbl_hbm.at[idxgs[buf]], rowss[buf], gsems[buf])

    stage(0, 0)

    def do_group(i, buf):
        g = wid * ngrp + i
        s = g // 128
        cb = g % 128
        pltpu.make_async_copy(tbl_hbm.at[idxgs[buf]], rowss[buf],
                              gsems[buf]).wait()

        @pl.when(i + 1 < ngrp)
        def _():
            stage(i + 1, 1 - buf)

        rows = rowss[buf]

        @pl.when(i >= 2)
        def _():
            wb_waits(g - 2, buf)

        @plsc.parallel_loop(0, 128, unroll=4)
        def _(lb):
            col = jnp.full((16,), lb, dtype=jnp.int32)
            for dg in range(4):
                vec = rows[lb, pl.ds(dg * 16, 16)] * _SCALE
                plsc.store_scatter(outcs[buf], [dgrow[dg], col], vec)
        for gd in range(8):
            pltpu.async_copy(outcs[buf].at[pl.ds(gd * 8, 8), pl.ds(0, 128)],
                             out_hbm.at[s, gd, cb], wsems[buf])

    def grp_loop(i0, carry):
        for b in range(2):
            do_group(i0 * 2 + b, b)
        return carry

    lax.fori_loop(0, ngrp // 2, grp_loop, 0)
    for b in range(2):
        wb_waits(wid * ngrp + ngrp - 2 + b, b)


def kernel(x, emb_weight):
    natv = jnp.transpose(emb_weight)
    xf = jnp.reshape(jnp.transpose(x), (327680,)).astype(jnp.int32)
    tailp = jnp.concatenate(
        [emb_weight[_TAIL:, :],
         jnp.zeros((_V - _TAIL, _D), jnp.float32)], axis=1)

    mesh = plsc.VectorSubcoreMesh(core_axis_name="c", subcore_axis_name="s")
    k1 = pl.kernel(
        _transpose_body,
        mesh=mesh,
        out_type=jax.ShapeDtypeStruct((_SROWS, 128), jnp.float32),
        scratch_types=[
            pltpu.VMEM((64, 128), jnp.float32),
            pltpu.VMEM((64, 128), jnp.float32),
            pltpu.VMEM((64 * _SKEW,), jnp.float32),
            pltpu.VMEM((64, 128), jnp.float32),
            pltpu.VMEM((64, 128), jnp.float32),
            pltpu.SemaphoreType.DMA,
            pltpu.SemaphoreType.DMA,
            pltpu.SemaphoreType.DMA,
            pltpu.SemaphoreType.DMA,
        ],
        compiler_params=pltpu.CompilerParams(
            use_tc_tiling_on_sc=True, needs_layout_passes=False),
    )
    scratch = k1(natv, tailp)
    scr_view = jnp.reshape(scratch, (2 * _SROWS, _D))

    k2 = pl.kernel(
        _gather_body,
        mesh=mesh,
        out_type=jax.ShapeDtypeStruct((20, 8, 128, 8, 128), jnp.float32),
        scratch_types=[
            pltpu.VMEM((128,), jnp.int32),
            pltpu.VMEM((128,), jnp.int32),
            pltpu.VMEM((128,), jnp.int32),
            pltpu.VMEM((128, _D), jnp.float32),
            pltpu.VMEM((128, _D), jnp.float32),
            pltpu.VMEM((_D, 136), jnp.float32),
            pltpu.VMEM((_D, 136), jnp.float32),
            pltpu.SemaphoreType.DMA,
            pltpu.SemaphoreType.DMA,
            pltpu.SemaphoreType.DMA,
            pltpu.SemaphoreType.DMA,
        ],
        compiler_params=pltpu.CompilerParams(
            use_tc_tiling_on_sc=False, needs_layout_passes=False),
    )
    out5 = k2(scr_view, xf)
    return jnp.reshape(jnp.transpose(out5, (2, 4, 0, 1, 3)), (16384, 20, 64))

# --- scband reference (transcript-rebuilt; emitter-appended) ---
"""Pipeline reference for scband-embedding-75118978007298 (READ-ONLY COPY).

The authoritative reference and input builder live on the scoring server;
editing this copy changes nothing except your own understanding.
"""

import jax, jax.numpy as jnp
import numpy as np
import math

VOCAB = 1000000
D_MODEL = 64
BATCH = 16384
SEQ = 20

def setup_inputs(seed: int = 0) -> dict:
    key = jax.random.key(seed)
    k_idx, k_w = jax.random.split(key)
    x = jax.random.randint(k_idx, (BATCH, SEQ), 0, VOCAB, dtype=jnp.int64) if jax.config.jax_enable_x64 else jax.random.randint(k_idx, (BATCH, SEQ), 0, VOCAB, dtype=jnp.int32)
    # xavier_normal for embedding table [vocab, d_model]: std = sqrt(2/(fan_in+fan_out))
    std = math.sqrt(2.0 / (VOCAB + D_MODEL))
    emb_weight = jax.random.normal(k_w, (VOCAB, D_MODEL), dtype=jnp.float32) * std
    return {"x": x, "emb_weight": emb_weight}

def reference(x, emb_weight):
    # Faithful to: self.emb(x) * math.sqrt(self.d_model)
    out = jnp.take(emb_weight, x, axis=0)
    return out * math.sqrt(D_MODEL)

if __name__ == "__main__":
    import jax
    _d = setup_inputs()
    print(jax.jit(kernel)(*tuple(_d.values())))

</pallas_src>

<mosaic_0001>
#map = affine_map<(d0, d1) -> (0, 0)>
module attributes {stable_mosaic.version = 14 : i64} {
  func.func @_transpose_body(%arg0: i32, %arg1: i32, %arg2: memref<64x1000000xf32, #tpu.memory_space<hbm>>, %arg3: memref<64x128xf32, #tpu.memory_space<hbm>>, %arg4: memref<500032x128xf32, #tpu.memory_space<hbm>>, %arg5: memref<64x128xf32, #tpu.memory_space<vmem>>, %arg6: memref<64x128xf32, #tpu.memory_space<vmem>>, %arg7: memref<8768xf32, #tpu.memory_space<vmem>>, %arg8: memref<64x128xf32, #tpu.memory_space<vmem>>, %arg9: memref<64x128xf32, #tpu.memory_space<vmem>>, %arg10: memref<!tpu.dma_semaphore, #tpu.memory_space<semaphore_mem>>, %arg11: memref<!tpu.dma_semaphore, #tpu.memory_space<semaphore_mem>>, %arg12: memref<!tpu.dma_semaphore, #tpu.memory_space<semaphore_mem>>, %arg13: memref<!tpu.dma_semaphore, #tpu.memory_space<semaphore_mem>>) attributes {dimension_semantics = [#tpu.dimension_semantics<core_parallel>, #tpu.dimension_semantics<subcore_parallel>], iteration_bounds = array<i64: 2, 16>, scalar_prefetch = 0 : i64, scratch_operands = 9 : i64, tpu.core_type = #tpu.core_type<sc_vector_subcore>, window_params = [{transform_indices = #map}, {transform_indices = #map}, {transform_indices = #map}]} {
    %mul3A = arith.constant 2 : i32
    %mul3A_0 = arith.muli %arg1, %mul3A : i32
    %add3A = arith.addi %mul3A_0, %arg0 : i32
    %iota3A = tpu.iota {dimensions = array<i32: 0>} : vector<16xi32>
    %shift_right_arithmetic3A = arith.constant 1 : i32
    %shift_right_arithmetic3A_1 = vector.broadcast %shift_right_arithmetic3A : i32 to vector<16xi32>
    %shift_right_arithmetic3A_2 = arith.shrsi %iota3A, %shift_right_arithmetic3A_1 : vector<16xi32>
    %add3A_3 = arith.constant 0 : i32
    %add3A_4 = vector.broadcast %add3A_3 : i32 to vector<16xi32>
    %add3A_5 = arith.addi %add3A_4, %shift_right_arithmetic3A_2 : vector<16xi32>
    %mul3A_6 = arith.constant 137 : i32
    %mul3A_7 = vector.broadcast %mul3A_6 : i32 to vector<16xi32>
    %mul3A_8 = arith.muli %add3A_5, %mul3A_7 : vector<16xi32>
    %and3A = arith.constant 1 : i32
    %and3A_9 = vector.broadcast %and3A : i32 to vector<16xi32>
    %and3A_10 = arith.andi %iota3A, %and3A_9 : vector<16xi32>
    %mul3A_11 = arith.constant 72 : i32
    %mul3A_12 = vector.broadcast %mul3A_11 : i32 to vector<16xi32>
    %mul3A_13 = arith.muli %and3A_10, %mul3A_12 : vector<16xi32>
    %add3A_14 = arith.addi %mul3A_8, %mul3A_13 : vector<16xi32>
    %shift_right_arithmetic3A_15 = arith.constant 1 : i32
    %shift_right_arithmetic3A_16 = vector.broadcast %shift_right_arithmetic3A_15 : i32 to vector<16xi32>
    %shift_right_arithmetic3A_17 = arith.shrsi %iota3A, %shift_right_arithmetic3A_16 : vector<16xi32>
    %add3A_18 = arith.constant 8 : i32
    %add3A_19 = vector.broadcast %add3A_18 : i32 to vector<16xi32>
    %add3A_20 = arith.addi %add3A_19, %shift_right_arithmetic3A_17 : vector<16xi32>
    %mul3A_21 = arith.constant 137 : i32
    %mul3A_22 = vector.broadcast %mul3A_21 : i32 to vector<16xi32>
    %mul3A_23 = arith.muli %add3A_20, %mul3A_22 : vector<16xi32>
    %and3A_24 = arith.constant 1 : i32
    %and3A_25 = vector.broadcast %and3A_24 : i32 to vector<16xi32>
    %and3A_26 = arith.andi %iota3A, %and3A_25 : vector<16xi32>
    %mul3A_27 = arith.constant 72 : i32
    %mul3A_28 = vector.broadcast %mul3A_27 : i32 to vector<16xi32>
    %mul3A_29 = arith.muli %and3A_26, %mul3A_28 : vector<16xi32>
    %add3A_30 = arith.addi %mul3A_23, %mul3A_29 : vector<16xi32>
    %shift_right_arithmetic3A_31 = arith.constant 1 : i32
    %shift_right_arithmetic3A_32 = vector.broadcast %shift_right_arithmetic3A_31 : i32 to vector<16xi32>
    %shift_right_arithmetic3A_33 = arith.shrsi %iota3A, %shift_right_arithmetic3A_32 : vector<16xi32>
    %add3A_34 = arith.constant 16 : i32
    %add3A_35 = vector.broadcast %add3A_34 : i32 to vector<16xi32>
    %add3A_36 = arith.addi %add3A_35, %shift_right_arithmetic3A_33 : vector<16xi32>
    %mul3A_37 = arith.constant 137 : i32
    %mul3A_38 = vector.broadcast %mul3A_37 : i32 to vector<16xi32>
    %mul3A_39 = arith.muli %add3A_36, %mul3A_38 : vector<16xi32>
    %and3A_40 = arith.constant 1 : i32
    %and3A_41 = vector.broadcast %and3A_40 : i32 to vector<16xi32>
    %and3A_42 = arith.andi %iota3A, %and3A_41 : vector<16xi32>
    %mul3A_43 = arith.constant 72 : i32
    %mul3A_44 = vector.broadcast %mul3A_43 : i32 to vector<16xi32>
    %mul3A_45 = arith.muli %and3A_42, %mul3A_44 : vector<16xi32>
    %add3A_46 = arith.addi %mul3A_39, %mul3A_45 : vector<16xi32>
    %shift_right_arithmetic3A_47 = arith.constant 1 : i32
    %shift_right_arithmetic3A_48 = vector.broadcast %shift_right_arithmetic3A_47 : i32 to vector<16xi32>
    %shift_right_arithmetic3A_49 = arith.shrsi %iota3A, %shift_right_arithmetic3A_48 : vector<16xi32>
    %add3A_50 = arith.constant 24 : i32
    %add3A_51 = vector.broadcast %add3A_50 : i32 to vector<16xi32>
    %add3A_52 = arith.addi %add3A_51, %shift_right_arithmetic3A_49 : vector<16xi32>
    %mul3A_53 = arith.constant 137 : i32
    %mul3A_54 = vector.broadcast %mul3A_53 : i32 to vector<16xi32>
    %mul3A_55 = arith.muli %add3A_52, %mul3A_54 : vector<16xi32>
    %and3A_56 = arith.constant 1 : i32
    %and3A_57 = vector.broadcast %and3A_56 : i32 to vector<16xi32>
    %and3A_58 = arith.andi %iota3A, %and3A_57 : vector<16xi32>
    %mul3A_59 = arith.constant 72 : i32
    %mul3A_60 = vector.broadcast %mul3A_59 : i32 to vector<16xi32>
    %mul3A_61 = arith.muli %and3A_58, %mul3A_60 : vector<16xi32>
    %add3A_62 = arith.addi %mul3A_55, %mul3A_61 : vector<16xi32>
    %shift_right_arithmetic3A_63 = arith.constant 1 : i32
    %shift_right_arithmetic3A_64 = vector.broadcast %shift_right_arithmetic3A_63 : i32 to vector<16xi32>
    %shift_right_arithmetic3A_65 = arith.shrsi %iota3A, %shift_right_arithmetic3A_64 : vector<16xi32>
    %add3A_66 = arith.constant 32 : i32
    %add3A_67 = vector.broadcast %add3A_66 : i32 to vector<16xi32>
    %add3A_68 = arith.addi %add3A_67, %shift_right_arithmetic3A_65 : vector<16xi32>
    %mul3A_69 = arith.constant 137 : i32
    %mul3A_70 = vector.broadcast %mul3A_69 : i32 to vector<16xi32>
    %mul3A_71 = arith.muli %add3A_68, %mul3A_70 : vector<16xi32>
    %and3A_72 = arith.constant 1 : i32
    %and3A_73 = vector.broadcast %and3A_72 : i32 to vector<16xi32>
    %and3A_74 = arith.andi %iota3A, %and3A_73 : vector<16xi32>
    %mul3A_75 = arith.constant 72 : i32
    %mul3A_76 = vector.broadcast %mul3A_75 : i32 to vector<16xi32>
    %mul3A_77 = arith.muli %and3A_74, %mul3A_76 : vector<16xi32>
    %add3A_78 = arith.addi %mul3A_71, %mul3A_77 : vector<16xi32>
    %shift_right_arithmetic3A_79 = arith.constant 1 : i32
    %shift_right_arithmetic3A_80 = vector.broadcast %shift_right_arithmetic3A_79 : i32 to vector<16xi32>
    %shift_right_arithmetic3A_81 = arith.shrsi %iota3A, %shift_right_arithmetic3A_80 : vector<16xi32>
    %add3A_82 = arith.constant 40 : i32
    %add3A_83 = vector.broadcast %add3A_82 : i32 to vector<16xi32>
    %add3A_84 = arith.addi %add3A_83, %shift_right_arithmetic3A_81 : vector<16xi32>
    %mul3A_85 = arith.constant 137 : i32
    %mul3A_86 = vector.broadcast %mul3A_85 : i32 to vector<16xi32>
    %mul3A_87 = arith.muli %add3A_84, %mul3A_86 : vector<16xi32>
    %and3A_88 = arith.constant 1 : i32
    %and3A_89 = vector.broadcast %and3A_88 : i32 to vector<16xi32>
    %and3A_90 = arith.andi %iota3A, %and3A_89 : vector<16xi32>
    %mul3A_91 = arith.constant 72 : i32
    %mul3A_92 = vector.broadcast %mul3A_91 : i32 to vector<16xi32>
    %mul3A_93 = arith.muli %and3A_90, %mul3A_92 : vector<16xi32>
    %add3A_94 = arith.addi %mul3A_87, %mul3A_93 : vector<16xi32>
    %shift_right_arithmetic3A_95 = arith.constant 1 : i32
    %shift_right_arithmetic3A_96 = vector.broadcast %shift_right_arithmetic3A_95 : i32 to vector<16xi32>
    %shift_right_arithmetic3A_97 = arith.shrsi %iota3A, %shift_right_arithmetic3A_96 : vector<16xi32>
    %add3A_98 = arith.constant 48 : i32
    %add3A_99 = vector.broadcast %add3A_98 : i32 to vector<16xi32>
    %add3A_100 = arith.addi %add3A_99, %shift_right_arithmetic3A_97 : vector<16xi32>
    %mul3A_101 = arith.constant 137 : i32
    %mul3A_102 = vector.broadcast %mul3A_101 : i32 to vector<16xi32>
    %mul3A_103 = arith.muli %add3A_100, %mul3A_102 : vector<16xi32>
    %and3A_104 = arith.constant 1 : i32
    %and3A_105 = vector.broadcast %and3A_104 : i32 to vector<16xi32>
    %and3A_106 = arith.andi %iota3A, %and3A_105 : vector<16xi32>
    %mul3A_107 = arith.constant 72 : i32
    %mul3A_108 = vector.broadcast %mul3A_107 : i32 to vector<16xi32>
    %mul3A_109 = arith.muli %and3A_106, %mul3A_108 : vector<16xi32>
    %add3A_110 = arith.addi %mul3A_103, %mul3A_109 : vector<16xi32>
    %shift_right_arithmetic3A_111 = arith.constant 1 : i32
    %shift_right_arithmetic3A_112 = vector.broadcast %shift_right_arithmetic3A_111 : i32 to vector<16xi32>
    %shift_right_arithmetic3A_113 = arith.shrsi %iota3A, %shift_right_arithmetic3A_112 : vector<16xi32>
    %add3A_114 = arith.constant 56 : i32
    %add3A_115 = vector.broadcast %add3A_114 : i32 to vector<16xi32>
    %add3A_116 = arith.addi %add3A_115, %shift_right_arithmetic3A_113 : vector<16xi32>
    %mul3A_117 = arith.constant 137 : i32
    %mul3A_118 = vector.broadcast %mul3A_117 : i32 to vector<16xi32>
    %mul3A_119 = arith.muli %add3A_116, %mul3A_118 : vector<16xi32>
    %and3A_120 = arith.constant 1 : i32
    %and3A_121 = vector.broadcast %and3A_120 : i32 to vector<16xi32>
    %and3A_122 = arith.andi %iota3A, %and3A_121 : vector<16xi32>
    %mul3A_123 = arith.constant 72 : i32
    %mul3A_124 = vector.broadcast %mul3A_123 : i32 to vector<16xi32>
    %mul3A_125 = arith.muli %and3A_122, %mul3A_124 : vector<16xi32>
    %add3A_126 = arith.addi %mul3A_119, %mul3A_125 : vector<16xi32>
    %add3A_127 = arith.constant 0 : i32
    %add3A_128 = arith.addi %add3A, %add3A_127 : i32
    %mul3A_129 = arith.constant 128 : i32
    %mul3A_130 = arith.muli %add3A_128, %mul3A_129 : i32
    %dma_start3A = arith.constant 0 : i32
    %dma_start3A_131 = tpu.memref_slice %arg2[%dma_start3A, %mul3A_130] : memref<64x1000000xf32, #tpu.memory_space<hbm>> -> memref<64x128xf32, #tpu.memory_space<hbm>>
    %dma_start3A_132 = arith.constant 0 : i32
    %dma_start3A_133 = tpu.memref_slice %arg2[%dma_start3A_132, %mul3A_130] : memref<64x1000000xf32, #tpu.memory_space<hbm>> -> memref<64x128xf32, #tpu.memory_space<hbm>>
    tpu.enqueue_dma source(%dma_start3A_133 : memref<64x128xf32, #tpu.memory_space<hbm>>) target(%arg5 : memref<64x128xf32, #tpu.memory_space<vmem>>) target_semaphore(%arg10 : memref<!tpu.dma_semaphore, #tpu.memory_space<semaphore_mem>>)
    %scan3A = arith.constant 0 : i32
    %scan3A_134 = arith.constant 0 : i32
    %scan3A_135 = arith.constant 123 : i32
    %scan3A_136 = arith.addi %scan3A_134, %scan3A_135 : i32
    %scan3A_137 = arith.constant 1 : i32
    scf.for %scan3A_215 = %scan3A_134 to %scan3A_136 step %scan3A_137  : i32 {
      %mul3A_216 = arith.constant 2 : i32
      %mul3A_217 = arith.muli %scan3A_215, %mul3A_216 : i32
      %add3A_218 = arith.constant 0 : i32
      %add3A_219 = arith.addi %mul3A_217, %add3A_218 : i32
      %mul3A_220 = arith.constant 32 : i32
      %mul3A_221 = arith.muli %add3A_219, %mul3A_220 : i32
      %add3A_222 = arith.addi %add3A, %mul3A_221 : i32
      %lt3A_223 = arith.constant 7812 : i32
      %lt3A_224 = arith.cmpi slt, %add3A_222, %lt3A_223 : i32
      %convert_element_type3A_225 = arith.extui %lt3A_224 : i1 to i32
      %cond3A_226 = arith.constant 0 : i32
      %cond3A_227 = arith.cmpi ne, %convert_element_type3A_225, %cond3A_226 : i32
      scf.if %cond3A_227 {
        %mul3A_240 = arith.constant 32 : i32
        %mul3A_241 = arith.muli %add3A_219, %mul3A_240 : i32
        %add3A_242 = arith.addi %add3A, %mul3A_241 : i32
        %add3A_243 = arith.constant 32 : i32
        %add3A_244 = arith.addi %add3A_242, %add3A_243 : i32
        %lt3A_245 = arith.constant 7812 : i32
        %lt3A_246 = arith.cmpi slt, %add3A_244, %lt3A_245 : i32
        %convert_element_type3A_247 = arith.extui %lt3A_246 : i1 to i32
        %cond3A_248 = arith.constant 0 : i32
        %cond3A_249 = arith.cmpi ne, %convert_element_type3A_247, %cond3A_248 : i32
        scf.if %cond3A_249 {
          %add3A_274 = arith.constant 1 : i32
          %add3A_275 = arith.addi %add3A_219, %add3A_274 : i32
          %mul3A_276 = arith.constant 32 : i32
          %mul3A_277 = arith.muli %add3A_275, %mul3A_276 : i32
          %add3A_278 = arith.addi %add3A, %mul3A_277 : i32
          %mul3A_279 = arith.constant 128 : i32
          %mul3A_280 = arith.muli %add3A_278, %mul3A_279 : i32
          %dma_start3A_281 = arith.constant 0 : i32
          %dma_start3A_282 = tpu.memref_slice %arg2[%dma_start3A_281, %mul3A_280] : memref<64x1000000xf32, #tpu.memory_space<hbm>> -> memref<64x128xf32, #tpu.memory_space<hbm>>
          %dma_start3A_283 = arith.constant 0 : i32
          %dma_start3A_284 = tpu.memref_slice %arg2[%dma_start3A_283, %mul3A_280] : memref<64x1000000xf32, #tpu.memory_space<hbm>> -> memref<64x128xf32, #tpu.memory_space<hbm>>
          tpu.enqueue_dma source(%dma_start3A_284 : memref<64x128xf32, #tpu.memory_space<hbm>>) target(%arg6 : memref<64x128xf32, #tpu.memory_space<vmem>>) target_semaphore(%arg11 : memref<!tpu.dma_semaphore, #tpu.memory_space<semaphore_mem>>)
        } else {
        }
        %mul3A_250 = arith.constant 32 : i32
        %mul3A_251 = arith.muli %add3A_219, %mul3A_250 : i32
        %add3A_252 = arith.addi %add3A, %mul3A_251 : i32
        %mul3A_253 = arith.constant 128 : i32
        %mul3A_254 = arith.muli %add3A_252, %mul3A_253 : i32
        %dma_wait3A_255 = arith.constant 0 : i32
        %dma_wait3A_256 = tpu.memref_slice %arg2[%dma_wait3A_255, %mul3A_254] : memref<64x1000000xf32, #tpu.memory_space<hbm>> -> memref<64x128xf32, #tpu.memory_space<hbm>>
        %dma_wait3A_257 = arith.constant 0 : i32
        %dma_wait3A_258 = tpu.memref_slice %arg2[%dma_wait3A_257, %mul3A_254] : memref<64x1000000xf32, #tpu.memory_space<hbm>> -> memref<64x128xf32, #tpu.memory_space<hbm>>
        tpu.wait_dma2 semaphore(%arg10 : memref<!tpu.dma_semaphore, #tpu.memory_space<semaphore_mem>>) src(%dma_wait3A_258 : memref<64x128xf32, #tpu.memory_space<hbm>>) dst(%arg5 : memref<64x128xf32, #tpu.memory_space<vmem>>)
        %parallel_loop3A = arith.constant 0 : i32
        %parallel_loop3A_259 = arith.constant 64 : i32
        %parallel_loop3A_260 = arith.constant 1 : i32
        scf.for %parallel_loop3A_274 = %parallel_loop3A to %parallel_loop3A_259 step %parallel_loop3A_260  : i32 {
          %parallel_loop3A_275 = arith.index_cast %parallel_loop3A_274 : i32 to index
          %parallel_loop3A_276 = arith.constant 0 : index
          %parallel_loop3A_277 = tpu.vector_load %arg5[%parallel_loop3A_275, %parallel_loop3A_276] {strides = array<i32>} : memref<64x128xf32, #tpu.memory_space<vmem>>, vector<16xf32>,
          %parallel_loop3A_278 = vector.broadcast %parallel_loop3A_274 : i32 to vector<16xi32>
          %parallel_loop3A_279 = arith.addi %add3A_14, %parallel_loop3A_278 : vector<16xi32>
          tpu.vector_store_idx %arg7[%parallel_loop3A_279], %parallel_loop3A_277 : memref<8768xf32, #tpu.memory_space<vmem>>[vector<16xi32>], vector<16xf32>,
          %parallel_loop3A_280 = arith.index_cast %parallel_loop3A_274 : i32 to index
          %parallel_loop3A_281 = arith.constant 16 : index
          %parallel_loop3A_282 = tpu.vector_load %arg5[%parallel_loop3A_280, %parallel_loop3A_281] {strides = array<i32>} : memref<64x128xf32, #tpu.memory_space<vmem>>, vector<16xf32>,
          %parallel_loop3A_283 = vector.broadcast %parallel_loop3A_274 : i32 to vector<16xi32>
          %parallel_loop3A_284 = arith.addi %add3A_30, %parallel_loop3A_283 : vector<16xi32>
          tpu.vector_store_idx %arg7[%parallel_loop3A_284], %parallel_loop3A_282 : memref<8768xf32, #tpu.memory_space<vmem>>[vector<16xi32>], vector<16xf32>,
          %parallel_loop3A_285 = arith.index_cast %parallel_loop3A_274 : i32 to index
          %parallel_loop3A_286 = arith.constant 32 : index
          %parallel_loop3A_287 = tpu.vector_load %arg5[%parallel_loop3A_285, %parallel_loop3A_286] {strides = array<i32>} : memref<64x128xf32, #tpu.memory_space<vmem>>, vector<16xf32>,
          %parallel_loop3A_288 = vector.broadcast %parallel_loop3A_274 : i32 to vector<16xi32>
          %parallel_loop3A_289 = arith.addi %add3A_46, %parallel_loop3A_288 : vector<16xi32>
          tpu.vector_store_idx %arg7[%parallel_loop3A_289], %parallel_loop3A_287 : memref<8768xf32, #tpu.memory_space<vmem>>[vector<16xi32>], vector<16xf32>,
          %parallel_loop3A_290 = arith.index_cast %parallel_loop3A_274 : i32 to index
          %parallel_loop3A_291 = arith.constant 48 : index
          %parallel_loop3A_292 = tpu.vector_load %arg5[%parallel_loop3A_290, %parallel_loop3A_291] {strides = array<i32>} : memref<64x128xf32, #tpu.memory_space<vmem>>, vector<16xf32>,
          %parallel_loop3A_293 = vector.broadcast %parallel_loop3A_274 : i32 to vector<16xi32>
          %parallel_loop3A_294 = arith.addi %add3A_62, %parallel_loop3A_293 : vector<16xi32>
          tpu.vector_store_idx %arg7[%parallel_loop3A_294], %parallel_loop3A_292 : memref<8768xf32, #tpu.memory_space<vmem>>[vector<16xi32>], vector<16xf32>,
          %parallel_loop3A_295 = arith.index_cast %parallel_loop3A_274 : i32 to index
          %parallel_loop3A_296 = arith.constant 64 : index
          %parallel_loop3A_297 = tpu.vector_load %arg5[%parallel_loop3A_295, %parallel_loop3A_296] {strides = array<i32>} : memref<64x128xf32, #tpu.memory_space<vmem>>, vector<16xf32>,
          %parallel_loop3A_298 = vector.broadcast %parallel_loop3A_274 : i32 to vector<16xi32>
          %parallel_loop3A_299 = arith.addi %add3A_78, %parallel_loop3A_298 : vector<16xi32>
          tpu.vector_store_idx %arg7[%parallel_loop3A_299], %parallel_loop3A_297 : memref<8768xf32, #tpu.memory_space<vmem>>[vector<16xi32>], vector<16xf32>,
          %parallel_loop3A_300 = arith.index_cast %parallel_loop3A_274 : i32 to index
          %parallel_loop3A_301 = arith.constant 80 : index
          %parallel_loop3A_302 = tpu.vector_load %arg5[%parallel_loop3A_300, %parallel_loop3A_301] {strides = array<i32>} : memref<64x128xf32, #tpu.memory_space<vmem>>, vector<16xf32>,
          %parallel_loop3A_303 = vector.broadcast %parallel_loop3A_274 : i32 to vector<16xi32>
          %parallel_loop3A_304 = arith.addi %add3A_94, %parallel_loop3A_303 : vector<16xi32>
          tpu.vector_store_idx %arg7[%parallel_loop3A_304], %parallel_loop3A_302 : memref<8768xf32, #tpu.memory_space<vmem>>[vector<16xi32>], vector<16xf32>,
          %parallel_loop3A_305 = arith.index_cast %parallel_loop3A_274 : i32 to index
          %parallel_loop3A_306 = arith.constant 96 : index
          %parallel_loop3A_307 = tpu.vector_load %arg5[%parallel_loop3A_305, %parallel_loop3A_306] {strides = array<i32>} : memref<64x128xf32, #tpu.memory_space<vmem>>, vector<16xf32>,
          %parallel_loop3A_308 = vector.broadcast %parallel_loop3A_274 : i32 to vector<16xi32>
          %parallel_loop3A_309 = arith.addi %add3A_110, %parallel_loop3A_308 : vector<16xi32>
          tpu.vector_store_idx %arg7[%parallel_loop3A_309], %parallel_loop3A_307 : memref<8768xf32, #tpu.memory_space<vmem>>[vector<16xi32>], vector<16xf32>,
          %parallel_loop3A_310 = arith.index_cast %parallel_loop3A_274 : i32 to index
          %parallel_loop3A_311 = arith.constant 112 : index
          %parallel_loop3A_312 = tpu.vector_load %arg5[%parallel_loop3A_310, %parallel_loop3A_311] {strides = array<i32>} : memref<64x128xf32, #tpu.memory_space<vmem>>, vector<16xf32>,
          %parallel_loop3A_313 = vector.broadcast %parallel_loop3A_274 : i32 to vector<16xi32>
          %parallel_loop3A_314 = arith.addi %add3A_126, %parallel_loop3A_313 : vector<16xi32>
          tpu.vector_store_idx %arg7[%parallel_loop3A_314], %parallel_loop3A_312 : memref<8768xf32, #tpu.memory_space<vmem>>[vector<16xi32>], vector<16xf32>,
        } {sc.loop_unroll_factor = 4 : i64, sc.parallel_access}
        %ge3A = arith.constant 2 : i32
        %ge3A_261 = arith.cmpi sge, %add3A_219, %ge3A : i32
        %convert_element_type3A_262 = arith.extui %ge3A_261 : i1 to i32
        %cond3A_263 = arith.constant 0 : i32
        %cond3A_264 = arith.cmpi ne, %convert_element_type3A_262, %cond3A_263 : i32
        scf.if %cond3A_264 {
          %sub3A_274 = arith.constant 64 : i32
          %sub3A_275 = arith.subi %add3A_242, %sub3A_274 : i32
          %mul3A_276 = arith.constant 64 : i32
          %mul3A_277 = arith.muli %sub3A_275, %mul3A_276 : i32
          %dma_wait3A_278 = arith.constant 0 : i32
          %dma_wait3A_279 = tpu.memref_slice %arg4[%mul3A_277, %dma_wait3A_278] : memref<500032x128xf32, #tpu.memory_space<hbm>> -> memref<64x128xf32, #tpu.memory_space<hbm>>
          %dma_wait3A_280 = arith.constant 0 : i32
          %dma_wait3A_281 = tpu.memref_slice %arg4[%mul3A_277, %dma_wait3A_280] : memref<500032x128xf32, #tpu.memory_space<hbm>> -> memref<64x128xf32, #tpu.memory_space<hbm>>
          tpu.wait_dma2 semaphore(%arg12 : memref<!tpu.dma_semaphore, #tpu.memory_space<semaphore_mem>>) src(%arg8 : memref<64x128xf32, #tpu.memory_space<vmem>>) dst(%dma_wait3A_281 : memref<64x128xf32, #tpu.memory_space<hbm>>)
        } else {
        }
        %parallel_loop3A_265 = arith.constant 0 : i32
        %parallel_loop3A_266 = arith.constant 64 : i32
        %parallel_loop3A_267 = arith.constant 1 : i32
        scf.for %parallel_loop3A_274 = %parallel_loop3A_265 to %parallel_loop3A_266 step %parallel_loop3A_267  : i32 {
          %parallel_loop3A_275 = arith.constant 137 : i32
          %parallel_loop3A_276 = arith.muli %parallel_loop3A_274, %parallel_loop3A_275 : i32
          %parallel_loop3A_277 = arith.constant 0 : i32
          %parallel_loop3A_278 = arith.addi %parallel_loop3A_276, %parallel_loop3A_277 : i32
          %parallel_loop3A_279 = arith.constant 0 : i32
          %parallel_loop3A_280 = arith.addi %parallel_loop3A_278, %parallel_loop3A_279 : i32
          %parallel_loop3A_281 = arith.index_cast %parallel_loop3A_280 : i32 to index
          %parallel_loop3A_282 = tpu.vector_load %arg7[%parallel_loop3A_281] {strides = array<i32>} : memref<8768xf32, #tpu.memory_space<vmem>>, vector<16xf32>,
          %parallel_loop3A_283 = arith.index_cast %parallel_loop3A_274 : i32 to index
          %parallel_loop3A_284 = arith.constant 0 : index
          %parallel_loop3A_285 = tpu.vector_load %arg8[%parallel_loop3A_283, %parallel_loop3A_284] {strides = array<i32>} : memref<64x128xf32, #tpu.memory_space<vmem>>, vector<16xf32>,
          tpu.vector_store %arg8[%parallel_loop3A_283, %parallel_loop3A_284], %parallel_loop3A_282 {strides = array<i32>} : memref<64x128xf32, #tpu.memory_space<vmem>>, vector<16xf32>,
          %parallel_loop3A_286 = arith.constant 137 : i32
          %parallel_loop3A_287 = arith.muli %parallel_loop3A_274, %parallel_loop3A_286 : i32
          %parallel_loop3A_288 = arith.constant 0 : i32
          %parallel_loop3A_289 = arith.addi %parallel_loop3A_287, %parallel_loop3A_288 : i32
          %parallel_loop3A_290 = arith.constant 16 : i32
          %parallel_loop3A_291 = arith.addi %parallel_loop3A_289, %parallel_loop3A_290 : i32
          %parallel_loop3A_292 = arith.index_cast %parallel_loop3A_291 : i32 to index
          %parallel_loop3A_293 = tpu.vector_load %arg7[%parallel_loop3A_292] {strides = array<i32>} : memref<8768xf32, #tpu.memory_space<vmem>>, vector<16xf32>,
          %parallel_loop3A_294 = arith.index_cast %parallel_loop3A_274 : i32 to index
          %parallel_loop3A_295 = arith.constant 16 : index
          %parallel_loop3A_296 = tpu.vector_load %arg8[%parallel_loop3A_294, %parallel_loop3A_295] {strides = array<i32>} : memref<64x128xf32, #tpu.memory_space<vmem>>, vector<16xf32>,
          tpu.vector_store %arg8[%parallel_loop3A_294, %parallel_loop3A_295], %parallel_loop3A_293 {strides = array<i32>} : memref<64x128xf32, #tpu.memory_space<vmem>>, vector<16xf32>,
          %parallel_loop3A_297 = arith.constant 137 : i32
          %parallel_loop3A_298 = arith.muli %parallel_loop3A_274, %parallel_loop3A_297 : i32
          %parallel_loop3A_299 = arith.constant 0 : i32
          %parallel_loop3A_300 = arith.addi %parallel_loop3A_298, %parallel_loop3A_299 : i32
          %parallel_loop3A_301 = arith.constant 32 : i32
          %parallel_loop3A_302 = arith.addi %parallel_loop3A_300, %parallel_loop3A_301 : i32
          %parallel_loop3A_303 = arith.index_cast %parallel_loop3A_302 : i32 to index
          %parallel_loop3A_304 = tpu.vector_load %arg7[%parallel_loop3A_303] {strides = array<i32>} : memref<8768xf32, #tpu.memory_space<vmem>>, vector<16xf32>,
          %parallel_loop3A_305 = arith.index_cast %parallel_loop3A_274 : i32 to index
          %parallel_loop3A_306 = arith.constant 32 : index
          %parallel_loop3A_307 = tpu.vector_load %arg8[%parallel_loop3A_305, %parallel_loop3A_306] {strides = array<i32>} : memref<64x128xf32, #tpu.memory_space<vmem>>, vector<16xf32>,
          tpu.vector_store %arg8[%parallel_loop3A_305, %parallel_loop3A_306], %parallel_loop3A_304 {strides = array<i32>} : memref<64x128xf32, #tpu.memory_space<vmem>>, vector<16xf32>,
          %parallel_loop3A_308 = arith.constant 137 : i32
          %parallel_loop3A_309 = arith.muli %parallel_loop3A_274, %parallel_loop3A_308 : i32
          %parallel_loop3A_310 = arith.constant 0 : i32
          %parallel_loop3A_311 = arith.addi %parallel_loop3A_309, %parallel_loop3A_310 : i32
          %parallel_loop3A_312 = arith.constant 48 : i32
          %parallel_loop3A_313 = arith.addi %parallel_loop3A_311, %parallel_loop3A_312 : i32
          %parallel_loop3A_314 = arith.index_cast %parallel_loop3A_313 : i32 to index
          %parallel_loop3A_315 = tpu.vector_load %arg7[%parallel_loop3A_314] {strides = array<i32>} : memref<8768xf32, #tpu.memory_space<vmem>>, vector<16xf32>,
          %parallel_loop3A_316 = arith.index_cast %parallel_loop3A_274 : i32 to index
          %parallel_loop3A_317 = arith.constant 48 : index
          %parallel_loop3A_318 = tpu.vector_load %arg8[%parallel_loop3A_316, %parallel_loop3A_317] {strides = array<i32>} : memref<64x128xf32, #tpu.memory_space<vmem>>, vector<16xf32>,
          tpu.vector_store %arg8[%parallel_loop3A_316, %parallel_loop3A_317], %parallel_loop3A_315 {strides = array<i32>} : memref<64x128xf32, #tpu.memory_space<vmem>>, vector<16xf32>,
          %parallel_loop3A_319 = arith.constant 137 : i32
          %parallel_loop3A_320 = arith.muli %parallel_loop3A_274, %parallel_loop3A_319 : i32
          %parallel_loop3A_321 = arith.constant 72 : i32
          %parallel_loop3A_322 = arith.addi %parallel_loop3A_320, %parallel_loop3A_321 : i32
          %parallel_loop3A_323 = arith.constant 0 : i32
          %parallel_loop3A_324 = arith.addi %parallel_loop3A_322, %parallel_loop3A_323 : i32
          %parallel_loop3A_325 = arith.index_cast %parallel_loop3A_324 : i32 to index
          %parallel_loop3A_326 = tpu.vector_load %arg7[%parallel_loop3A_325] {strides = array<i32>} : memref<8768xf32, #tpu.memory_space<vmem>>, vector<16xf32>,
          %parallel_loop3A_327 = arith.index_cast %parallel_loop3A_274 : i32 to index
          %parallel_loop3A_328 = arith.constant 64 : index
          %parallel_loop3A_329 = tpu.vector_load %arg8[%parallel_loop3A_327, %parallel_loop3A_328] {strides = array<i32>} : memref<64x128xf32, #tpu.memory_space<vmem>>, vector<16xf32>,
          tpu.vector_store %arg8[%parallel_loop3A_327, %parallel_loop3A_328], %parallel_loop3A_326 {strides = array<i32>} : memref<64x128xf32, #tpu.memory_space<vmem>>, vector<16xf32>,
          %parallel_loop3A_330 = arith.constant 137 : i32
          %parallel_loop3A_331 = arith.muli %parallel_loop3A_274, %parallel_loop3A_330 : i32
          %parallel_loop3A_332 = arith.constant 72 : i32
          %parallel_loop3A_333 = arith.addi %parallel_loop3A_331, %parallel_loop3A_332 : i32
          %parallel_loop3A_334 = arith.constant 16 : i32
          %parallel_loop3A_335 = arith.addi %parallel_loop3A_333, %parallel_loop3A_334 : i32
          %parallel_loop3A_336 = arith.index_cast %parallel_loop3A_335 : i32 to index
          %parallel_loop3A_337 = tpu.vector_load %arg7[%parallel_loop3A_336] {strides = array<i32>} : memref<8768xf32, #tpu.memory_space<vmem>>, vector<16xf32>,
          %parallel_loop3A_338 = arith.index_cast %parallel_loop3A_274 : i32 to index
          %parallel_loop3A_339 = arith.constant 80 : index
          %parallel_loop3A_340 = tpu.vector_load %arg8[%parallel_loop3A_338, %parallel_loop3A_339] {strides = array<i32>} : memref<64x128xf32, #tpu.memory_space<vmem>>, vector<16xf32>,
          tpu.vector_store %arg8[%parallel_loop3A_338, %parallel_loop3A_339], %parallel_loop3A_337 {strides = array<i32>} : memref<64x128xf32, #tpu.memory_space<vmem>>, vector<16xf32>,
          %parallel_loop3A_341 = arith.constant 137 : i32
          %parallel_loop3A_342 = arith.muli %parallel_loop3A_274, %parallel_loop3A_341 : i32
          %parallel_loop3A_343 = arith.constant 72 : i32
          %parallel_loop3A_344 = arith.addi %parallel_loop3A_342, %parallel_loop3A_343 : i32
          %parallel_loop3A_345 = arith.constant 32 : i32
          %parallel_loop3A_346 = arith.addi %parallel_loop3A_344, %parallel_loop3A_345 : i32
          %parallel_loop3A_347 = arith.index_cast %parallel_loop3A_346 : i32 to index
          %parallel_loop3A_348 = tpu.vector_load %arg7[%parallel_loop3A_347] {strides = array<i32>} : memref<8768xf32, #tpu.memory_space<vmem>>, vector<16xf32>,
          %parallel_loop3A_349 = arith.index_cast %parallel_loop3A_274 : i32 to index
          %parallel_loop3A_350 = arith.constant 96 : index
          %parallel_loop3A_351 = tpu.vector_load %arg8[%parallel_loop3A_349, %parallel_loop3A_350] {strides = array<i32>} : memref<64x128xf32, #tpu.memory_space<vmem>>, vector<16xf32>,
          tpu.vector_store %arg8[%parallel_loop3A_349, %parallel_loop3A_350], %parallel_loop3A_348 {strides = array<i32>} : memref<64x128xf32, #tpu.memory_space<vmem>>, vector<16xf32>,
          %parallel_loop3A_352 = arith.constant 137 : i32
          %parallel_loop3A_353 = arith.muli %parallel_loop3A_274, %parallel_loop3A_352 : i32
          %parallel_loop3A_354 = arith.constant 72 : i32
          %parallel_loop3A_355 = arith.addi %parallel_loop3A_353, %parallel_loop3A_354 : i32
          %parallel_loop3A_356 = arith.constant 48 : i32
          %parallel_loop3A_357 = arith.addi %parallel_loop3A_355, %parallel_loop3A_356 : i32
          %parallel_loop3A_358 = arith.index_cast %parallel_loop3A_357 : i32 to index
          %parallel_loop3A_359 = tpu.vector_load %arg7[%parallel_loop3A_358] {strides = array<i32>} : memref<8768xf32, #tpu.memory_space<vmem>>, vector<16xf32>,
          %parallel_loop3A_360 = arith.index_cast %parallel_loop3A_274 : i32 to index
          %parallel_loop3A_361 = arith.constant 112 : index
          %parallel_loop3A_362 = tpu.vector_load %arg8[%parallel_loop3A_360, %parallel_loop3A_361] {strides = array<i32>} : memref<64x128xf32, #tpu.memory_space<vmem>>, vector<16xf32>,
          tpu.vector_store %arg8[%parallel_loop3A_360, %parallel_loop3A_361], %parallel_loop3A_359 {strides = array<i32>} : memref<64x128xf32, #tpu.memory_space<vmem>>, vector<16xf32>,
        } {sc.loop_unroll_factor = 4 : i64, sc.parallel_access}
        %mul3A_268 = arith.constant 64 : i32
        %mul3A_269 = arith.muli %add3A_242, %mul3A_268 : i32
        %dma_start3A_270 = arith.constant 0 : i32
        %dma_start3A_271 = tpu.memref_slice %arg4[%mul3A_269, %dma_start3A_270] : memref<500032x128xf32, #tpu.memory_space<hbm>> -> memref<64x128xf32, #tpu.memory_space<hbm>>
        %dma_start3A_272 = arith.constant 0 : i32
        %dma_start3A_273 = tpu.memref_slice %arg4[%mul3A_269, %dma_start3A_272] : memref<500032x128xf32, #tpu.memory_space<hbm>> -> memref<64x128xf32, #tpu.memory_space<hbm>>
        tpu.enqueue_dma source(%arg8 : memref<64x128xf32, #tpu.memory_space<vmem>>) target(%dma_start3A_273 : memref<64x128xf32, #tpu.memory_space<hbm>>) target_semaphore(%arg12 : memref<!tpu.dma_semaphore, #tpu.memory_space<semaphore_mem>>)
      } else {
      }
      %mul3A_228 = arith.constant 2 : i32
      %mul3A_229 = arith.muli %scan3A_215, %mul3A_228 : i32
      %add3A_230 = arith.constant 1 : i32
      %add3A_231 = arith.addi %mul3A_229, %add3A_230 : i32
      %mul3A_232 = arith.constant 32 : i32
      %mul3A_233 = arith.muli %add3A_231, %mul3A_232 : i32
      %add3A_234 = arith.addi %add3A, %mul3A_233 : i32
      %lt3A_235 = arith.constant 7812 : i32
      %lt3A_236 = arith.cmpi slt, %add3A_234, %lt3A_235 : i32
      %convert_element_type3A_237 = arith.extui %lt3A_236 : i1 to i32
      %cond3A_238 = arith.constant 0 : i32
      %cond3A_239 = arith.cmpi ne, %convert_element_type3A_237, %cond3A_238 : i32
      scf.if %cond3A_239 {
        %mul3A_240 = arith.constant 32 : i32
        %mul3A_241 = arith.muli %add3A_231, %mul3A_240 : i32
        %add3A_242 = arith.addi %add3A, %mul3A_241 : i32
        %add3A_243 = arith.constant 32 : i32
        %add3A_244 = arith.addi %add3A_242, %add3A_243 : i32
        %lt3A_245 = arith.constant 7812 : i32
        %lt3A_246 = arith.cmpi slt, %add3A_244, %lt3A_245 : i32
        %convert_element_type3A_247 = arith.extui %lt3A_246 : i1 to i32
        %cond3A_248 = arith.constant 0 : i32
        %cond3A_249 = arith.cmpi ne, %convert_element_type3A_247, %cond3A_248 : i32
        scf.if %cond3A_249 {
          %add3A_274 = arith.constant 1 : i32
          %add3A_275 = arith.addi %add3A_231, %add3A_274 : i32
          %mul3A_276 = arith.constant 32 : i32
          %mul3A_277 = arith.muli %add3A_275, %mul3A_276 : i32
          %add3A_278 = arith.addi %add3A, %mul3A_277 : i32
          %mul3A_279 = arith.constant 128 : i32
          %mul3A_280 = arith.muli %add3A_278, %mul3A_279 : i32
          %dma_start3A_281 = arith.constant 0 : i32
          %dma_start3A_282 = tpu.memref_slice %arg2[%dma_start3A_281, %mul3A_280] : memref<64x1000000xf32, #tpu.memory_space<hbm>> -> memref<64x128xf32, #tpu.memory_space<hbm>>
          %dma_start3A_283 = arith.constant 0 : i32
          %dma_start3A_284 = tpu.memref_slice %arg2[%dma_start3A_283, %mul3A_280] : memref<64x1000000xf32, #tpu.memory_space<hbm>> -> memref<64x128xf32, #tpu.memory_space<hbm>>
          tpu.enqueue_dma source(%dma_start3A_284 : memref<64x128xf32, #tpu.memory_space<hbm>>) target(%arg5 : memref<64x128xf32, #tpu.memory_space<vmem>>) target_semaphore(%arg10 : memref<!tpu.dma_semaphore, #tpu.memory_space<semaphore_mem>>)
        } else {
        }
        %mul3A_250 = arith.constant 32 : i32
        %mul3A_251 = arith.muli %add3A_231, %mul3A_250 : i32
        %add3A_252 = arith.addi %add3A, %mul3A_251 : i32
        %mul3A_253 = arith.constant 128 : i32
        %mul3A_254 = arith.muli %add3A_252, %mul3A_253 : i32
        %dma_wait3A_255 = arith.constant 0 : i32
        %dma_wait3A_256 = tpu.memref_slice %arg2[%dma_wait3A_255, %mul3A_254] : memref<64x1000000xf32, #tpu.memory_space<hbm>> -> memref<64x128xf32, #tpu.memory_space<hbm>>
        %dma_wait3A_257 = arith.constant 0 : i32
        %dma_wait3A_258 = tpu.memref_slice %arg2[%dma_wait3A_257, %mul3A_254] : memref<64x1000000xf32, #tpu.memory_space<hbm>> -> memref<64x128xf32, #tpu.memory_space<hbm>>
        tpu.wait_dma2 semaphore(%arg11 : memref<!tpu.dma_semaphore, #tpu.memory_space<semaphore_mem>>) src(%dma_wait3A_258 : memref<64x128xf32, #tpu.memory_space<hbm>>) dst(%arg6 : memref<64x128xf32, #tpu.memory_space<vmem>>)
        %parallel_loop3A = arith.constant 0 : i32
        %parallel_loop3A_259 = arith.constant 64 : i32
        %parallel_loop3A_260 = arith.constant 1 : i32
        scf.for %parallel_loop3A_274 = %parallel_loop3A to %parallel_loop3A_259 step %parallel_loop3A_260  : i32 {
          %parallel_loop3A_275 = arith.index_cast %parallel_loop3A_274 : i32 to index
          %parallel_loop3A_276 = arith.constant 0 : index
          %parallel_loop3A_277 = tpu.vector_load %arg6[%parallel_loop3A_275, %parallel_loop3A_276] {strides = array<i32>} : memref<64x128xf32, #tpu.memory_space<vmem>>, vector<16xf32>,
          %parallel_loop3A_278 = vector.broadcast %parallel_loop3A_274 : i32 to vector<16xi32>
          %parallel_loop3A_279 = arith.addi %add3A_14, %parallel_loop3A_278 : vector<16xi32>
          tpu.vector_store_idx %arg7[%parallel_loop3A_279], %parallel_loop3A_277 : memref<8768xf32, #tpu.memory_space<vmem>>[vector<16xi32>], vector<16xf32>,
          %parallel_loop3A_280 = arith.index_cast %parallel_loop3A_274 : i32 to index
          %parallel_loop3A_281 = arith.constant 16 : index
          %parallel_loop3A_282 = tpu.vector_load %arg6[%parallel_loop3A_280, %parallel_loop3A_281] {strides = array<i32>} : memref<64x128xf32, #tpu.memory_space<vmem>>, vector<16xf32>,
          %parallel_loop3A_283 = vector.broadcast %parallel_loop3A_274 : i32 to vector<16xi32>
          %parallel_loop3A_284 = arith.addi %add3A_30, %parallel_loop3A_283 : vector<16xi32>
          tpu.vector_store_idx %arg7[%parallel_loop3A_284], %parallel_loop3A_282 : memref<8768xf32, #tpu.memory_space<vmem>>[vector<16xi32>], vector<16xf32>,
          %parallel_loop3A_285 = arith.index_cast %parallel_loop3A_274 : i32 to index
          %parallel_loop3A_286 = arith.constant 32 : index
          %parallel_loop3A_287 = tpu.vector_load %arg6[%parallel_loop3A_285, %parallel_loop3A_286] {strides = array<i32>} : memref<64x128xf32, #tpu.memory_space<vmem>>, vector<16xf32>,
          %parallel_loop3A_288 = vector.broadcast %parallel_loop3A_274 : i32 to vector<16xi32>
          %parallel_loop3A_289 = arith.addi %add3A_46, %parallel_loop3A_288 : vector<16xi32>
          tpu.vector_store_idx %arg7[%parallel_loop3A_289], %parallel_loop3A_287 : memref<8768xf32, #tpu.memory_space<vmem>>[vector<16xi32>], vector<16xf32>,
          %parallel_loop3A_290 = arith.index_cast %parallel_loop3A_274 : i32 to index
          %parallel_loop3A_291 = arith.constant 48 : index
          %parallel_loop3A_292 = tpu.vector_load %arg6[%parallel_loop3A_290, %parallel_loop3A_291] {strides = array<i32>} : memref<64x128xf32, #tpu.memory_space<vmem>>, vector<16xf32>,
          %parallel_loop3A_293 = vector.broadcast %parallel_loop3A_274 : i32 to vector<16xi32>
          %parallel_loop3A_294 = arith.addi %add3A_62, %parallel_loop3A_293 : vector<16xi32>
          tpu.vector_store_idx %arg7[%parallel_loop3A_294], %parallel_loop3A_292 : memref<8768xf32, #tpu.memory_space<vmem>>[vector<16xi32>], vector<16xf32>,
          %parallel_loop3A_295 = arith.index_cast %parallel_loop3A_274 : i32 to index
          %parallel_loop3A_296 = arith.constant 64 : index
          %parallel_loop3A_297 = tpu.vector_load %arg6[%parallel_loop3A_295, %parallel_loop3A_296] {strides = array<i32>} : memref<64x128xf32, #tpu.memory_space<vmem>>, vector<16xf32>,
          %parallel_loop3A_298 = vector.broadcast %parallel_loop3A_274 : i32 to vector<16xi32>
          %parallel_loop3A_299 = arith.addi %add3A_78, %parallel_loop3A_298 : vector<16xi32>
          tpu.vector_store_idx %arg7[%parallel_loop3A_299], %parallel_loop3A_297 : memref<8768xf32, #tpu.memory_space<vmem>>[vector<16xi32>], vector<16xf32>,
          %parallel_loop3A_300 = arith.index_cast %parallel_loop3A_274 : i32 to index
          %parallel_loop3A_301 = arith.constant 80 : index
          %parallel_loop3A_302 = tpu.vector_load %arg6[%parallel_loop3A_300, %parallel_loop3A_301] {strides = array<i32>} : memref<64x128xf32, #tpu.memory_space<vmem>>, vector<16xf32>,
          %parallel_loop3A_303 = vector.broadcast %parallel_loop3A_274 : i32 to vector<16xi32>
          %parallel_loop3A_304 = arith.addi %add3A_94, %parallel_loop3A_303 : vector<16xi32>
          tpu.vector_store_idx %arg7[%parallel_loop3A_304], %parallel_loop3A_302 : memref<8768xf32, #tpu.memory_space<vmem>>[vector<16xi32>], vector<16xf32>,
          %parallel_loop3A_305 = arith.index_cast %parallel_loop3A_274 : i32 to index
          %parallel_loop3A_306 = arith.constant 96 : index
          %parallel_loop3A_307 = tpu.vector_load %arg6[%parallel_loop3A_305, %parallel_loop3A_306] {strides = array<i32>} : memref<64x128xf32, #tpu.memory_space<vmem>>, vector<16xf32>,
          %parallel_loop3A_308 = vector.broadcast %parallel_loop3A_274 : i32 to vector<16xi32>
          %parallel_loop3A_309 = arith.addi %add3A_110, %parallel_loop3A_308 : vector<16xi32>
          tpu.vector_store_idx %arg7[%parallel_loop3A_309], %parallel_loop3A_307 : memref<8768xf32, #tpu.memory_space<vmem>>[vector<16xi32>], vector<16xf32>,
          %parallel_loop3A_310 = arith.index_cast %parallel_loop3A_274 : i32 to index
          %parallel_loop3A_311 = arith.constant 112 : index
          %parallel_loop3A_312 = tpu.vector_load %arg6[%parallel_loop3A_310, %parallel_loop3A_311] {strides = array<i32>} : memref<64x128xf32, #tpu.memory_space<vmem>>, vector<16xf32>,
          %parallel_loop3A_313 = vector.broadcast %parallel_loop3A_274 : i32 to vector<16xi32>
          %parallel_loop3A_314 = arith.addi %add3A_126, %parallel_loop3A_313 : vector<16xi32>
          tpu.vector_store_idx %arg7[%parallel_loop3A_314], %parallel_loop3A_312 : memref<8768xf32, #tpu.memory_space<vmem>>[vector<16xi32>], vector<16xf32>,
        } {sc.loop_unroll_factor = 4 : i64, sc.parallel_access}
        %ge3A = arith.constant 2 : i32
        %ge3A_261 = arith.cmpi sge, %add3A_231, %ge3A : i32
        %convert_element_type3A_262 = arith.extui %ge3A_261 : i1 to i32
        %cond3A_263 = arith.constant 0 : i32
        %cond3A_264 = arith.cmpi ne, %convert_element_type3A_262, %cond3A_263 : i32
        scf.if %cond3A_264 {
          %sub3A_274 = arith.constant 64 : i32
          %sub3A_275 = arith.subi %add3A_242, %sub3A_274 : i32
          %mul3A_276 = arith.constant 64 : i32
          %mul3A_277 = arith.muli %sub3A_275, %mul3A_276 : i32
          %dma_wait3A_278 = arith.constant 0 : i32
          %dma_wait3A_279 = tpu.memref_slice %arg4[%mul3A_277, %dma_wait3A_278] : memref<500032x128xf32, #tpu.memory_space<hbm>> -> memref<64x128xf32, #tpu.memory_space<hbm>>
          %dma_wait3A_280 = arith.constant 0 : i32
          %dma_wait3A_281 = tpu.memref_slice %arg4[%mul3A_277, %dma_wait3A_280] : memref<500032x128xf32, #tpu.memory_space<hbm>> -> memref<64x128xf32, #tpu.memory_space<hbm>>
          tpu.wait_dma2 semaphore(%arg13 : memref<!tpu.dma_semaphore, #tpu.memory_space<semaphore_mem>>) src(%arg9 : memref<64x128xf32, #tpu.memory_space<vmem>>) dst(%dma_wait3A_281 : memref<64x128xf32, #tpu.memory_space<hbm>>)
        } else {
        }
        %parallel_loop3A_265 = arith.constant 0 : i32
        %parallel_loop3A_266 = arith.constant 64 : i32
        %parallel_loop3A_267 = arith.constant 1 : i32
        scf.for %parallel_loop3A_274 = %parallel_loop3A_265 to %parallel_loop3A_266 step %parallel_loop3A_267  : i32 {
          %parallel_loop3A_275 = arith.constant 137 : i32
          %parallel_loop3A_276 = arith.muli %parallel_loop3A_274, %parallel_loop3A_275 : i32
          %parallel_loop3A_277 = arith.constant 0 : i32
          %parallel_loop3A_278 = arith.addi %parallel_loop3A_276, %parallel_loop3A_277 : i32
          %parallel_loop3A_279 = arith.constant 0 : i32
          %parallel_loop3A_280 = arith.addi %parallel_loop3A_278, %parallel_loop3A_279 : i32
          %parallel_loop3A_281 = arith.index_cast %parallel_loop3A_280 : i32 to index
          %parallel_loop3A_282 = tpu.vector_load %arg7[%parallel_loop3A_281] {strides = array<i32>} : memref<8768xf32, #tpu.memory_space<vmem>>, vector<16xf32>,
          %parallel_loop3A_283 = arith.index_cast %parallel_loop3A_274 : i32 to index
          %parallel_loop3A_284 = arith.constant 0 : index
          %parallel_loop3A_285 = tpu.vector_load %arg9[%parallel_loop3A_283, %parallel_loop3A_284] {strides = array<i32>} : memref<64x128xf32, #tpu.memory_space<vmem>>, vector<16xf32>,
          tpu.vector_store %arg9[%parallel_loop3A_283, %parallel_loop3A_284], %parallel_loop3A_282 {strides = array<i32>} : memref<64x128xf32, #tpu.memory_space<vmem>>, vector<16xf32>,
          %parallel_loop3A_286 = arith.constant 137 : i32
          %parallel_loop3A_287 = arith.muli %parallel_loop3A_274, %parallel_loop3A_286 : i32
          %parallel_loop3A_288 = arith.constant 0 : i32
          %parallel_loop3A_289 = arith.addi %parallel_loop3A_287, %parallel_loop3A_288 : i32
          %parallel_loop3A_290 = arith.constant 16 : i32
          %parallel_loop3A_291 = arith.addi %parallel_loop3A_289, %parallel_loop3A_290 : i32
          %parallel_loop3A_292 = arith.index_cast %parallel_loop3A_291 : i32 to index
          %parallel_loop3A_293 = tpu.vector_load %arg7[%parallel_loop3A_292] {strides = array<i32>} : memref<8768xf32, #tpu.memory_space<vmem>>, vector<16xf32>,
          %parallel_loop3A_294 = arith.index_cast %parallel_loop3A_274 : i32 to index
          %parallel_loop3A_295 = arith.constant 16 : index
          %parallel_loop3A_296 = tpu.vector_load %arg9[%parallel_loop3A_294, %parallel_loop3A_295] {strides = array<i32>} : memref<64x128xf32, #tpu.memory_space<vmem>>, vector<16xf32>,
          tpu.vector_store %arg9[%parallel_loop3A_294, %parallel_loop3A_295], %parallel_loop3A_293 {strides = array<i32>} : memref<64x128xf32, #tpu.memory_space<vmem>>, vector<16xf32>,
          %parallel_loop3A_297 = arith.constant 137 : i32
          %parallel_loop3A_298 = arith.muli %parallel_loop3A_274, %parallel_loop3A_297 : i32
          %parallel_loop3A_299 = arith.constant 0 : i32
          %parallel_loop3A_300 = arith.addi %parallel_loop3A_298, %parallel_loop3A_299 : i32
          %parallel_loop3A_301 = arith.constant 32 : i32
          %parallel_loop3A_302 = arith.addi %parallel_loop3A_300, %parallel_loop3A_301 : i32
          %parallel_loop3A_303 = arith.index_cast %parallel_loop3A_302 : i32 to index
          %parallel_loop3A_304 = tpu.vector_load %arg7[%parallel_loop3A_303] {strides = array<i32>} : memref<8768xf32, #tpu.memory_space<vmem>>, vector<16xf32>,
          %parallel_loop3A_305 = arith.index_cast %parallel_loop3A_274 : i32 to index
          %parallel_loop3A_306 = arith.constant 32 : index
          %parallel_loop3A_307 = tpu.vector_load %arg9[%parallel_loop3A_305, %parallel_loop3A_306] {strides = array<i32>} : memref<64x128xf32, #tpu.memory_space<vmem>>, vector<16xf32>,
          tpu.vector_store %arg9[%parallel_loop3A_305, %parallel_loop3A_306], %parallel_loop3A_304 {strides = array<i32>} : memref<64x128xf32, #tpu.memory_space<vmem>>, vector<16xf32>,
          %parallel_loop3A_308 = arith.constant 137 : i32
          %parallel_loop3A_309 = arith.muli %parallel_loop3A_274, %parallel_loop3A_308 : i32
          %parallel_loop3A_310 = arith.constant 0 : i32
          %parallel_loop3A_311 = arith.addi %parallel_loop3A_309, %parallel_loop3A_310 : i32
          %parallel_loop3A_312 = arith.constant 48 : i32
          %parallel_loop3A_313 = arith.addi %parallel_loop3A_311, %parallel_loop3A_312 : i32
          %parallel_loop3A_314 = arith.index_cast %parallel_loop3A_313 : i32 to index
          %parallel_loop3A_315 = tpu.vector_load %arg7[%parallel_loop3A_314] {strides = array<i32>} : memref<8768xf32, #tpu.memory_space<vmem>>, vector<16xf32>,
          %parallel_loop3A_316 = arith.index_cast %parallel_loop3A_274 : i32 to index
          %parallel_loop3A_317 = arith.constant 48 : index
          %parallel_loop3A_318 = tpu.vector_load %arg9[%parallel_loop3A_316, %parallel_loop3A_317] {strides = array<i32>} : memref<64x128xf32, #tpu.memory_space<vmem>>, vector<16xf32>,
          tpu.vector_store %arg9[%parallel_loop3A_316, %parallel_loop3A_317], %parallel_loop3A_315 {strides = array<i32>} : memref<64x128xf32, #tpu.memory_space<vmem>>, vector<16xf32>,
          %parallel_loop3A_319 = arith.constant 137 : i32
          %parallel_loop3A_320 = arith.muli %parallel_loop3A_274, %parallel_loop3A_319 : i32
          %parallel_loop3A_321 = arith.constant 72 : i32
          %parallel_loop3A_322 = arith.addi %parallel_loop3A_320, %parallel_loop3A_321 : i32
          %parallel_loop3A_323 = arith.constant 0 : i32
          %parallel_loop3A_324 = arith.addi %parallel_loop3A_322, %parallel_loop3A_323 : i32
          %parallel_loop3A_325 = arith.index_cast %parallel_loop3A_324 : i32 to index
          %parallel_loop3A_326 = tpu.vector_load %arg7[%parallel_loop3A_325] {strides = array<i32>} : memref<8768xf32, #tpu.memory_space<vmem>>, vector<16xf32>,
          %parallel_loop3A_327 = arith.index_cast %parallel_loop3A_274 : i32 to index
          %parallel_loop3A_328 = arith.constant 64 : index
          %parallel_loop3A_329 = tpu.vector_load %arg9[%parallel_loop3A_327, %parallel_loop3A_328] {strides = array<i32>} : memref<64x128xf32, #tpu.memory_space<vmem>>, vector<16xf32>,
          tpu.vector_store %arg9[%parallel_loop3A_327, %parallel_loop3A_328], %parallel_loop3A_326 {strides = array<i32>} : memref<64x128xf32, #tpu.memory_space<vmem>>, vector<16xf32>,
          %parallel_loop3A_330 = arith.constant 137 : i32
          %parallel_loop3A_331 = arith.muli %parallel_loop3A_274, %parallel_loop3A_330 : i32
          %parallel_loop3A_332 = arith.constant 72 : i32
          %parallel_loop3A_333 = arith.addi %parallel_loop3A_331, %parallel_loop3A_332 : i32
          %parallel_loop3A_334 = arith.constant 16 : i32
          %parallel_loop3A_335 = arith.addi %parallel_loop3A_333, %parallel_loop3A_334 : i32
          %parallel_loop3A_336 = arith.index_cast %parallel_loop3A_335 : i32 to index
          %parallel_loop3A_337 = tpu.vector_load %arg7[%parallel_loop3A_336] {strides = array<i32>} : memref<8768xf32, #tpu.memory_space<vmem>>, vector<16xf32>,
          %parallel_loop3A_338 = arith.index_cast %parallel_loop3A_274 : i32 to index
          %parallel_loop3A_339 = arith.constant 80 : index
          %parallel_loop3A_340 = tpu.vector_load %arg9[%parallel_loop3A_338, %parallel_loop3A_339] {strides = array<i32>} : memref<64x128xf32, #tpu.memory_space<vmem>>, vector<16xf32>,
          tpu.vector_store %arg9[%parallel_loop3A_338, %parallel_loop3A_339], %parallel_loop3A_337 {strides = array<i32>} : memref<64x128xf32, #tpu.memory_space<vmem>>, vector<16xf32>,
          %parallel_loop3A_341 = arith.constant 137 : i32
          %parallel_loop3A_342 = arith.muli %parallel_loop3A_274, %parallel_loop3A_341 : i32
          %parallel_loop3A_343 = arith.constant 72 : i32
          %parallel_loop3A_344 = arith.addi %parallel_loop3A_342, %parallel_loop3A_343 : i32
          %parallel_loop3A_345 = arith.constant 32 : i32
          %parallel_loop3A_346 = arith.addi %parallel_loop3A_344, %parallel_loop3A_345 : i32
          %parallel_loop3A_347 = arith.index_cast %parallel_loop3A_346 : i32 to index
          %parallel_loop3A_348 = tpu.vector_load %arg7[%parallel_loop3A_347] {strides = array<i32>} : memref<8768xf32, #tpu.memory_space<vmem>>, vector<16xf32>,
          %parallel_loop3A_349 = arith.index_cast %parallel_loop3A_274 : i32 to index
          %parallel_loop3A_350 = arith.constant 96 : index
          %parallel_loop3A_351 = tpu.vector_load %arg9[%parallel_loop3A_349, %parallel_loop3A_350] {strides = array<i32>} : memref<64x128xf32, #tpu.memory_space<vmem>>, vector<16xf32>,
          tpu.vector_store %arg9[%parallel_loop3A_349, %parallel_loop3A_350], %parallel_loop3A_348 {strides = array<i32>} : memref<64x128xf32, #tpu.memory_space<vmem>>, vector<16xf32>,
          %parallel_loop3A_352 = arith.constant 137 : i32
          %parallel_loop3A_353 = arith.muli %parallel_loop3A_274, %parallel_loop3A_352 : i32
          %parallel_loop3A_354 = arith.constant 72 : i32
          %parallel_loop3A_355 = arith.addi %parallel_loop3A_353, %parallel_loop3A_354 : i32
          %parallel_loop3A_356 = arith.constant 48 : i32
          %parallel_loop3A_357 = arith.addi %parallel_loop3A_355, %parallel_loop3A_356 : i32
          %parallel_loop3A_358 = arith.index_cast %parallel_loop3A_357 : i32 to index
          %parallel_loop3A_359 = tpu.vector_load %arg7[%parallel_loop3A_358] {strides = array<i32>} : memref<8768xf32, #tpu.memory_space<vmem>>, vector<16xf32>,
          %parallel_loop3A_360 = arith.index_cast %parallel_loop3A_274 : i32 to index
          %parallel_loop3A_361 = arith.constant 112 : index
          %parallel_loop3A_362 = tpu.vector_load %arg9[%parallel_loop3A_360, %parallel_loop3A_361] {strides = array<i32>} : memref<64x128xf32, #tpu.memory_space<vmem>>, vector<16xf32>,
          tpu.vector_store %arg9[%parallel_loop3A_360, %parallel_loop3A_361], %parallel_loop3A_359 {strides = array<i32>} : memref<64x128xf32, #tpu.memory_space<vmem>>, vector<16xf32>,
        } {sc.loop_unroll_factor = 4 : i64, sc.parallel_access}
        %mul3A_268 = arith.constant 64 : i32
        %mul3A_269 = arith.muli %add3A_242, %mul3A_268 : i32
        %dma_start3A_270 = arith.constant 0 : i32
        %dma_start3A_271 = tpu.memref_slice %arg4[%mul3A_269, %dma_start3A_270] : memref<500032x128xf32, #tpu.memory_space<hbm>> -> memref<64x128xf32, #tpu.memory_space<hbm>>
        %dma_start3A_272 = arith.constant 0 : i32
        %dma_start3A_273 = tpu.memref_slice %arg4[%mul3A_269, %dma_start3A_272] : memref<500032x128xf32, #tpu.memory_space<hbm>> -> memref<64x128xf32, #tpu.memory_space<hbm>>
        tpu.enqueue_dma source(%arg9 : memref<64x128xf32, #tpu.memory_space<vmem>>) target(%dma_start3A_273 : memref<64x128xf32, #tpu.memory_space<hbm>>) target_semaphore(%arg13 : memref<!tpu.dma_semaphore, #tpu.memory_space<semaphore_mem>>)
      } else {
      }
    }
    %scan3A_138 = arith.constant 123 : i32
    %sub3A = arith.constant 7811 : i32
    %sub3A_139 = arith.subi %sub3A, %add3A : i32
    %jit3A = arith.constant 32 : i32
    %div3A = arith.divsi %sub3A_139, %jit3A : i32
    %sign3A = arith.constant 0 : i32
    %sign3A_140 = arith.cmpi sgt, %sub3A_139, %sign3A : i32
    %sign3A_141 = arith.extui %sign3A_140 : i1 to i32
    %sign3A_142 = arith.constant 0 : i32
    %sign3A_143 = arith.cmpi slt, %sub3A_139, %sign3A_142 : i32
    %sign3A_144 = arith.extui %sign3A_143 : i1 to i32
    %sign3A_145 = arith.subi %sign3A_141, %sign3A_144 : i32
    %sign3A_146 = arith.constant 0 : i32
    %sign3A_147 = arith.cmpi sgt, %jit3A, %sign3A_146 : i32
    %sign3A_148 = arith.extui %sign3A_147 : i1 to i32
    %sign3A_149 = arith.constant 0 : i32
    %sign3A_150 = arith.cmpi slt, %jit3A, %sign3A_149 : i32
    %sign3A_151 = arith.extui %sign3A_150 : i1 to i32
    %sign3A_152 = arith.subi %sign3A_148, %sign3A_151 : i32
    %ne3A = arith.cmpi ne, %sign3A_145, %sign3A_152 : i32
    %rem3A = arith.remsi %sub3A_139, %jit3A : i32
    %ne3A_153 = arith.constant 0 : i32
    %ne3A_154 = arith.cmpi ne, %rem3A, %ne3A_153 : i32
    %and3A_155 = arith.andi %ne3A, %ne3A_154 : i1
    %sub3A_156 = arith.constant 1 : i32
    %sub3A_157 = arith.subi %div3A, %sub3A_156 : i32
    %select_n3A = arith.select %and3A_155, %sub3A_157, %div3A : i32
    %mul3A_158 = arith.constant 32 : i32
    %mul3A_159 = arith.muli %select_n3A, %mul3A_158 : i32
    %add3A_160 = arith.addi %add3A, %mul3A_159 : i32
    %jit3A_161 = arith.constant 2 : i32
    %eq3A = arith.constant 0 : i32
    %eq3A_162 = arith.cmpi eq, %jit3A_161, %eq3A : i32
    %jit3A_163 = arith.constant 1 : i32
    %select_n3A_164 = arith.select %eq3A_162, %jit3A_163, %jit3A_161 : i32
    %rem3A_165 = arith.remsi %select_n3A, %select_n3A_164 : i32
    %ne3A_166 = arith.constant 0 : i32
    %ne3A_167 = arith.cmpi ne, %rem3A_165, %ne3A_166 : i32
    %lt3A = arith.constant 0 : i32
    %lt3A_168 = arith.cmpi slt, %rem3A_165, %lt3A : i32
    %lt3A_169 = arith.constant 0 : i32
    %lt3A_170 = arith.cmpi slt, %select_n3A_164, %lt3A_169 : i32
    %ne3A_171 = arith.xori %lt3A_168, %lt3A_170 : i1
    %and3A_172 = arith.andi %ne3A_171, %ne3A_167 : i1
    %add3A_173 = arith.addi %rem3A_165, %select_n3A_164 : i32
    %select_n3A_174 = arith.select %and3A_172, %add3A_173, %rem3A_165 : i32
    %eq3A_175 = arith.constant 0 : i32
    %eq3A_176 = arith.cmpi eq, %select_n3A_174, %eq3A_175 : i32
    %sub3A_177 = arith.constant 32 : i32
    %sub3A_178 = arith.subi %add3A_160, %sub3A_177 : i32
    %select_n3A_179 = arith.select %eq3A_176, %add3A_160, %sub3A_178 : i32
    %mul3A_180 = arith.constant 64 : i32
    %mul3A_181 = arith.muli %select_n3A_179, %mul3A_180 : i32
    %dma_wait3A = arith.constant 0 : i32
    %dma_wait3A_182 = tpu.memref_slice %arg4[%mul3A_181, %dma_wait3A] : memref<500032x128xf32, #tpu.memory_space<hbm>> -> memref<64x128xf32, #tpu.memory_space<hbm>>
    %dma_wait3A_183 = arith.constant 0 : i32
    %dma_wait3A_184 = tpu.memref_slice %arg4[%mul3A_181, %dma_wait3A_183] : memref<500032x128xf32, #tpu.memory_space<hbm>> -> memref<64x128xf32, #tpu.memory_space<hbm>>
    tpu.wait_dma2 semaphore(%arg12 : memref<!tpu.dma_semaphore, #tpu.memory_space<semaphore_mem>>) src(%arg8 : memref<64x128xf32, #tpu.memory_space<vmem>>) dst(%dma_wait3A_184 : memref<64x128xf32, #tpu.memory_space<hbm>>)
    %jit3A_185 = arith.constant 2 : i32
    %eq3A_186 = arith.constant 0 : i32
    %eq3A_187 = arith.cmpi eq, %jit3A_185, %eq3A_186 : i32
    %jit3A_188 = arith.constant 1 : i32
    %select_n3A_189 = arith.select %eq3A_187, %jit3A_188, %jit3A_185 : i32
    %rem3A_190 = arith.remsi %select_n3A, %select_n3A_189 : i32
    %ne3A_191 = arith.constant 0 : i32
    %ne3A_192 = arith.cmpi ne, %rem3A_190, %ne3A_191 : i32
    %lt3A_193 = arith.constant 0 : i32
    %lt3A_194 = arith.cmpi slt, %rem3A_190, %lt3A_193 : i32
    %lt3A_195 = arith.constant 0 : i32
    %lt3A_196 = arith.cmpi slt, %select_n3A_189, %lt3A_195 : i32
    %ne3A_197 = arith.xori %lt3A_194, %lt3A_196 : i1
    %and3A_198 = arith.andi %ne3A_197, %ne3A_192 : i1
    %add3A_199 = arith.addi %rem3A_190, %select_n3A_189 : i32
    %select_n3A_200 = arith.select %and3A_198, %add3A_199, %rem3A_190 : i32
    %eq3A_201 = arith.constant 1 : i32
    %eq3A_202 = arith.cmpi eq, %select_n3A_200, %eq3A_201 : i32
    %sub3A_203 = arith.constant 32 : i32
    %sub3A_204 = arith.subi %add3A_160, %sub3A_203 : i32
    %select_n3A_205 = arith.select %eq3A_202, %add3A_160, %sub3A_204 : i32
    %mul3A_206 = arith.constant 64 : i32
    %mul3A_207 = arith.muli %select_n3A_205, %mul3A_206 : i32
    %dma_wait3A_208 = arith.constant 0 : i32
    %dma_wait3A_209 = tpu.memref_slice %arg4[%mul3A_207, %dma_wait3A_208] : memref<500032x128xf32, #tpu.memory_space<hbm>> -> memref<64x128xf32, #tpu.memory_space<hbm>>
    %dma_wait3A_210 = arith.constant 0 : i32
    %dma_wait3A_211 = tpu.memref_slice %arg4[%mul3A_207, %dma_wait3A_210] : memref<500032x128xf32, #tpu.memory_space<hbm>> -> memref<64x128xf32, #tpu.memory_space<hbm>>
    tpu.wait_dma2 semaphore(%arg13 : memref<!tpu.dma_semaphore, #tpu.memory_space<semaphore_mem>>) src(%arg9 : memref<64x128xf32, #tpu.memory_space<vmem>>) dst(%dma_wait3A_211 : memref<64x128xf32, #tpu.memory_space<hbm>>)
    %eq3A_212 = arith.constant 0 : i32
    %eq3A_213 = arith.cmpi eq, %add3A, %eq3A_212 : i32
    %convert_element_type3A = arith.extui %eq3A_213 : i1 to i32
    %cond3A = arith.constant 0 : i32
    %cond3A_214 = arith.cmpi ne, %convert_element_type3A, %cond3A : i32
    scf.if %cond3A_214 {
      "tpu.region"() ({
        %run_scoped3A = tpu.sem_alloc : memref<!tpu.dma_semaphore, #tpu.memory_space<semaphore_mem>>
        tpu.enqueue_dma source(%arg3 : memref<64x128xf32, #tpu.memory_space<hbm>>) target(%arg5 : memref<64x128xf32, #tpu.memory_space<vmem>>) target_semaphore(%run_scoped3A : memref<!tpu.dma_semaphore, #tpu.memory_space<semaphore_mem>>)
        tpu.wait_dma2 semaphore(%run_scoped3A : memref<!tpu.dma_semaphore, #tpu.memory_space<semaphore_mem>>) src(%arg3 : memref<64x128xf32, #tpu.memory_space<hbm>>) dst(%arg5 : memref<64x128xf32, #tpu.memory_space<vmem>>)
        tpu.yield
      }) : () -> ()
      "tpu.region"() ({
        %run_scoped3A = tpu.sem_alloc : memref<!tpu.dma_semaphore, #tpu.memory_space<semaphore_mem>>
        %dma_start3A_215 = arith.constant 499968 : i32
        %dma_start3A_216 = arith.constant 0 : i32
        %dma_start3A_217 = tpu.memref_slice %arg4[%dma_start3A_215, %dma_start3A_216] : memref<500032x128xf32, #tpu.memory_space<hbm>> -> memref<64x128xf32, #tpu.memory_space<hbm>>
        %dma_start3A_218 = arith.constant 499968 : i32
        %dma_start3A_219 = arith.constant 0 : i32
        %dma_start3A_220 = tpu.memref_slice %arg4[%dma_start3A_218, %dma_start3A_219] : memref<500032x128xf32, #tpu.memory_space<hbm>> -> memref<64x128xf32, #tpu.memory_space<hbm>>
        tpu.enqueue_dma source(%arg5 : memref<64x128xf32, #tpu.memory_space<vmem>>) target(%dma_start3A_220 : memref<64x128xf32, #tpu.memory_space<hbm>>) target_semaphore(%run_scoped3A : memref<!tpu.dma_semaphore, #tpu.memory_space<semaphore_mem>>)
        %dma_wait3A_221 = arith.constant 499968 : i32
        %dma_wait3A_222 = arith.constant 0 : i32
        %dma_wait3A_223 = tpu.memref_slice %arg4[%dma_wait3A_221, %dma_wait3A_222] : memref<500032x128xf32, #tpu.memory_space<hbm>> -> memref<64x128xf32, #tpu.memory_space<hbm>>
        %dma_wait3A_224 = arith.constant 499968 : i32
        %dma_wait3A_225 = arith.constant 0 : i32
        %dma_wait3A_226 = tpu.memref_slice %arg4[%dma_wait3A_224, %dma_wait3A_225] : memref<500032x128xf32, #tpu.memory_space<hbm>> -> memref<64x128xf32, #tpu.memory_space<hbm>>
        tpu.wait_dma2 semaphore(%run_scoped3A : memref<!tpu.dma_semaphore, #tpu.memory_space<semaphore_mem>>) src(%arg5 : memref<64x128xf32, #tpu.memory_space<vmem>>) dst(%dma_wait3A_226 : memref<64x128xf32, #tpu.memory_space<hbm>>)
        tpu.yield
      }) : () -> ()
    } else {
    }
    return
  }
}

#map = affine_map<(d0, d1) -> (0, 0)>
#map1 = affine_map<(d0, d1) -> (0)>
#map2 = affine_map<(d0, d1) -> (0, 0, 0, 0, 0)>
module attributes {stable_mosaic.version = 14 : i64} {
  func.func @_gather_body(%arg0: i32, %arg1: i32, %arg2: memref<1000064x64xf32, #tpu.memory_space<hbm>>, %arg3: memref<327680xi32, #tpu.memory_space<hbm>>, %arg4: memref<20x8x128x8x128xf32, #tpu.memory_space<hbm>>, %arg5: memref<128xi32, #tpu.memory_space<vmem>>, %arg6: memref<128xi32, #tpu.memory_space<vmem>>, %arg7: memref<128xi32, #tpu.memory_space<vmem>>, %arg8: memref<128x64xf32, #tpu.memory_space<vmem>>, %arg9: memref<128x64xf32, #tpu.memory_space<vmem>>, %arg10: memref<64x136xf32, #tpu.memory_space<vmem>>, %arg11: memref<64x136xf32, #tpu.memory_space<vmem>>, %arg12: memref<!tpu.dma_semaphore, #tpu.memory_space<semaphore_mem>>, %arg13: memref<!tpu.dma_semaphore, #tpu.memory_space<semaphore_mem>>, %arg14: memref<!tpu.dma_semaphore, #tpu.memory_space<semaphore_mem>>, %arg15: memref<!tpu.dma_semaphore, #tpu.memory_space<semaphore_mem>>) attributes {dimension_semantics = [#tpu.dimension_semantics<core_parallel>, #tpu.dimension_semantics<subcore_parallel>], iteration_bounds = array<i64: 2, 16>, scalar_prefetch = 0 : i64, scratch_operands = 11 : i64, tpu.core_type = #tpu.core_type<sc_vector_subcore>, window_params = [{transform_indices = #map}, {transform_indices = #map1}, {transform_indices = #map2}]} {
    %mul3A = arith.constant 2 : i32
    %mul3A_0 = arith.muli %arg1, %mul3A : i32
    %add3A = arith.addi %mul3A_0, %arg0 : i32
    %iota3A = tpu.iota {dimensions = array<i32: 0>} : vector<16xi32>
    %add3A_1 = arith.constant 0 : i32
    %add3A_2 = vector.broadcast %add3A_1 : i32 to vector<16xi32>
    %add3A_3 = arith.addi %add3A_2, %iota3A : vector<16xi32>
    %add3A_4 = arith.constant 16 : i32
    %add3A_5 = vector.broadcast %add3A_4 : i32 to vector<16xi32>
    %add3A_6 = arith.addi %add3A_5, %iota3A : vector<16xi32>
    %add3A_7 = arith.constant 32 : i32
    %add3A_8 = vector.broadcast %add3A_7 : i32 to vector<16xi32>
    %add3A_9 = arith.addi %add3A_8, %iota3A : vector<16xi32>
    %add3A_10 = arith.constant 48 : i32
    %add3A_11 = vector.broadcast %add3A_10 : i32 to vector<16xi32>
    %add3A_12 = arith.addi %add3A_11, %iota3A : vector<16xi32>
    %mul3A_13 = arith.constant 80 : i32
    %mul3A_14 = arith.muli %add3A, %mul3A_13 : i32
    %add3A_15 = arith.constant 0 : i32
    %add3A_16 = arith.addi %mul3A_14, %add3A_15 : i32
    %jit3A = arith.constant 128 : i32
    %div3A = arith.divsi %add3A_16, %jit3A : i32
    %sign3A = arith.constant 0 : i32
    %sign3A_17 = arith.cmpi sgt, %add3A_16, %sign3A : i32
    %sign3A_18 = arith.extui %sign3A_17 : i1 to i32
    %sign3A_19 = arith.constant 0 : i32
    %sign3A_20 = arith.cmpi slt, %add3A_16, %sign3A_19 : i32
    %sign3A_21 = arith.extui %sign3A_20 : i1 to i32
    %sign3A_22 = arith.subi %sign3A_18, %sign3A_21 : i32
    %sign3A_23 = arith.constant 0 : i32
    %sign3A_24 = arith.cmpi sgt, %jit3A, %sign3A_23 : i32
    %sign3A_25 = arith.extui %sign3A_24 : i1 to i32
    %sign3A_26 = arith.constant 0 : i32
    %sign3A_27 = arith.cmpi slt, %jit3A, %sign3A_26 : i32
    %sign3A_28 = arith.extui %sign3A_27 : i1 to i32
    %sign3A_29 = arith.subi %sign3A_25, %sign3A_28 : i32
    %ne3A = arith.cmpi ne, %sign3A_22, %sign3A_29 : i32
    %rem3A = arith.remsi %add3A_16, %jit3A : i32
    %ne3A_30 = arith.constant 0 : i32
    %ne3A_31 = arith.cmpi ne, %rem3A, %ne3A_30 : i32
    %and3A = arith.andi %ne3A, %ne3A_31 : i1
    %sub3A = arith.constant 1 : i32
    %sub3A_32 = arith.subi %div3A, %sub3A : i32
    %select_n3A = arith.select %and3A, %sub3A_32, %div3A : i32
    %mul3A_33 = arith.constant 16384 : i32
    %mul3A_34 = arith.muli %select_n3A, %mul3A_33 : i32
    %jit3A_35 = arith.constant 128 : i32
    %eq3A = arith.constant 0 : i32
    %eq3A_36 = arith.cmpi eq, %jit3A_35, %eq3A : i32
    %jit3A_37 = arith.constant 1 : i32
    %select_n3A_38 = arith.select %eq3A_36, %jit3A_37, %jit3A_35 : i32
    %rem3A_39 = arith.remsi %add3A_16, %select_n3A_38 : i32
    %ne3A_40 = arith.constant 0 : i32
    %ne3A_41 = arith.cmpi ne, %rem3A_39, %ne3A_40 : i32
    %lt3A = arith.constant 0 : i32
    %lt3A_42 = arith.cmpi slt, %rem3A_39, %lt3A : i32
    %lt3A_43 = arith.constant 0 : i32
    %lt3A_44 = arith.cmpi slt, %select_n3A_38, %lt3A_43 : i32
    %ne3A_45 = arith.xori %lt3A_42, %lt3A_44 : i1
    %and3A_46 = arith.andi %ne3A_45, %ne3A_41 : i1
    %add3A_47 = arith.addi %rem3A_39, %select_n3A_38 : i32
    %select_n3A_48 = arith.select %and3A_46, %add3A_47, %rem3A_39 : i32
    %mul3A_49 = arith.constant 128 : i32
    %mul3A_50 = arith.muli %select_n3A_48, %mul3A_49 : i32
    %add3A_51 = arith.addi %mul3A_34, %mul3A_50 : i32
    "tpu.region"() ({
      %run_scoped3A = tpu.sem_alloc : memref<!tpu.dma_semaphore, #tpu.memory_space<semaphore_mem>>
      %dma_start3A_546 = tpu.memref_slice %arg3[%add3A_51] : memref<327680xi32, #tpu.memory_space<hbm>> -> memref<128xi32, #tpu.memory_space<hbm>>
      %dma_start3A_547 = tpu.memref_slice %arg3[%add3A_51] : memref<327680xi32, #tpu.memory_space<hbm>> -> memref<128xi32, #tpu.memory_space<hbm>>
      tpu.enqueue_dma source(%dma_start3A_547 : memref<128xi32, #tpu.memory_space<hbm>>) target(%arg5 : memref<128xi32, #tpu.memory_space<vmem>>) target_semaphore(%run_scoped3A : memref<!tpu.dma_semaphore, #tpu.memory_space<semaphore_mem>>)
      %dma_wait3A_548 = tpu.memref_slice %arg3[%add3A_51] : memref<327680xi32, #tpu.memory_space<hbm>> -> memref<128xi32, #tpu.memory_space<hbm>>
      %dma_wait3A_549 = tpu.memref_slice %arg3[%add3A_51] : memref<327680xi32, #tpu.memory_space<hbm>> -> memref<128xi32, #tpu.memory_space<hbm>>
      tpu.wait_dma2 semaphore(%run_scoped3A : memref<!tpu.dma_semaphore, #tpu.memory_space<semaphore_mem>>) src(%dma_wait3A_549 : memref<128xi32, #tpu.memory_space<hbm>>) dst(%arg5 : memref<128xi32, #tpu.memory_space<vmem>>)
      tpu.yield
    }) : () -> ()
    %scan3A = arith.constant 0 : i32
    %scan3A_52 = arith.constant 0 : i32
    %mul3A_53 = arith.constant 16 : i32
    %mul3A_54 = arith.muli %scan3A_52, %mul3A_53 : i32
    %get3A = arith.index_cast %mul3A_54 : i32 to index
    %get3A_55 = tpu.vector_load %arg5[%get3A] {strides = array<i32>} : memref<128xi32, #tpu.memory_space<vmem>>, vector<16xi32>,
    %lt3A_56 = arith.constant 999936 : i32
    %lt3A_57 = vector.broadcast %lt3A_56 : i32 to vector<16xi32>
    %lt3A_58 = arith.cmpi slt, %get3A_55, %lt3A_57 : vector<16xi32>
    %mul3A_59 = arith.constant 2 : i32
    %mul3A_60 = vector.broadcast %mul3A_59 : i32 to vector<16xi32>
    %mul3A_61 = arith.muli %mul3A_60, %get3A_55 : vector<16xi32>
    %sub3A_62 = arith.constant 999936 : i32
    %sub3A_63 = vector.broadcast %sub3A_62 : i32 to vector<16xi32>
    %sub3A_64 = arith.subi %mul3A_61, %sub3A_63 : vector<16xi32>
    %select_n3A_65 = arith.select %lt3A_58, %get3A_55, %sub3A_64 : vector<16xi1>, vector<16xi32>
    %mul3A_66 = arith.constant 16 : i32
    %mul3A_67 = arith.muli %scan3A_52, %mul3A_66 : i32
    %swap3A = arith.index_cast %mul3A_67 : i32 to index
    %swap3A_68 = tpu.vector_load %arg6[%swap3A] {strides = array<i32>} : memref<128xi32, #tpu.memory_space<vmem>>, vector<16xi32>,
    tpu.vector_store %arg6[%swap3A], %select_n3A_65 {strides = array<i32>} : memref<128xi32, #tpu.memory_space<vmem>>, vector<16xi32>,
    %scan3A_69 = arith.constant 1 : i32
    %mul3A_70 = arith.constant 16 : i32
    %mul3A_71 = arith.muli %scan3A_69, %mul3A_70 : i32
    %get3A_72 = arith.index_cast %mul3A_71 : i32 to index
    %get3A_73 = tpu.vector_load %arg5[%get3A_72] {strides = array<i32>} : memref<128xi32, #tpu.memory_space<vmem>>, vector<16xi32>,
    %lt3A_74 = arith.constant 999936 : i32
    %lt3A_75 = vector.broadcast %lt3A_74 : i32 to vector<16xi32>
    %lt3A_76 = arith.cmpi slt, %get3A_73, %lt3A_75 : vector<16xi32>
    %mul3A_77 = arith.constant 2 : i32
    %mul3A_78 = vector.broadcast %mul3A_77 : i32 to vector<16xi32>
    %mul3A_79 = arith.muli %mul3A_78, %get3A_73 : vector<16xi32>
    %sub3A_80 = arith.constant 999936 : i32
    %sub3A_81 = vector.broadcast %sub3A_80 : i32 to vector<16xi32>
    %sub3A_82 = arith.subi %mul3A_79, %sub3A_81 : vector<16xi32>
    %select_n3A_83 = arith.select %lt3A_76, %get3A_73, %sub3A_82 : vector<16xi1>, vector<16xi32>
    %mul3A_84 = arith.constant 16 : i32
    %mul3A_85 = arith.muli %scan3A_69, %mul3A_84 : i32
    %swap3A_86 = arith.index_cast %mul3A_85 : i32 to index
    %swap3A_87 = tpu.vector_load %arg6[%swap3A_86] {strides = array<i32>} : memref<128xi32, #tpu.memory_space<vmem>>, vector<16xi32>,
    tpu.vector_store %arg6[%swap3A_86], %select_n3A_83 {strides = array<i32>} : memref<128xi32, #tpu.memory_space<vmem>>, vector<16xi32>,
    %scan3A_88 = arith.constant 2 : i32
    %mul3A_89 = arith.constant 16 : i32
    %mul3A_90 = arith.muli %scan3A_88, %mul3A_89 : i32
    %get3A_91 = arith.index_cast %mul3A_90 : i32 to index
    %get3A_92 = tpu.vector_load %arg5[%get3A_91] {strides = array<i32>} : memref<128xi32, #tpu.memory_space<vmem>>, vector<16xi32>,
    %lt3A_93 = arith.constant 999936 : i32
    %lt3A_94 = vector.broadcast %lt3A_93 : i32 to vector<16xi32>
    %lt3A_95 = arith.cmpi slt, %get3A_92, %lt3A_94 : vector<16xi32>
    %mul3A_96 = arith.constant 2 : i32
    %mul3A_97 = vector.broadcast %mul3A_96 : i32 to vector<16xi32>
    %mul3A_98 = arith.muli %mul3A_97, %get3A_92 : vector<16xi32>
    %sub3A_99 = arith.constant 999936 : i32
    %sub3A_100 = vector.broadcast %sub3A_99 : i32 to vector<16xi32>
    %sub3A_101 = arith.subi %mul3A_98, %sub3A_100 : vector<16xi32>
    %select_n3A_102 = arith.select %lt3A_95, %get3A_92, %sub3A_101 : vector<16xi1>, vector<16xi32>
    %mul3A_103 = arith.constant 16 : i32
    %mul3A_104 = arith.muli %scan3A_88, %mul3A_103 : i32
    %swap3A_105 = arith.index_cast %mul3A_104 : i32 to index
    %swap3A_106 = tpu.vector_load %arg6[%swap3A_105] {strides = array<i32>} : memref<128xi32, #tpu.memory_space<vmem>>, vector<16xi32>,
    tpu.vector_store %arg6[%swap3A_105], %select_n3A_102 {strides = array<i32>} : memref<128xi32, #tpu.memory_space<vmem>>, vector<16xi32>,
    %scan3A_107 = arith.constant 3 : i32
    %mul3A_108 = arith.constant 16 : i32
    %mul3A_109 = arith.muli %scan3A_107, %mul3A_108 : i32
    %get3A_110 = arith.index_cast %mul3A_109 : i32 to index
    %get3A_111 = tpu.vector_load %arg5[%get3A_110] {strides = array<i32>} : memref<128xi32, #tpu.memory_space<vmem>>, vector<16xi32>,
    %lt3A_112 = arith.constant 999936 : i32
    %lt3A_113 = vector.broadcast %lt3A_112 : i32 to vector<16xi32>
    %lt3A_114 = arith.cmpi slt, %get3A_111, %lt3A_113 : vector<16xi32>
    %mul3A_115 = arith.constant 2 : i32
    %mul3A_116 = vector.broadcast %mul3A_115 : i32 to vector<16xi32>
    %mul3A_117 = arith.muli %mul3A_116, %get3A_111 : vector<16xi32>
    %sub3A_118 = arith.constant 999936 : i32
    %sub3A_119 = vector.broadcast %sub3A_118 : i32 to vector<16xi32>
    %sub3A_120 = arith.subi %mul3A_117, %sub3A_119 : vector<16xi32>
    %select_n3A_121 = arith.select %lt3A_114, %get3A_111, %sub3A_120 : vector<16xi1>, vector<16xi32>
    %mul3A_122 = arith.constant 16 : i32
    %mul3A_123 = arith.muli %scan3A_107, %mul3A_122 : i32
    %swap3A_124 = arith.index_cast %mul3A_123 : i32 to index
    %swap3A_125 = tpu.vector_load %arg6[%swap3A_124] {strides = array<i32>} : memref<128xi32, #tpu.memory_space<vmem>>, vector<16xi32>,
    tpu.vector_store %arg6[%swap3A_124], %select_n3A_121 {strides = array<i32>} : memref<128xi32, #tpu.memory_space<vmem>>, vector<16xi32>,
    %scan3A_126 = arith.constant 4 : i32
    %mul3A_127 = arith.constant 16 : i32
    %mul3A_128 = arith.muli %scan3A_126, %mul3A_127 : i32
    %get3A_129 = arith.index_cast %mul3A_128 : i32 to index
    %get3A_130 = tpu.vector_load %arg5[%get3A_129] {strides = array<i32>} : memref<128xi32, #tpu.memory_space<vmem>>, vector<16xi32>,
    %lt3A_131 = arith.constant 999936 : i32
    %lt3A_132 = vector.broadcast %lt3A_131 : i32 to vector<16xi32>
    %lt3A_133 = arith.cmpi slt, %get3A_130, %lt3A_132 : vector<16xi32>
    %mul3A_134 = arith.constant 2 : i32
    %mul3A_135 = vector.broadcast %mul3A_134 : i32 to vector<16xi32>
    %mul3A_136 = arith.muli %mul3A_135, %get3A_130 : vector<16xi32>
    %sub3A_137 = arith.constant 999936 : i32
    %sub3A_138 = vector.broadcast %sub3A_137 : i32 to vector<16xi32>
    %sub3A_139 = arith.subi %mul3A_136, %sub3A_138 : vector<16xi32>
    %select_n3A_140 = arith.select %lt3A_133, %get3A_130, %sub3A_139 : vector<16xi1>, vector<16xi32>
    %mul3A_141 = arith.constant 16 : i32
    %mul3A_142 = arith.muli %scan3A_126, %mul3A_141 : i32
    %swap3A_143 = arith.index_cast %mul3A_142 : i32 to index
    %swap3A_144 = tpu.vector_load %arg6[%swap3A_143] {strides = array<i32>} : memref<128xi32, #tpu.memory_space<vmem>>, vector<16xi32>,
    tpu.vector_store %arg6[%swap3A_143], %select_n3A_140 {strides = array<i32>} : memref<128xi32, #tpu.memory_space<vmem>>, vector<16xi32>,
    %scan3A_145 = arith.constant 5 : i32
    %mul3A_146 = arith.constant 16 : i32
    %mul3A_147 = arith.muli %scan3A_145, %mul3A_146 : i32
    %get3A_148 = arith.index_cast %mul3A_147 : i32 to index
    %get3A_149 = tpu.vector_load %arg5[%get3A_148] {strides = array<i32>} : memref<128xi32, #tpu.memory_space<vmem>>, vector<16xi32>,
    %lt3A_150 = arith.constant 999936 : i32
    %lt3A_151 = vector.broadcast %lt3A_150 : i32 to vector<16xi32>
    %lt3A_152 = arith.cmpi slt, %get3A_149, %lt3A_151 : vector<16xi32>
    %mul3A_153 = arith.constant 2 : i32
    %mul3A_154 = vector.broadcast %mul3A_153 : i32 to vector<16xi32>
    %mul3A_155 = arith.muli %mul3A_154, %get3A_149 : vector<16xi32>
    %sub3A_156 = arith.constant 999936 : i32
    %sub3A_157 = vector.broadcast %sub3A_156 : i32 to vector<16xi32>
    %sub3A_158 = arith.subi %mul3A_155, %sub3A_157 : vector<16xi32>
    %select_n3A_159 = arith.select %lt3A_152, %get3A_149, %sub3A_158 : vector<16xi1>, vector<16xi32>
    %mul3A_160 = arith.constant 16 : i32
    %mul3A_161 = arith.muli %scan3A_145, %mul3A_160 : i32
    %swap3A_162 = arith.index_cast %mul3A_161 : i32 to index
    %swap3A_163 = tpu.vector_load %arg6[%swap3A_162] {strides = array<i32>} : memref<128xi32, #tpu.memory_space<vmem>>, vector<16xi32>,
    tpu.vector_store %arg6[%swap3A_162], %select_n3A_159 {strides = array<i32>} : memref<128xi32, #tpu.memory_space<vmem>>, vector<16xi32>,
    %scan3A_164 = arith.constant 6 : i32
    %mul3A_165 = arith.constant 16 : i32
    %mul3A_166 = arith.muli %scan3A_164, %mul3A_165 : i32
    %get3A_167 = arith.index_cast %mul3A_166 : i32 to index
    %get3A_168 = tpu.vector_load %arg5[%get3A_167] {strides = array<i32>} : memref<128xi32, #tpu.memory_space<vmem>>, vector<16xi32>,
    %lt3A_169 = arith.constant 999936 : i32
    %lt3A_170 = vector.broadcast %lt3A_169 : i32 to vector<16xi32>
    %lt3A_171 = arith.cmpi slt, %get3A_168, %lt3A_170 : vector<16xi32>
    %mul3A_172 = arith.constant 2 : i32
    %mul3A_173 = vector.broadcast %mul3A_172 : i32 to vector<16xi32>
    %mul3A_174 = arith.muli %mul3A_173, %get3A_168 : vector<16xi32>
    %sub3A_175 = arith.constant 999936 : i32
    %sub3A_176 = vector.broadcast %sub3A_175 : i32 to vector<16xi32>
    %sub3A_177 = arith.subi %mul3A_174, %sub3A_176 : vector<16xi32>
    %select_n3A_178 = arith.select %lt3A_171, %get3A_168, %sub3A_177 : vector<16xi1>, vector<16xi32>
    %mul3A_179 = arith.constant 16 : i32
    %mul3A_180 = arith.muli %scan3A_164, %mul3A_179 : i32
    %swap3A_181 = arith.index_cast %mul3A_180 : i32 to index
    %swap3A_182 = tpu.vector_load %arg6[%swap3A_181] {strides = array<i32>} : memref<128xi32, #tpu.memory_space<vmem>>, vector<16xi32>,
    tpu.vector_store %arg6[%swap3A_181], %select_n3A_178 {strides = array<i32>} : memref<128xi32, #tpu.memory_space<vmem>>, vector<16xi32>,
    %scan3A_183 = arith.constant 7 : i32
    %mul3A_184 = arith.constant 16 : i32
    %mul3A_185 = arith.muli %scan3A_183, %mul3A_184 : i32
    %get3A_186 = arith.index_cast %mul3A_185 : i32 to index
    %get3A_187 = tpu.vector_load %arg5[%get3A_186] {strides = array<i32>} : memref<128xi32, #tpu.memory_space<vmem>>, vector<16xi32>,
    %lt3A_188 = arith.constant 999936 : i32
    %lt3A_189 = vector.broadcast %lt3A_188 : i32 to vector<16xi32>
    %lt3A_190 = arith.cmpi slt, %get3A_187, %lt3A_189 : vector<16xi32>
    %mul3A_191 = arith.constant 2 : i32
    %mul3A_192 = vector.broadcast %mul3A_191 : i32 to vector<16xi32>
    %mul3A_193 = arith.muli %mul3A_192, %get3A_187 : vector<16xi32>
    %sub3A_194 = arith.constant 999936 : i32
    %sub3A_195 = vector.broadcast %sub3A_194 : i32 to vector<16xi32>
    %sub3A_196 = arith.subi %mul3A_193, %sub3A_195 : vector<16xi32>
    %select_n3A_197 = arith.select %lt3A_190, %get3A_187, %sub3A_196 : vector<16xi1>, vector<16xi32>
    %mul3A_198 = arith.constant 16 : i32
    %mul3A_199 = arith.muli %scan3A_183, %mul3A_198 : i32
    %swap3A_200 = arith.index_cast %mul3A_199 : i32 to index
    %swap3A_201 = tpu.vector_load %arg6[%swap3A_200] {strides = array<i32>} : memref<128xi32, #tpu.memory_space<vmem>>, vector<16xi32>,
    tpu.vector_store %arg6[%swap3A_200], %select_n3A_197 {strides = array<i32>} : memref<128xi32, #tpu.memory_space<vmem>>, vector<16xi32>,
    %scan3A_202 = arith.constant 8 : i32
    %dma_start3A = arith.constant 0 : i32
    %dma_start3A_203 = arith.constant 0 : i32
    %dma_start3A_204 = tpu.memref_slice %arg2[%dma_start3A, %dma_start3A_203] : memref<1000064x64xf32, #tpu.memory_space<hbm>> -> memref<1000064x64xf32, #tpu.memory_space<hbm>>
    tpu.enqueue_indirect_dma source(%dma_start3A_204 : memref<1000064x64xf32, #tpu.memory_space<hbm>>) target(%arg8 : memref<128x64xf32, #tpu.memory_space<vmem>>) offsets(%arg6 : memref<128xi32, #tpu.memory_space<vmem>>) semaphore(%arg12 : memref<!tpu.dma_semaphore, #tpu.memory_space<semaphore_mem>>)
    %scan3A_205 = arith.constant 0 : i32
    %scan3A_206 = arith.constant 0 : i32
    %scan3A_207 = arith.constant 40 : i32
    %scan3A_208 = arith.addi %scan3A_206, %scan3A_207 : i32
    %scan3A_209 = arith.constant 1 : i32
    scf.for %scan3A_546 = %scan3A_206 to %scan3A_208 step %scan3A_209  : i32 {
      %mul3A_547 = arith.constant 2 : i32
      %mul3A_548 = arith.muli %scan3A_546, %mul3A_547 : i32
      %add3A_549 = arith.constant 0 : i32
      %add3A_550 = arith.addi %mul3A_548, %add3A_549 : i32
      %mul3A_551 = arith.constant 80 : i32
      %mul3A_552 = arith.muli %add3A, %mul3A_551 : i32
      %add3A_553 = arith.addi %mul3A_552, %add3A_550 : i32
      %jit3A_554 = arith.constant 128 : i32
      %div3A_555 = arith.divsi %add3A_553, %jit3A_554 : i32
      %sign3A_556 = arith.constant 0 : i32
      %sign3A_557 = arith.cmpi sgt, %add3A_553, %sign3A_556 : i32
      %sign3A_558 = arith.extui %sign3A_557 : i1 to i32
      %sign3A_559 = arith.constant 0 : i32
      %sign3A_560 = arith.cmpi slt, %add3A_553, %sign3A_559 : i32
      %sign3A_561 = arith.extui %sign3A_560 : i1 to i32
      %sign3A_562 = arith.subi %sign3A_558, %sign3A_561 : i32
      %sign3A_563 = arith.constant 0 : i32
      %sign3A_564 = arith.cmpi sgt, %jit3A_554, %sign3A_563 : i32
      %sign3A_565 = arith.extui %sign3A_564 : i1 to i32
      %sign3A_566 = arith.constant 0 : i32
      %sign3A_567 = arith.cmpi slt, %jit3A_554, %sign3A_566 : i32
      %sign3A_568 = arith.extui %sign3A_567 : i1 to i32
      %sign3A_569 = arith.subi %sign3A_565, %sign3A_568 : i32
      %ne3A_570 = arith.cmpi ne, %sign3A_562, %sign3A_569 : i32
      %rem3A_571 = arith.remsi %add3A_553, %jit3A_554 : i32
      %ne3A_572 = arith.constant 0 : i32
      %ne3A_573 = arith.cmpi ne, %rem3A_571, %ne3A_572 : i32
      %and3A_574 = arith.andi %ne3A_570, %ne3A_573 : i1
      %sub3A_575 = arith.constant 1 : i32
      %sub3A_576 = arith.subi %div3A_555, %sub3A_575 : i32
      %select_n3A_577 = arith.select %and3A_574, %sub3A_576, %div3A_555 : i32
      %jit3A_578 = arith.constant 128 : i32
      %eq3A_579 = arith.constant 0 : i32
      %eq3A_580 = arith.cmpi eq, %jit3A_578, %eq3A_579 : i32
      %jit3A_581 = arith.constant 1 : i32
      %select_n3A_582 = arith.select %eq3A_580, %jit3A_581, %jit3A_578 : i32
      %rem3A_583 = arith.remsi %add3A_553, %select_n3A_582 : i32
      %ne3A_584 = arith.constant 0 : i32
      %ne3A_585 = arith.cmpi ne, %rem3A_583, %ne3A_584 : i32
      %lt3A_586 = arith.constant 0 : i32
      %lt3A_587 = arith.cmpi slt, %rem3A_583, %lt3A_586 : i32
      %lt3A_588 = arith.constant 0 : i32
      %lt3A_589 = arith.cmpi slt, %select_n3A_582, %lt3A_588 : i32
      %ne3A_590 = arith.xori %lt3A_587, %lt3A_589 : i1
      %and3A_591 = arith.andi %ne3A_590, %ne3A_585 : i1
      %add3A_592 = arith.addi %rem3A_583, %select_n3A_582 : i32
      %select_n3A_593 = arith.select %and3A_591, %add3A_592, %rem3A_583 : i32
      %dma_wait3A_594 = arith.constant 0 : i32
      %dma_wait3A_595 = arith.constant 0 : i32
      %dma_wait3A_596 = tpu.memref_slice %arg2[%dma_wait3A_594, %dma_wait3A_595] : memref<1000064x64xf32, #tpu.memory_space<hbm>> -> memref<1000064x64xf32, #tpu.memory_space<hbm>>
      tpu.wait_indirect_dma semaphore(%arg12 : memref<!tpu.dma_semaphore, #tpu.memory_space<semaphore_mem>>) src(%dma_wait3A_596 : memref<1000064x64xf32, #tpu.memory_space<hbm>>) dst(%arg8 : memref<128x64xf32, #tpu.memory_space<vmem>>)
      %add3A_597 = arith.constant 1 : i32
      %add3A_598 = arith.addi %add3A_550, %add3A_597 : i32
      %lt3A_599 = arith.constant 80 : i32
      %lt3A_600 = arith.cmpi slt, %add3A_598, %lt3A_599 : i32
      %convert_element_type3A = arith.extui %lt3A_600 : i1 to i32
      %cond3A = arith.constant 0 : i32
      %cond3A_601 = arith.cmpi ne, %convert_element_type3A, %cond3A : i32
      scf.if %cond3A_601 {
        %add3A_913 = arith.constant 1 : i32
        %add3A_914 = arith.addi %add3A_550, %add3A_913 : i32
        %mul3A_915 = arith.constant 80 : i32
        %mul3A_916 = arith.muli %add3A, %mul3A_915 : i32
        %add3A_917 = arith.addi %mul3A_916, %add3A_914 : i32
        %jit3A_918 = arith.constant 128 : i32
        %div3A_919 = arith.divsi %add3A_917, %jit3A_918 : i32
        %sign3A_920 = arith.constant 0 : i32
        %sign3A_921 = arith.cmpi sgt, %add3A_917, %sign3A_920 : i32
        %sign3A_922 = arith.extui %sign3A_921 : i1 to i32
        %sign3A_923 = arith.constant 0 : i32
        %sign3A_924 = arith.cmpi slt, %add3A_917, %sign3A_923 : i32
        %sign3A_925 = arith.extui %sign3A_924 : i1 to i32
        %sign3A_926 = arith.subi %sign3A_922, %sign3A_925 : i32
        %sign3A_927 = arith.constant 0 : i32
        %sign3A_928 = arith.cmpi sgt, %jit3A_918, %sign3A_927 : i32
        %sign3A_929 = arith.extui %sign3A_928 : i1 to i32
        %sign3A_930 = arith.constant 0 : i32
        %sign3A_931 = arith.cmpi slt, %jit3A_918, %sign3A_930 : i32
        %sign3A_932 = arith.extui %sign3A_931 : i1 to i32
        %sign3A_933 = arith.subi %sign3A_929, %sign3A_932 : i32
        %ne3A_934 = arith.cmpi ne, %sign3A_926, %sign3A_933 : i32
        %rem3A_935 = arith.remsi %add3A_917, %jit3A_918 : i32
        %ne3A_936 = arith.constant 0 : i32
        %ne3A_937 = arith.cmpi ne, %rem3A_935, %ne3A_936 : i32
        %and3A_938 = arith.andi %ne3A_934, %ne3A_937 : i1
        %sub3A_939 = arith.constant 1 : i32
        %sub3A_940 = arith.subi %div3A_919, %sub3A_939 : i32
        %select_n3A_941 = arith.select %and3A_938, %sub3A_940, %div3A_919 : i32
        %mul3A_942 = arith.constant 16384 : i32
        %mul3A_943 = arith.muli %select_n3A_941, %mul3A_942 : i32
        %jit3A_944 = arith.constant 128 : i32
        %eq3A_945 = arith.constant 0 : i32
        %eq3A_946 = arith.cmpi eq, %jit3A_944, %eq3A_945 : i32
        %jit3A_947 = arith.constant 1 : i32
        %select_n3A_948 = arith.select %eq3A_946, %jit3A_947, %jit3A_944 : i32
        %rem3A_949 = arith.remsi %add3A_917, %select_n3A_948 : i32
        %ne3A_950 = arith.constant 0 : i32
        %ne3A_951 = arith.cmpi ne, %rem3A_949, %ne3A_950 : i32
        %lt3A_952 = arith.constant 0 : i32
        %lt3A_953 = arith.cmpi slt, %rem3A_949, %lt3A_952 : i32
        %lt3A_954 = arith.constant 0 : i32
        %lt3A_955 = arith.cmpi slt, %select_n3A_948, %lt3A_954 : i32
        %ne3A_956 = arith.xori %lt3A_953, %lt3A_955 : i1
        %and3A_957 = arith.andi %ne3A_956, %ne3A_951 : i1
        %add3A_958 = arith.addi %rem3A_949, %select_n3A_948 : i32
        %select_n3A_959 = arith.select %and3A_957, %add3A_958, %rem3A_949 : i32
        %mul3A_960 = arith.constant 128 : i32
        %mul3A_961 = arith.muli %select_n3A_959, %mul3A_960 : i32
        %add3A_962 = arith.addi %mul3A_943, %mul3A_961 : i32
        "tpu.region"() ({
          %run_scoped3A = tpu.sem_alloc : memref<!tpu.dma_semaphore, #tpu.memory_space<semaphore_mem>>
          %dma_start3A_1120 = tpu.memref_slice %arg3[%add3A_962] : memref<327680xi32, #tpu.memory_space<hbm>> -> memref<128xi32, #tpu.memory_space<hbm>>
          %dma_start3A_1121 = tpu.memref_slice %arg3[%add3A_962] : memref<327680xi32, #tpu.memory_space<hbm>> -> memref<128xi32, #tpu.memory_space<hbm>>
          tpu.enqueue_dma source(%dma_start3A_1121 : memref<128xi32, #tpu.memory_space<hbm>>) target(%arg5 : memref<128xi32, #tpu.memory_space<vmem>>) target_semaphore(%run_scoped3A : memref<!tpu.dma_semaphore, #tpu.memory_space<semaphore_mem>>)
          %dma_wait3A_1122 = tpu.memref_slice %arg3[%add3A_962] : memref<327680xi32, #tpu.memory_space<hbm>> -> memref<128xi32, #tpu.memory_space<hbm>>
          %dma_wait3A_1123 = tpu.memref_slice %arg3[%add3A_962] : memref<327680xi32, #tpu.memory_space<hbm>> -> memref<128xi32, #tpu.memory_space<hbm>>
          tpu.wait_dma2 semaphore(%run_scoped3A : memref<!tpu.dma_semaphore, #tpu.memory_space<semaphore_mem>>) src(%dma_wait3A_1123 : memref<128xi32, #tpu.memory_space<hbm>>) dst(%arg5 : memref<128xi32, #tpu.memory_space<vmem>>)
          tpu.yield
        }) : () -> ()
        %scan3A_963 = arith.constant 0 : i32
        %scan3A_964 = arith.constant 0 : i32
        %mul3A_965 = arith.constant 16 : i32
        %mul3A_966 = arith.muli %scan3A_964, %mul3A_965 : i32
        %get3A_967 = arith.index_cast %mul3A_966 : i32 to index
        %get3A_968 = tpu.vector_load %arg5[%get3A_967] {strides = array<i32>} : memref<128xi32, #tpu.memory_space<vmem>>, vector<16xi32>,
        %lt3A_969 = arith.constant 999936 : i32
        %lt3A_970 = vector.broadcast %lt3A_969 : i32 to vector<16xi32>
        %lt3A_971 = arith.cmpi slt, %get3A_968, %lt3A_970 : vector<16xi32>
        %mul3A_972 = arith.constant 2 : i32
        %mul3A_973 = vector.broadcast %mul3A_972 : i32 to vector<16xi32>
        %mul3A_974 = arith.muli %mul3A_973, %get3A_968 : vector<16xi32>
        %sub3A_975 = arith.constant 999936 : i32
        %sub3A_976 = vector.broadcast %sub3A_975 : i32 to vector<16xi32>
        %sub3A_977 = arith.subi %mul3A_974, %sub3A_976 : vector<16xi32>
        %select_n3A_978 = arith.select %lt3A_971, %get3A_968, %sub3A_977 : vector<16xi1>, vector<16xi32>
        %mul3A_979 = arith.constant 16 : i32
        %mul3A_980 = arith.muli %scan3A_964, %mul3A_979 : i32
        %swap3A_981 = arith.index_cast %mul3A_980 : i32 to index
        %swap3A_982 = tpu.vector_load %arg7[%swap3A_981] {strides = array<i32>} : memref<128xi32, #tpu.memory_space<vmem>>, vector<16xi32>,
        tpu.vector_store %arg7[%swap3A_981], %select_n3A_978 {strides = array<i32>} : memref<128xi32, #tpu.memory_space<vmem>>, vector<16xi32>,
        %scan3A_983 = arith.constant 1 : i32
        %mul3A_984 = arith.constant 16 : i32
        %mul3A_985 = arith.muli %scan3A_983, %mul3A_984 : i32
        %get3A_986 = arith.index_cast %mul3A_985 : i32 to index
        %get3A_987 = tpu.vector_load %arg5[%get3A_986] {strides = array<i32>} : memref<128xi32, #tpu.memory_space<vmem>>, vector<16xi32>,
        %lt3A_988 = arith.constant 999936 : i32
        %lt3A_989 = vector.broadcast %lt3A_988 : i32 to vector<16xi32>
        %lt3A_990 = arith.cmpi slt, %get3A_987, %lt3A_989 : vector<16xi32>
        %mul3A_991 = arith.constant 2 : i32
        %mul3A_992 = vector.broadcast %mul3A_991 : i32 to vector<16xi32>
        %mul3A_993 = arith.muli %mul3A_992, %get3A_987 : vector<16xi32>
        %sub3A_994 = arith.constant 999936 : i32
        %sub3A_995 = vector.broadcast %sub3A_994 : i32 to vector<16xi32>
        %sub3A_996 = arith.subi %mul3A_993, %sub3A_995 : vector<16xi32>
        %select_n3A_997 = arith.select %lt3A_990, %get3A_987, %sub3A_996 : vector<16xi1>, vector<16xi32>
        %mul3A_998 = arith.constant 16 : i32
        %mul3A_999 = arith.muli %scan3A_983, %mul3A_998 : i32
        %swap3A_1000 = arith.index_cast %mul3A_999 : i32 to index
        %swap3A_1001 = tpu.vector_load %arg7[%swap3A_1000] {strides = array<i32>} : memref<128xi32, #tpu.memory_space<vmem>>, vector<16xi32>,
        tpu.vector_store %arg7[%swap3A_1000], %select_n3A_997 {strides = array<i32>} : memref<128xi32, #tpu.memory_space<vmem>>, vector<16xi32>,
        %scan3A_1002 = arith.constant 2 : i32
        %mul3A_1003 = arith.constant 16 : i32
        %mul3A_1004 = arith.muli %scan3A_1002, %mul3A_1003 : i32
        %get3A_1005 = arith.index_cast %mul3A_1004 : i32 to index
        %get3A_1006 = tpu.vector_load %arg5[%get3A_1005] {strides = array<i32>} : memref<128xi32, #tpu.memory_space<vmem>>, vector<16xi32>,
        %lt3A_1007 = arith.constant 999936 : i32
        %lt3A_1008 = vector.broadcast %lt3A_1007 : i32 to vector<16xi32>
        %lt3A_1009 = arith.cmpi slt, %get3A_1006, %lt3A_1008 : vector<16xi32>
        %mul3A_1010 = arith.constant 2 : i32
        %mul3A_1011 = vector.broadcast %mul3A_1010 : i32 to vector<16xi32>
        %mul3A_1012 = arith.muli %mul3A_1011, %get3A_1006 : vector<16xi32>
        %sub3A_1013 = arith.constant 999936 : i32
        %sub3A_1014 = vector.broadcast %sub3A_1013 : i32 to vector<16xi32>
        %sub3A_1015 = arith.subi %mul3A_1012, %sub3A_1014 : vector<16xi32>
        %select_n3A_1016 = arith.select %lt3A_1009, %get3A_1006, %sub3A_1015 : vector<16xi1>, vector<16xi32>
        %mul3A_1017 = arith.constant 16 : i32
        %mul3A_1018 = arith.muli %scan3A_1002, %mul3A_1017 : i32
        %swap3A_1019 = arith.index_cast %mul3A_1018 : i32 to index
        %swap3A_1020 = tpu.vector_load %arg7[%swap3A_1019] {strides = array<i32>} : memref<128xi32, #tpu.memory_space<vmem>>, vector<16xi32>,
        tpu.vector_store %arg7[%swap3A_1019], %select_n3A_1016 {strides = array<i32>} : memref<128xi32, #tpu.memory_space<vmem>>, vector<16xi32>,
        %scan3A_1021 = arith.constant 3 : i32
        %mul3A_1022 = arith.constant 16 : i32
        %mul3A_1023 = arith.muli %scan3A_1021, %mul3A_1022 : i32
        %get3A_1024 = arith.index_cast %mul3A_1023 : i32 to index
        %get3A_1025 = tpu.vector_load %arg5[%get3A_1024] {strides = array<i32>} : memref<128xi32, #tpu.memory_space<vmem>>, vector<16xi32>,
        %lt3A_1026 = arith.constant 999936 : i32
        %lt3A_1027 = vector.broadcast %lt3A_1026 : i32 to vector<16xi32>
        %lt3A_1028 = arith.cmpi slt, %get3A_1025, %lt3A_1027 : vector<16xi32>
        %mul3A_1029 = arith.constant 2 : i32
        %mul3A_1030 = vector.broadcast %mul3A_1029 : i32 to vector<16xi32>
        %mul3A_1031 = arith.muli %mul3A_1030, %get3A_1025 : vector<16xi32>
        %sub3A_1032 = arith.constant 999936 : i32
        %sub3A_1033 = vector.broadcast %sub3A_1032 : i32 to vector<16xi32>
        %sub3A_1034 = arith.subi %mul3A_1031, %sub3A_1033 : vector<16xi32>
        %select_n3A_1035 = arith.select %lt3A_1028, %get3A_1025, %sub3A_1034 : vector<16xi1>, vector<16xi32>
        %mul3A_1036 = arith.constant 16 : i32
        %mul3A_1037 = arith.muli %scan3A_1021, %mul3A_1036 : i32
        %swap3A_1038 = arith.index_cast %mul3A_1037 : i32 to index
        %swap3A_1039 = tpu.vector_load %arg7[%swap3A_1038] {strides = array<i32>} : memref<128xi32, #tpu.memory_space<vmem>>, vector<16xi32>,
        tpu.vector_store %arg7[%swap3A_1038], %select_n3A_1035 {strides = array<i32>} : memref<128xi32, #tpu.memory_space<vmem>>, vector<16xi32>,
        %scan3A_1040 = arith.constant 4 : i32
        %mul3A_1041 = arith.constant 16 : i32
        %mul3A_1042 = arith.muli %scan3A_1040, %mul3A_1041 : i32
        %get3A_1043 = arith.index_cast %mul3A_1042 : i32 to index
        %get3A_1044 = tpu.vector_load %arg5[%get3A_1043] {strides = array<i32>} : memref<128xi32, #tpu.memory_space<vmem>>, vector<16xi32>,
        %lt3A_1045 = arith.constant 999936 : i32
        %lt3A_1046 = vector.broadcast %lt3A_1045 : i32 to vector<16xi32>
        %lt3A_1047 = arith.cmpi slt, %get3A_1044, %lt3A_1046 : vector<16xi32>
        %mul3A_1048 = arith.constant 2 : i32
        %mul3A_1049 = vector.broadcast %mul3A_1048 : i32 to vector<16xi32>
        %mul3A_1050 = arith.muli %mul3A_1049, %get3A_1044 : vector<16xi32>
        %sub3A_1051 = arith.constant 999936 : i32
        %sub3A_1052 = vector.broadcast %sub3A_1051 : i32 to vector<16xi32>
        %sub3A_1053 = arith.subi %mul3A_1050, %sub3A_1052 : vector<16xi32>
        %select_n3A_1054 = arith.select %lt3A_1047, %get3A_1044, %sub3A_1053 : vector<16xi1>, vector<16xi32>
        %mul3A_1055 = arith.constant 16 : i32
        %mul3A_1056 = arith.muli %scan3A_1040, %mul3A_1055 : i32
        %swap3A_1057 = arith.index_cast %mul3A_1056 : i32 to index
        %swap3A_1058 = tpu.vector_load %arg7[%swap3A_1057] {strides = array<i32>} : memref<128xi32, #tpu.memory_space<vmem>>, vector<16xi32>,
        tpu.vector_store %arg7[%swap3A_1057], %select_n3A_1054 {strides = array<i32>} : memref<128xi32, #tpu.memory_space<vmem>>, vector<16xi32>,
        %scan3A_1059 = arith.constant 5 : i32
        %mul3A_1060 = arith.constant 16 : i32
        %mul3A_1061 = arith.muli %scan3A_1059, %mul3A_1060 : i32
        %get3A_1062 = arith.index_cast %mul3A_1061 : i32 to index
        %get3A_1063 = tpu.vector_load %arg5[%get3A_1062] {strides = array<i32>} : memref<128xi32, #tpu.memory_space<vmem>>, vector<16xi32>,
        %lt3A_1064 = arith.constant 999936 : i32
        %lt3A_1065 = vector.broadcast %lt3A_1064 : i32 to vector<16xi32>
        %lt3A_1066 = arith.cmpi slt, %get3A_1063, %lt3A_1065 : vector<16xi32>
        %mul3A_1067 = arith.constant 2 : i32
        %mul3A_1068 = vector.broadcast %mul3A_1067 : i32 to vector<16xi32>
        %mul3A_1069 = arith.muli %mul3A_1068, %get3A_1063 : vector<16xi32>
        %sub3A_1070 = arith.constant 999936 : i32
        %sub3A_1071 = vector.broadcast %sub3A_1070 : i32 to vector<16xi32>
        %sub3A_1072 = arith.subi %mul3A_1069, %sub3A_1071 : vector<16xi32>
        %select_n3A_1073 = arith.select %lt3A_1066, %get3A_1063, %sub3A_1072 : vector<16xi1>, vector<16xi32>
        %mul3A_1074 = arith.constant 16 : i32
        %mul3A_1075 = arith.muli %scan3A_1059, %mul3A_1074 : i32
        %swap3A_1076 = arith.index_cast %mul3A_1075 : i32 to index
        %swap3A_1077 = tpu.vector_load %arg7[%swap3A_1076] {strides = array<i32>} : memref<128xi32, #tpu.memory_space<vmem>>, vector<16xi32>,
        tpu.vector_store %arg7[%swap3A_1076], %select_n3A_1073 {strides = array<i32>} : memref<128xi32, #tpu.memory_space<vmem>>, vector<16xi32>,
        %scan3A_1078 = arith.constant 6 : i32
        %mul3A_1079 = arith.constant 16 : i32
        %mul3A_1080 = arith.muli %scan3A_1078, %mul3A_1079 : i32
        %get3A_1081 = arith.index_cast %mul3A_1080 : i32 to index
        %get3A_1082 = tpu.vector_load %arg5[%get3A_1081] {strides = array<i32>} : memref<128xi32, #tpu.memory_space<vmem>>, vector<16xi32>,
        %lt3A_1083 = arith.constant 999936 : i32
        %lt3A_1084 = vector.broadcast %lt3A_1083 : i32 to vector<16xi32>
        %lt3A_1085 = arith.cmpi slt, %get3A_1082, %lt3A_1084 : vector<16xi32>
        %mul3A_1086 = arith.constant 2 : i32
        %mul3A_1087 = vector.broadcast %mul3A_1086 : i32 to vector<16xi32>
        %mul3A_1088 = arith.muli %mul3A_1087, %get3A_1082 : vector<16xi32>
        %sub3A_1089 = arith.constant 999936 : i32
        %sub3A_1090 = vector.broadcast %sub3A_1089 : i32 to vector<16xi32>
        %sub3A_1091 = arith.subi %mul3A_1088, %sub3A_1090 : vector<16xi32>
        %select_n3A_1092 = arith.select %lt3A_1085, %get3A_1082, %sub3A_1091 : vector<16xi1>, vector<16xi32>
        %mul3A_1093 = arith.constant 16 : i32
        %mul3A_1094 = arith.muli %scan3A_1078, %mul3A_1093 : i32
        %swap3A_1095 = arith.index_cast %mul3A_1094 : i32 to index
        %swap3A_1096 = tpu.vector_load %arg7[%swap3A_1095] {strides = array<i32>} : memref<128xi32, #tpu.memory_space<vmem>>, vector<16xi32>,
        tpu.vector_store %arg7[%swap3A_1095], %select_n3A_1092 {strides = array<i32>} : memref<128xi32, #tpu.memory_space<vmem>>, vector<16xi32>,
        %scan3A_1097 = arith.constant 7 : i32
        %mul3A_1098 = arith.constant 16 : i32
        %mul3A_1099 = arith.muli %scan3A_1097, %mul3A_1098 : i32
        %get3A_1100 = arith.index_cast %mul3A_1099 : i32 to index
        %get3A_1101 = tpu.vector_load %arg5[%get3A_1100] {strides = array<i32>} : memref<128xi32, #tpu.memory_space<vmem>>, vector<16xi32>,
        %lt3A_1102 = arith.constant 999936 : i32
        %lt3A_1103 = vector.broadcast %lt3A_1102 : i32 to vector<16xi32>
        %lt3A_1104 = arith.cmpi slt, %get3A_1101, %lt3A_1103 : vector<16xi32>
        %mul3A_1105 = arith.constant 2 : i32
        %mul3A_1106 = vector.broadcast %mul3A_1105 : i32 to vector<16xi32>
        %mul3A_1107 = arith.muli %mul3A_1106, %get3A_1101 : vector<16xi32>
        %sub3A_1108 = arith.constant 999936 : i32
        %sub3A_1109 = vector.broadcast %sub3A_1108 : i32 to vector<16xi32>
        %sub3A_1110 = arith.subi %mul3A_1107, %sub3A_1109 : vector<16xi32>
        %select_n3A_1111 = arith.select %lt3A_1104, %get3A_1101, %sub3A_1110 : vector<16xi1>, vector<16xi32>
        %mul3A_1112 = arith.constant 16 : i32
        %mul3A_1113 = arith.muli %scan3A_1097, %mul3A_1112 : i32
        %swap3A_1114 = arith.index_cast %mul3A_1113 : i32 to index
        %swap3A_1115 = tpu.vector_load %arg7[%swap3A_1114] {strides = array<i32>} : memref<128xi32, #tpu.memory_space<vmem>>, vector<16xi32>,
        tpu.vector_store %arg7[%swap3A_1114], %select_n3A_1111 {strides = array<i32>} : memref<128xi32, #tpu.memory_space<vmem>>, vector<16xi32>,
        %scan3A_1116 = arith.constant 8 : i32
        %dma_start3A_1117 = arith.constant 0 : i32
        %dma_start3A_1118 = arith.constant 0 : i32
        %dma_start3A_1119 = tpu.memref_slice %arg2[%dma_start3A_1117, %dma_start3A_1118] : memref<1000064x64xf32, #tpu.memory_space<hbm>> -> memref<1000064x64xf32, #tpu.memory_space<hbm>>
        tpu.enqueue_indirect_dma source(%dma_start3A_1119 : memref<1000064x64xf32, #tpu.memory_space<hbm>>) target(%arg9 : memref<128x64xf32, #tpu.memory_space<vmem>>) offsets(%arg7 : memref<128xi32, #tpu.memory_space<vmem>>) semaphore(%arg13 : memref<!tpu.dma_semaphore, #tpu.memory_space<semaphore_mem>>)
      } else {
      }
      %ge3A = arith.constant 2 : i32
      %ge3A_602 = arith.cmpi sge, %add3A_550, %ge3A : i32
      %convert_element_type3A_603 = arith.extui %ge3A_602 : i1 to i32
      %cond3A_604 = arith.constant 0 : i32
      %cond3A_605 = arith.cmpi ne, %convert_element_type3A_603, %cond3A_604 : i32
      scf.if %cond3A_605 {
        %sub3A_913 = arith.constant 2 : i32
        %sub3A_914 = arith.subi %add3A_553, %sub3A_913 : i32
        %jit3A_915 = arith.constant 128 : i32
        %div3A_916 = arith.divsi %sub3A_914, %jit3A_915 : i32
        %sign3A_917 = arith.constant 0 : i32
        %sign3A_918 = arith.cmpi sgt, %sub3A_914, %sign3A_917 : i32
        %sign3A_919 = arith.extui %sign3A_918 : i1 to i32
        %sign3A_920 = arith.constant 0 : i32
        %sign3A_921 = arith.cmpi slt, %sub3A_914, %sign3A_920 : i32
        %sign3A_922 = arith.extui %sign3A_921 : i1 to i32
        %sign3A_923 = arith.subi %sign3A_919, %sign3A_922 : i32
        %sign3A_924 = arith.constant 0 : i32
        %sign3A_925 = arith.cmpi sgt, %jit3A_915, %sign3A_924 : i32
        %sign3A_926 = arith.extui %sign3A_925 : i1 to i32
        %sign3A_927 = arith.constant 0 : i32
        %sign3A_928 = arith.cmpi slt, %jit3A_915, %sign3A_927 : i32
        %sign3A_929 = arith.extui %sign3A_928 : i1 to i32
        %sign3A_930 = arith.subi %sign3A_926, %sign3A_929 : i32
        %ne3A_931 = arith.cmpi ne, %sign3A_923, %sign3A_930 : i32
        %rem3A_932 = arith.remsi %sub3A_914, %jit3A_915 : i32
        %ne3A_933 = arith.constant 0 : i32
        %ne3A_934 = arith.cmpi ne, %rem3A_932, %ne3A_933 : i32
        %and3A_935 = arith.andi %ne3A_931, %ne3A_934 : i1
        %sub3A_936 = arith.constant 1 : i32
        %sub3A_937 = arith.subi %div3A_916, %sub3A_936 : i32
        %select_n3A_938 = arith.select %and3A_935, %sub3A_937, %div3A_916 : i32
        %jit3A_939 = arith.constant 128 : i32
        %eq3A_940 = arith.constant 0 : i32
        %eq3A_941 = arith.cmpi eq, %jit3A_939, %eq3A_940 : i32
        %jit3A_942 = arith.constant 1 : i32
        %select_n3A_943 = arith.select %eq3A_941, %jit3A_942, %jit3A_939 : i32
        %rem3A_944 = arith.remsi %sub3A_914, %select_n3A_943 : i32
        %ne3A_945 = arith.constant 0 : i32
        %ne3A_946 = arith.cmpi ne, %rem3A_944, %ne3A_945 : i32
        %lt3A_947 = arith.constant 0 : i32
        %lt3A_948 = arith.cmpi slt, %rem3A_944, %lt3A_947 : i32
        %lt3A_949 = arith.constant 0 : i32
        %lt3A_950 = arith.cmpi slt, %select_n3A_943, %lt3A_949 : i32
        %ne3A_951 = arith.xori %lt3A_948, %lt3A_950 : i1
        %and3A_952 = arith.andi %ne3A_951, %ne3A_946 : i1
        %add3A_953 = arith.addi %rem3A_944, %select_n3A_943 : i32
        %select_n3A_954 = arith.select %and3A_952, %add3A_953, %rem3A_944 : i32
        %dma_wait3A_955 = arith.constant 0 : i32
        %dma_wait3A_956 = arith.constant 0 : i32
        %dma_wait3A_957 = arith.constant 0 : i32
        %dma_wait3A_958 = tpu.memref_slice %arg10[%dma_wait3A_956, %dma_wait3A_957] : memref<64x136xf32, #tpu.memory_space<vmem>> -> memref<8x128xf32, #tpu.memory_space<vmem>>
        %dma_wait3A_959 = arith.constant 0 : i32
        %dma_wait3A_960 = arith.constant 0 : i32
        %dma_wait3A_961 = tpu.memref_slice %arg4[%select_n3A_938, %dma_wait3A_955, %select_n3A_954, %dma_wait3A_959, %dma_wait3A_960] : memref<20x8x128x8x128xf32, #tpu.memory_space<hbm>> -> memref<1x1x1x8x128xf32, #tpu.memory_space<hbm>>
        %dma_wait3A_962 = tpu.memref_squeeze %dma_wait3A_961 : memref<1x1x1x8x128xf32, #tpu.memory_space<hbm>> -> memref<8x128xf32, #tpu.memory_space<hbm>>
        %dma_wait3A_963 = arith.constant 0 : i32
        %dma_wait3A_964 = arith.constant 0 : i32
        %dma_wait3A_965 = tpu.memref_slice %arg4[%select_n3A_938, %dma_wait3A_955, %select_n3A_954, %dma_wait3A_963, %dma_wait3A_964] : memref<20x8x128x8x128xf32, #tpu.memory_space<hbm>> -> memref<1x1x1x8x128xf32, #tpu.memory_space<hbm>>
        %dma_wait3A_966 = tpu.memref_squeeze %dma_wait3A_965 : memref<1x1x1x8x128xf32, #tpu.memory_space<hbm>> -> memref<8x128xf32, #tpu.memory_space<hbm>>
        %dma_wait3A_967 = arith.constant 0 : i32
        %dma_wait3A_968 = arith.constant 0 : i32
        %dma_wait3A_969 = tpu.memref_slice %arg10[%dma_wait3A_967, %dma_wait3A_968] : memref<64x136xf32, #tpu.memory_space<vmem>> -> memref<8x128xf32, #tpu.memory_space<vmem>>
        tpu.wait_dma2 semaphore(%arg14 : memref<!tpu.dma_semaphore, #tpu.memory_space<semaphore_mem>>) src(%dma_wait3A_969 : memref<8x128xf32, #tpu.memory_space<vmem>>) dst(%dma_wait3A_966 : memref<8x128xf32, #tpu.memory_space<hbm>>)
        %dma_wait3A_970 = arith.constant 1 : i32
        %dma_wait3A_971 = arith.constant 8 : i32
        %dma_wait3A_972 = arith.constant 0 : i32
        %dma_wait3A_973 = tpu.memref_slice %arg10[%dma_wait3A_971, %dma_wait3A_972] : memref<64x136xf32, #tpu.memory_space<vmem>> -> memref<8x128xf32, #tpu.memory_space<vmem>>
        %dma_wait3A_974 = arith.constant 0 : i32
        %dma_wait3A_975 = arith.constant 0 : i32
        %dma_wait3A_976 = tpu.memref_slice %arg4[%select_n3A_938, %dma_wait3A_970, %select_n3A_954, %dma_wait3A_974, %dma_wait3A_975] : memref<20x8x128x8x128xf32, #tpu.memory_space<hbm>> -> memref<1x1x1x8x128xf32, #tpu.memory_space<hbm>>
        %dma_wait3A_977 = tpu.memref_squeeze %dma_wait3A_976 : memref<1x1x1x8x128xf32, #tpu.memory_space<hbm>> -> memref<8x128xf32, #tpu.memory_space<hbm>>
        %dma_wait3A_978 = arith.constant 0 : i32
        %dma_wait3A_979 = arith.constant 0 : i32
        %dma_wait3A_980 = tpu.memref_slice %arg4[%select_n3A_938, %dma_wait3A_970, %select_n3A_954, %dma_wait3A_978, %dma_wait3A_979] : memref<20x8x128x8x128xf32, #tpu.memory_space<hbm>> -> memref<1x1x1x8x128xf32, #tpu.memory_space<hbm>>
        %dma_wait3A_981 = tpu.memref_squeeze %dma_wait3A_980 : memref<1x1x1x8x128xf32, #tpu.memory_space<hbm>> -> memref<8x128xf32, #tpu.memory_space<hbm>>
        %dma_wait3A_982 = arith.constant 8 : i32
        %dma_wait3A_983 = arith.constant 0 : i32
        %dma_wait3A_984 = tpu.memref_slice %arg10[%dma_wait3A_982, %dma_wait3A_983] : memref<64x136xf32, #tpu.memory_space<vmem>> -> memref<8x128xf32, #tpu.memory_space<vmem>>
        tpu.wait_dma2 semaphore(%arg14 : memref<!tpu.dma_semaphore, #tpu.memory_space<semaphore_mem>>) src(%dma_wait3A_984 : memref<8x128xf32, #tpu.memory_space<vmem>>) dst(%dma_wait3A_981 : memref<8x128xf32, #tpu.memory_space<hbm>>)
        %dma_wait3A_985 = arith.constant 2 : i32
        %dma_wait3A_986 = arith.constant 16 : i32
        %dma_wait3A_987 = arith.constant 0 : i32
        %dma_wait3A_988 = tpu.memref_slice %arg10[%dma_wait3A_986, %dma_wait3A_987] : memref<64x136xf32, #tpu.memory_space<vmem>> -> memref<8x128xf32, #tpu.memory_space<vmem>>
        %dma_wait3A_989 = arith.constant 0 : i32
        %dma_wait3A_990 = arith.constant 0 : i32
        %dma_wait3A_991 = tpu.memref_slice %arg4[%select_n3A_938, %dma_wait3A_985, %select_n3A_954, %dma_wait3A_989, %dma_wait3A_990] : memref<20x8x128x8x128xf32, #tpu.memory_space<hbm>> -> memref<1x1x1x8x128xf32, #tpu.memory_space<hbm>>
        %dma_wait3A_992 = tpu.memref_squeeze %dma_wait3A_991 : memref<1x1x1x8x128xf32, #tpu.memory_space<hbm>> -> memref<8x128xf32, #tpu.memory_space<hbm>>
        %dma_wait3A_993 = arith.constant 0 : i32
        %dma_wait3A_994 = arith.constant 0 : i32
        %dma_wait3A_995 = tpu.memref_slice %arg4[%select_n3A_938, %dma_wait3A_985, %select_n3A_954, %dma_wait3A_993, %dma_wait3A_994] : memref<20x8x128x8x128xf32, #tpu.memory_space<hbm>> -> memref<1x1x1x8x128xf32, #tpu.memory_space<hbm>>
        %dma_wait3A_996 = tpu.memref_squeeze %dma_wait3A_995 : memref<1x1x1x8x128xf32, #tpu.memory_space<hbm>> -> memref<8x128xf32, #tpu.memory_space<hbm>>
        %dma_wait3A_997 = arith.constant 16 : i32
        %dma_wait3A_998 = arith.constant 0 : i32
        %dma_wait3A_999 = tpu.memref_slice %arg10[%dma_wait3A_997, %dma_wait3A_998] : memref<64x136xf32, #tpu.memory_space<vmem>> -> memref<8x128xf32, #tpu.memory_space<vmem>>
        tpu.wait_dma2 semaphore(%arg14 : memref<!tpu.dma_semaphore, #tpu.memory_space<semaphore_mem>>) src(%dma_wait3A_999 : memref<8x128xf32, #tpu.memory_space<vmem>>) dst(%dma_wait3A_996 : memref<8x128xf32, #tpu.memory_space<hbm>>)
        %dma_wait3A_1000 = arith.constant 3 : i32
        %dma_wait3A_1001 = arith.constant 24 : i32
        %dma_wait3A_1002 = arith.constant 0 : i32
        %dma_wait3A_1003 = tpu.memref_slice %arg10[%dma_wait3A_1001, %dma_wait3A_1002] : memref<64x136xf32, #tpu.memory_space<vmem>> -> memref<8x128xf32, #tpu.memory_space<vmem>>
        %dma_wait3A_1004 = arith.constant 0 : i32
        %dma_wait3A_1005 = arith.constant 0 : i32
        %dma_wait3A_1006 = tpu.memref_slice %arg4[%select_n3A_938, %dma_wait3A_1000, %select_n3A_954, %dma_wait3A_1004, %dma_wait3A_1005] : memref<20x8x128x8x128xf32, #tpu.memory_space<hbm>> -> memref<1x1x1x8x128xf32, #tpu.memory_space<hbm>>
        %dma_wait3A_1007 = tpu.memref_squeeze %dma_wait3A_1006 : memref<1x1x1x8x128xf32, #tpu.memory_space<hbm>> -> memref<8x128xf32, #tpu.memory_space<hbm>>
        %dma_wait3A_1008 = arith.constant 0 : i32
        %dma_wait3A_1009 = arith.constant 0 : i32
        %dma_wait3A_1010 = tpu.memref_slice %arg4[%select_n3A_938, %dma_wait3A_1000, %select_n3A_954, %dma_wait3A_1008, %dma_wait3A_1009] : memref<20x8x128x8x128xf32, #tpu.memory_space<hbm>> -> memref<1x1x1x8x128xf32, #tpu.memory_space<hbm>>
        %dma_wait3A_1011 = tpu.memref_squeeze %dma_wait3A_1010 : memref<1x1x1x8x128xf32, #tpu.memory_space<hbm>> -> memref<8x128xf32, #tpu.memory_space<hbm>>
        %dma_wait3A_1012 = arith.constant 24 : i32
        %dma_wait3A_1013 = arith.constant 0 : i32
        %dma_wait3A_1014 = tpu.memref_slice %arg10[%dma_wait3A_1012, %dma_wait3A_1013] : memref<64x136xf32, #tpu.memory_space<vmem>> -> memref<8x128xf32, #tpu.memory_space<vmem>>
        tpu.wait_dma2 semaphore(%arg14 : memref<!tpu.dma_semaphore, #tpu.memory_space<semaphore_mem>>) src(%dma_wait3A_1014 : memref<8x128xf32, #tpu.memory_space<vmem>>) dst(%dma_wait3A_1011 : memref<8x128xf32, #tpu.memory_space<hbm>>)
        %dma_wait3A_1015 = arith.constant 4 : i32
        %dma_wait3A_1016 = arith.constant 32 : i32
        %dma_wait3A_1017 = arith.constant 0 : i32
        %dma_wait3A_1018 = tpu.memref_slice %arg10[%dma_wait3A_1016, %dma_wait3A_1017] : memref<64x136xf32, #tpu.memory_space<vmem>> -> memref<8x128xf32, #tpu.memory_space<vmem>>
        %dma_wait3A_1019 = arith.constant 0 : i32
        %dma_wait3A_1020 = arith.constant 0 : i32
        %dma_wait3A_1021 = tpu.memref_slice %arg4[%select_n3A_938, %dma_wait3A_1015, %select_n3A_954, %dma_wait3A_1019, %dma_wait3A_1020] : memref<20x8x128x8x128xf32, #tpu.memory_space<hbm>> -> memref<1x1x1x8x128xf32, #tpu.memory_space<hbm>>
        %dma_wait3A_1022 = tpu.memref_squeeze %dma_wait3A_1021 : memref<1x1x1x8x128xf32, #tpu.memory_space<hbm>> -> memref<8x128xf32, #tpu.memory_space<hbm>>
        %dma_wait3A_1023 = arith.constant 0 : i32
        %dma_wait3A_1024 = arith.constant 0 : i32
        %dma_wait3A_1025 = tpu.memref_slice %arg4[%select_n3A_938, %dma_wait3A_1015, %select_n3A_954, %dma_wait3A_1023, %dma_wait3A_1024] : memref<20x8x128x8x128xf32, #tpu.memory_space<hbm>> -> memref<1x1x1x8x128xf32, #tpu.memory_space<hbm>>
        %dma_wait3A_1026 = tpu.memref_squeeze %dma_wait3A_1025 : memref<1x1x1x8x128xf32, #tpu.memory_space<hbm>> -> memref<8x128xf32, #tpu.memory_space<hbm>>
        %dma_wait3A_1027 = arith.constant 32 : i32
        %dma_wait3A_1028 = arith.constant 0 : i32
        %dma_wait3A_1029 = tpu.memref_slice %arg10[%dma_wait3A_1027, %dma_wait3A_1028] : memref<64x136xf32, #tpu.memory_space<vmem>> -> memref<8x128xf32, #tpu.memory_space<vmem>>
        tpu.wait_dma2 semaphore(%arg14 : memref<!tpu.dma_semaphore, #tpu.memory_space<semaphore_mem>>) src(%dma_wait3A_1029 : memref<8x128xf32, #tpu.memory_space<vmem>>) dst(%dma_wait3A_1026 : memref<8x128xf32, #tpu.memory_space<hbm>>)
        %dma_wait3A_1030 = arith.constant 5 : i32
        %dma_wait3A_1031 = arith.constant 40 : i32
        %dma_wait3A_1032 = arith.constant 0 : i32
        %dma_wait3A_1033 = tpu.memref_slice %arg10[%dma_wait3A_1031, %dma_wait3A_1032] : memref<64x136xf32, #tpu.memory_space<vmem>> -> memref<8x128xf32, #tpu.memory_space<vmem>>
        %dma_wait3A_1034 = arith.constant 0 : i32
        %dma_wait3A_1035 = arith.constant 0 : i32
        %dma_wait3A_1036 = tpu.memref_slice %arg4[%select_n3A_938, %dma_wait3A_1030, %select_n3A_954, %dma_wait3A_1034, %dma_wait3A_1035] : memref<20x8x128x8x128xf32, #tpu.memory_space<hbm>> -> memref<1x1x1x8x128xf32, #tpu.memory_space<hbm>>
        %dma_wait3A_1037 = tpu.memref_squeeze %dma_wait3A_1036 : memref<1x1x1x8x128xf32, #tpu.memory_space<hbm>> -> memref<8x128xf32, #tpu.memory_space<hbm>>
        %dma_wait3A_1038 = arith.constant 0 : i32
        %dma_wait3A_1039 = arith.constant 0 : i32
        %dma_wait3A_1040 = tpu.memref_slice %arg4[%select_n3A_938, %dma_wait3A_1030, %select_n3A_954, %dma_wait3A_1038, %dma_wait3A_1039] : memref<20x8x128x8x128xf32, #tpu.memory_space<hbm>> -> memref<1x1x1x8x128xf32, #tpu.memory_space<hbm>>
        %dma_wait3A_1041 = tpu.memref_squeeze %dma_wait3A_1040 : memref<1x1x1x8x128xf32, #tpu.memory_space<hbm>> -> memref<8x128xf32, #tpu.memory_space<hbm>>
        %dma_wait3A_1042 = arith.constant 40 : i32
        %dma_wait3A_1043 = arith.constant 0 : i32
        %dma_wait3A_1044 = tpu.memref_slice %arg10[%dma_wait3A_1042, %dma_wait3A_1043] : memref<64x136xf32, #tpu.memory_space<vmem>> -> memref<8x128xf32, #tpu.memory_space<vmem>>
        tpu.wait_dma2 semaphore(%arg14 : memref<!tpu.dma_semaphore, #tpu.memory_space<semaphore_mem>>) src(%dma_wait3A_1044 : memref<8x128xf32, #tpu.memory_space<vmem>>) dst(%dma_wait3A_1041 : memref<8x128xf32, #tpu.memory_space<hbm>>)
        %dma_wait3A_1045 = arith.constant 6 : i32
        %dma_wait3A_1046 = arith.constant 48 : i32
        %dma_wait3A_1047 = arith.constant 0 : i32
        %dma_wait3A_1048 = tpu.memref_slice %arg10[%dma_wait3A_1046, %dma_wait3A_1047] : memref<64x136xf32, #tpu.memory_space<vmem>> -> memref<8x128xf32, #tpu.memory_space<vmem>>
        %dma_wait3A_1049 = arith.constant 0 : i32
        %dma_wait3A_1050 = arith.constant 0 : i32
        %dma_wait3A_1051 = tpu.memref_slice %arg4[%select_n3A_938, %dma_wait3A_1045, %select_n3A_954, %dma_wait3A_1049, %dma_wait3A_1050] : memref<20x8x128x8x128xf32, #tpu.memory_space<hbm>> -> memref<1x1x1x8x128xf32, #tpu.memory_space<hbm>>
        %dma_wait3A_1052 = tpu.memref_squeeze %dma_wait3A_1051 : memref<1x1x1x8x128xf32, #tpu.memory_space<hbm>> -> memref<8x128xf32, #tpu.memory_space<hbm>>
        %dma_wait3A_1053 = arith.constant 0 : i32
        %dma_wait3A_1054 = arith.constant 0 : i32
        %dma_wait3A_1055 = tpu.memref_slice %arg4[%select_n3A_938, %dma_wait3A_1045, %select_n3A_954, %dma_wait3A_1053, %dma_wait3A_1054] : memref<20x8x128x8x128xf32, #tpu.memory_space<hbm>> -> memref<1x1x1x8x128xf32, #tpu.memory_space<hbm>>
        %dma_wait3A_1056 = tpu.memref_squeeze %dma_wait3A_1055 : memref<1x1x1x8x128xf32, #tpu.memory_space<hbm>> -> memref<8x128xf32, #tpu.memory_space<hbm>>
        %dma_wait3A_1057 = arith.constant 48 : i32
        %dma_wait3A_1058 = arith.constant 0 : i32
        %dma_wait3A_1059 = tpu.memref_slice %arg10[%dma_wait3A_1057, %dma_wait3A_1058] : memref<64x136xf32, #tpu.memory_space<vmem>> -> memref<8x128xf32, #tpu.memory_space<vmem>>
        tpu.wait_dma2 semaphore(%arg14 : memref<!tpu.dma_semaphore, #tpu.memory_space<semaphore_mem>>) src(%dma_wait3A_1059 : memref<8x128xf32, #tpu.memory_space<vmem>>) dst(%dma_wait3A_1056 : memref<8x128xf32, #tpu.memory_space<hbm>>)
        %dma_wait3A_1060 = arith.constant 7 : i32
        %dma_wait3A_1061 = arith.constant 56 : i32
        %dma_wait3A_1062 = arith.constant 0 : i32
        %dma_wait3A_1063 = tpu.memref_slice %arg10[%dma_wait3A_1061, %dma_wait3A_1062] : memref<64x136xf32, #tpu.memory_space<vmem>> -> memref<8x128xf32, #tpu.memory_space<vmem>>
        %dma_wait3A_1064 = arith.constant 0 : i32
        %dma_wait3A_1065 = arith.constant 0 : i32
        %dma_wait3A_1066 = tpu.memref_slice %arg4[%select_n3A_938, %dma_wait3A_1060, %select_n3A_954, %dma_wait3A_1064, %dma_wait3A_1065] : memref<20x8x128x8x128xf32, #tpu.memory_space<hbm>> -> memref<1x1x1x8x128xf32, #tpu.memory_space<hbm>>
        %dma_wait3A_1067 = tpu.memref_squeeze %dma_wait3A_1066 : memref<1x1x1x8x128xf32, #tpu.memory_space<hbm>> -> memref<8x128xf32, #tpu.memory_space<hbm>>
        %dma_wait3A_1068 = arith.constant 0 : i32
        %dma_wait3A_1069 = arith.constant 0 : i32
        %dma_wait3A_1070 = tpu.memref_slice %arg4[%select_n3A_938, %dma_wait3A_1060, %select_n3A_954, %dma_wait3A_1068, %dma_wait3A_1069] : memref<20x8x128x8x128xf32, #tpu.memory_space<hbm>> -> memref<1x1x1x8x128xf32, #tpu.memory_space<hbm>>
        %dma_wait3A_1071 = tpu.memref_squeeze %dma_wait3A_1070 : memref<1x1x1x8x128xf32, #tpu.memory_space<hbm>> -> memref<8x128xf32, #tpu.memory_space<hbm>>
        %dma_wait3A_1072 = arith.constant 56 : i32
        %dma_wait3A_1073 = arith.constant 0 : i32
        %dma_wait3A_1074 = tpu.memref_slice %arg10[%dma_wait3A_1072, %dma_wait3A_1073] : memref<64x136xf32, #tpu.memory_space<vmem>> -> memref<8x128xf32, #tpu.memory_space<vmem>>
        tpu.wait_dma2 semaphore(%arg14 : memref<!tpu.dma_semaphore, #tpu.memory_space<semaphore_mem>>) src(%dma_wait3A_1074 : memref<8x128xf32, #tpu.memory_space<vmem>>) dst(%dma_wait3A_1071 : memref<8x128xf32, #tpu.memory_space<hbm>>)
      } else {
      }
      %parallel_loop3A = arith.constant 0 : i32
      %parallel_loop3A_606 = arith.constant 128 : i32
      %parallel_loop3A_607 = arith.constant 1 : i32
      scf.for %parallel_loop3A_913 = %parallel_loop3A to %parallel_loop3A_606 step %parallel_loop3A_607  : i32 {
        %parallel_loop3A_914 = vector.broadcast %parallel_loop3A_913 : i32 to vector<16xi32>
        %parallel_loop3A_915 = arith.index_cast %parallel_loop3A_913 : i32 to index
        %parallel_loop3A_916 = arith.constant 0 : index
        %parallel_loop3A_917 = tpu.vector_load %arg8[%parallel_loop3A_915, %parallel_loop3A_916] {strides = array<i32>} : memref<128x64xf32, #tpu.memory_space<vmem>>, vector<16xf32>,
        %parallel_loop3A_918 = arith.constant 8.000000e+00 : f32
        %parallel_loop3A_919 = vector.broadcast %parallel_loop3A_918 : f32 to vector<16xf32>
        %parallel_loop3A_920 = arith.mulf %parallel_loop3A_917, %parallel_loop3A_919 : vector<16xf32>
        tpu.vector_store_idx %arg10[%add3A_3, %parallel_loop3A_914], %parallel_loop3A_920 : memref<64x136xf32, #tpu.memory_space<vmem>>[vector<16xi32>, vector<16xi32>], vector<16xf32>,
        %parallel_loop3A_921 = arith.index_cast %parallel_loop3A_913 : i32 to index
        %parallel_loop3A_922 = arith.constant 16 : index
        %parallel_loop3A_923 = tpu.vector_load %arg8[%parallel_loop3A_921, %parallel_loop3A_922] {strides = array<i32>} : memref<128x64xf32, #tpu.memory_space<vmem>>, vector<16xf32>,
        %parallel_loop3A_924 = arith.constant 8.000000e+00 : f32
        %parallel_loop3A_925 = vector.broadcast %parallel_loop3A_924 : f32 to vector<16xf32>
        %parallel_loop3A_926 = arith.mulf %parallel_loop3A_923, %parallel_loop3A_925 : vector<16xf32>
        tpu.vector_store_idx %arg10[%add3A_6, %parallel_loop3A_914], %parallel_loop3A_926 : memref<64x136xf32, #tpu.memory_space<vmem>>[vector<16xi32>, vector<16xi32>], vector<16xf32>,
        %parallel_loop3A_927 = arith.index_cast %parallel_loop3A_913 : i32 to index
        %parallel_loop3A_928 = arith.constant 32 : index
        %parallel_loop3A_929 = tpu.vector_load %arg8[%parallel_loop3A_927, %parallel_loop3A_928] {strides = array<i32>} : memref<128x64xf32, #tpu.memory_space<vmem>>, vector<16xf32>,
        %parallel_loop3A_930 = arith.constant 8.000000e+00 : f32
        %parallel_loop3A_931 = vector.broadcast %parallel_loop3A_930 : f32 to vector<16xf32>
        %parallel_loop3A_932 = arith.mulf %parallel_loop3A_929, %parallel_loop3A_931 : vector<16xf32>
        tpu.vector_store_idx %arg10[%add3A_9, %parallel_loop3A_914], %parallel_loop3A_932 : memref<64x136xf32, #tpu.memory_space<vmem>>[vector<16xi32>, vector<16xi32>], vector<16xf32>,
        %parallel_loop3A_933 = arith.index_cast %parallel_loop3A_913 : i32 to index
        %parallel_loop3A_934 = arith.constant 48 : index
        %parallel_loop3A_935 = tpu.vector_load %arg8[%parallel_loop3A_933, %parallel_loop3A_934] {strides = array<i32>} : memref<128x64xf32, #tpu.memory_space<vmem>>, vector<16xf32>,
        %parallel_loop3A_936 = arith.constant 8.000000e+00 : f32
        %parallel_loop3A_937 = vector.broadcast %parallel_loop3A_936 : f32 to vector<16xf32>
        %parallel_loop3A_938 = arith.mulf %parallel_loop3A_935, %parallel_loop3A_937 : vector<16xf32>
        tpu.vector_store_idx %arg10[%add3A_12, %parallel_loop3A_914], %parallel_loop3A_938 : memref<64x136xf32, #tpu.memory_space<vmem>>[vector<16xi32>, vector<16xi32>], vector<16xf32>,
      } {sc.loop_unroll_factor = 4 : i64, sc.parallel_access}
      %dma_start3A_608 = arith.constant 0 : i32
      %dma_start3A_609 = arith.constant 0 : i32
      %dma_start3A_610 = arith.constant 0 : i32
      %dma_start3A_611 = tpu.memref_slice %arg10[%dma_start3A_609, %dma_start3A_610] : memref<64x136xf32, #tpu.memory_space<vmem>> -> memref<8x128xf32, #tpu.memory_space<vmem>>
      %dma_start3A_612 = arith.constant 0 : i32
      %dma_start3A_613 = arith.constant 0 : i32
      %dma_start3A_614 = tpu.memref_slice %arg4[%select_n3A_577, %dma_start3A_608, %select_n3A_593, %dma_start3A_612, %dma_start3A_613] : memref<20x8x128x8x128xf32, #tpu.memory_space<hbm>> -> memref<1x1x1x8x128xf32, #tpu.memory_space<hbm>>
      %dma_start3A_615 = tpu.memref_squeeze %dma_start3A_614 : memref<1x1x1x8x128xf32, #tpu.memory_space<hbm>> -> memref<8x128xf32, #tpu.memory_space<hbm>>
      %dma_start3A_616 = arith.constant 0 : i32
      %dma_start3A_617 = arith.constant 0 : i32
      %dma_start3A_618 = tpu.memref_slice %arg4[%select_n3A_577, %dma_start3A_608, %select_n3A_593, %dma_start3A_616, %dma_start3A_617] : memref<20x8x128x8x128xf32, #tpu.memory_space<hbm>> -> memref<1x1x1x8x128xf32, #tpu.memory_space<hbm>>
      %dma_start3A_619 = tpu.memref_squeeze %dma_start3A_618 : memref<1x1x1x8x128xf32, #tpu.memory_space<hbm>> -> memref<8x128xf32, #tpu.memory_space<hbm>>
      %dma_start3A_620 = arith.constant 0 : i32
      %dma_start3A_621 = arith.constant 0 : i32
      %dma_start3A_622 = tpu.memref_slice %arg10[%dma_start3A_620, %dma_start3A_621] : memref<64x136xf32, #tpu.memory_space<vmem>> -> memref<8x128xf32, #tpu.memory_space<vmem>>
      tpu.enqueue_dma source(%dma_start3A_622 : memref<8x128xf32, #tpu.memory_space<vmem>>) target(%dma_start3A_619 : memref<8x128xf32, #tpu.memory_space<hbm>>) target_semaphore(%arg14 : memref<!tpu.dma_semaphore, #tpu.memory_space<semaphore_mem>>)
      %dma_start3A_623 = arith.constant 1 : i32
      %dma_start3A_624 = arith.constant 8 : i32
      %dma_start3A_625 = arith.constant 0 : i32
      %dma_start3A_626 = tpu.memref_slice %arg10[%dma_start3A_624, %dma_start3A_625] : memref<64x136xf32, #tpu.memory_space<vmem>> -> memref<8x128xf32, #tpu.memory_space<vmem>>
      %dma_start3A_627 = arith.constant 0 : i32
      %dma_start3A_628 = arith.constant 0 : i32
      %dma_start3A_629 = tpu.memref_slice %arg4[%select_n3A_577, %dma_start3A_623, %select_n3A_593, %dma_start3A_627, %dma_start3A_628] : memref<20x8x128x8x128xf32, #tpu.memory_space<hbm>> -> memref<1x1x1x8x128xf32, #tpu.memory_space<hbm>>
      %dma_start3A_630 = tpu.memref_squeeze %dma_start3A_629 : memref<1x1x1x8x128xf32, #tpu.memory_space<hbm>> -> memref<8x128xf32, #tpu.memory_space<hbm>>
      %dma_start3A_631 = arith.constant 0 : i32
      %dma_start3A_632 = arith.constant 0 : i32
      %dma_start3A_633 = tpu.memref_slice %arg4[%select_n3A_577, %dma_start3A_623, %select_n3A_593, %dma_start3A_631, %dma_start3A_632] : memref<20x8x128x8x128xf32, #tpu.memory_space<hbm>> -> memref<1x1x1x8x128xf32, #tpu.memory_space<hbm>>
      %dma_start3A_634 = tpu.memref_squeeze %dma_start3A_633 : memref<1x1x1x8x128xf32, #tpu.memory_space<hbm>> -> memref<8x128xf32, #tpu.memory_space<hbm>>
      %dma_start3A_635 = arith.constant 8 : i32
      %dma_start3A_636 = arith.constant 0 : i32
      %dma_start3A_637 = tpu.memref_slice %arg10[%dma_start3A_635, %dma_start3A_636] : memref<64x136xf32, #tpu.memory_space<vmem>> -> memref<8x128xf32, #tpu.memory_space<vmem>>
      tpu.enqueue_dma source(%dma_start3A_637 : memref<8x128xf32, #tpu.memory_space<vmem>>) target(%dma_start3A_634 : memref<8x128xf32, #tpu.memory_space<hbm>>) target_semaphore(%arg14 : memref<!tpu.dma_semaphore, #tpu.memory_space<semaphore_mem>>)
      %dma_start3A_638 = arith.constant 2 : i32
      %dma_start3A_639 = arith.constant 16 : i32
      %dma_start3A_640 = arith.constant 0 : i32
      %dma_start3A_641 = tpu.memref_slice %arg10[%dma_start3A_639, %dma_start3A_640] : memref<64x136xf32, #tpu.memory_space<vmem>> -> memref<8x128xf32, #tpu.memory_space<vmem>>
      %dma_start3A_642 = arith.constant 0 : i32
      %dma_start3A_643 = arith.constant 0 : i32
      %dma_start3A_644 = tpu.memref_slice %arg4[%select_n3A_577, %dma_start3A_638, %select_n3A_593, %dma_start3A_642, %dma_start3A_643] : memref<20x8x128x8x128xf32, #tpu.memory_space<hbm>> -> memref<1x1x1x8x128xf32, #tpu.memory_space<hbm>>
      %dma_start3A_645 = tpu.memref_squeeze %dma_start3A_644 : memref<1x1x1x8x128xf32, #tpu.memory_space<hbm>> -> memref<8x128xf32, #tpu.memory_space<hbm>>
      %dma_start3A_646 = arith.constant 0 : i32
      %dma_start3A_647 = arith.constant 0 : i32
      %dma_start3A_648 = tpu.memref_slice %arg4[%select_n3A_577, %dma_start3A_638, %select_n3A_593, %dma_start3A_646, %dma_start3A_647] : memref<20x8x128x8x128xf32, #tpu.memory_space<hbm>> -> memref<1x1x1x8x128xf32, #tpu.memory_space<hbm>>
      %dma_start3A_649 = tpu.memref_squeeze %dma_start3A_648 : memref<1x1x1x8x128xf32, #tpu.memory_space<hbm>> -> memref<8x128xf32, #tpu.memory_space<hbm>>
      %dma_start3A_650 = arith.constant 16 : i32
      %dma_start3A_651 = arith.constant 0 : i32
      %dma_start3A_652 = tpu.memref_slice %arg10[%dma_start3A_650, %dma_start3A_651] : memref<64x136xf32, #tpu.memory_space<vmem>> -> memref<8x128xf32, #tpu.memory_space<vmem>>
      tpu.enqueue_dma source(%dma_start3A_652 : memref<8x128xf32, #tpu.memory_space<vmem>>) target(%dma_start3A_649 : memref<8x128xf32, #tpu.memory_space<hbm>>) target_semaphore(%arg14 : memref<!tpu.dma_semaphore, #tpu.memory_space<semaphore_mem>>)
      %dma_start3A_653 = arith.constant 3 : i32
      %dma_start3A_654 = arith.constant 24 : i32
      %dma_start3A_655 = arith.constant 0 : i32
      %dma_start3A_656 = tpu.memref_slice %arg10[%dma_start3A_654, %dma_start3A_655] : memref<64x136xf32, #tpu.memory_space<vmem>> -> memref<8x128xf32, #tpu.memory_space<vmem>>
      %dma_start3A_657 = arith.constant 0 : i32
      %dma_start3A_658 = arith.constant 0 : i32
      %dma_start3A_659 = tpu.memref_slice %arg4[%select_n3A_577, %dma_start3A_653, %select_n3A_593, %dma_start3A_657, %dma_start3A_658] : memref<20x8x128x8x128xf32, #tpu.memory_space<hbm>> -> memref<1x1x1x8x128xf32, #tpu.memory_space<hbm>>
      %dma_start3A_660 = tpu.memref_squeeze %dma_start3A_659 : memref<1x1x1x8x128xf32, #tpu.memory_space<hbm>> -> memref<8x128xf32, #tpu.memory_space<hbm>>
      %dma_start3A_661 = arith.constant 0 : i32
      %dma_start3A_662 = arith.constant 0 : i32
      %dma_start3A_663 = tpu.memref_slice %arg4[%select_n3A_577, %dma_start3A_653, %select_n3A_593, %dma_start3A_661, %dma_start3A_662] : memref<20x8x128x8x128xf32, #tpu.memory_space<hbm>> -> memref<1x1x1x8x128xf32, #tpu.memory_space<hbm>>
      %dma_start3A_664 = tpu.memref_squeeze %dma_start3A_663 : memref<1x1x1x8x128xf32, #tpu.memory_space<hbm>> -> memref<8x128xf32, #tpu.memory_space<hbm>>
      %dma_start3A_665 = arith.constant 24 : i32
      %dma_start3A_666 = arith.constant 0 : i32
      %dma_start3A_667 = tpu.memref_slice %arg10[%dma_start3A_665, %dma_start3A_666] : memref<64x136xf32, #tpu.memory_space<vmem>> -> memref<8x128xf32, #tpu.memory_space<vmem>>
      tpu.enqueue_dma source(%dma_start3A_667 : memref<8x128xf32, #tpu.memory_space<vmem>>) target(%dma_start3A_664 : memref<8x128xf32, #tpu.memory_space<hbm>>) target_semaphore(%arg14 : memref<!tpu.dma_semaphore, #tpu.memory_space<semaphore_mem>>)
      %dma_start3A_668 = arith.constant 4 : i32
      %dma_start3A_669 = arith.constant 32 : i32
      %dma_start3A_670 = arith.constant 0 : i32
      %dma_start3A_671 = tpu.memref_slice %arg10[%dma_start3A_669, %dma_start3A_670] : memref<64x136xf32, #tpu.memory_space<vmem>> -> memref<8x128xf32, #tpu.memory_space<vmem>>
      %dma_start3A_672 = arith.constant 0 : i32
      %dma_start3A_673 = arith.constant 0 : i32
      %dma_start3A_674 = tpu.memref_slice %arg4[%select_n3A_577, %dma_start3A_668, %select_n3A_593, %dma_start3A_672, %dma_start3A_673] : memref<20x8x128x8x128xf32, #tpu.memory_space<hbm>> -> memref<1x1x1x8x128xf32, #tpu.memory_space<hbm>>
      %dma_start3A_675 = tpu.memref_squeeze %dma_start3A_674 : memref<1x1x1x8x128xf32, #tpu.memory_space<hbm>> -> memref<8x128xf32, #tpu.memory_space<hbm>>
      %dma_start3A_676 = arith.constant 0 : i32
      %dma_start3A_677 = arith.constant 0 : i32
      %dma_start3A_678 = tpu.memref_slice %arg4[%select_n3A_577, %dma_start3A_668, %select_n3A_593, %dma_start3A_676, %dma_start3A_677] : memref<20x8x128x8x128xf32, #tpu.memory_space<hbm>> -> memref<1x1x1x8x128xf32, #tpu.memory_space<hbm>>
      %dma_start3A_679 = tpu.memref_squeeze %dma_start3A_678 : memref<1x1x1x8x128xf32, #tpu.memory_space<hbm>> -> memref<8x128xf32, #tpu.memory_space<hbm>>
      %dma_start3A_680 = arith.constant 32 : i32
      %dma_start3A_681 = arith.constant 0 : i32
      %dma_start3A_682 = tpu.memref_slice %arg10[%dma_start3A_680, %dma_start3A_681] : memref<64x136xf32, #tpu.memory_space<vmem>> -> memref<8x128xf32, #tpu.memory_space<vmem>>
      tpu.enqueue_dma source(%dma_start3A_682 : memref<8x128xf32, #tpu.memory_space<vmem>>) target(%dma_start3A_679 : memref<8x128xf32, #tpu.memory_space<hbm>>) target_semaphore(%arg14 : memref<!tpu.dma_semaphore, #tpu.memory_space<semaphore_mem>>)
      %dma_start3A_683 = arith.constant 5 : i32
      %dma_start3A_684 = arith.constant 40 : i32
      %dma_start3A_685 = arith.constant 0 : i32
      %dma_start3A_686 = tpu.memref_slice %arg10[%dma_start3A_684, %dma_start3A_685] : memref<64x136xf32, #tpu.memory_space<vmem>> -> memref<8x128xf32, #tpu.memory_space<vmem>>
      %dma_start3A_687 = arith.constant 0 : i32
      %dma_start3A_688 = arith.constant 0 : i32
      %dma_start3A_689 = tpu.memref_slice %arg4[%select_n3A_577, %dma_start3A_683, %select_n3A_593, %dma_start3A_687, %dma_start3A_688] : memref<20x8x128x8x128xf32, #tpu.memory_space<hbm>> -> memref<1x1x1x8x128xf32, #tpu.memory_space<hbm>>
      %dma_start3A_690 = tpu.memref_squeeze %dma_start3A_689 : memref<1x1x1x8x128xf32, #tpu.memory_space<hbm>> -> memref<8x128xf32, #tpu.memory_space<hbm>>
      %dma_start3A_691 = arith.constant 0 : i32
      %dma_start3A_692 = arith.constant 0 : i32
      %dma_start3A_693 = tpu.memref_slice %arg4[%select_n3A_577, %dma_start3A_683, %select_n3A_593, %dma_start3A_691, %dma_start3A_692] : memref<20x8x128x8x128xf32, #tpu.memory_space<hbm>> -> memref<1x1x1x8x128xf32, #tpu.memory_space<hbm>>
      %dma_start3A_694 = tpu.memref_squeeze %dma_start3A_693 : memref<1x1x1x8x128xf32, #tpu.memory_space<hbm>> -> memref<8x128xf32, #tpu.memory_space<hbm>>
      %dma_start3A_695 = arith.constant 40 : i32
      %dma_start3A_696 = arith.constant 0 : i32
      %dma_start3A_697 = tpu.memref_slice %arg10[%dma_start3A_695, %dma_start3A_696] : memref<64x136xf32, #tpu.memory_space<vmem>> -> memref<8x128xf32, #tpu.memory_space<vmem>>
      tpu.enqueue_dma source(%dma_start3A_697 : memref<8x128xf32, #tpu.memory_space<vmem>>) target(%dma_start3A_694 : memref<8x128xf32, #tpu.memory_space<hbm>>) target_semaphore(%arg14 : memref<!tpu.dma_semaphore, #tpu.memory_space<semaphore_mem>>)
      %dma_start3A_698 = arith.constant 6 : i32
      %dma_start3A_699 = arith.constant 48 : i32
      %dma_start3A_700 = arith.constant 0 : i32
      %dma_start3A_701 = tpu.memref_slice %arg10[%dma_start3A_699, %dma_start3A_700] : memref<64x136xf32, #tpu.memory_space<vmem>> -> memref<8x128xf32, #tpu.memory_space<vmem>>
      %dma_start3A_702 = arith.constant 0 : i32
      %dma_start3A_703 = arith.constant 0 : i32
      %dma_start3A_704 = tpu.memref_slice %arg4[%select_n3A_577, %dma_start3A_698, %select_n3A_593, %dma_start3A_702, %dma_start3A_703] : memref<20x8x128x8x128xf32, #tpu.memory_space<hbm>> -> memref<1x1x1x8x128xf32, #tpu.memory_space<hbm>>
      %dma_start3A_705 = tpu.memref_squeeze %dma_start3A_704 : memref<1x1x1x8x128xf32, #tpu.memory_space<hbm>> -> memref<8x128xf32, #tpu.memory_space<hbm>>
      %dma_start3A_706 = arith.constant 0 : i32
      %dma_start3A_707 = arith.constant 0 : i32
      %dma_start3A_708 = tpu.memref_slice %arg4[%select_n3A_577, %dma_start3A_698, %select_n3A_593, %dma_start3A_706, %dma_start3A_707] : memref<20x8x128x8x128xf32, #tpu.memory_space<hbm>> -> memref<1x1x1x8x128xf32, #tpu.memory_space<hbm>>
      %dma_start3A_709 = tpu.memref_squeeze %dma_start3A_708 : memref<1x1x1x8x128xf32, #tpu.memory_space<hbm>> -> memref<8x128xf32, #tpu.memory_space<hbm>>
      %dma_start3A_710 = arith.constant 48 : i32
      %dma_start3A_711 = arith.constant 0 : i32
      %dma_start3A_712 = tpu.memref_slice %arg10[%dma_start3A_710, %dma_start3A_711] : memref<64x136xf32, #tpu.memory_space<vmem>> -> memref<8x128xf32, #tpu.memory_space<vmem>>
      tpu.enqueue_dma source(%dma_start3A_712 : memref<8x128xf32, #tpu.memory_space<vmem>>) target(%dma_start3A_709 : memref<8x128xf32, #tpu.memory_space<hbm>>) target_semaphore(%arg14 : memref<!tpu.dma_semaphore, #tpu.memory_space<semaphore_mem>>)
      %dma_start3A_713 = arith.constant 7 : i32
      %dma_start3A_714 = arith.constant 56 : i32
      %dma_start3A_715 = arith.constant 0 : i32
      %dma_start3A_716 = tpu.memref_slice %arg10[%dma_start3A_714, %dma_start3A_715] : memref<64x136xf32, #tpu.memory_space<vmem>> -> memref<8x128xf32, #tpu.memory_space<vmem>>
      %dma_start3A_717 = arith.constant 0 : i32
      %dma_start3A_718 = arith.constant 0 : i32
      %dma_start3A_719 = tpu.memref_slice %arg4[%select_n3A_577, %dma_start3A_713, %select_n3A_593, %dma_start3A_717, %dma_start3A_718] : memref<20x8x128x8x128xf32, #tpu.memory_space<hbm>> -> memref<1x1x1x8x128xf32, #tpu.memory_space<hbm>>
      %dma_start3A_720 = tpu.memref_squeeze %dma_start3A_719 : memref<1x1x1x8x128xf32, #tpu.memory_space<hbm>> -> memref<8x128xf32, #tpu.memory_space<hbm>>
      %dma_start3A_721 = arith.constant 0 : i32
      %dma_start3A_722 = arith.constant 0 : i32
      %dma_start3A_723 = tpu.memref_slice %arg4[%select_n3A_577, %dma_start3A_713, %select_n3A_593, %dma_start3A_721, %dma_start3A_722] : memref<20x8x128x8x128xf32, #tpu.memory_space<hbm>> -> memref<1x1x1x8x128xf32, #tpu.memory_space<hbm>>
      %dma_start3A_724 = tpu.memref_squeeze %dma_start3A_723 : memref<1x1x1x8x128xf32, #tpu.memory_space<hbm>> -> memref<8x128xf32, #tpu.memory_space<hbm>>
      %dma_start3A_725 = arith.constant 56 : i32
      %dma_start3A_726 = arith.constant 0 : i32
      %dma_start3A_727 = tpu.memref_slice %arg10[%dma_start3A_725, %dma_start3A_726] : memref<64x136xf32, #tpu.memory_space<vmem>> -> memref<8x128xf32, #tpu.memory_space<vmem>>
      tpu.enqueue_dma source(%dma_start3A_727 : memref<8x128xf32, #tpu.memory_space<vmem>>) target(%dma_start3A_724 : memref<8x128xf32, #tpu.memory_space<hbm>>) target_semaphore(%arg14 : memref<!tpu.dma_semaphore, #tpu.memory_space<semaphore_mem>>)
      %mul3A_728 = arith.constant 2 : i32
      %mul3A_729 = arith.muli %scan3A_546, %mul3A_728 : i32
      %add3A_730 = arith.constant 1 : i32
      %add3A_731 = arith.addi %mul3A_729, %add3A_730 : i32
      %mul3A_732 = arith.constant 80 : i32
      %mul3A_733 = arith.muli %add3A, %mul3A_732 : i32
      %add3A_734 = arith.addi %mul3A_733, %add3A_731 : i32
      %jit3A_735 = arith.constant 128 : i32
      %div3A_736 = arith.divsi %add3A_734, %jit3A_735 : i32
      %sign3A_737 = arith.constant 0 : i32
      %sign3A_738 = arith.cmpi sgt, %add3A_734, %sign3A_737 : i32
      %sign3A_739 = arith.extui %sign3A_738 : i1 to i32
      %sign3A_740 = arith.constant 0 : i32
      %sign3A_741 = arith.cmpi slt, %add3A_734, %sign3A_740 : i32
      %sign3A_742 = arith.extui %sign3A_741 : i1 to i32
      %sign3A_743 = arith.subi %sign3A_739, %sign3A_742 : i32
      %sign3A_744 = arith.constant 0 : i32
      %sign3A_745 = arith.cmpi sgt, %jit3A_735, %sign3A_744 : i32
      %sign3A_746 = arith.extui %sign3A_745 : i1 to i32
      %sign3A_747 = arith.constant 0 : i32
      %sign3A_748 = arith.cmpi slt, %jit3A_735, %sign3A_747 : i32
      %sign3A_749 = arith.extui %sign3A_748 : i1 to i32
      %sign3A_750 = arith.subi %sign3A_746, %sign3A_749 : i32
      %ne3A_751 = arith.cmpi ne, %sign3A_743, %sign3A_750 : i32
      %rem3A_752 = arith.remsi %add3A_734, %jit3A_735 : i32
      %ne3A_753 = arith.constant 0 : i32
      %ne3A_754 = arith.cmpi ne, %rem3A_752, %ne3A_753 : i32
      %and3A_755 = arith.andi %ne3A_751, %ne3A_754 : i1
      %sub3A_756 = arith.constant 1 : i32
      %sub3A_757 = arith.subi %div3A_736, %sub3A_756 : i32
      %select_n3A_758 = arith.select %and3A_755, %sub3A_757, %div3A_736 : i32
      %jit3A_759 = arith.constant 128 : i32
      %eq3A_760 = arith.constant 0 : i32
      %eq3A_761 = arith.cmpi eq, %jit3A_759, %eq3A_760 : i32
      %jit3A_762 = arith.constant 1 : i32
      %select_n3A_763 = arith.select %eq3A_761, %jit3A_762, %jit3A_759 : i32
      %rem3A_764 = arith.remsi %add3A_734, %select_n3A_763 : i32
      %ne3A_765 = arith.constant 0 : i32
      %ne3A_766 = arith.cmpi ne, %rem3A_764, %ne3A_765 : i32
      %lt3A_767 = arith.constant 0 : i32
      %lt3A_768 = arith.cmpi slt, %rem3A_764, %lt3A_767 : i32
      %lt3A_769 = arith.constant 0 : i32
      %lt3A_770 = arith.cmpi slt, %select_n3A_763, %lt3A_769 : i32
      %ne3A_771 = arith.xori %lt3A_768, %lt3A_770 : i1
      %and3A_772 = arith.andi %ne3A_771, %ne3A_766 : i1
      %add3A_773 = arith.addi %rem3A_764, %select_n3A_763 : i32
      %select_n3A_774 = arith.select %and3A_772, %add3A_773, %rem3A_764 : i32
      %dma_wait3A_775 = arith.constant 0 : i32
      %dma_wait3A_776 = arith.constant 0 : i32
      %dma_wait3A_777 = tpu.memref_slice %arg2[%dma_wait3A_775, %dma_wait3A_776] : memref<1000064x64xf32, #tpu.memory_space<hbm>> -> memref<1000064x64xf32, #tpu.memory_space<hbm>>
      tpu.wait_indirect_dma semaphore(%arg13 : memref<!tpu.dma_semaphore, #tpu.memory_space<semaphore_mem>>) src(%dma_wait3A_777 : memref<1000064x64xf32, #tpu.memory_space<hbm>>) dst(%arg9 : memref<128x64xf32, #tpu.memory_space<vmem>>)
      %add3A_778 = arith.constant 1 : i32
      %add3A_779 = arith.addi %add3A_731, %add3A_778 : i32
      %lt3A_780 = arith.constant 80 : i32
      %lt3A_781 = arith.cmpi slt, %add3A_779, %lt3A_780 : i32
      %convert_element_type3A_782 = arith.extui %lt3A_781 : i1 to i32
      %cond3A_783 = arith.constant 0 : i32
      %cond3A_784 = arith.cmpi ne, %convert_element_type3A_782, %cond3A_783 : i32
      scf.if %cond3A_784 {
        %add3A_913 = arith.constant 1 : i32
        %add3A_914 = arith.addi %add3A_731, %add3A_913 : i32
        %mul3A_915 = arith.constant 80 : i32
        %mul3A_916 = arith.muli %add3A, %mul3A_915 : i32
        %add3A_917 = arith.addi %mul3A_916, %add3A_914 : i32
        %jit3A_918 = arith.constant 128 : i32
        %div3A_919 = arith.divsi %add3A_917, %jit3A_918 : i32
        %sign3A_920 = arith.constant 0 : i32
        %sign3A_921 = arith.cmpi sgt, %add3A_917, %sign3A_920 : i32
        %sign3A_922 = arith.extui %sign3A_921 : i1 to i32
        %sign3A_923 = arith.constant 0 : i32
        %sign3A_924 = arith.cmpi slt, %add3A_917, %sign3A_923 : i32
        %sign3A_925 = arith.extui %sign3A_924 : i1 to i32
        %sign3A_926 = arith.subi %sign3A_922, %sign3A_925 : i32
        %sign3A_927 = arith.constant 0 : i32
        %sign3A_928 = arith.cmpi sgt, %jit3A_918, %sign3A_927 : i32
        %sign3A_929 = arith.extui %sign3A_928 : i1 to i32
        %sign3A_930 = arith.constant 0 : i32
        %sign3A_931 = arith.cmpi slt, %jit3A_918, %sign3A_930 : i32
        %sign3A_932 = arith.extui %sign3A_931 : i1 to i32
        %sign3A_933 = arith.subi %sign3A_929, %sign3A_932 : i32
        %ne3A_934 = arith.cmpi ne, %sign3A_926, %sign3A_933 : i32
        %rem3A_935 = arith.remsi %add3A_917, %jit3A_918 : i32
        %ne3A_936 = arith.constant 0 : i32
        %ne3A_937 = arith.cmpi ne, %rem3A_935, %ne3A_936 : i32
        %and3A_938 = arith.andi %ne3A_934, %ne3A_937 : i1
        %sub3A_939 = arith.constant 1 : i32
        %sub3A_940 = arith.subi %div3A_919, %sub3A_939 : i32
        %select_n3A_941 = arith.select %and3A_938, %sub3A_940, %div3A_919 : i32
        %mul3A_942 = arith.constant 16384 : i32
        %mul3A_943 = arith.muli %select_n3A_941, %mul3A_942 : i32
        %jit3A_944 = arith.constant 128 : i32
        %eq3A_945 = arith.constant 0 : i32
        %eq3A_946 = arith.cmpi eq, %jit3A_944, %eq3A_945 : i32
        %jit3A_947 = arith.constant 1 : i32
        %select_n3A_948 = arith.select %eq3A_946, %jit3A_947, %jit3A_944 : i32
        %rem3A_949 = arith.remsi %add3A_917, %select_n3A_948 : i32
        %ne3A_950 = arith.constant 0 : i32
        %ne3A_951 = arith.cmpi ne, %rem3A_949, %ne3A_950 : i32
        %lt3A_952 = arith.constant 0 : i32
        %lt3A_953 = arith.cmpi slt, %rem3A_949, %lt3A_952 : i32
        %lt3A_954 = arith.constant 0 : i32
        %lt3A_955 = arith.cmpi slt, %select_n3A_948, %lt3A_954 : i32
        %ne3A_956 = arith.xori %lt3A_953, %lt3A_955 : i1
        %and3A_957 = arith.andi %ne3A_956, %ne3A_951 : i1
        %add3A_958 = arith.addi %rem3A_949, %select_n3A_948 : i32
        %select_n3A_959 = arith.select %and3A_957, %add3A_958, %rem3A_949 : i32
        %mul3A_960 = arith.constant 128 : i32
        %mul3A_961 = arith.muli %select_n3A_959, %mul3A_960 : i32
        %add3A_962 = arith.addi %mul3A_943, %mul3A_961 : i32
        "tpu.region"() ({
          %run_scoped3A = tpu.sem_alloc : memref<!tpu.dma_semaphore, #tpu.memory_space<semaphore_mem>>
          %dma_start3A_1120 = tpu.memref_slice %arg3[%add3A_962] : memref<327680xi32, #tpu.memory_space<hbm>> -> memref<128xi32, #tpu.memory_space<hbm>>
          %dma_start3A_1121 = tpu.memref_slice %arg3[%add3A_962] : memref<327680xi32, #tpu.memory_space<hbm>> -> memref<128xi32, #tpu.memory_space<hbm>>
          tpu.enqueue_dma source(%dma_start3A_1121 : memref<128xi32, #tpu.memory_space<hbm>>) target(%arg5 : memref<128xi32, #tpu.memory_space<vmem>>) target_semaphore(%run_scoped3A : memref<!tpu.dma_semaphore, #tpu.memory_space<semaphore_mem>>)
          %dma_wait3A_1122 = tpu.memref_slice %arg3[%add3A_962] : memref<327680xi32, #tpu.memory_space<hbm>> -> memref<128xi32, #tpu.memory_space<hbm>>
          %dma_wait3A_1123 = tpu.memref_slice %arg3[%add3A_962] : memref<327680xi32, #tpu.memory_space<hbm>> -> memref<128xi32, #tpu.memory_space<hbm>>
          tpu.wait_dma2 semaphore(%run_scoped3A : memref<!tpu.dma_semaphore, #tpu.memory_space<semaphore_mem>>) src(%dma_wait3A_1123 : memref<128xi32, #tpu.memory_space<hbm>>) dst(%arg5 : memref<128xi32, #tpu.memory_space<vmem>>)
          tpu.yield
        }) : () -> ()
        %scan3A_963 = arith.constant 0 : i32
        %scan3A_964 = arith.constant 0 : i32
        %mul3A_965 = arith.constant 16 : i32
        %mul3A_966 = arith.muli %scan3A_964, %mul3A_965 : i32
        %get3A_967 = arith.index_cast %mul3A_966 : i32 to index
        %get3A_968 = tpu.vector_load %arg5[%get3A_967] {strides = array<i32>} : memref<128xi32, #tpu.memory_space<vmem>>, vector<16xi32>,
        %lt3A_969 = arith.constant 999936 : i32
        %lt3A_970 = vector.broadcast %lt3A_969 : i32 to vector<16xi32>
        %lt3A_971 = arith.cmpi slt, %get3A_968, %lt3A_970 : vector<16xi32>
        %mul3A_972 = arith.constant 2 : i32
        %mul3A_973 = vector.broadcast %mul3A_972 : i32 to vector<16xi32>
        %mul3A_974 = arith.muli %mul3A_973, %get3A_968 : vector<16xi32>
        %sub3A_975 = arith.constant 999936 : i32
        %sub3A_976 = vector.broadcast %sub3A_975 : i32 to vector<16xi32>
        %sub3A_977 = arith.subi %mul3A_974, %sub3A_976 : vector<16xi32>
        %select_n3A_978 = arith.select %lt3A_971, %get3A_968, %sub3A_977 : vector<16xi1>, vector<16xi32>
        %mul3A_979 = arith.constant 16 : i32
        %mul3A_980 = arith.muli %scan3A_964, %mul3A_979 : i32
        %swap3A_981 = arith.index_cast %mul3A_980 : i32 to index
        %swap3A_982 = tpu.vector_load %arg6[%swap3A_981] {strides = array<i32>} : memref<128xi32, #tpu.memory_space<vmem>>, vector<16xi32>,
        tpu.vector_store %arg6[%swap3A_981], %select_n3A_978 {strides = array<i32>} : memref<128xi32, #tpu.memory_space<vmem>>, vector<16xi32>,
        %scan3A_983 = arith.constant 1 : i32
        %mul3A_984 = arith.constant 16 : i32
        %mul3A_985 = arith.muli %scan3A_983, %mul3A_984 : i32
        %get3A_986 = arith.index_cast %mul3A_985 : i32 to index
        %get3A_987 = tpu.vector_load %arg5[%get3A_986] {strides = array<i32>} : memref<128xi32, #tpu.memory_space<vmem>>, vector<16xi32>,
        %lt3A_988 = arith.constant 999936 : i32
        %lt3A_989 = vector.broadcast %lt3A_988 : i32 to vector<16xi32>
        %lt3A_990 = arith.cmpi slt, %get3A_987, %lt3A_989 : vector<16xi32>
        %mul3A_991 = arith.constant 2 : i32
        %mul3A_992 = vector.broadcast %mul3A_991 : i32 to vector<16xi32>
        %mul3A_993 = arith.muli %mul3A_992, %get3A_987 : vector<16xi32>
        %sub3A_994 = arith.constant 999936 : i32
        %sub3A_995 = vector.broadcast %sub3A_994 : i32 to vector<16xi32>
        %sub3A_996 = arith.subi %mul3A_993, %sub3A_995 : vector<16xi32>
        %select_n3A_997 = arith.select %lt3A_990, %get3A_987, %sub3A_996 : vector<16xi1>, vector<16xi32>
        %mul3A_998 = arith.constant 16 : i32
        %mul3A_999 = arith.muli %scan3A_983, %mul3A_998 : i32
        %swap3A_1000 = arith.index_cast %mul3A_999 : i32 to index
        %swap3A_1001 = tpu.vector_load %arg6[%swap3A_1000] {strides = array<i32>} : memref<128xi32, #tpu.memory_space<vmem>>, vector<16xi32>,
        tpu.vector_store %arg6[%swap3A_1000], %select_n3A_997 {strides = array<i32>} : memref<128xi32, #tpu.memory_space<vmem>>, vector<16xi32>,
        %scan3A_1002 = arith.constant 2 : i32
        %mul3A_1003 = arith.constant 16 : i32
        %mul3A_1004 = arith.muli %scan3A_1002, %mul3A_1003 : i32
        %get3A_1005 = arith.index_cast %mul3A_1004 : i32 to index
        %get3A_1006 = tpu.vector_load %arg5[%get3A_1005] {strides = array<i32>} : memref<128xi32, #tpu.memory_space<vmem>>, vector<16xi32>,
        %lt3A_1007 = arith.constant 999936 : i32
        %lt3A_1008 = vector.broadcast %lt3A_1007 : i32 to vector<16xi32>
        %lt3A_1009 = arith.cmpi slt, %get3A_1006, %lt3A_1008 : vector<16xi32>
        %mul3A_1010 = arith.constant 2 : i32
        %mul3A_1011 = vector.broadcast %mul3A_1010 : i32 to vector<16xi32>
        %mul3A_1012 = arith.muli %mul3A_1011, %get3A_1006 : vector<16xi32>
        %sub3A_1013 = arith.constant 999936 : i32
        %sub3A_1014 = vector.broadcast %sub3A_1013 : i32 to vector<16xi32>
        %sub3A_1015 = arith.subi %mul3A_1012, %sub3A_1014 : vector<16xi32>
        %select_n3A_1016 = arith.select %lt3A_1009, %get3A_1006, %sub3A_1015 : vector<16xi1>, vector<16xi32>
        %mul3A_1017 = arith.constant 16 : i32
        %mul3A_1018 = arith.muli %scan3A_1002, %mul3A_1017 : i32
        %swap3A_1019 = arith.index_cast %mul3A_1018 : i32 to index
        %swap3A_1020 = tpu.vector_load %arg6[%swap3A_1019] {strides = array<i32>} : memref<128xi32, #tpu.memory_space<vmem>>, vector<16xi32>,
        tpu.vector_store %arg6[%swap3A_1019], %select_n3A_1016 {strides = array<i32>} : memref<128xi32, #tpu.memory_space<vmem>>, vector<16xi32>,
        %scan3A_1021 = arith.constant 3 : i32
        %mul3A_1022 = arith.constant 16 : i32
        %mul3A_1023 = arith.muli %scan3A_1021, %mul3A_1022 : i32
        %get3A_1024 = arith.index_cast %mul3A_1023 : i32 to index
        %get3A_1025 = tpu.vector_load %arg5[%get3A_1024] {strides = array<i32>} : memref<128xi32, #tpu.memory_space<vmem>>, vector<16xi32>,
        %lt3A_1026 = arith.constant 999936 : i32
        %lt3A_1027 = vector.broadcast %lt3A_1026 : i32 to vector<16xi32>
        %lt3A_1028 = arith.cmpi slt, %get3A_1025, %lt3A_1027 : vector<16xi32>
        %mul3A_1029 = arith.constant 2 : i32
        %mul3A_1030 = vector.broadcast %mul3A_1029 : i32 to vector<16xi32>
        %mul3A_1031 = arith.muli %mul3A_1030, %get3A_1025 : vector<16xi32>
        %sub3A_1032 = arith.constant 999936 : i32
        %sub3A_1033 = vector.broadcast %sub3A_1032 : i32 to vector<16xi32>
        %sub3A_1034 = arith.subi %mul3A_1031, %sub3A_1033 : vector<16xi32>
        %select_n3A_1035 = arith.select %lt3A_1028, %get3A_1025, %sub3A_1034 : vector<16xi1>, vector<16xi32>
        %mul3A_1036 = arith.constant 16 : i32
        %mul3A_1037 = arith.muli %scan3A_1021, %mul3A_1036 : i32
        %swap3A_1038 = arith.index_cast %mul3A_1037 : i32 to index
        %swap3A_1039 = tpu.vector_load %arg6[%swap3A_1038] {strides = array<i32>} : memref<128xi32, #tpu.memory_space<vmem>>, vector<16xi32>,
        tpu.vector_store %arg6[%swap3A_1038], %select_n3A_1035 {strides = array<i32>} : memref<128xi32, #tpu.memory_space<vmem>>, vector<16xi32>,
        %scan3A_1040 = arith.constant 4 : i32
        %mul3A_1041 = arith.constant 16 : i32
        %mul3A_1042 = arith.muli %scan3A_1040, %mul3A_1041 : i32
        %get3A_1043 = arith.index_cast %mul3A_1042 : i32 to index
        %get3A_1044 = tpu.vector_load %arg5[%get3A_1043] {strides = array<i32>} : memref<128xi32, #tpu.memory_space<vmem>>, vector<16xi32>,
        %lt3A_1045 = arith.constant 999936 : i32
        %lt3A_1046 = vector.broadcast %lt3A_1045 : i32 to vector<16xi32>
        %lt3A_1047 = arith.cmpi slt, %get3A_1044, %lt3A_1046 : vector<16xi32>
        %mul3A_1048 = arith.constant 2 : i32
        %mul3A_1049 = vector.broadcast %mul3A_1048 : i32 to vector<16xi32>
        %mul3A_1050 = arith.muli %mul3A_1049, %get3A_1044 : vector<16xi32>
        %sub3A_1051 = arith.constant 999936 : i32
        %sub3A_1052 = vector.broadcast %sub3A_1051 : i32 to vector<16xi32>
        %sub3A_1053 = arith.subi %mul3A_1050, %sub3A_1052 : vector<16xi32>
        %select_n3A_1054 = arith.select %lt3A_1047, %get3A_1044, %sub3A_1053 : vector<16xi1>, vector<16xi32>
        %mul3A_1055 = arith.constant 16 : i32
        %mul3A_1056 = arith.muli %scan3A_1040, %mul3A_1055 : i32
        %swap3A_1057 = arith.index_cast %mul3A_1056 : i32 to index
        %swap3A_1058 = tpu.vector_load %arg6[%swap3A_1057] {strides = array<i32>} : memref<128xi32, #tpu.memory_space<vmem>>, vector<16xi32>,
        tpu.vector_store %arg6[%swap3A_1057], %select_n3A_1054 {strides = array<i32>} : memref<128xi32, #tpu.memory_space<vmem>>, vector<16xi32>,
        %scan3A_1059 = arith.constant 5 : i32
        %mul3A_1060 = arith.constant 16 : i32
        %mul3A_1061 = arith.muli %scan3A_1059, %mul3A_1060 : i32
        %get3A_1062 = arith.index_cast %mul3A_1061 : i32 to index
        %get3A_1063 = tpu.vector_load %arg5[%get3A_1062] {strides = array<i32>} : memref<128xi32, #tpu.memory_space<vmem>>, vector<16xi32>,
        %lt3A_1064 = arith.constant 999936 : i32
        %lt3A_1065 = vector.broadcast %lt3A_1064 : i32 to vector<16xi32>
        %lt3A_1066 = arith.cmpi slt, %get3A_1063, %lt3A_1065 : vector<16xi32>
        %mul3A_1067 = arith.constant 2 : i32
        %mul3A_1068 = vector.broadcast %mul3A_1067 : i32 to vector<16xi32>
        %mul3A_1069 = arith.muli %mul3A_1068, %get3A_1063 : vector<16xi32>
        %sub3A_1070 = arith.constant 999936 : i32
        %sub3A_1071 = vector.broadcast %sub3A_1070 : i32 to vector<16xi32>
        %sub3A_1072 = arith.subi %mul3A_1069, %sub3A_1071 : vector<16xi32>
        %select_n3A_1073 = arith.select %lt3A_1066, %get3A_1063, %sub3A_1072 : vector<16xi1>, vector<16xi32>
        %mul3A_1074 = arith.constant 16 : i32
        %mul3A_1075 = arith.muli %scan3A_1059, %mul3A_1074 : i32
        %swap3A_1076 = arith.index_cast %mul3A_1075 : i32 to index
        %swap3A_1077 = tpu.vector_load %arg6[%swap3A_1076] {strides = array<i32>} : memref<128xi32, #tpu.memory_space<vmem>>, vector<16xi32>,
        tpu.vector_store %arg6[%swap3A_1076], %select_n3A_1073 {strides = array<i32>} : memref<128xi32, #tpu.memory_space<vmem>>, vector<16xi32>,
        %scan3A_1078 = arith.constant 6 : i32
        %mul3A_1079 = arith.constant 16 : i32
        %mul3A_1080 = arith.muli %scan3A_1078, %mul3A_1079 : i32
        %get3A_1081 = arith.index_cast %mul3A_1080 : i32 to index
        %get3A_1082 = tpu.vector_load %arg5[%get3A_1081] {strides = array<i32>} : memref<128xi32, #tpu.memory_space<vmem>>, vector<16xi32>,
        %lt3A_1083 = arith.constant 999936 : i32
        %lt3A_1084 = vector.broadcast %lt3A_1083 : i32 to vector<16xi32>
        %lt3A_1085 = arith.cmpi slt, %get3A_1082, %lt3A_1084 : vector<16xi32>
        %mul3A_1086 = arith.constant 2 : i32
        %mul3A_1087 = vector.broadcast %mul3A_1086 : i32 to vector<16xi32>
        %mul3A_1088 = arith.muli %mul3A_1087, %get3A_1082 : vector<16xi32>
        %sub3A_1089 = arith.constant 999936 : i32
        %sub3A_1090 = vector.broadcast %sub3A_1089 : i32 to vector<16xi32>
        %sub3A_1091 = arith.subi %mul3A_1088, %sub3A_1090 : vector<16xi32>
        %select_n3A_1092 = arith.select %lt3A_1085, %get3A_1082, %sub3A_1091 : vector<16xi1>, vector<16xi32>
        %mul3A_1093 = arith.constant 16 : i32
        %mul3A_1094 = arith.muli %scan3A_1078, %mul3A_1093 : i32
        %swap3A_1095 = arith.index_cast %mul3A_1094 : i32 to index
        %swap3A_1096 = tpu.vector_load %arg6[%swap3A_1095] {strides = array<i32>} : memref<128xi32, #tpu.memory_space<vmem>>, vector<16xi32>,
        tpu.vector_store %arg6[%swap3A_1095], %select_n3A_1092 {strides = array<i32>} : memref<128xi32, #tpu.memory_space<vmem>>, vector<16xi32>,
        %scan3A_1097 = arith.constant 7 : i32
        %mul3A_1098 = arith.constant 16 : i32
        %mul3A_1099 = arith.muli %scan3A_1097, %mul3A_1098 : i32
        %get3A_1100 = arith.index_cast %mul3A_1099 : i32 to index
        %get3A_1101 = tpu.vector_load %arg5[%get3A_1100] {strides = array<i32>} : memref<128xi32, #tpu.memory_space<vmem>>, vector<16xi32>,
        %lt3A_1102 = arith.constant 999936 : i32
        %lt3A_1103 = vector.broadcast %lt3A_1102 : i32 to vector<16xi32>
        %lt3A_1104 = arith.cmpi slt, %get3A_1101, %lt3A_1103 : vector<16xi32>
        %mul3A_1105 = arith.constant 2 : i32
        %mul3A_1106 = vector.broadcast %mul3A_1105 : i32 to vector<16xi32>
        %mul3A_1107 = arith.muli %mul3A_1106, %get3A_1101 : vector<16xi32>
        %sub3A_1108 = arith.constant 999936 : i32
        %sub3A_1109 = vector.broadcast %sub3A_1108 : i32 to vector<16xi32>
        %sub3A_1110 = arith.subi %mul3A_1107, %sub3A_1109 : vector<16xi32>
        %select_n3A_1111 = arith.select %lt3A_1104, %get3A_1101, %sub3A_1110 : vector<16xi1>, vector<16xi32>
        %mul3A_1112 = arith.constant 16 : i32
        %mul3A_1113 = arith.muli %scan3A_1097, %mul3A_1112 : i32
        %swap3A_1114 = arith.index_cast %mul3A_1113 : i32 to index
        %swap3A_1115 = tpu.vector_load %arg6[%swap3A_1114] {strides = array<i32>} : memref<128xi32, #tpu.memory_space<vmem>>, vector<16xi32>,
        tpu.vector_store %arg6[%swap3A_1114], %select_n3A_1111 {strides = array<i32>} : memref<128xi32, #tpu.memory_space<vmem>>, vector<16xi32>,
        %scan3A_1116 = arith.constant 8 : i32
        %dma_start3A_1117 = arith.constant 0 : i32
        %dma_start3A_1118 = arith.constant 0 : i32
        %dma_start3A_1119 = tpu.memref_slice %arg2[%dma_start3A_1117, %dma_start3A_1118] : memref<1000064x64xf32, #tpu.memory_space<hbm>> -> memref<1000064x64xf32, #tpu.memory_space<hbm>>
        tpu.enqueue_indirect_dma source(%dma_start3A_1119 : memref<1000064x64xf32, #tpu.memory_space<hbm>>) target(%arg8 : memref<128x64xf32, #tpu.memory_space<vmem>>) offsets(%arg6 : memref<128xi32, #tpu.memory_space<vmem>>) semaphore(%arg12 : memref<!tpu.dma_semaphore, #tpu.memory_space<semaphore_mem>>)
      } else {
      }
      %ge3A_785 = arith.constant 2 : i32
      %ge3A_786 = arith.cmpi sge, %add3A_731, %ge3A_785 : i32
      %convert_element_type3A_787 = arith.extui %ge3A_786 : i1 to i32
      %cond3A_788 = arith.constant 0 : i32
      %cond3A_789 = arith.cmpi ne, %convert_element_type3A_787, %cond3A_788 : i32
      scf.if %cond3A_789 {
        %sub3A_913 = arith.constant 2 : i32
        %sub3A_914 = arith.subi %add3A_734, %sub3A_913 : i32
        %jit3A_915 = arith.constant 128 : i32
        %div3A_916 = arith.divsi %sub3A_914, %jit3A_915 : i32
        %sign3A_917 = arith.constant 0 : i32
        %sign3A_918 = arith.cmpi sgt, %sub3A_914, %sign3A_917 : i32
        %sign3A_919 = arith.extui %sign3A_918 : i1 to i32
        %sign3A_920 = arith.constant 0 : i32
        %sign3A_921 = arith.cmpi slt, %sub3A_914, %sign3A_920 : i32
        %sign3A_922 = arith.extui %sign3A_921 : i1 to i32
        %sign3A_923 = arith.subi %sign3A_919, %sign3A_922 : i32
        %sign3A_924 = arith.constant 0 : i32
        %sign3A_925 = arith.cmpi sgt, %jit3A_915, %sign3A_924 : i32
        %sign3A_926 = arith.extui %sign3A_925 : i1 to i32
        %sign3A_927 = arith.constant 0 : i32
        %sign3A_928 = arith.cmpi slt, %jit3A_915, %sign3A_927 : i32
        %sign3A_929 = arith.extui %sign3A_928 : i1 to i32
        %sign3A_930 = arith.subi %sign3A_926, %sign3A_929 : i32
        %ne3A_931 = arith.cmpi ne, %sign3A_923, %sign3A_930 : i32
        %rem3A_932 = arith.remsi %sub3A_914, %jit3A_915 : i32
        %ne3A_933 = arith.constant 0 : i32
        %ne3A_934 = arith.cmpi ne, %rem3A_932, %ne3A_933 : i32
        %and3A_935 = arith.andi %ne3A_931, %ne3A_934 : i1
        %sub3A_936 = arith.constant 1 : i32
        %sub3A_937 = arith.subi %div3A_916, %sub3A_936 : i32
        %select_n3A_938 = arith.select %and3A_935, %sub3A_937, %div3A_916 : i32
        %jit3A_939 = arith.constant 128 : i32
        %eq3A_940 = arith.constant 0 : i32
        %eq3A_941 = arith.cmpi eq, %jit3A_939, %eq3A_940 : i32
        %jit3A_942 = arith.constant 1 : i32
        %select_n3A_943 = arith.select %eq3A_941, %jit3A_942, %jit3A_939 : i32
        %rem3A_944 = arith.remsi %sub3A_914, %select_n3A_943 : i32
        %ne3A_945 = arith.constant 0 : i32
        %ne3A_946 = arith.cmpi ne, %rem3A_944, %ne3A_945 : i32
        %lt3A_947 = arith.constant 0 : i32
        %lt3A_948 = arith.cmpi slt, %rem3A_944, %lt3A_947 : i32
        %lt3A_949 = arith.constant 0 : i32
        %lt3A_950 = arith.cmpi slt, %select_n3A_943, %lt3A_949 : i32
        %ne3A_951 = arith.xori %lt3A_948, %lt3A_950 : i1
        %and3A_952 = arith.andi %ne3A_951, %ne3A_946 : i1
        %add3A_953 = arith.addi %rem3A_944, %select_n3A_943 : i32
        %select_n3A_954 = arith.select %and3A_952, %add3A_953, %rem3A_944 : i32
        %dma_wait3A_955 = arith.constant 0 : i32
        %dma_wait3A_956 = arith.constant 0 : i32
        %dma_wait3A_957 = arith.constant 0 : i32
        %dma_wait3A_958 = tpu.memref_slice %arg11[%dma_wait3A_956, %dma_wait3A_957] : memref<64x136xf32, #tpu.memory_space<vmem>> -> memref<8x128xf32, #tpu.memory_space<vmem>>
        %dma_wait3A_959 = arith.constant 0 : i32
        %dma_wait3A_960 = arith.constant 0 : i32
        %dma_wait3A_961 = tpu.memref_slice %arg4[%select_n3A_938, %dma_wait3A_955, %select_n3A_954, %dma_wait3A_959, %dma_wait3A_960] : memref<20x8x128x8x128xf32, #tpu.memory_space<hbm>> -> memref<1x1x1x8x128xf32, #tpu.memory_space<hbm>>
        %dma_wait3A_962 = tpu.memref_squeeze %dma_wait3A_961 : memref<1x1x1x8x128xf32, #tpu.memory_space<hbm>> -> memref<8x128xf32, #tpu.memory_space<hbm>>
        %dma_wait3A_963 = arith.constant 0 : i32
        %dma_wait3A_964 = arith.constant 0 : i32
        %dma_wait3A_965 = tpu.memref_slice %arg4[%select_n3A_938, %dma_wait3A_955, %select_n3A_954, %dma_wait3A_963, %dma_wait3A_964] : memref<20x8x128x8x128xf32, #tpu.memory_space<hbm>> -> memref<1x1x1x8x128xf32, #tpu.memory_space<hbm>>
        %dma_wait3A_966 = tpu.memref_squeeze %dma_wait3A_965 : memref<1x1x1x8x128xf32, #tpu.memory_space<hbm>> -> memref<8x128xf32, #tpu.memory_space<hbm>>
        %dma_wait3A_967 = arith.constant 0 : i32
        %dma_wait3A_968 = arith.constant 0 : i32
        %dma_wait3A_969 = tpu.memref_slice %arg11[%dma_wait3A_967, %dma_wait3A_968] : memref<64x136xf32, #tpu.memory_space<vmem>> -> memref<8x128xf32, #tpu.memory_space<vmem>>
        tpu.wait_dma2 semaphore(%arg15 : memref<!tpu.dma_semaphore, #tpu.memory_space<semaphore_mem>>) src(%dma_wait3A_969 : memref<8x128xf32, #tpu.memory_space<vmem>>) dst(%dma_wait3A_966 : memref<8x128xf32, #tpu.memory_space<hbm>>)
        %dma_wait3A_970 = arith.constant 1 : i32
        %dma_wait3A_971 = arith.constant 8 : i32
        %dma_wait3A_972 = arith.constant 0 : i32
        %dma_wait3A_973 = tpu.memref_slice %arg11[%dma_wait3A_971, %dma_wait3A_972] : memref<64x136xf32, #tpu.memory_space<vmem>> -> memref<8x128xf32, #tpu.memory_space<vmem>>
        %dma_wait3A_974 = arith.constant 0 : i32
        %dma_wait3A_975 = arith.constant 0 : i32
        %dma_wait3A_976 = tpu.memref_slice %arg4[%select_n3A_938, %dma_wait3A_970, %select_n3A_954, %dma_wait3A_974, %dma_wait3A_975] : memref<20x8x128x8x128xf32, #tpu.memory_space<hbm>> -> memref<1x1x1x8x128xf32, #tpu.memory_space<hbm>>
        %dma_wait3A_977 = tpu.memref_squeeze %dma_wait3A_976 : memref<1x1x1x8x128xf32, #tpu.memory_space<hbm>> -> memref<8x128xf32, #tpu.memory_space<hbm>>
        %dma_wait3A_978 = arith.constant 0 : i32
        %dma_wait3A_979 = arith.constant 0 : i32
        %dma_wait3A_980 = tpu.memref_slice %arg4[%select_n3A_938, %dma_wait3A_970, %select_n3A_954, %dma_wait3A_978, %dma_wait3A_979] : memref<20x8x128x8x128xf32, #tpu.memory_space<hbm>> -> memref<1x1x1x8x128xf32, #tpu.memory_space<hbm>>
        %dma_wait3A_981 = tpu.memref_squeeze %dma_wait3A_980 : memref<1x1x1x8x128xf32, #tpu.memory_space<hbm>> -> memref<8x128xf32, #tpu.memory_space<hbm>>
        %dma_wait3A_982 = arith.constant 8 : i32
        %dma_wait3A_983 = arith.constant 0 : i32
        %dma_wait3A_984 = tpu.memref_slice %arg11[%dma_wait3A_982, %dma_wait3A_983] : memref<64x136xf32, #tpu.memory_space<vmem>> -> memref<8x128xf32, #tpu.memory_space<vmem>>
        tpu.wait_dma2 semaphore(%arg15 : memref<!tpu.dma_semaphore, #tpu.memory_space<semaphore_mem>>) src(%dma_wait3A_984 : memref<8x128xf32, #tpu.memory_space<vmem>>) dst(%dma_wait3A_981 : memref<8x128xf32, #tpu.memory_space<hbm>>)
        %dma_wait3A_985 = arith.constant 2 : i32
        %dma_wait3A_986 = arith.constant 16 : i32
        %dma_wait3A_987 = arith.constant 0 : i32
        %dma_wait3A_988 = tpu.memref_slice %arg11[%dma_wait3A_986, %dma_wait3A_987] : memref<64x136xf32, #tpu.memory_space<vmem>> -> memref<8x128xf32, #tpu.memory_space<vmem>>
        %dma_wait3A_989 = arith.constant 0 : i32
        %dma_wait3A_990 = arith.constant 0 : i32
        %dma_wait3A_991 = tpu.memref_slice %arg4[%select_n3A_938, %dma_wait3A_985, %select_n3A_954, %dma_wait3A_989, %dma_wait3A_990] : memref<20x8x128x8x128xf32, #tpu.memory_space<hbm>> -> memref<1x1x1x8x128xf32, #tpu.memory_space<hbm>>
        %dma_wait3A_992 = tpu.memref_squeeze %dma_wait3A_991 : memref<1x1x1x8x128xf32, #tpu.memory_space<hbm>> -> memref<8x128xf32, #tpu.memory_space<hbm>>
        %dma_wait3A_993 = arith.constant 0 : i32
        %dma_wait3A_994 = arith.constant 0 : i32
        %dma_wait3A_995 = tpu.memref_slice %arg4[%select_n3A_938, %dma_wait3A_985, %select_n3A_954, %dma_wait3A_993, %dma_wait3A_994] : memref<20x8x128x8x128xf32, #tpu.memory_space<hbm>> -> memref<1x1x1x8x128xf32, #tpu.memory_space<hbm>>
        %dma_wait3A_996 = tpu.memref_squeeze %dma_wait3A_995 : memref<1x1x1x8x128xf32, #tpu.memory_space<hbm>> -> memref<8x128xf32, #tpu.memory_space<hbm>>
        %dma_wait3A_997 = arith.constant 16 : i32
        %dma_wait3A_998 = arith.constant 0 : i32
        %dma_wait3A_999 = tpu.memref_slice %arg11[%dma_wait3A_997, %dma_wait3A_998] : memref<64x136xf32, #tpu.memory_space<vmem>> -> memref<8x128xf32, #tpu.memory_space<vmem>>
        tpu.wait_dma2 semaphore(%arg15 : memref<!tpu.dma_semaphore, #tpu.memory_space<semaphore_mem>>) src(%dma_wait3A_999 : memref<8x128xf32, #tpu.memory_space<vmem>>) dst(%dma_wait3A_996 : memref<8x128xf32, #tpu.memory_space<hbm>>)
        %dma_wait3A_1000 = arith.constant 3 : i32
        %dma_wait3A_1001 = arith.constant 24 : i32
        %dma_wait3A_1002 = arith.constant 0 : i32
        %dma_wait3A_1003 = tpu.memref_slice %arg11[%dma_wait3A_1001, %dma_wait3A_1002] : memref<64x136xf32, #tpu.memory_space<vmem>> -> memref<8x128xf32, #tpu.memory_space<vmem>>
        %dma_wait3A_1004 = arith.constant 0 : i32
        %dma_wait3A_1005 = arith.constant 0 : i32
        %dma_wait3A_1006 = tpu.memref_slice %arg4[%select_n3A_938, %dma_wait3A_1000, %select_n3A_954, %dma_wait3A_1004, %dma_wait3A_1005] : memref<20x8x128x8x128xf32, #tpu.memory_space<hbm>> -> memref<1x1x1x8x128xf32, #tpu.memory_space<hbm>>
        %dma_wait3A_1007 = tpu.memref_squeeze %dma_wait3A_1006 : memref<1x1x1x8x128xf32, #tpu.memory_space<hbm>> -> memref<8x128xf32, #tpu.memory_space<hbm>>
        %dma_wait3A_1008 = arith.constant 0 : i32
        %dma_wait3A_1009 = arith.constant 0 : i32
        %dma_wait3A_1010 = tpu.memref_slice %arg4[%select_n3A_938, %dma_wait3A_1000, %select_n3A_954, %dma_wait3A_1008, %dma_wait3A_1009] : memref<20x8x128x8x128xf32, #tpu.memory_space<hbm>> -> memref<1x1x1x8x128xf32, #tpu.memory_space<hbm>>
        %dma_wait3A_1011 = tpu.memref_squeeze %dma_wait3A_1010 : memref<1x1x1x8x128xf32, #tpu.memory_space<hbm>> -> memref<8x128xf32, #tpu.memory_space<hbm>>
        %dma_wait3A_1012 = arith.constant 24 : i32
        %dma_wait3A_1013 = arith.constant 0 : i32
        %dma_wait3A_1014 = tpu.memref_slice %arg11[%dma_wait3A_1012, %dma_wait3A_1013] : memref<64x136xf32, #tpu.memory_space<vmem>> -> memref<8x128xf32, #tpu.memory_space<vmem>>
        tpu.wait_dma2 semaphore(%arg15 : memref<!tpu.dma_semaphore, #tpu.memory_space<semaphore_mem>>) src(%dma_wait3A_1014 : memref<8x128xf32, #tpu.memory_space<vmem>>) dst(%dma_wait3A_1011 : memref<8x128xf32, #tpu.memory_space<hbm>>)
        %dma_wait3A_1015 = arith.constant 4 : i32
        %dma_wait3A_1016 = arith.constant 32 : i32
        %dma_wait3A_1017 = arith.constant 0 : i32
        %dma_wait3A_1018 = tpu.memref_slice %arg11[%dma_wait3A_1016, %dma_wait3A_1017] : memref<64x136xf32, #tpu.memory_space<vmem>> -> memref<8x128xf32, #tpu.memory_space<vmem>>
        %dma_wait3A_1019 = arith.constant 0 : i32
        %dma_wait3A_1020 = arith.constant 0 : i32
        %dma_wait3A_1021 = tpu.memref_slice %arg4[%select_n3A_938, %dma_wait3A_1015, %select_n3A_954, %dma_wait3A_1019, %dma_wait3A_1020] : memref<20x8x128x8x128xf32, #tpu.memory_space<hbm>> -> memref<1x1x1x8x128xf32, #tpu.memory_space<hbm>>
        %dma_wait3A_1022 = tpu.memref_squeeze %dma_wait3A_1021 : memref<1x1x1x8x128xf32, #tpu.memory_space<hbm>> -> memref<8x128xf32, #tpu.memory_space<hbm>>
        %dma_wait3A_1023 = arith.constant 0 : i32
        %dma_wait3A_1024 = arith.constant 0 : i32
        %dma_wait3A_1025 = tpu.memref_slice %arg4[%select_n3A_938, %dma_wait3A_1015, %select_n3A_954, %dma_wait3A_1023, %dma_wait3A_1024] : memref<20x8x128x8x128xf32, #tpu.memory_space<hbm>> -> memref<1x1x1x8x128xf32, #tpu.memory_space<hbm>>
        %dma_wait3A_1026 = tpu.memref_squeeze %dma_wait3A_1025 : memref<1x1x1x8x128xf32, #tpu.memory_space<hbm>> -> memref<8x128xf32, #tpu.memory_space<hbm>>
        %dma_wait3A_1027 = arith.constant 32 : i32
        %dma_wait3A_1028 = arith.constant 0 : i32
        %dma_wait3A_1029 = tpu.memref_slice %arg11[%dma_wait3A_1027, %dma_wait3A_1028] : memref<64x136xf32, #tpu.memory_space<vmem>> -> memref<8x128xf32, #tpu.memory_space<vmem>>
        tpu.wait_dma2 semaphore(%arg15 : memref<!tpu.dma_semaphore, #tpu.memory_space<semaphore_mem>>) src(%dma_wait3A_1029 : memref<8x128xf32, #tpu.memory_space<vmem>>) dst(%dma_wait3A_1026 : memref<8x128xf32, #tpu.memory_space<hbm>>)
        %dma_wait3A_1030 = arith.constant 5 : i32
        %dma_wait3A_1031 = arith.constant 40 : i32
        %dma_wait3A_1032 = arith.constant 0 : i32
        %dma_wait3A_1033 = tpu.memref_slice %arg11[%dma_wait3A_1031, %dma_wait3A_1032] : memref<64x136xf32, #tpu.memory_space<vmem>> -> memref<8x128xf32, #tpu.memory_space<vmem>>
        %dma_wait3A_1034 = arith.constant 0 : i32
        %dma_wait3A_1035 = arith.constant 0 : i32
        %dma_wait3A_1036 = tpu.memref_slice %arg4[%select_n3A_938, %dma_wait3A_1030, %select_n3A_954, %dma_wait3A_1034, %dma_wait3A_1035] : memref<20x8x128x8x128xf32, #tpu.memory_space<hbm>> -> memref<1x1x1x8x128xf32, #tpu.memory_space<hbm>>
        %dma_wait3A_1037 = tpu.memref_squeeze %dma_wait3A_1036 : memref<1x1x1x8x128xf32, #tpu.memory_space<hbm>> -> memref<8x128xf32, #tpu.memory_space<hbm>>
        %dma_wait3A_1038 = arith.constant 0 : i32
        %dma_wait3A_1039 = arith.constant 0 : i32
        %dma_wait3A_1040 = tpu.memref_slice %arg4[%select_n3A_938, %dma_wait3A_1030, %select_n3A_954, %dma_wait3A_1038, %dma_wait3A_1039] : memref<20x8x128x8x128xf32, #tpu.memory_space<hbm>> -> memref<1x1x1x8x128xf32, #tpu.memory_space<hbm>>
        %dma_wait3A_1041 = tpu.memref_squeeze %dma_wait3A_1040 : memref<1x1x1x8x128xf32, #tpu.memory_space<hbm>> -> memref<8x128xf32, #tpu.memory_space<hbm>>
        %dma_wait3A_1042 = arith.constant 40 : i32
        %dma_wait3A_1043 = arith.constant 0 : i32
        %dma_wait3A_1044 = tpu.memref_slice %arg11[%dma_wait3A_1042, %dma_wait3A_1043] : memref<64x136xf32, #tpu.memory_space<vmem>> -> memref<8x128xf32, #tpu.memory_space<vmem>>
        tpu.wait_dma2 semaphore(%arg15 : memref<!tpu.dma_semaphore, #tpu.memory_space<semaphore_mem>>) src(%dma_wait3A_1044 : memref<8x128xf32, #tpu.memory_space<vmem>>) dst(%dma_wait3A_1041 : memref<8x128xf32, #tpu.memory_space<hbm>>)
        %dma_wait3A_1045 = arith.constant 6 : i32
        %dma_wait3A_1046 = arith.constant 48 : i32
        %dma_wait3A_1047 = arith.constant 0 : i32
        %dma_wait3A_1048 = tpu.memref_slice %arg11[%dma_wait3A_1046, %dma_wait3A_1047] : memref<64x136xf32, #tpu.memory_space<vmem>> -> memref<8x128xf32, #tpu.memory_space<vmem>>
        %dma_wait3A_1049 = arith.constant 0 : i32
        %dma_wait3A_1050 = arith.constant 0 : i32
        %dma_wait3A_1051 = tpu.memref_slice %arg4[%select_n3A_938, %dma_wait3A_1045, %select_n3A_954, %dma_wait3A_1049, %dma_wait3A_1050] : memref<20x8x128x8x128xf32, #tpu.memory_space<hbm>> -> memref<1x1x1x8x128xf32, #tpu.memory_space<hbm>>
        %dma_wait3A_1052 = tpu.memref_squeeze %dma_wait3A_1051 : memref<1x1x1x8x128xf32, #tpu.memory_space<hbm>> -> memref<8x128xf32, #tpu.memory_space<hbm>>
        %dma_wait3A_1053 = arith.constant 0 : i32
        %dma_wait3A_1054 = arith.constant 0 : i32
        %dma_wait3A_1055 = tpu.memref_slice %arg4[%select_n3A_938, %dma_wait3A_1045, %select_n3A_954, %dma_wait3A_1053, %dma_wait3A_1054] : memref<20x8x128x8x128xf32, #tpu.memory_space<hbm>> -> memref<1x1x1x8x128xf32, #tpu.memory_space<hbm>>
        %dma_wait3A_1056 = tpu.memref_squeeze %dma_wait3A_1055 : memref<1x1x1x8x128xf32, #tpu.memory_space<hbm>> -> memref<8x128xf32, #tpu.memory_space<hbm>>
        %dma_wait3A_1057 = arith.constant 48 : i32
        %dma_wait3A_1058 = arith.constant 0 : i32
        %dma_wait3A_1059 = tpu.memref_slice %arg11[%dma_wait3A_1057, %dma_wait3A_1058] : memref<64x136xf32, #tpu.memory_space<vmem>> -> memref<8x128xf32, #tpu.memory_space<vmem>>
        tpu.wait_dma2 semaphore(%arg15 : memref<!tpu.dma_semaphore, #tpu.memory_space<semaphore_mem>>) src(%dma_wait3A_1059 : memref<8x128xf32, #tpu.memory_space<vmem>>) dst(%dma_wait3A_1056 : memref<8x128xf32, #tpu.memory_space<hbm>>)
        %dma_wait3A_1060 = arith.constant 7 : i32
        %dma_wait3A_1061 = arith.constant 56 : i32
        %dma_wait3A_1062 = arith.constant 0 : i32
        %dma_wait3A_1063 = tpu.memref_slice %arg11[%dma_wait3A_1061, %dma_wait3A_1062] : memref<64x136xf32, #tpu.memory_space<vmem>> -> memref<8x128xf32, #tpu.memory_space<vmem>>
        %dma_wait3A_1064 = arith.constant 0 : i32
        %dma_wait3A_1065 = arith.constant 0 : i32
        %dma_wait3A_1066 = tpu.memref_slice %arg4[%select_n3A_938, %dma_wait3A_1060, %select_n3A_954, %dma_wait3A_1064, %dma_wait3A_1065] : memref<20x8x128x8x128xf32, #tpu.memory_space<hbm>> -> memref<1x1x1x8x128xf32, #tpu.memory_space<hbm>>
        %dma_wait3A_1067 = tpu.memref_squeeze %dma_wait3A_1066 : memref<1x1x1x8x128xf32, #tpu.memory_space<hbm>> -> memref<8x128xf32, #tpu.memory_space<hbm>>
        %dma_wait3A_1068 = arith.constant 0 : i32
        %dma_wait3A_1069 = arith.constant 0 : i32
        %dma_wait3A_1070 = tpu.memref_slice %arg4[%select_n3A_938, %dma_wait3A_1060, %select_n3A_954, %dma_wait3A_1068, %dma_wait3A_1069] : memref<20x8x128x8x128xf32, #tpu.memory_space<hbm>> -> memref<1x1x1x8x128xf32, #tpu.memory_space<hbm>>
        %dma_wait3A_1071 = tpu.memref_squeeze %dma_wait3A_1070 : memref<1x1x1x8x128xf32, #tpu.memory_space<hbm>> -> memref<8x128xf32, #tpu.memory_space<hbm>>
        %dma_wait3A_1072 = arith.constant 56 : i32
        %dma_wait3A_1073 = arith.constant 0 : i32
        %dma_wait3A_1074 = tpu.memref_slice %arg11[%dma_wait3A_1072, %dma_wait3A_1073] : memref<64x136xf32, #tpu.memory_space<vmem>> -> memref<8x128xf32, #tpu.memory_space<vmem>>
        tpu.wait_dma2 semaphore(%arg15 : memref<!tpu.dma_semaphore, #tpu.memory_space<semaphore_mem>>) src(%dma_wait3A_1074 : memref<8x128xf32, #tpu.memory_space<vmem>>) dst(%dma_wait3A_1071 : memref<8x128xf32, #tpu.memory_space<hbm>>)
      } else {
      }
      %parallel_loop3A_790 = arith.constant 0 : i32
      %parallel_loop3A_791 = arith.constant 128 : i32
      %parallel_loop3A_792 = arith.constant 1 : i32
      scf.for %parallel_loop3A_913 = %parallel_loop3A_790 to %parallel_loop3A_791 step %parallel_loop3A_792  : i32 {
        %parallel_loop3A_914 = vector.broadcast %parallel_loop3A_913 : i32 to vector<16xi32>
        %parallel_loop3A_915 = arith.index_cast %parallel_loop3A_913 : i32 to index
        %parallel_loop3A_916 = arith.constant 0 : index
        %parallel_loop3A_917 = tpu.vector_load %arg9[%parallel_loop3A_915, %parallel_loop3A_916] {strides = array<i32>} : memref<128x64xf32, #tpu.memory_space<vmem>>, vector<16xf32>,
        %parallel_loop3A_918 = arith.constant 8.000000e+00 : f32
        %parallel_loop3A_919 = vector.broadcast %parallel_loop3A_918 : f32 to vector<16xf32>
        %parallel_loop3A_920 = arith.mulf %parallel_loop3A_917, %parallel_loop3A_919 : vector<16xf32>
        tpu.vector_store_idx %arg11[%add3A_3, %parallel_loop3A_914], %parallel_loop3A_920 : memref<64x136xf32, #tpu.memory_space<vmem>>[vector<16xi32>, vector<16xi32>], vector<16xf32>,
        %parallel_loop3A_921 = arith.index_cast %parallel_loop3A_913 : i32 to index
        %parallel_loop3A_922 = arith.constant 16 : index
        %parallel_loop3A_923 = tpu.vector_load %arg9[%parallel_loop3A_921, %parallel_loop3A_922] {strides = array<i32>} : memref<128x64xf32, #tpu.memory_space<vmem>>, vector<16xf32>,
        %parallel_loop3A_924 = arith.constant 8.000000e+00 : f32
        %parallel_loop3A_925 = vector.broadcast %parallel_loop3A_924 : f32 to vector<16xf32>
        %parallel_loop3A_926 = arith.mulf %parallel_loop3A_923, %parallel_loop3A_925 : vector<16xf32>
        tpu.vector_store_idx %arg11[%add3A_6, %parallel_loop3A_914], %parallel_loop3A_926 : memref<64x136xf32, #tpu.memory_space<vmem>>[vector<16xi32>, vector<16xi32>], vector<16xf32>,
        %parallel_loop3A_927 = arith.index_cast %parallel_loop3A_913 : i32 to index
        %parallel_loop3A_928 = arith.constant 32 : index
        %parallel_loop3A_929 = tpu.vector_load %arg9[%parallel_loop3A_927, %parallel_loop3A_928] {strides = array<i32>} : memref<128x64xf32, #tpu.memory_space<vmem>>, vector<16xf32>,
        %parallel_loop3A_930 = arith.constant 8.000000e+00 : f32
        %parallel_loop3A_931 = vector.broadcast %parallel_loop3A_930 : f32 to vector<16xf32>
        %parallel_loop3A_932 = arith.mulf %parallel_loop3A_929, %parallel_loop3A_931 : vector<16xf32>
        tpu.vector_store_idx %arg11[%add3A_9, %parallel_loop3A_914], %parallel_loop3A_932 : memref<64x136xf32, #tpu.memory_space<vmem>>[vector<16xi32>, vector<16xi32>], vector<16xf32>,
        %parallel_loop3A_933 = arith.index_cast %parallel_loop3A_913 : i32 to index
        %parallel_loop3A_934 = arith.constant 48 : index
        %parallel_loop3A_935 = tpu.vector_load %arg9[%parallel_loop3A_933, %parallel_loop3A_934] {strides = array<i32>} : memref<128x64xf32, #tpu.memory_space<vmem>>, vector<16xf32>,
        %parallel_loop3A_936 = arith.constant 8.000000e+00 : f32
        %parallel_loop3A_937 = vector.broadcast %parallel_loop3A_936 : f32 to vector<16xf32>
        %parallel_loop3A_938 = arith.mulf %parallel_loop3A_935, %parallel_loop3A_937 : vector<16xf32>
        tpu.vector_store_idx %arg11[%add3A_12, %parallel_loop3A_914], %parallel_loop3A_938 : memref<64x136xf32, #tpu.memory_space<vmem>>[vector<16xi32>, vector<16xi32>], vector<16xf32>,
      } {sc.loop_unroll_factor = 4 : i64, sc.parallel_access}
      %dma_start3A_793 = arith.constant 0 : i32
      %dma_start3A_794 = arith.constant 0 : i32
      %dma_start3A_795 = arith.constant 0 : i32
      %dma_start3A_796 = tpu.memref_slice %arg11[%dma_start3A_794, %dma_start3A_795] : memref<64x136xf32, #tpu.memory_space<vmem>> -> memref<8x128xf32, #tpu.memory_space<vmem>>
      %dma_start3A_797 = arith.constant 0 : i32
      %dma_start3A_798 = arith.constant 0 : i32
      %dma_start3A_799 = tpu.memref_slice %arg4[%select_n3A_758, %dma_start3A_793, %select_n3A_774, %dma_start3A_797, %dma_start3A_798] : memref<20x8x128x8x128xf32, #tpu.memory_space<hbm>> -> memref<1x1x1x8x128xf32, #tpu.memory_space<hbm>>
      %dma_start3A_800 = tpu.memref_squeeze %dma_start3A_799 : memref<1x1x1x8x128xf32, #tpu.memory_space<hbm>> -> memref<8x128xf32, #tpu.memory_space<hbm>>
      %dma_start3A_801 = arith.constant 0 : i32
      %dma_start3A_802 = arith.constant 0 : i32
      %dma_start3A_803 = tpu.memref_slice %arg4[%select_n3A_758, %dma_start3A_793, %select_n3A_774, %dma_start3A_801, %dma_start3A_802] : memref<20x8x128x8x128xf32, #tpu.memory_space<hbm>> -> memref<1x1x1x8x128xf32, #tpu.memory_space<hbm>>
      %dma_start3A_804 = tpu.memref_squeeze %dma_start3A_803 : memref<1x1x1x8x128xf32, #tpu.memory_space<hbm>> -> memref<8x128xf32, #tpu.memory_space<hbm>>
      %dma_start3A_805 = arith.constant 0 : i32
      %dma_start3A_806 = arith.constant 0 : i32
      %dma_start3A_807 = tpu.memref_slice %arg11[%dma_start3A_805, %dma_start3A_806] : memref<64x136xf32, #tpu.memory_space<vmem>> -> memref<8x128xf32, #tpu.memory_space<vmem>>
      tpu.enqueue_dma source(%dma_start3A_807 : memref<8x128xf32, #tpu.memory_space<vmem>>) target(%dma_start3A_804 : memref<8x128xf32, #tpu.memory_space<hbm>>) target_semaphore(%arg15 : memref<!tpu.dma_semaphore, #tpu.memory_space<semaphore_mem>>)
      %dma_start3A_808 = arith.constant 1 : i32
      %dma_start3A_809 = arith.constant 8 : i32
      %dma_start3A_810 = arith.constant 0 : i32
      %dma_start3A_811 = tpu.memref_slice %arg11[%dma_start3A_809, %dma_start3A_810] : memref<64x136xf32, #tpu.memory_space<vmem>> -> memref<8x128xf32, #tpu.memory_space<vmem>>
      %dma_start3A_812 = arith.constant 0 : i32
      %dma_start3A_813 = arith.constant 0 : i32
      %dma_start3A_814 = tpu.memref_slice %arg4[%select_n3A_758, %dma_start3A_808, %select_n3A_774, %dma_start3A_812, %dma_start3A_813] : memref<20x8x128x8x128xf32, #tpu.memory_space<hbm>> -> memref<1x1x1x8x128xf32, #tpu.memory_space<hbm>>
      %dma_start3A_815 = tpu.memref_squeeze %dma_start3A_814 : memref<1x1x1x8x128xf32, #tpu.memory_space<hbm>> -> memref<8x128xf32, #tpu.memory_space<hbm>>
      %dma_start3A_816 = arith.constant 0 : i32
      %dma_start3A_817 = arith.constant 0 : i32
      %dma_start3A_818 = tpu.memref_slice %arg4[%select_n3A_758, %dma_start3A_808, %select_n3A_774, %dma_start3A_816, %dma_start3A_817] : memref<20x8x128x8x128xf32, #tpu.memory_space<hbm>> -> memref<1x1x1x8x128xf32, #tpu.memory_space<hbm>>
      %dma_start3A_819 = tpu.memref_squeeze %dma_start3A_818 : memref<1x1x1x8x128xf32, #tpu.memory_space<hbm>> -> memref<8x128xf32, #tpu.memory_space<hbm>>
      %dma_start3A_820 = arith.constant 8 : i32
      %dma_start3A_821 = arith.constant 0 : i32
      %dma_start3A_822 = tpu.memref_slice %arg11[%dma_start3A_820, %dma_start3A_821] : memref<64x136xf32, #tpu.memory_space<vmem>> -> memref<8x128xf32, #tpu.memory_space<vmem>>
      tpu.enqueue_dma source(%dma_start3A_822 : memref<8x128xf32, #tpu.memory_space<vmem>>) target(%dma_start3A_819 : memref<8x128xf32, #tpu.memory_space<hbm>>) target_semaphore(%arg15 : memref<!tpu.dma_semaphore, #tpu.memory_space<semaphore_mem>>)
      %dma_start3A_823 = arith.constant 2 : i32
      %dma_start3A_824 = arith.constant 16 : i32
      %dma_start3A_825 = arith.constant 0 : i32
      %dma_start3A_826 = tpu.memref_slice %arg11[%dma_start3A_824, %dma_start3A_825] : memref<64x136xf32, #tpu.memory_space<vmem>> -> memref<8x128xf32, #tpu.memory_space<vmem>>
      %dma_start3A_827 = arith.constant 0 : i32
      %dma_start3A_828 = arith.constant 0 : i32
      %dma_start3A_829 = tpu.memref_slice %arg4[%select_n3A_758, %dma_start3A_823, %select_n3A_774, %dma_start3A_827, %dma_start3A_828] : memref<20x8x128x8x128xf32, #tpu.memory_space<hbm>> -> memref<1x1x1x8x128xf32, #tpu.memory_space<hbm>>
      %dma_start3A_830 = tpu.memref_squeeze %dma_start3A_829 : memref<1x1x1x8x128xf32, #tpu.memory_space<hbm>> -> memref<8x128xf32, #tpu.memory_space<hbm>>
      %dma_start3A_831 = arith.constant 0 : i32
      %dma_start3A_832 = arith.constant 0 : i32
      %dma_start3A_833 = tpu.memref_slice %arg4[%select_n3A_758, %dma_start3A_823, %select_n3A_774, %dma_start3A_831, %dma_start3A_832] : memref<20x8x128x8x128xf32, #tpu.memory_space<hbm>> -> memref<1x1x1x8x128xf32, #tpu.memory_space<hbm>>
      %dma_start3A_834 = tpu.memref_squeeze %dma_start3A_833 : memref<1x1x1x8x128xf32, #tpu.memory_space<hbm>> -> memref<8x128xf32, #tpu.memory_space<hbm>>
      %dma_start3A_835 = arith.constant 16 : i32
      %dma_start3A_836 = arith.constant 0 : i32
      %dma_start3A_837 = tpu.memref_slice %arg11[%dma_start3A_835, %dma_start3A_836] : memref<64x136xf32, #tpu.memory_space<vmem>> -> memref<8x128xf32, #tpu.memory_space<vmem>>
      tpu.enqueue_dma source(%dma_start3A_837 : memref<8x128xf32, #tpu.memory_space<vmem>>) target(%dma_start3A_834 : memref<8x128xf32, #tpu.memory_space<hbm>>) target_semaphore(%arg15 : memref<!tpu.dma_semaphore, #tpu.memory_space<semaphore_mem>>)
      %dma_start3A_838 = arith.constant 3 : i32
      %dma_start3A_839 = arith.constant 24 : i32
      %dma_start3A_840 = arith.constant 0 : i32
      %dma_start3A_841 = tpu.memref_slice %arg11[%dma_start3A_839, %dma_start3A_840] : memref<64x136xf32, #tpu.memory_space<vmem>> -> memref<8x128xf32, #tpu.memory_space<vmem>>
      %dma_start3A_842 = arith.constant 0 : i32
      %dma_start3A_843 = arith.constant 0 : i32
      %dma_start3A_844 = tpu.memref_slice %arg4[%select_n3A_758, %dma_start3A_838, %select_n3A_774, %dma_start3A_842, %dma_start3A_843] : memref<20x8x128x8x128xf32, #tpu.memory_space<hbm>> -> memref<1x1x1x8x128xf32, #tpu.memory_space<hbm>>
      %dma_start3A_845 = tpu.memref_squeeze %dma_start3A_844 : memref<1x1x1x8x128xf32, #tpu.memory_space<hbm>> -> memref<8x128xf32, #tpu.memory_space<hbm>>
      %dma_start3A_846 = arith.constant 0 : i32
      %dma_start3A_847 = arith.constant 0 : i32
      %dma_start3A_848 = tpu.memref_slice %arg4[%select_n3A_758, %dma_start3A_838, %select_n3A_774, %dma_start3A_846, %dma_start3A_847] : memref<20x8x128x8x128xf32, #tpu.memory_space<hbm>> -> memref<1x1x1x8x128xf32, #tpu.memory_space<hbm>>
      %dma_start3A_849 = tpu.memref_squeeze %dma_start3A_848 : memref<1x1x1x8x128xf32, #tpu.memory_space<hbm>> -> memref<8x128xf32, #tpu.memory_space<hbm>>
      %dma_start3A_850 = arith.constant 24 : i32
      %dma_start3A_851 = arith.constant 0 : i32
      %dma_start3A_852 = tpu.memref_slice %arg11[%dma_start3A_850, %dma_start3A_851] : memref<64x136xf32, #tpu.memory_space<vmem>> -> memref<8x128xf32, #tpu.memory_space<vmem>>
      tpu.enqueue_dma source(%dma_start3A_852 : memref<8x128xf32, #tpu.memory_space<vmem>>) target(%dma_start3A_849 : memref<8x128xf32, #tpu.memory_space<hbm>>) target_semaphore(%arg15 : memref<!tpu.dma_semaphore, #tpu.memory_space<semaphore_mem>>)
      %dma_start3A_853 = arith.constant 4 : i32
      %dma_start3A_854 = arith.constant 32 : i32
      %dma_start3A_855 = arith.constant 0 : i32
      %dma_start3A_856 = tpu.memref_slice %arg11[%dma_start3A_854, %dma_start3A_855] : memref<64x136xf32, #tpu.memory_space<vmem>> -> memref<8x128xf32, #tpu.memory_space<vmem>>
      %dma_start3A_857 = arith.constant 0 : i32
      %dma_start3A_858 = arith.constant 0 : i32
      %dma_start3A_859 = tpu.memref_slice %arg4[%select_n3A_758, %dma_start3A_853, %select_n3A_774, %dma_start3A_857, %dma_start3A_858] : memref<20x8x128x8x128xf32, #tpu.memory_space<hbm>> -> memref<1x1x1x8x128xf32, #tpu.memory_space<hbm>>
      %dma_start3A_860 = tpu.memref_squeeze %dma_start3A_859 : memref<1x1x1x8x128xf32, #tpu.memory_space<hbm>> -> memref<8x128xf32, #tpu.memory_space<hbm>>
      %dma_start3A_861 = arith.constant 0 : i32
      %dma_start3A_862 = arith.constant 0 : i32
      %dma_start3A_863 = tpu.memref_slice %arg4[%select_n3A_758, %dma_start3A_853, %select_n3A_774, %dma_start3A_861, %dma_start3A_862] : memref<20x8x128x8x128xf32, #tpu.memory_space<hbm>> -> memref<1x1x1x8x128xf32, #tpu.memory_space<hbm>>
      %dma_start3A_864 = tpu.memref_squeeze %dma_start3A_863 : memref<1x1x1x8x128xf32, #tpu.memory_space<hbm>> -> memref<8x128xf32, #tpu.memory_space<hbm>>
      %dma_start3A_865 = arith.constant 32 : i32
      %dma_start3A_866 = arith.constant 0 : i32
      %dma_start3A_867 = tpu.memref_slice %arg11[%dma_start3A_865, %dma_start3A_866] : memref<64x136xf32, #tpu.memory_space<vmem>> -> memref<8x128xf32, #tpu.memory_space<vmem>>
      tpu.enqueue_dma source(%dma_start3A_867 : memref<8x128xf32, #tpu.memory_space<vmem>>) target(%dma_start3A_864 : memref<8x128xf32, #tpu.memory_space<hbm>>) target_semaphore(%arg15 : memref<!tpu.dma_semaphore, #tpu.memory_space<semaphore_mem>>)
      %dma_start3A_868 = arith.constant 5 : i32
      %dma_start3A_869 = arith.constant 40 : i32
      %dma_start3A_870 = arith.constant 0 : i32
      %dma_start3A_871 = tpu.memref_slice %arg11[%dma_start3A_869, %dma_start3A_870] : memref<64x136xf32, #tpu.memory_space<vmem>> -> memref<8x128xf32, #tpu.memory_space<vmem>>
      %dma_start3A_872 = arith.constant 0 : i32
      %dma_start3A_873 = arith.constant 0 : i32
      %dma_start3A_874 = tpu.memref_slice %arg4[%select_n3A_758, %dma_start3A_868, %select_n3A_774, %dma_start3A_872, %dma_start3A_873] : memref<20x8x128x8x128xf32, #tpu.memory_space<hbm>> -> memref<1x1x1x8x128xf32, #tpu.memory_space<hbm>>
      %dma_start3A_875 = tpu.memref_squeeze %dma_start3A_874 : memref<1x1x1x8x128xf32, #tpu.memory_space<hbm>> -> memref<8x128xf32, #tpu.memory_space<hbm>>
      %dma_start3A_876 = arith.constant 0 : i32
      %dma_start3A_877 = arith.constant 0 : i32
      %dma_start3A_878 = tpu.memref_slice %arg4[%select_n3A_758, %dma_start3A_868, %select_n3A_774, %dma_start3A_876, %dma_start3A_877] : memref<20x8x128x8x128xf32, #tpu.memory_space<hbm>> -> memref<1x1x1x8x128xf32, #tpu.memory_space<hbm>>
      %dma_start3A_879 = tpu.memref_squeeze %dma_start3A_878 : memref<1x1x1x8x128xf32, #tpu.memory_space<hbm>> -> memref<8x128xf32, #tpu.memory_space<hbm>>
      %dma_start3A_880 = arith.constant 40 : i32
      %dma_start3A_881 = arith.constant 0 : i32
      %dma_start3A_882 = tpu.memref_slice %arg11[%dma_start3A_880, %dma_start3A_881] : memref<64x136xf32, #tpu.memory_space<vmem>> -> memref<8x128xf32, #tpu.memory_space<vmem>>
      tpu.enqueue_dma source(%dma_start3A_882 : memref<8x128xf32, #tpu.memory_space<vmem>>) target(%dma_start3A_879 : memref<8x128xf32, #tpu.memory_space<hbm>>) target_semaphore(%arg15 : memref<!tpu.dma_semaphore, #tpu.memory_space<semaphore_mem>>)
      %dma_start3A_883 = arith.constant 6 : i32
      %dma_start3A_884 = arith.constant 48 : i32
      %dma_start3A_885 = arith.constant 0 : i32
      %dma_start3A_886 = tpu.memref_slice %arg11[%dma_start3A_884, %dma_start3A_885] : memref<64x136xf32, #tpu.memory_space<vmem>> -> memref<8x128xf32, #tpu.memory_space<vmem>>
      %dma_start3A_887 = arith.constant 0 : i32
      %dma_start3A_888 = arith.constant 0 : i32
      %dma_start3A_889 = tpu.memref_slice %arg4[%select_n3A_758, %dma_start3A_883, %select_n3A_774, %dma_start3A_887, %dma_start3A_888] : memref<20x8x128x8x128xf32, #tpu.memory_space<hbm>> -> memref<1x1x1x8x128xf32, #tpu.memory_space<hbm>>
      %dma_start3A_890 = tpu.memref_squeeze %dma_start3A_889 : memref<1x1x1x8x128xf32, #tpu.memory_space<hbm>> -> memref<8x128xf32, #tpu.memory_space<hbm>>
      %dma_start3A_891 = arith.constant 0 : i32
      %dma_start3A_892 = arith.constant 0 : i32
      %dma_start3A_893 = tpu.memref_slice %arg4[%select_n3A_758, %dma_start3A_883, %select_n3A_774, %dma_start3A_891, %dma_start3A_892] : memref<20x8x128x8x128xf32, #tpu.memory_space<hbm>> -> memref<1x1x1x8x128xf32, #tpu.memory_space<hbm>>
      %dma_start3A_894 = tpu.memref_squeeze %dma_start3A_893 : memref<1x1x1x8x128xf32, #tpu.memory_space<hbm>> -> memref<8x128xf32, #tpu.memory_space<hbm>>
      %dma_start3A_895 = arith.constant 48 : i32
      %dma_start3A_896 = arith.constant 0 : i32
      %dma_start3A_897 = tpu.memref_slice %arg11[%dma_start3A_895, %dma_start3A_896] : memref<64x136xf32, #tpu.memory_space<vmem>> -> memref<8x128xf32, #tpu.memory_space<vmem>>
      tpu.enqueue_dma source(%dma_start3A_897 : memref<8x128xf32, #tpu.memory_space<vmem>>) target(%dma_start3A_894 : memref<8x128xf32, #tpu.memory_space<hbm>>) target_semaphore(%arg15 : memref<!tpu.dma_semaphore, #tpu.memory_space<semaphore_mem>>)
      %dma_start3A_898 = arith.constant 7 : i32
      %dma_start3A_899 = arith.constant 56 : i32
      %dma_start3A_900 = arith.constant 0 : i32
      %dma_start3A_901 = tpu.memref_slice %arg11[%dma_start3A_899, %dma_start3A_900] : memref<64x136xf32, #tpu.memory_space<vmem>> -> memref<8x128xf32, #tpu.memory_space<vmem>>
      %dma_start3A_902 = arith.constant 0 : i32
      %dma_start3A_903 = arith.constant 0 : i32
      %dma_start3A_904 = tpu.memref_slice %arg4[%select_n3A_758, %dma_start3A_898, %select_n3A_774, %dma_start3A_902, %dma_start3A_903] : memref<20x8x128x8x128xf32, #tpu.memory_space<hbm>> -> memref<1x1x1x8x128xf32, #tpu.memory_space<hbm>>
      %dma_start3A_905 = tpu.memref_squeeze %dma_start3A_904 : memref<1x1x1x8x128xf32, #tpu.memory_space<hbm>> -> memref<8x128xf32, #tpu.memory_space<hbm>>
      %dma_start3A_906 = arith.constant 0 : i32
      %dma_start3A_907 = arith.constant 0 : i32
      %dma_start3A_908 = tpu.memref_slice %arg4[%select_n3A_758, %dma_start3A_898, %select_n3A_774, %dma_start3A_906, %dma_start3A_907] : memref<20x8x128x8x128xf32, #tpu.memory_space<hbm>> -> memref<1x1x1x8x128xf32, #tpu.memory_space<hbm>>
      %dma_start3A_909 = tpu.memref_squeeze %dma_start3A_908 : memref<1x1x1x8x128xf32, #tpu.memory_space<hbm>> -> memref<8x128xf32, #tpu.memory_space<hbm>>
      %dma_start3A_910 = arith.constant 56 : i32
      %dma_start3A_911 = arith.constant 0 : i32
      %dma_start3A_912 = tpu.memref_slice %arg11[%dma_start3A_910, %dma_start3A_911] : memref<64x136xf32, #tpu.memory_space<vmem>> -> memref<8x128xf32, #tpu.memory_space<vmem>>
      tpu.enqueue_dma source(%dma_start3A_912 : memref<8x128xf32, #tpu.memory_space<vmem>>) target(%dma_start3A_909 : memref<8x128xf32, #tpu.memory_space<hbm>>) target_semaphore(%arg15 : memref<!tpu.dma_semaphore, #tpu.memory_space<semaphore_mem>>)
    }
    %scan3A_210 = arith.constant 40 : i32
    %mul3A_211 = arith.constant 80 : i32
    %mul3A_212 = arith.muli %add3A, %mul3A_211 : i32
    %add3A_213 = arith.constant 80 : i32
    %add3A_214 = arith.addi %mul3A_212, %add3A_213 : i32
    %sub3A_215 = arith.constant 2 : i32
    %sub3A_216 = arith.subi %add3A_214, %sub3A_215 : i32
    %add3A_217 = arith.constant 0 : i32
    %add3A_218 = arith.addi %sub3A_216, %add3A_217 : i32
    %jit3A_219 = arith.constant 128 : i32
    %div3A_220 = arith.divsi %add3A_218, %jit3A_219 : i32
    %sign3A_221 = arith.constant 0 : i32
    %sign3A_222 = arith.cmpi sgt, %add3A_218, %sign3A_221 : i32
    %sign3A_223 = arith.extui %sign3A_222 : i1 to i32
    %sign3A_224 = arith.constant 0 : i32
    %sign3A_225 = arith.cmpi slt, %add3A_218, %sign3A_224 : i32
    %sign3A_226 = arith.extui %sign3A_225 : i1 to i32
    %sign3A_227 = arith.subi %sign3A_223, %sign3A_226 : i32
    %sign3A_228 = arith.constant 0 : i32
    %sign3A_229 = arith.cmpi sgt, %jit3A_219, %sign3A_228 : i32
    %sign3A_230 = arith.extui %sign3A_229 : i1 to i32
    %sign3A_231 = arith.constant 0 : i32
    %sign3A_232 = arith.cmpi slt, %jit3A_219, %sign3A_231 : i32
    %sign3A_233 = arith.extui %sign3A_232 : i1 to i32
    %sign3A_234 = arith.subi %sign3A_230, %sign3A_233 : i32
    %ne3A_235 = arith.cmpi ne, %sign3A_227, %sign3A_234 : i32
    %rem3A_236 = arith.remsi %add3A_218, %jit3A_219 : i32
    %ne3A_237 = arith.constant 0 : i32
    %ne3A_238 = arith.cmpi ne, %rem3A_236, %ne3A_237 : i32
    %and3A_239 = arith.andi %ne3A_235, %ne3A_238 : i1
    %sub3A_240 = arith.constant 1 : i32
    %sub3A_241 = arith.subi %div3A_220, %sub3A_240 : i32
    %select_n3A_242 = arith.select %and3A_239, %sub3A_241, %div3A_220 : i32
    %jit3A_243 = arith.constant 128 : i32
    %eq3A_244 = arith.constant 0 : i32
    %eq3A_245 = arith.cmpi eq, %jit3A_243, %eq3A_244 : i32
    %jit3A_246 = arith.constant 1 : i32
    %select_n3A_247 = arith.select %eq3A_245, %jit3A_246, %jit3A_243 : i32
    %rem3A_248 = arith.remsi %add3A_218, %select_n3A_247 : i32
    %ne3A_249 = arith.constant 0 : i32
    %ne3A_250 = arith.cmpi ne, %rem3A_248, %ne3A_249 : i32
    %lt3A_251 = arith.constant 0 : i32
    %lt3A_252 = arith.cmpi slt, %rem3A_248, %lt3A_251 : i32
    %lt3A_253 = arith.constant 0 : i32
    %lt3A_254 = arith.cmpi slt, %select_n3A_247, %lt3A_253 : i32
    %ne3A_255 = arith.xori %lt3A_252, %lt3A_254 : i1
    %and3A_256 = arith.andi %ne3A_255, %ne3A_250 : i1
    %add3A_257 = arith.addi %rem3A_248, %select_n3A_247 : i32
    %select_n3A_258 = arith.select %and3A_256, %add3A_257, %rem3A_248 : i32
    %dma_wait3A = arith.constant 0 : i32
    %dma_wait3A_259 = arith.constant 0 : i32
    %dma_wait3A_260 = arith.constant 0 : i32
    %dma_wait3A_261 = tpu.memref_slice %arg10[%dma_wait3A_259, %dma_wait3A_260] : memref<64x136xf32, #tpu.memory_space<vmem>> -> memref<8x128xf32, #tpu.memory_space<vmem>>
    %dma_wait3A_262 = arith.constant 0 : i32
    %dma_wait3A_263 = arith.constant 0 : i32
    %dma_wait3A_264 = tpu.memref_slice %arg4[%select_n3A_242, %dma_wait3A, %select_n3A_258, %dma_wait3A_262, %dma_wait3A_263] : memref<20x8x128x8x128xf32, #tpu.memory_space<hbm>> -> memref<1x1x1x8x128xf32, #tpu.memory_space<hbm>>
    %dma_wait3A_265 = tpu.memref_squeeze %dma_wait3A_264 : memref<1x1x1x8x128xf32, #tpu.memory_space<hbm>> -> memref<8x128xf32, #tpu.memory_space<hbm>>
    %dma_wait3A_266 = arith.constant 0 : i32
    %dma_wait3A_267 = arith.constant 0 : i32
    %dma_wait3A_268 = tpu.memref_slice %arg4[%select_n3A_242, %dma_wait3A, %select_n3A_258, %dma_wait3A_266, %dma_wait3A_267] : memref<20x8x128x8x128xf32, #tpu.memory_space<hbm>> -> memref<1x1x1x8x128xf32, #tpu.memory_space<hbm>>
    %dma_wait3A_269 = tpu.memref_squeeze %dma_wait3A_268 : memref<1x1x1x8x128xf32, #tpu.memory_space<hbm>> -> memref<8x128xf32, #tpu.memory_space<hbm>>
    %dma_wait3A_270 = arith.constant 0 : i32
    %dma_wait3A_271 = arith.constant 0 : i32
    %dma_wait3A_272 = tpu.memref_slice %arg10[%dma_wait3A_270, %dma_wait3A_271] : memref<64x136xf32, #tpu.memory_space<vmem>> -> memref<8x128xf32, #tpu.memory_space<vmem>>
    tpu.wait_dma2 semaphore(%arg14 : memref<!tpu.dma_semaphore, #tpu.memory_space<semaphore_mem>>) src(%dma_wait3A_272 : memref<8x128xf32, #tpu.memory_space<vmem>>) dst(%dma_wait3A_269 : memref<8x128xf32, #tpu.memory_space<hbm>>)
    %dma_wait3A_273 = arith.constant 1 : i32
    %dma_wait3A_274 = arith.constant 8 : i32
    %dma_wait3A_275 = arith.constant 0 : i32
    %dma_wait3A_276 = tpu.memref_slice %arg10[%dma_wait3A_274, %dma_wait3A_275] : memref<64x136xf32, #tpu.memory_space<vmem>> -> memref<8x128xf32, #tpu.memory_space<vmem>>
    %dma_wait3A_277 = arith.constant 0 : i32
    %dma_wait3A_278 = arith.constant 0 : i32
    %dma_wait3A_279 = tpu.memref_slice %arg4[%select_n3A_242, %dma_wait3A_273, %select_n3A_258, %dma_wait3A_277, %dma_wait3A_278] : memref<20x8x128x8x128xf32, #tpu.memory_space<hbm>> -> memref<1x1x1x8x128xf32, #tpu.memory_space<hbm>>
    %dma_wait3A_280 = tpu.memref_squeeze %dma_wait3A_279 : memref<1x1x1x8x128xf32, #tpu.memory_space<hbm>> -> memref<8x128xf32, #tpu.memory_space<hbm>>
    %dma_wait3A_281 = arith.constant 0 : i32
    %dma_wait3A_282 = arith.constant 0 : i32
    %dma_wait3A_283 = tpu.memref_slice %arg4[%select_n3A_242, %dma_wait3A_273, %select_n3A_258, %dma_wait3A_281, %dma_wait3A_282] : memref<20x8x128x8x128xf32, #tpu.memory_space<hbm>> -> memref<1x1x1x8x128xf32, #tpu.memory_space<hbm>>
    %dma_wait3A_284 = tpu.memref_squeeze %dma_wait3A_283 : memref<1x1x1x8x128xf32, #tpu.memory_space<hbm>> -> memref<8x128xf32, #tpu.memory_space<hbm>>
    %dma_wait3A_285 = arith.constant 8 : i32
    %dma_wait3A_286 = arith.constant 0 : i32
    %dma_wait3A_287 = tpu.memref_slice %arg10[%dma_wait3A_285, %dma_wait3A_286] : memref<64x136xf32, #tpu.memory_space<vmem>> -> memref<8x128xf32, #tpu.memory_space<vmem>>
    tpu.wait_dma2 semaphore(%arg14 : memref<!tpu.dma_semaphore, #tpu.memory_space<semaphore_mem>>) src(%dma_wait3A_287 : memref<8x128xf32, #tpu.memory_space<vmem>>) dst(%dma_wait3A_284 : memref<8x128xf32, #tpu.memory_space<hbm>>)
    %dma_wait3A_288 = arith.constant 2 : i32
    %dma_wait3A_289 = arith.constant 16 : i32
    %dma_wait3A_290 = arith.constant 0 : i32
    %dma_wait3A_291 = tpu.memref_slice %arg10[%dma_wait3A_289, %dma_wait3A_290] : memref<64x136xf32, #tpu.memory_space<vmem>> -> memref<8x128xf32, #tpu.memory_space<vmem>>
    %dma_wait3A_292 = arith.constant 0 : i32
    %dma_wait3A_293 = arith.constant 0 : i32
    %dma_wait3A_294 = tpu.memref_slice %arg4[%select_n3A_242, %dma_wait3A_288, %select_n3A_258, %dma_wait3A_292, %dma_wait3A_293] : memref<20x8x128x8x128xf32, #tpu.memory_space<hbm>> -> memref<1x1x1x8x128xf32, #tpu.memory_space<hbm>>
    %dma_wait3A_295 = tpu.memref_squeeze %dma_wait3A_294 : memref<1x1x1x8x128xf32, #tpu.memory_space<hbm>> -> memref<8x128xf32, #tpu.memory_space<hbm>>
    %dma_wait3A_296 = arith.constant 0 : i32
    %dma_wait3A_297 = arith.constant 0 : i32
    %dma_wait3A_298 = tpu.memref_slice %arg4[%select_n3A_242, %dma_wait3A_288, %select_n3A_258, %dma_wait3A_296, %dma_wait3A_297] : memref<20x8x128x8x128xf32, #tpu.memory_space<hbm>> -> memref<1x1x1x8x128xf32, #tpu.memory_space<hbm>>
    %dma_wait3A_299 = tpu.memref_squeeze %dma_wait3A_298 : memref<1x1x1x8x128xf32, #tpu.memory_space<hbm>> -> memref<8x128xf32, #tpu.memory_space<hbm>>
    %dma_wait3A_300 = arith.constant 16 : i32
    %dma_wait3A_301 = arith.constant 0 : i32
    %dma_wait3A_302 = tpu.memref_slice %arg10[%dma_wait3A_300, %dma_wait3A_301] : memref<64x136xf32, #tpu.memory_space<vmem>> -> memref<8x128xf32, #tpu.memory_space<vmem>>
    tpu.wait_dma2 semaphore(%arg14 : memref<!tpu.dma_semaphore, #tpu.memory_space<semaphore_mem>>) src(%dma_wait3A_302 : memref<8x128xf32, #tpu.memory_space<vmem>>) dst(%dma_wait3A_299 : memref<8x128xf32, #tpu.memory_space<hbm>>)
    %dma_wait3A_303 = arith.constant 3 : i32
    %dma_wait3A_304 = arith.constant 24 : i32
    %dma_wait3A_305 = arith.constant 0 : i32
    %dma_wait3A_306 = tpu.memref_slice %arg10[%dma_wait3A_304, %dma_wait3A_305] : memref<64x136xf32, #tpu.memory_space<vmem>> -> memref<8x128xf32, #tpu.memory_space<vmem>>
    %dma_wait3A_307 = arith.constant 0 : i32
    %dma_wait3A_308 = arith.constant 0 : i32
    %dma_wait3A_309 = tpu.memref_slice %arg4[%select_n3A_242, %dma_wait3A_303, %select_n3A_258, %dma_wait3A_307, %dma_wait3A_308] : memref<20x8x128x8x128xf32, #tpu.memory_space<hbm>> -> memref<1x1x1x8x128xf32, #tpu.memory_space<hbm>>
    %dma_wait3A_310 = tpu.memref_squeeze %dma_wait3A_309 : memref<1x1x1x8x128xf32, #tpu.memory_space<hbm>> -> memref<8x128xf32, #tpu.memory_space<hbm>>
    %dma_wait3A_311 = arith.constant 0 : i32
    %dma_wait3A_312 = arith.constant 0 : i32
    %dma_wait3A_313 = tpu.memref_slice %arg4[%select_n3A_242, %dma_wait3A_303, %select_n3A_258, %dma_wait3A_311, %dma_wait3A_312] : memref<20x8x128x8x128xf32, #tpu.memory_space<hbm>> -> memref<1x1x1x8x128xf32, #tpu.memory_space<hbm>>
    %dma_wait3A_314 = tpu.memref_squeeze %dma_wait3A_313 : memref<1x1x1x8x128xf32, #tpu.memory_space<hbm>> -> memref<8x128xf32, #tpu.memory_space<hbm>>
    %dma_wait3A_315 = arith.constant 24 : i32
    %dma_wait3A_316 = arith.constant 0 : i32
    %dma_wait3A_317 = tpu.memref_slice %arg10[%dma_wait3A_315, %dma_wait3A_316] : memref<64x136xf32, #tpu.memory_space<vmem>> -> memref<8x128xf32, #tpu.memory_space<vmem>>
    tpu.wait_dma2 semaphore(%arg14 : memref<!tpu.dma_semaphore, #tpu.memory_space<semaphore_mem>>) src(%dma_wait3A_317 : memref<8x128xf32, #tpu.memory_space<vmem>>) dst(%dma_wait3A_314 : memref<8x128xf32, #tpu.memory_space<hbm>>)
    %dma_wait3A_318 = arith.constant 4 : i32
    %dma_wait3A_319 = arith.constant 32 : i32
    %dma_wait3A_320 = arith.constant 0 : i32
    %dma_wait3A_321 = tpu.memref_slice %arg10[%dma_wait3A_319, %dma_wait3A_320] : memref<64x136xf32, #tpu.memory_space<vmem>> -> memref<8x128xf32, #tpu.memory_space<vmem>>
    %dma_wait3A_322 = arith.constant 0 : i32
    %dma_wait3A_323 = arith.constant 0 : i32
    %dma_wait3A_324 = tpu.memref_slice %arg4[%select_n3A_242, %dma_wait3A_318, %select_n3A_258, %dma_wait3A_322, %dma_wait3A_323] : memref<20x8x128x8x128xf32, #tpu.memory_space<hbm>> -> memref<1x1x1x8x128xf32, #tpu.memory_space<hbm>>
    %dma_wait3A_325 = tpu.memref_squeeze %dma_wait3A_324 : memref<1x1x1x8x128xf32, #tpu.memory_space<hbm>> -> memref<8x128xf32, #tpu.memory_space<hbm>>
    %dma_wait3A_326 = arith.constant 0 : i32
    %dma_wait3A_327 = arith.constant 0 : i32
    %dma_wait3A_328 = tpu.memref_slice %arg4[%select_n3A_242, %dma_wait3A_318, %select_n3A_258, %dma_wait3A_326, %dma_wait3A_327] : memref<20x8x128x8x128xf32, #tpu.memory_space<hbm>> -> memref<1x1x1x8x128xf32, #tpu.memory_space<hbm>>
    %dma_wait3A_329 = tpu.memref_squeeze %dma_wait3A_328 : memref<1x1x1x8x128xf32, #tpu.memory_space<hbm>> -> memref<8x128xf32, #tpu.memory_space<hbm>>
    %dma_wait3A_330 = arith.constant 32 : i32
    %dma_wait3A_331 = arith.constant 0 : i32
    %dma_wait3A_332 = tpu.memref_slice %arg10[%dma_wait3A_330, %dma_wait3A_331] : memref<64x136xf32, #tpu.memory_space<vmem>> -> memref<8x128xf32, #tpu.memory_space<vmem>>
    tpu.wait_dma2 semaphore(%arg14 : memref<!tpu.dma_semaphore, #tpu.memory_space<semaphore_mem>>) src(%dma_wait3A_332 : memref<8x128xf32, #tpu.memory_space<vmem>>) dst(%dma_wait3A_329 : memref<8x128xf32, #tpu.memory_space<hbm>>)
    %dma_wait3A_333 = arith.constant 5 : i32
    %dma_wait3A_334 = arith.constant 40 : i32
    %dma_wait3A_335 = arith.constant 0 : i32
    %dma_wait3A_336 = tpu.memref_slice %arg10[%dma_wait3A_334, %dma_wait3A_335] : memref<64x136xf32, #tpu.memory_space<vmem>> -> memref<8x128xf32, #tpu.memory_space<vmem>>
    %dma_wait3A_337 = arith.constant 0 : i32
    %dma_wait3A_338 = arith.constant 0 : i32
    %dma_wait3A_339 = tpu.memref_slice %arg4[%select_n3A_242, %dma_wait3A_333, %select_n3A_258, %dma_wait3A_337, %dma_wait3A_338] : memref<20x8x128x8x128xf32, #tpu.memory_space<hbm>> -> memref<1x1x1x8x128xf32, #tpu.memory_space<hbm>>
    %dma_wait3A_340 = tpu.memref_squeeze %dma_wait3A_339 : memref<1x1x1x8x128xf32, #tpu.memory_space<hbm>> -> memref<8x128xf32, #tpu.memory_space<hbm>>
    %dma_wait3A_341 = arith.constant 0 : i32
    %dma_wait3A_342 = arith.constant 0 : i32
    %dma_wait3A_343 = tpu.memref_slice %arg4[%select_n3A_242, %dma_wait3A_333, %select_n3A_258, %dma_wait3A_341, %dma_wait3A_342] : memref<20x8x128x8x128xf32, #tpu.memory_space<hbm>> -> memref<1x1x1x8x128xf32, #tpu.memory_space<hbm>>
    %dma_wait3A_344 = tpu.memref_squeeze %dma_wait3A_343 : memref<1x1x1x8x128xf32, #tpu.memory_space<hbm>> -> memref<8x128xf32, #tpu.memory_space<hbm>>
    %dma_wait3A_345 = arith.constant 40 : i32
    %dma_wait3A_346 = arith.constant 0 : i32
    %dma_wait3A_347 = tpu.memref_slice %arg10[%dma_wait3A_345, %dma_wait3A_346] : memref<64x136xf32, #tpu.memory_space<vmem>> -> memref<8x128xf32, #tpu.memory_space<vmem>>
    tpu.wait_dma2 semaphore(%arg14 : memref<!tpu.dma_semaphore, #tpu.memory_space<semaphore_mem>>) src(%dma_wait3A_347 : memref<8x128xf32, #tpu.memory_space<vmem>>) dst(%dma_wait3A_344 : memref<8x128xf32, #tpu.memory_space<hbm>>)
    %dma_wait3A_348 = arith.constant 6 : i32
    %dma_wait3A_349 = arith.constant 48 : i32
    %dma_wait3A_350 = arith.constant 0 : i32
    %dma_wait3A_351 = tpu.memref_slice %arg10[%dma_wait3A_349, %dma_wait3A_350] : memref<64x136xf32, #tpu.memory_space<vmem>> -> memref<8x128xf32, #tpu.memory_space<vmem>>
    %dma_wait3A_352 = arith.constant 0 : i32
    %dma_wait3A_353 = arith.constant 0 : i32
    %dma_wait3A_354 = tpu.memref_slice %arg4[%select_n3A_242, %dma_wait3A_348, %select_n3A_258, %dma_wait3A_352, %dma_wait3A_353] : memref<20x8x128x8x128xf32, #tpu.memory_space<hbm>> -> memref<1x1x1x8x128xf32, #tpu.memory_space<hbm>>
    %dma_wait3A_355 = tpu.memref_squeeze %dma_wait3A_354 : memref<1x1x1x8x128xf32, #tpu.memory_space<hbm>> -> memref<8x128xf32, #tpu.memory_space<hbm>>
    %dma_wait3A_356 = arith.constant 0 : i32
    %dma_wait3A_357 = arith.constant 0 : i32
    %dma_wait3A_358 = tpu.memref_slice %arg4[%select_n3A_242, %dma_wait3A_348, %select_n3A_258, %dma_wait3A_356, %dma_wait3A_357] : memref<20x8x128x8x128xf32, #tpu.memory_space<hbm>> -> memref<1x1x1x8x128xf32, #tpu.memory_space<hbm>>
    %dma_wait3A_359 = tpu.memref_squeeze %dma_wait3A_358 : memref<1x1x1x8x128xf32, #tpu.memory_space<hbm>> -> memref<8x128xf32, #tpu.memory_space<hbm>>
    %dma_wait3A_360 = arith.constant 48 : i32
    %dma_wait3A_361 = arith.constant 0 : i32
    %dma_wait3A_362 = tpu.memref_slice %arg10[%dma_wait3A_360, %dma_wait3A_361] : memref<64x136xf32, #tpu.memory_space<vmem>> -> memref<8x128xf32, #tpu.memory_space<vmem>>
    tpu.wait_dma2 semaphore(%arg14 : memref<!tpu.dma_semaphore, #tpu.memory_space<semaphore_mem>>) src(%dma_wait3A_362 : memref<8x128xf32, #tpu.memory_space<vmem>>) dst(%dma_wait3A_359 : memref<8x128xf32, #tpu.memory_space<hbm>>)
    %dma_wait3A_363 = arith.constant 7 : i32
    %dma_wait3A_364 = arith.constant 56 : i32
    %dma_wait3A_365 = arith.constant 0 : i32
    %dma_wait3A_366 = tpu.memref_slice %arg10[%dma_wait3A_364, %dma_wait3A_365] : memref<64x136xf32, #tpu.memory_space<vmem>> -> memref<8x128xf32, #tpu.memory_space<vmem>>
    %dma_wait3A_367 = arith.constant 0 : i32
    %dma_wait3A_368 = arith.constant 0 : i32
    %dma_wait3A_369 = tpu.memref_slice %arg4[%select_n3A_242, %dma_wait3A_363, %select_n3A_258, %dma_wait3A_367, %dma_wait3A_368] : memref<20x8x128x8x128xf32, #tpu.memory_space<hbm>> -> memref<1x1x1x8x128xf32, #tpu.memory_space<hbm>>
    %dma_wait3A_370 = tpu.memref_squeeze %dma_wait3A_369 : memref<1x1x1x8x128xf32, #tpu.memory_space<hbm>> -> memref<8x128xf32, #tpu.memory_space<hbm>>
    %dma_wait3A_371 = arith.constant 0 : i32
    %dma_wait3A_372 = arith.constant 0 : i32
    %dma_wait3A_373 = tpu.memref_slice %arg4[%select_n3A_242, %dma_wait3A_363, %select_n3A_258, %dma_wait3A_371, %dma_wait3A_372] : memref<20x8x128x8x128xf32, #tpu.memory_space<hbm>> -> memref<1x1x1x8x128xf32, #tpu.memory_space<hbm>>
    %dma_wait3A_374 = tpu.memref_squeeze %dma_wait3A_373 : memref<1x1x1x8x128xf32, #tpu.memory_space<hbm>> -> memref<8x128xf32, #tpu.memory_space<hbm>>
    %dma_wait3A_375 = arith.constant 56 : i32
    %dma_wait3A_376 = arith.constant 0 : i32
    %dma_wait3A_377 = tpu.memref_slice %arg10[%dma_wait3A_375, %dma_wait3A_376] : memref<64x136xf32, #tpu.memory_space<vmem>> -> memref<8x128xf32, #tpu.memory_space<vmem>>
    tpu.wait_dma2 semaphore(%arg14 : memref<!tpu.dma_semaphore, #tpu.memory_space<semaphore_mem>>) src(%dma_wait3A_377 : memref<8x128xf32, #tpu.memory_space<vmem>>) dst(%dma_wait3A_374 : memref<8x128xf32, #tpu.memory_space<hbm>>)
    %mul3A_378 = arith.constant 80 : i32
    %mul3A_379 = arith.muli %add3A, %mul3A_378 : i32
    %add3A_380 = arith.constant 80 : i32
    %add3A_381 = arith.addi %mul3A_379, %add3A_380 : i32
    %sub3A_382 = arith.constant 2 : i32
    %sub3A_383 = arith.subi %add3A_381, %sub3A_382 : i32
    %add3A_384 = arith.constant 1 : i32
    %add3A_385 = arith.addi %sub3A_383, %add3A_384 : i32
    %jit3A_386 = arith.constant 128 : i32
    %div3A_387 = arith.divsi %add3A_385, %jit3A_386 : i32
    %sign3A_388 = arith.constant 0 : i32
    %sign3A_389 = arith.cmpi sgt, %add3A_385, %sign3A_388 : i32
    %sign3A_390 = arith.extui %sign3A_389 : i1 to i32
    %sign3A_391 = arith.constant 0 : i32
    %sign3A_392 = arith.cmpi slt, %add3A_385, %sign3A_391 : i32
    %sign3A_393 = arith.extui %sign3A_392 : i1 to i32
    %sign3A_394 = arith.subi %sign3A_390, %sign3A_393 : i32
    %sign3A_395 = arith.constant 0 : i32
    %sign3A_396 = arith.cmpi sgt, %jit3A_386, %sign3A_395 : i32
    %sign3A_397 = arith.extui %sign3A_396 : i1 to i32
    %sign3A_398 = arith.constant 0 : i32
    %sign3A_399 = arith.cmpi slt, %jit3A_386, %sign3A_398 : i32
    %sign3A_400 = arith.extui %sign3A_399 : i1 to i32
    %sign3A_401 = arith.subi %sign3A_397, %sign3A_400 : i32
    %ne3A_402 = arith.cmpi ne, %sign3A_394, %sign3A_401 : i32
    %rem3A_403 = arith.remsi %add3A_385, %jit3A_386 : i32
    %ne3A_404 = arith.constant 0 : i32
    %ne3A_405 = arith.cmpi ne, %rem3A_403, %ne3A_404 : i32
    %and3A_406 = arith.andi %ne3A_402, %ne3A_405 : i1
    %sub3A_407 = arith.constant 1 : i32
    %sub3A_408 = arith.subi %div3A_387, %sub3A_407 : i32
    %select_n3A_409 = arith.select %and3A_406, %sub3A_408, %div3A_387 : i32
    %jit3A_410 = arith.constant 128 : i32
    %eq3A_411 = arith.constant 0 : i32
    %eq3A_412 = arith.cmpi eq, %jit3A_410, %eq3A_411 : i32
    %jit3A_413 = arith.constant 1 : i32
    %select_n3A_414 = arith.select %eq3A_412, %jit3A_413, %jit3A_410 : i32
    %rem3A_415 = arith.remsi %add3A_385, %select_n3A_414 : i32
    %ne3A_416 = arith.constant 0 : i32
    %ne3A_417 = arith.cmpi ne, %rem3A_415, %ne3A_416 : i32
    %lt3A_418 = arith.constant 0 : i32
    %lt3A_419 = arith.cmpi slt, %rem3A_415, %lt3A_418 : i32
    %lt3A_420 = arith.constant 0 : i32
    %lt3A_421 = arith.cmpi slt, %select_n3A_414, %lt3A_420 : i32
    %ne3A_422 = arith.xori %lt3A_419, %lt3A_421 : i1
    %and3A_423 = arith.andi %ne3A_422, %ne3A_417 : i1
    %add3A_424 = arith.addi %rem3A_415, %select_n3A_414 : i32
    %select_n3A_425 = arith.select %and3A_423, %add3A_424, %rem3A_415 : i32
    %dma_wait3A_426 = arith.constant 0 : i32
    %dma_wait3A_427 = arith.constant 0 : i32
    %dma_wait3A_428 = arith.constant 0 : i32
    %dma_wait3A_429 = tpu.memref_slice %arg11[%dma_wait3A_427, %dma_wait3A_428] : memref<64x136xf32, #tpu.memory_space<vmem>> -> memref<8x128xf32, #tpu.memory_space<vmem>>
    %dma_wait3A_430 = arith.constant 0 : i32
    %dma_wait3A_431 = arith.constant 0 : i32
    %dma_wait3A_432 = tpu.memref_slice %arg4[%select_n3A_409, %dma_wait3A_426, %select_n3A_425, %dma_wait3A_430, %dma_wait3A_431] : memref<20x8x128x8x128xf32, #tpu.memory_space<hbm>> -> memref<1x1x1x8x128xf32, #tpu.memory_space<hbm>>
    %dma_wait3A_433 = tpu.memref_squeeze %dma_wait3A_432 : memref<1x1x1x8x128xf32, #tpu.memory_space<hbm>> -> memref<8x128xf32, #tpu.memory_space<hbm>>
    %dma_wait3A_434 = arith.constant 0 : i32
    %dma_wait3A_435 = arith.constant 0 : i32
    %dma_wait3A_436 = tpu.memref_slice %arg4[%select_n3A_409, %dma_wait3A_426, %select_n3A_425, %dma_wait3A_434, %dma_wait3A_435] : memref<20x8x128x8x128xf32, #tpu.memory_space<hbm>> -> memref<1x1x1x8x128xf32, #tpu.memory_space<hbm>>
    %dma_wait3A_437 = tpu.memref_squeeze %dma_wait3A_436 : memref<1x1x1x8x128xf32, #tpu.memory_space<hbm>> -> memref<8x128xf32, #tpu.memory_space<hbm>>
    %dma_wait3A_438 = arith.constant 0 : i32
    %dma_wait3A_439 = arith.constant 0 : i32
    %dma_wait3A_440 = tpu.memref_slice %arg11[%dma_wait3A_438, %dma_wait3A_439] : memref<64x136xf32, #tpu.memory_space<vmem>> -> memref<8x128xf32, #tpu.memory_space<vmem>>
    tpu.wait_dma2 semaphore(%arg15 : memref<!tpu.dma_semaphore, #tpu.memory_space<semaphore_mem>>) src(%dma_wait3A_440 : memref<8x128xf32, #tpu.memory_space<vmem>>) dst(%dma_wait3A_437 : memref<8x128xf32, #tpu.memory_space<hbm>>)
    %dma_wait3A_441 = arith.constant 1 : i32
    %dma_wait3A_442 = arith.constant 8 : i32
    %dma_wait3A_443 = arith.constant 0 : i32
    %dma_wait3A_444 = tpu.memref_slice %arg11[%dma_wait3A_442, %dma_wait3A_443] : memref<64x136xf32, #tpu.memory_space<vmem>> -> memref<8x128xf32, #tpu.memory_space<vmem>>
    %dma_wait3A_445 = arith.constant 0 : i32
    %dma_wait3A_446 = arith.constant 0 : i32
    %dma_wait3A_447 = tpu.memref_slice %arg4[%select_n3A_409, %dma_wait3A_441, %select_n3A_425, %dma_wait3A_445, %dma_wait3A_446] : memref<20x8x128x8x128xf32, #tpu.memory_space<hbm>> -> memref<1x1x1x8x128xf32, #tpu.memory_space<hbm>>
    %dma_wait3A_448 = tpu.memref_squeeze %dma_wait3A_447 : memref<1x1x1x8x128xf32, #tpu.memory_space<hbm>> -> memref<8x128xf32, #tpu.memory_space<hbm>>
    %dma_wait3A_449 = arith.constant 0 : i32
    %dma_wait3A_450 = arith.constant 0 : i32
    %dma_wait3A_451 = tpu.memref_slice %arg4[%select_n3A_409, %dma_wait3A_441, %select_n3A_425, %dma_wait3A_449, %dma_wait3A_450] : memref<20x8x128x8x128xf32, #tpu.memory_space<hbm>> -> memref<1x1x1x8x128xf32, #tpu.memory_space<hbm>>
    %dma_wait3A_452 = tpu.memref_squeeze %dma_wait3A_451 : memref<1x1x1x8x128xf32, #tpu.memory_space<hbm>> -> memref<8x128xf32, #tpu.memory_space<hbm>>
    %dma_wait3A_453 = arith.constant 8 : i32
    %dma_wait3A_454 = arith.constant 0 : i32
    %dma_wait3A_455 = tpu.memref_slice %arg11[%dma_wait3A_453, %dma_wait3A_454] : memref<64x136xf32, #tpu.memory_space<vmem>> -> memref<8x128xf32, #tpu.memory_space<vmem>>
    tpu.wait_dma2 semaphore(%arg15 : memref<!tpu.dma_semaphore, #tpu.memory_space<semaphore_mem>>) src(%dma_wait3A_455 : memref<8x128xf32, #tpu.memory_space<vmem>>) dst(%dma_wait3A_452 : memref<8x128xf32, #tpu.memory_space<hbm>>)
    %dma_wait3A_456 = arith.constant 2 : i32
    %dma_wait3A_457 = arith.constant 16 : i32
    %dma_wait3A_458 = arith.constant 0 : i32
    %dma_wait3A_459 = tpu.memref_slice %arg11[%dma_wait3A_457, %dma_wait3A_458] : memref<64x136xf32, #tpu.memory_space<vmem>> -> memref<8x128xf32, #tpu.memory_space<vmem>>
    %dma_wait3A_460 = arith.constant 0 : i32
    %dma_wait3A_461 = arith.constant 0 : i32
    %dma_wait3A_462 = tpu.memref_slice %arg4[%select_n3A_409, %dma_wait3A_456, %select_n3A_425, %dma_wait3A_460, %dma_wait3A_461] : memref<20x8x128x8x128xf32, #tpu.memory_space<hbm>> -> memref<1x1x1x8x128xf32, #tpu.memory_space<hbm>>
    %dma_wait3A_463 = tpu.memref_squeeze %dma_wait3A_462 : memref<1x1x1x8x128xf32, #tpu.memory_space<hbm>> -> memref<8x128xf32, #tpu.memory_space<hbm>>
    %dma_wait3A_464 = arith.constant 0 : i32
    %dma_wait3A_465 = arith.constant 0 : i32
    %dma_wait3A_466 = tpu.memref_slice %arg4[%select_n3A_409, %dma_wait3A_456, %select_n3A_425, %dma_wait3A_464, %dma_wait3A_465] : memref<20x8x128x8x128xf32, #tpu.memory_space<hbm>> -> memref<1x1x1x8x128xf32, #tpu.memory_space<hbm>>
    %dma_wait3A_467 = tpu.memref_squeeze %dma_wait3A_466 : memref<1x1x1x8x128xf32, #tpu.memory_space<hbm>> -> memref<8x128xf32, #tpu.memory_space<hbm>>
    %dma_wait3A_468 = arith.constant 16 : i32
    %dma_wait3A_469 = arith.constant 0 : i32
    %dma_wait3A_470 = tpu.memref_slice %arg11[%dma_wait3A_468, %dma_wait3A_469] : memref<64x136xf32, #tpu.memory_space<vmem>> -> memref<8x128xf32, #tpu.memory_space<vmem>>
    tpu.wait_dma2 semaphore(%arg15 : memref<!tpu.dma_semaphore, #tpu.memory_space<semaphore_mem>>) src(%dma_wait3A_470 : memref<8x128xf32, #tpu.memory_space<vmem>>) dst(%dma_wait3A_467 : memref<8x128xf32, #tpu.memory_space<hbm>>)
    %dma_wait3A_471 = arith.constant 3 : i32
    %dma_wait3A_472 = arith.constant 24 : i32
    %dma_wait3A_473 = arith.constant 0 : i32
    %dma_wait3A_474 = tpu.memref_slice %arg11[%dma_wait3A_472, %dma_wait3A_473] : memref<64x136xf32, #tpu.memory_space<vmem>> -> memref<8x128xf32, #tpu.memory_space<vmem>>
    %dma_wait3A_475 = arith.constant 0 : i32
    %dma_wait3A_476 = arith.constant 0 : i32
    %dma_wait3A_477 = tpu.memref_slice %arg4[%select_n3A_409, %dma_wait3A_471, %select_n3A_425, %dma_wait3A_475, %dma_wait3A_476] : memref<20x8x128x8x128xf32, #tpu.memory_space<hbm>> -> memref<1x1x1x8x128xf32, #tpu.memory_space<hbm>>
    %dma_wait3A_478 = tpu.memref_squeeze %dma_wait3A_477 : memref<1x1x1x8x128xf32, #tpu.memory_space<hbm>> -> memref<8x128xf32, #tpu.memory_space<hbm>>
    %dma_wait3A_479 = arith.constant 0 : i32
    %dma_wait3A_480 = arith.constant 0 : i32
    %dma_wait3A_481 = tpu.memref_slice %arg4[%select_n3A_409, %dma_wait3A_471, %select_n3A_425, %dma_wait3A_479, %dma_wait3A_480] : memref<20x8x128x8x128xf32, #tpu.memory_space<hbm>> -> memref<1x1x1x8x128xf32, #tpu.memory_space<hbm>>
    %dma_wait3A_482 = tpu.memref_squeeze %dma_wait3A_481 : memref<1x1x1x8x128xf32, #tpu.memory_space<hbm>> -> memref<8x128xf32, #tpu.memory_space<hbm>>
    %dma_wait3A_483 = arith.constant 24 : i32
    %dma_wait3A_484 = arith.constant 0 : i32
    %dma_wait3A_485 = tpu.memref_slice %arg11[%dma_wait3A_483, %dma_wait3A_484] : memref<64x136xf32, #tpu.memory_space<vmem>> -> memref<8x128xf32, #tpu.memory_space<vmem>>
    tpu.wait_dma2 semaphore(%arg15 : memref<!tpu.dma_semaphore, #tpu.memory_space<semaphore_mem>>) src(%dma_wait3A_485 : memref<8x128xf32, #tpu.memory_space<vmem>>) dst(%dma_wait3A_482 : memref<8x128xf32, #tpu.memory_space<hbm>>)
    %dma_wait3A_486 = arith.constant 4 : i32
    %dma_wait3A_487 = arith.constant 32 : i32
    %dma_wait3A_488 = arith.constant 0 : i32
    %dma_wait3A_489 = tpu.memref_slice %arg11[%dma_wait3A_487, %dma_wait3A_488] : memref<64x136xf32, #tpu.memory_space<vmem>> -> memref<8x128xf32, #tpu.memory_space<vmem>>
    %dma_wait3A_490 = arith.constant 0 : i32
    %dma_wait3A_491 = arith.constant 0 : i32
    %dma_wait3A_492 = tpu.memref_slice %arg4[%select_n3A_409, %dma_wait3A_486, %select_n3A_425, %dma_wait3A_490, %dma_wait3A_491] : memref<20x8x128x8x128xf32, #tpu.memory_space<hbm>> -> memref<1x1x1x8x128xf32, #tpu.memory_space<hbm>>
    %dma_wait3A_493 = tpu.memref_squeeze %dma_wait3A_492 : memref<1x1x1x8x128xf32, #tpu.memory_space<hbm>> -> memref<8x128xf32, #tpu.memory_space<hbm>>
    %dma_wait3A_494 = arith.constant 0 : i32
    %dma_wait3A_495 = arith.constant 0 : i32
    %dma_wait3A_496 = tpu.memref_slice %arg4[%select_n3A_409, %dma_wait3A_486, %select_n3A_425, %dma_wait3A_494, %dma_wait3A_495] : memref<20x8x128x8x128xf32, #tpu.memory_space<hbm>> -> memref<1x1x1x8x128xf32, #tpu.memory_space<hbm>>
    %dma_wait3A_497 = tpu.memref_squeeze %dma_wait3A_496 : memref<1x1x1x8x128xf32, #tpu.memory_space<hbm>> -> memref<8x128xf32, #tpu.memory_space<hbm>>
    %dma_wait3A_498 = arith.constant 32 : i32
    %dma_wait3A_499 = arith.constant 0 : i32
    %dma_wait3A_500 = tpu.memref_slice %arg11[%dma_wait3A_498, %dma_wait3A_499] : memref<64x136xf32, #tpu.memory_space<vmem>> -> memref<8x128xf32, #tpu.memory_space<vmem>>
    tpu.wait_dma2 semaphore(%arg15 : memref<!tpu.dma_semaphore, #tpu.memory_space<semaphore_mem>>) src(%dma_wait3A_500 : memref<8x128xf32, #tpu.memory_space<vmem>>) dst(%dma_wait3A_497 : memref<8x128xf32, #tpu.memory_space<hbm>>)
    %dma_wait3A_501 = arith.constant 5 : i32
    %dma_wait3A_502 = arith.constant 40 : i32
    %dma_wait3A_503 = arith.constant 0 : i32
    %dma_wait3A_504 = tpu.memref_slice %arg11[%dma_wait3A_502, %dma_wait3A_503] : memref<64x136xf32, #tpu.memory_space<vmem>> -> memref<8x128xf32, #tpu.memory_space<vmem>>
    %dma_wait3A_505 = arith.constant 0 : i32
    %dma_wait3A_506 = arith.constant 0 : i32
    %dma_wait3A_507 = tpu.memref_slice %arg4[%select_n3A_409, %dma_wait3A_501, %select_n3A_425, %dma_wait3A_505, %dma_wait3A_506] : memref<20x8x128x8x128xf32, #tpu.memory_space<hbm>> -> memref<1x1x1x8x128xf32, #tpu.memory_space<hbm>>
    %dma_wait3A_508 = tpu.memref_squeeze %dma_wait3A_507 : memref<1x1x1x8x128xf32, #tpu.memory_space<hbm>> -> memref<8x128xf32, #tpu.memory_space<hbm>>
    %dma_wait3A_509 = arith.constant 0 : i32
    %dma_wait3A_510 = arith.constant 0 : i32
    %dma_wait3A_511 = tpu.memref_slice %arg4[%select_n3A_409, %dma_wait3A_501, %select_n3A_425, %dma_wait3A_509, %dma_wait3A_510] : memref<20x8x128x8x128xf32, #tpu.memory_space<hbm>> -> memref<1x1x1x8x128xf32, #tpu.memory_space<hbm>>
    %dma_wait3A_512 = tpu.memref_squeeze %dma_wait3A_511 : memref<1x1x1x8x128xf32, #tpu.memory_space<hbm>> -> memref<8x128xf32, #tpu.memory_space<hbm>>
    %dma_wait3A_513 = arith.constant 40 : i32
    %dma_wait3A_514 = arith.constant 0 : i32
    %dma_wait3A_515 = tpu.memref_slice %arg11[%dma_wait3A_513, %dma_wait3A_514] : memref<64x136xf32, #tpu.memory_space<vmem>> -> memref<8x128xf32, #tpu.memory_space<vmem>>
    tpu.wait_dma2 semaphore(%arg15 : memref<!tpu.dma_semaphore, #tpu.memory_space<semaphore_mem>>) src(%dma_wait3A_515 : memref<8x128xf32, #tpu.memory_space<vmem>>) dst(%dma_wait3A_512 : memref<8x128xf32, #tpu.memory_space<hbm>>)
    %dma_wait3A_516 = arith.constant 6 : i32
    %dma_wait3A_517 = arith.constant 48 : i32
    %dma_wait3A_518 = arith.constant 0 : i32
    %dma_wait3A_519 = tpu.memref_slice %arg11[%dma_wait3A_517, %dma_wait3A_518] : memref<64x136xf32, #tpu.memory_space<vmem>> -> memref<8x128xf32, #tpu.memory_space<vmem>>
    %dma_wait3A_520 = arith.constant 0 : i32
    %dma_wait3A_521 = arith.constant 0 : i32
    %dma_wait3A_522 = tpu.memref_slice %arg4[%select_n3A_409, %dma_wait3A_516, %select_n3A_425, %dma_wait3A_520, %dma_wait3A_521] : memref<20x8x128x8x128xf32, #tpu.memory_space<hbm>> -> memref<1x1x1x8x128xf32, #tpu.memory_space<hbm>>
    %dma_wait3A_523 = tpu.memref_squeeze %dma_wait3A_522 : memref<1x1x1x8x128xf32, #tpu.memory_space<hbm>> -> memref<8x128xf32, #tpu.memory_space<hbm>>
    %dma_wait3A_524 = arith.constant 0 : i32
    %dma_wait3A_525 = arith.constant 0 : i32
    %dma_wait3A_526 = tpu.memref_slice %arg4[%select_n3A_409, %dma_wait3A_516, %select_n3A_425, %dma_wait3A_524, %dma_wait3A_525] : memref<20x8x128x8x128xf32, #tpu.memory_space<hbm>> -> memref<1x1x1x8x128xf32, #tpu.memory_space<hbm>>
    %dma_wait3A_527 = tpu.memref_squeeze %dma_wait3A_526 : memref<1x1x1x8x128xf32, #tpu.memory_space<hbm>> -> memref<8x128xf32, #tpu.memory_space<hbm>>
    %dma_wait3A_528 = arith.constant 48 : i32
    %dma_wait3A_529 = arith.constant 0 : i32
    %dma_wait3A_530 = tpu.memref_slice %arg11[%dma_wait3A_528, %dma_wait3A_529] : memref<64x136xf32, #tpu.memory_space<vmem>> -> memref<8x128xf32, #tpu.memory_space<vmem>>
    tpu.wait_dma2 semaphore(%arg15 : memref<!tpu.dma_semaphore, #tpu.memory_space<semaphore_mem>>) src(%dma_wait3A_530 : memref<8x128xf32, #tpu.memory_space<vmem>>) dst(%dma_wait3A_527 : memref<8x128xf32, #tpu.memory_space<hbm>>)
    %dma_wait3A_531 = arith.constant 7 : i32
    %dma_wait3A_532 = arith.constant 56 : i32
    %dma_wait3A_533 = arith.constant 0 : i32
    %dma_wait3A_534 = tpu.memref_slice %arg11[%dma_wait3A_532, %dma_wait3A_533] : memref<64x136xf32, #tpu.memory_space<vmem>> -> memref<8x128xf32, #tpu.memory_space<vmem>>
    %dma_wait3A_535 = arith.constant 0 : i32
    %dma_wait3A_536 = arith.constant 0 : i32
    %dma_wait3A_537 = tpu.memref_slice %arg4[%select_n3A_409, %dma_wait3A_531, %select_n3A_425, %dma_wait3A_535, %dma_wait3A_536] : memref<20x8x128x8x128xf32, #tpu.memory_space<hbm>> -> memref<1x1x1x8x128xf32, #tpu.memory_space<hbm>>
    %dma_wait3A_538 = tpu.memref_squeeze %dma_wait3A_537 : memref<1x1x1x8x128xf32, #tpu.memory_space<hbm>> -> memref<8x128xf32, #tpu.memory_space<hbm>>
    %dma_wait3A_539 = arith.constant 0 : i32
    %dma_wait3A_540 = arith.constant 0 : i32
    %dma_wait3A_541 = tpu.memref_slice %arg4[%select_n3A_409, %dma_wait3A_531, %select_n3A_425, %dma_wait3A_539, %dma_wait3A_540] : memref<20x8x128x8x128xf32, #tpu.memory_space<hbm>> -> memref<1x1x1x8x128xf32, #tpu.memory_space<hbm>>
    %dma_wait3A_542 = tpu.memref_squeeze %dma_wait3A_541 : memref<1x1x1x8x128xf32, #tpu.memory_space<hbm>> -> memref<8x128xf32, #tpu.memory_space<hbm>>
    %dma_wait3A_543 = arith.constant 56 : i32
    %dma_wait3A_544 = arith.constant 0 : i32
    %dma_wait3A_545 = tpu.memref_slice %arg11[%dma_wait3A_543, %dma_wait3A_544] : memref<64x136xf32, #tpu.memory_space<vmem>> -> memref<8x128xf32, #tpu.memory_space<vmem>>
    tpu.wait_dma2 semaphore(%arg15 : memref<!tpu.dma_semaphore, #tpu.memory_space<semaphore_mem>>) src(%dma_wait3A_545 : memref<8x128xf32, #tpu.memory_space<vmem>>) dst(%dma_wait3A_542 : memref<8x128xf32, #tpu.memory_space<hbm>>)
    return
  }
}

</mosaic_0001>

<sc_bundles>
// kernel: kernel.4.cloned.1.call-start
scs
__scs_entry_jumppad:
0x0: {  	(pc) =	sbr.rel $0x88, $3  }
0x1: {  	(tag) =	ssettag $0x0;
	lr =	simm.s32 $0x1  }
0x2: {  	[smem:$0x3F9F] =	sst lr;
	_ =	strace $0xD0000000  }
0x3: {  	_ = 	snop  }
0x4: {  	_ = 	snop  }
0x5: {  	_ = 	snop  }
0x6: {  	_ = 	snop  }
0x7: {  	_ = 	snop  }
__scs_overlays_trampoline_lowered:
0x8: {  	[smem:$0x3FAE] =	sst s0  }
0x9: {  	[smem:$0x3FAF] =	sst s1  }
0xa: {  	[smem:$0x3FB0] =	sst s2  }
0xb: {  	[smem:$0x3FB1] =	sst s3  }
0xc: {  	[smem:$0x3FB2] =	sst s4  }
0xd: {  	[smem:$0x3FB3] =	sst s5  }
0xe: {  	[smem:$0x3FB4] =	sst s6  }
0xf: {  	[smem:$0x3FB5] =	sst s7  }
0x10: {  	[smem:$0x3FB6] =	sst s8  }
0x11: {  	[smem:$0x3FB7] =	sst s9;
	s0 =	simm.s32 @!p0 $0x0  }
0x12: {  	s1 =	sld [smem:$0x3F9D];
	s0 =	simm.s32 @p0 $0x1  }
0x13: {  	[smem:$0x3FB8] =	sst s0;
	s0 =	simm.s32 @!p1 $0x0  }
0x14: {  	s2 =	sld [smem:$0x3F9C];
	s0 =	simm.s32 @p1 $0x1  }
0x15: {  	[smem:$0x3FB9] =	sst s0;
	s0 =	simm.s32 @!p2 $0x0  }
0x16: {  	s3 =	sld [smem:$0x3FDB];
	s0 =	simm.s32 @p2 $0x1  }
0x17: {  	s4 =	simm.s32 $0x1BF5;
	[smem:$0x3FBB] =	sst s0  }
0x18: {  	s0 =	sld [smem:$0x3F9E];
	_ =	swait.ge [sflag:s4], $0x0  }
0x19: {  	s7 =	sld [smem:$0x3F9F]  }
0x1a: {  	s8 =	sadd.s32 $0xFFFFE003, lr  }
0x1b: {  	s9 =	sadd.s32 $0xFFFFFEF7, lr;
	s5 =	simm.s32 $0xFFFFFFFF;
	p2 =	slt.u32 s8, $0xFFFFF086  }
0x1c: {  	p1 =	slt.u32 s9, $0xF7A;
	s5 =	simm.s32 @!p2 $0x0  }
0x1d: {  	s5 =	simm.s32 @p1 $0x1;
	p0 =	seq.s32 s7, s2  }
0x1e: {  	s7 =	smul.u32 @!p0 $0xF7A, s2;
	p2 =	seq.s32 @!p0 s5, $0x0  }
0x1f: {  	s9 =	smul.u32 $0xF7A, s1;
	s8 =	simm.s32 @!p0 $0x1BF5;
	p2 =	por !p2, p0  }
0x20: {  	[sflag:s8] =	ssyncset.s32 @!p0 $0xFFFFF086;
	s6 =	sadd.s32 @!p0 s3, s7;
	s7 =	simm.s32 @!p0 $0x108  }
0x21: {  	s3 =	sadd.s32 s3, s9;
	s6 =	sadd.s32 @!p0 $0x88, s6;
	s7 =	simm.s32 @p2 $0x1082  }
0x22: {  	[simem:s7], [sflag:s8] =	dma.local @!p0 [hbm:s6], $0xF7A  }
0x23: {  	s9 =	sor.u32 $0xD0000000, s2;
	s6 =	simm.s32 $0x108;
	_ =	swait.ge @!p0 [sflag:s8], $0x0  }
0x24: {  	s3 =	sadd.s32 $0x88, s3;
	s6 =	simm.s32 @!p1 $0x1082;
	[sflag:s4] =	ssyncset.s32 $0xFFFFF086  }
0x25: {  	[simem:s6], [sflag:s4] =	dma.local [hbm:s3], $0xF7A  }
0x26: {  	[smem:$0x3F9F] =	sst s1;
	(tag) =	ssettag s2;
	_ =	strace s9  }
0x27: {  	s1 =	sld [smem:$0x3FAF]  }
0x28: {  	s2 =	sld [smem:$0x3FB0]  }
0x29: {  	s4 =	sld [smem:$0x3FB2]  }
0x2a: {  	p0 =	seq.s32 s5, $0x0;
	s5 =	sld [smem:$0x3FB3]  }
0x2b: {  	s6 =	sld [smem:$0x3FB4]  }
0x2c: {  	s7 =	sld [smem:$0x3FB5]  }
0x2d: {  	s3 =	simm.s32 $0x108;
	s8 =	sld [smem:$0x3FB6]  }
0x2e: {  	s3 =	simm.s32 @!p0 $0x1082;
	s9 =	sld [smem:$0x3FB7]  }
0x2f: {  	lr =	sadd.s32 s0, s3;
	s0 =	sld [smem:$0x3FAE]  }
0x30: {  	s3 =	sld [smem:$0x3FB1]  }
0x31: {  	[smem:$0x3FBA] =	sst s10  }
0x32: {  	s10 =	sld [smem:$0x3FB8];
	_ =	sdelay $0x3  }
0x33: {  	p0 =	seq.s32 s10, $0x1;
	s10 =	sld [smem:$0x3FBA];
	_ =	sdelay $0x3  }
0x34: {  	[smem:$0x3FBA] =	sst s10  }
0x35: {  	s10 =	sld [smem:$0x3FB9];
	_ =	sdelay $0x3  }
0x36: {  	p1 =	seq.s32 s10, $0x1;
	s10 =	sld [smem:$0x3FBA];
	_ =	sdelay $0x3  }
0x37: {  	[smem:$0x3FBA] =	sst s10  }
0x38: {  	s10 =	sld [smem:$0x3FBB]  }
0x39: {  	_ = 	snop;
	(pc) =	sbr.ind lr, $3  }
0x3a: {  	_ = 	snop  }
0x3b: {  	_ = 	snop  }
0x3c: {  	p2 =	seq.s32 s10, $0x1;
	s10 =	sld [smem:$0x3FBA]  }
0x3d: {  	_ =	shalt  }
0x3e: {  	_ =	shalt  }
0x3f: {  	_ =	shalt  }
0x40: {  	_ =	shalt  }
0x41: {  	_ =	shalt  }
0x42: {  	_ =	shalt  }
0x43: {  	_ =	shalt  }
0x44: {  	_ =	shalt  }
0x45: {  	_ =	shalt  }
0x46: {  	_ =	shalt  }
0x47: {  	_ =	shalt  }
0x48: {  	_ =	shalt  }
0x49: {  	_ =	shalt  }
0x4a: {  	_ =	shalt  }
0x4b: {  	_ =	shalt  }
0x4c: {  	_ =	shalt  }
0x4d: {  	_ =	shalt  }
0x4e: {  	_ =	shalt  }
0x4f: {  	_ =	shalt  }
0x50: {  	_ =	shalt  }
0x51: {  	_ =	shalt  }
0x52: {  	_ =	shalt  }
0x53: {  	_ =	shalt  }
0x54: {  	_ =	shalt  }
0x55: {  	_ =	shalt  }
0x56: {  	_ =	shalt  }
0x57: {  	_ =	shalt  }
0x58: {  	_ =	shalt  }
0x59: {  	_ =	shalt  }
0x5a: {  	_ =	shalt  }
0x5b: {  	_ =	shalt  }
0x5c: {  	_ =	shalt  }
0x5d: {  	_ =	shalt  }
0x5e: {  	_ =	shalt  }
0x5f: {  	_ =	shalt  }
0x60: {  	_ =	shalt  }
0x61: {  	_ =	shalt  }
0x62: {  	_ =	shalt  }
0x63: {  	_ =	shalt  }
0x64: {  	_ =	shalt  }
0x65: {  	_ =	shalt  }
0x66: {  	_ =	shalt  }
0x67: {  	_ =	shalt  }
0x68: {  	_ =	shalt  }
0x69: {  	_ =	shalt  }
0x6a: {  	_ =	shalt  }
0x6b: {  	_ =	shalt  }
0x6c: {  	_ =	shalt  }
0x6d: {  	_ =	shalt  }
0x6e: {  	_ =	shalt  }
0x6f: {  	_ =	shalt  }
0x70: {  	_ =	shalt  }
0x71: {  	_ =	shalt  }
0x72: {  	_ =	shalt  }
0x73: {  	_ =	shalt  }
0x74: {  	_ =	shalt  }
0x75: {  	_ =	shalt  }
0x76: {  	_ =	shalt  }
0x77: {  	_ =	shalt  }
0x78: {  	_ =	shalt  }
0x79: {  	_ =	shalt  }
0x7a: {  	_ =	shalt  }
0x7b: {  	_ =	shalt  }
0x7c: {  	_ =	shalt  }
0x7d: {  	_ =	shalt  }
0x7e: {  	_ =	shalt  }
0x7f: {  	_ =	shalt  }
0x80: {  	_ =	shalt  }
0x81: {  	_ =	shalt  }
0x82: {  	_ =	shalt  }
0x83: {  	_ =	shalt  }
0x84: {  	_ =	shalt  }
0x85: {  	_ =	shalt  }
0x86: {  	_ =	shalt  }
0x87: {  	_ =	shalt  }
.Lfunc_end0:
.L_simem_size_0:
called_computation_lowered:
.L_overlay_start_0:
0x88: {  	s2 =	sld [smem:$0x3FD9]  }
0x89: {  	s3 =	sld [smem:$0x3FFE];
	_ =	sdelay $0x1  }
0x8a: {  	s1 =	srdreg.scid  }
0x8b: {  	s0 =	sand.u32 $0x1, s1  }
0x8c: {  	s17 =	sshll.u32 s0, $0xA;
	s2 =	sadd.s32 s3, s2  }
0x8d: {  	s2 =	sadd.s32 s2, s17  }
0x8e: {  	[smem:$0x3FC6] =	sst s2  }
0x8f: {  	_ = 	snop  }
0x90: {  	s2 =	sld [smem:$0x3FC8]  }
0x91: {  	s18 =	sld [smem:$0x3FD0];
	(tm) =	ssettm $0x1  }
0x92: {  	s4 =	sld [smem:$0x3FFB];
	_ =	sdelay $0x3  }
0x93: {  	_ =	strace s4  }
0x94: {  	s4 =	sld [smem:$0x3FFC];
	_ =	sdelay $0x3  }
0x95: {  	_ =	strace s4  }
0x96: {  	s4 =	sld [smem:$0x3FFD];
	_ =	sdelay $0x3  }
0x97: {  	_ =	strace s4  }
0x98: {  	_ =	strace $0x8FFFFFFF  }
0x99: {  	s19 =	sld [smem:$0x3FDB];
	_ =	sdelay $0x1  }
0x9a: {  	s5 =	simm.s32 $_scs_section_size  }
0x9b: {  	s6 =	simm.s32 $_size__tile_overlayer_lowered;
	s7 =	simm.s32 $_tile_overlayer_lowered  }
0x9c: {  	s22 =	simm.s32 $0x1BFF;
	s21 =	sshll.u32 s7, $0x1;
	s4 =	sadd.s32 s5, s19  }
0x9d: {  	s8 =	simm.s32 $0x0;
	s20 =	sshll.u32 s6, $0x1;
	s6 =	sadd.s32 s21, s4  }
0x9e: {  	[timem:s8], [sflag:s22] =	dma.local [hbm:s6], s20  }
0x9f: {  	_ =	swait.ge [sflag:s22], s20  }
0xa0: {  	s5 =	ssub.s32 $0x0, s20;
	[sflag:s22] =	ssyncset.done $0x0  }
0xa1: {  	[sflag:s22] =	ssyncadd.s32 s5;
	_ =	sdelay $0x1  }
0xa2: {  	s23 =	simm.s32 $0x1B8B  }
0xa3: {  	_ =	swait.ge [sflag:s23], $0x1  }
0xa4: {  	[sflag:s23] =	ssyncset.done $0x0  }
0xa5: {  	s25 =	simm.s32 $0x1B8E;
	s24 =	sld [smem:$0x3FFE];
	[sflag:s23] =	ssyncadd.s32 $0xFFFFFFFF  }
0xa6: {  	s26 =	simm.s32 $execute0_lowered;
	[smem:$0x3FD2] =	sst s25  }
0xa7: {  	s6 =	sshll.u32 s26, $0x1;
	_ =	strace $0x80000046;
	[dreg:$0x1] =	wrdreg $0xFFFFFFFF  }
0xa8: {  	s28 =	simm.s32 $_size_execute0_lowered;
	s4 =	sadd.s32 s4, s6;
	[dreg:$0x0] =	wrdreg $0x0  }
0xa9: {  	s6 =	sshll.u32 s28, $0x1;
	[dreg:$0x2] =	wrdreg s4  }
0xaa: {  	[dreg:$0x3] =	wrdreg s6  }
0xab: {  	[dreg:$0x4] =	wrdreg $0xC0  }
0xac: {  	_ =	task [dreg:s8], $0x5FFFF  }
0xad: {  	[dreg:$0x1] =	wrdreg $0xFFFFFFFF  }
0xae: {  	[dreg:$0x0] =	wrdreg $0x60  }
0xaf: {  	[dreg:$0x2] =	wrdreg s2  }
0xb0: {  	[dreg:$0x3] =	wrdreg s18  }
0xb1: {  	[dreg:$0x4] =	wrdreg s24  }
0xb2: {  	[dreg:$0x5] =	wrdreg $0x9  }
0xb3: {  	_ =	task.clear_ibuf [dreg:s8], $0x6FFFF;
	_ =	strace $0x90000046  }
0xb4: {  	s29 =	simm.s32 $0x9;
	_ =	strace $0x80000048  }
0xb5: {  	_ =	swait.ge [sflag:s29], $0x1  }
0xb6: {  	[sflag:s29] =	ssyncadd.s32 $0xFFFFFFFF  }
0xb7: {  	_ =	strace $0x90000048  }
0xb8: {  	_ =	sfence  }
0xb9: {  	s30 =	sld [smem:$0x0];
	_ =	sdelay $0x2  }
0xba: {  	s31 =	sshll.u32 s1, $0xD;
	s1 =	sshrl.u32 s1, $0x2  }
0xbb: {  	s3 =	sand.u32 $0x4000, s31;
	s1 =	sadd.s32 s1, s30  }
0xbc: {  	s0 =	sor.u32 s3, s0;
	s1 =	sshll.u32 s1, $0x11  }
0xbd: {  	s0 =	sor.u32 s1, s0  }
0xbe: {  	s0 =	sadd.s32 $0x8F2B, s0  }
0xbf: {  	[sflag:s0] =	ssyncadd.remote.s32 $0x1  }
0xc0: {  	_ =	sfence.sel $0xFFFF  }
0xc1: {  	[dreg:$0x0] =	wrdreg $0xFFFFFFFF;
	(pc) =	sbr.abs _section_cstart, $3  }
0xc2: {  	[dreg:$0x1] =	wrdreg $0xFFFFFFFF  }
0xc3: {  	_ =	task.clear_ibuf [dreg:s8], $0x2FFFF;
	_ =	strace $0x9FFFFFFF  }
0xc4: {  	(tm) =	ssettm $0x7FFFFFFF  }
0xc5: {  	_ =	shalt  }
tec
execute0_lowered:
.L_overlay_start_1:
0x0: {  	(tag) =	ssettag $0x1  }
0x1: {  	v0 =	vimm.s32 $0xD1894800;
	v1 =	vimm.s32 $0x84F  }
0x2: {  	vm14 =	vcmask $0x300;
	vm13 =	vcmask $0x704;
	vm12 =	vcmask $0xB08  }
0x3: {  	vm0 =	vcmask $0xF00;
	vm11 =	vcmask $0xF0C;
	vm10 =	vcmask $0x1310  }
0x4: {  	vm9 =	vcmask $0x1714;
	vm8 =	vcmask $0x1B18;
	vm7 =	vcmask $0x1F1C  }
0x5: {  	vm6 =	vcmask $0x2320;
	vm5 =	vcmask $0x2724;
	vm4 =	vcmask $0x2B28  }
0x6: {  	vm3 =	vcmask $0x2F2C;
	vm2 =	vcmask $0x3330;
	vm1 =	vcmask $0x3734  }
0x7: {  	vm15 =	vcmask $0x3B38;
	v2 =	vimm.s32 $0xC97;
	v3 =	vimm.s32 $0x10DF  }
0x8: {  	v4 =	vimm.s32 $0x1527;
	v5 =	vimm.s32 $0x196F;
	v6 =	vimm.s32 $0x1DB7  }
0x9: {  	v7 =	vimm.s32 $0x21FF;
	v0 =	vunpack.c.0.s8.s32 v0;
	v1 =	vsel vm14, $0x448, v1  }
0xa: {  	v2 =	vsel vm14, $0x890, v2;
	v3 =	vsel vm14, $0xCD8, v3;
	v4 =	vsel vm14, $0x1120, v4  }
0xb: {  	v5 =	vsel vm14, $0x1568, v5;
	v6 =	vsel vm14, $0x19B0, v6;
	v7 =	vsel vm14, $0x1DF8, v7  }
0xc: {  	v1 =	vsel vm13, $0x490, v1;
	v2 =	vsel vm13, $0x8D8, v2;
	v3 =	vsel vm13, $0xD20, v3  }
0xd: {  	v4 =	vsel vm13, $0x1168, v4;
	v5 =	vsel vm13, $0x15B0, v5;
	v6 =	vsel vm13, $0x19F8, v6  }
0xe: {  	v7 =	vsel vm13, $0x1E40, v7;
	v0 =	vand.u32 $0xFF, v0;
	v1 =	vsel vm12, $0x4D1, v1  }
0xf: {  	v2 =	vsel vm12, $0x919, v2;
	v3 =	vsel vm12, $0xD61, v3;
	v4 =	vsel vm12, $0x11A9, v4  }
0x10: {  	v5 =	vsel vm12, $0x15F1, v5;
	v6 =	vsel vm12, $0x1A39, v6;
	v7 =	vsel vm12, $0x1E81, v7  }
0x11: {  	v0 =	vnsel vm0, $0x407, v0;
	v1 =	vsel vm11, $0x519, v1;
	v2 =	vsel vm11, $0x961, v2  }
0x12: {  	v3 =	vsel vm11, $0xDA9, v3;
	v4 =	vsel vm11, $0x11F1, v4;
	v5 =	vsel vm11, $0x1639, v5  }
0x13: {  	v6 =	vsel vm11, $0x1A81, v6;
	v7 =	vsel vm11, $0x1EC9, v7;
	v0 =	vsel vm10, $0x112, v0  }
0x14: {  	v1 =	vsel vm10, $0x55A, v1;
	v2 =	vsel vm10, $0x9A2, v2;
	v3 =	vsel vm10, $0xDEA, v3  }
0x15: {  	v4 =	vsel vm10, $0x1232, v4;
	v5 =	vsel vm10, $0x167A, v5;
	v6 =	vsel vm10, $0x1AC2, v6  }
0x16: {  	v7 =	vsel vm10, $0x1F0A, v7;
	v0 =	vsel vm9, $0x15A, v0;
	v1 =	vsel vm9, $0x5A2, v1  }
0x17: {  	v2 =	vsel vm9, $0x9EA, v2;
	v3 =	vsel vm9, $0xE32, v3;
	v4 =	vsel vm9, $0x127A, v4  }
0x18: {  	v5 =	vsel vm9, $0x16C2, v5;
	v6 =	vsel vm9, $0x1B0A, v6;
	v7 =	vsel vm9, $0x1F52, v7  }
0x19: {  	v0 =	vsel vm8, $0x19B, v0;
	v1 =	vsel vm8, $0x5E3, v1;
	v2 =	vsel vm8, $0xA2B, v2  }
0x1a: {  	v3 =	vsel vm8, $0xE73, v3;
	v4 =	vsel vm8, $0x12BB, v4;
	v5 =	vsel vm8, $0x1703, v5  }
0x1b: {  	v6 =	vsel vm8, $0x1B4B, v6;
	v7 =	vsel vm8, $0x1F93, v7;
	v0 =	vsel vm7, $0x1E3, v0  }
0x1c: {  	v1 =	vsel vm7, $0x62B, v1;
	v2 =	vsel vm7, $0xA73, v2;
	v3 =	vsel vm7, $0xEBB, v3  }
0x1d: {  	v4 =	vsel vm7, $0x1303, v4;
	v5 =	vsel vm7, $0x174B, v5;
	v6 =	vsel vm7, $0x1B93, v6  }
0x1e: {  	v7 =	vsel vm7, $0x1FDB, v7;
	v0 =	vsel vm6, $0x224, v0;
	v1 =	vsel vm6, $0x66C, v1  }
0x1f: {  	v2 =	vsel vm6, $0xAB4, v2;
	v3 =	vsel vm6, $0xEFC, v3;
	v4 =	vsel vm6, $0x1344, v4  }
0x20: {  	v5 =	vsel vm6, $0x178C, v5;
	v6 =	vsel vm6, $0x1BD4, v6;
	v7 =	vsel vm6, $0x201C, v7  }
0x21: {  	v0 =	vsel vm5, $0x26C, v0;
	v1 =	vsel vm5, $0x6B4, v1;
	v2 =	vsel vm5, $0xAFC, v2  }
0x22: {  	v3 =	vsel vm5, $0xF44, v3;
	v4 =	vsel vm5, $0x138C, v4;
	v5 =	vsel vm5, $0x17D4, v5  }
0x23: {  	v6 =	vsel vm5, $0x1C1C, v6;
	v7 =	vsel vm5, $0x2064, v7;
	v0 =	vsel vm4, $0x2AD, v0  }
0x24: {  	v1 =	vsel vm4, $0x6F5, v1;
	v2 =	vsel vm4, $0xB3D, v2;
	v3 =	vsel vm4, $0xF85, v3  }
0x25: {  	v4 =	vsel vm4, $0x13CD, v4;
	v5 =	vsel vm4, $0x1815, v5;
	v6 =	vsel vm4, $0x1C5D, v6  }
0x26: {  	s0 =	rddreg [dreg:$0x0];
	v7 =	vsel vm4, $0x20A5, v7;
	v0 =	vsel vm3, $0x2F5, v0;
	v1 =	vsel vm3, $0x73D, v1  }
0x27: {  	s1 =	rddreg [dreg:$0x2];
	s2 =	srdreg.scid;
	v2 =	vsel vm3, $0xB85, v2;
	v3 =	vsel vm3, $0xFCD, v3;
	v4 =	vsel vm3, $0x1415, v4  }
0x28: {  	s4 =	simm.s32 $0x0;
	s5 =	stileid.u32;
	s12 =	simm.s32 $0x7A1400;
	v5 =	vsel vm3, $0x185D, v5;
	v6 =	vsel vm3, $0x1CA5, v6;
	v7 =	vsel vm3, $0x20ED, v7  }
0x29: {  	s13 =	simm.s32 $0x1;
	s14 =	simm.s32 $0x4000;
	s15 =	simm.s32 $0x6280;
	v0 =	vsel vm2, $0x336, v0;
	v1 =	vsel vm2, $0x77E, v1;
	v2 =	vsel vm2, $0xBC6, v2  }
0x2a: {  	s16 =	simm.s32 $0x2;
	s17 =	simm.s32 $0x8280;
	s18 =	simm.s32 $0x3;
	v3 =	vsel vm2, $0x100E, v3;
	v4 =	vsel vm2, $0x1456, v4;
	v5 =	vsel vm2, $0x189E, v5  }
0x2b: {  	s19 =	simm.s32 $0x4;
	s20 =	simm.s32 $0x0;
	s2 =	sand.u32 $0x1, s2;
	v6 =	vsel vm2, $0x1CE6, v6;
	v7 =	vsel vm2, $0x212E, v7;
	v0 =	vsel vm1, $0x37E, v0  }
.Ltmp0:
0x2c: {  	[smem:$0x7FF] =	sst s4;
	s5 =	sshll.u32 s5, $0x1;
	v1 =	vsel vm1, $0x7C6, v1;
	v2 =	vsel vm1, $0xC0E, v2;
	v3 =	vsel vm1, $0x1056, v3;
	(pc) =	sbr.rel .LBB2_1-.Ltmp0, $4  }
0x2d: {  	s6 =	sadd.s32 $0xA00, s1;
	s9 =	sadd.s32 $0x7A1A00, s1;
	s3 =	ssub.s32 $0x2, s2;
	v4 =	vsel vm1, $0x149E, v4;
	v5 =	vsel vm1, $0x18E6, v5;
	v6 =	vsel vm1, $0x1D2E, v6  }
0x2e: {  	_ =	strace $0x80000047;
	s5 =	sor.u32 s2, s5;
	s7 =	sshrl.u32 s3, $0x1;
	v7 =	vsel vm1, $0x2176, v7;
	v0 =	vsel vm15, $0x3BF, v0;
	v1 =	vsel vm15, $0x807, v1  }
0x2f: {  	s31 =	sshll.u32 s5, $0x7;
	s8 =	sor.u32 $0x40, s5;
	s30 =	ssub.s32 s3, s7;
	v2 =	vsel vm15, $0xC4F, v2;
	v3 =	vsel vm15, $0x1097, v3;
	v4 =	vsel vm15, $0x14DF, v4  }
0x30: {  	p0 =	sne.s32 s5, $0x0;
	s7 =	sadd.s32 s0, s31;
	s10 =	smax.u32 s30, $0x1;
	v5 =	vsel vm15, $0x1927, v5;
	v6 =	vsel vm15, $0x1D6F, v6;
	v7 =	vsel vm15, $0x21B7, v7  }
.LBB2_15:
0x31: {  	_ =	swait.ge [sflag:s18], $0x2000  }
0x32: {  	[sflag:s18] =	ssyncset.done $0x0  }
0x33: {  	[sflag:s18] =	ssyncadd.s32 $0xFFFFE000  }
0x34: {  	_ =	swait.ge [sflag:s19], $0x2000  }
0x35: {  	[sflag:s19] =	ssyncset.done $0x0  }
0x36: {  	[sflag:s19] =	ssyncadd.s32 $0xFFFFE000  }
0x37: {  	s1 =	simm.s32 @!p0 $0x0;
	s2 =	rddreg [dreg:$0x1]  }
0x38: {  	[tilespmem:s1], [sflag:$0x5] =	stream.linear.gather @!p0 [hbm4b:s2+s1], $0x2000, $0x38;
	[tilespmem:$0xA280] =	vst v63  }
0x39: {  	s2 =	simm.s32 @!p0 $0x5  }
0x3a: {  	s20 =	sadd.s32 $0x1, s20;
	_ =	swait.ge @!p0 [sflag:s2], $0x2000  }
0x3b: {  	p1 =	sne.s32 s20, s10;
	[sflag:s2] =	ssyncset.done @!p0 $0x0  }
.Ltmp1:
0x3c: {  	[sflag:s2] =	ssyncadd.s32 @!p0 $0xFFFFE000;
	(pc) =	sbr.rel @!p1 .LBB2_16-.Ltmp1, $4  }
0x3d: {  	[hbm4b:s9+s1] =	stream.linear.scatter @!p0 [tilespmem:s1], [sflag:$0x5], $0x2000, $0x38;
	[tilespmem:$0xA280] =	vst v63  }
0x3e: {  	_ =	swait.ge @!p0 [sflag:s2], $0x2000  }
0x3f: {  	[sflag:s2] =	ssyncset.done @!p0 $0x0  }
0x40: {  	[sflag:s2] =	ssyncadd.s32 @!p0 $0xFFFFE000  }
.LBB2_1:
.Ltmp2:
0x41: {  	(pc) =	sbr.rel .LBB2_2-.Ltmp2, $3  }
0x42: {  	_ =	sdelay $0x1  }
0x43: {  	s1 =	simm.s32 $0x400;
	s21 =	simm.s32 $0x0  }
0x44: {  	[tilespmem:s4], [sflag:$0x1] =	stream.strided.gather [hbm4b:s7+s1], $0x2000, s12, s1, $0x38;
	[tilespmem:$0xA280] =	vst v63  }
.LBB2_14:
0x45: {  	s21 =	sadd.s32 $0x1, s21  }
0x46: {  	p1 =	sne.s32 s21, $0x7B  }
.Ltmp3:
0x47: {  	_ = 	snop;
	(pc) =	sbr.rel @!p1 .LBB2_15-.Ltmp3, $1  }
0x48: {  	_ =	sdelay $0x3  }
.LBB2_2:
0x49: {  	s22 =	sshll.u32 s21, $0x6  }
0x4a: {  	s23 =	sor.u32 s5, s22  }
0x4b: {  	p1 =	sgt.u32 s23, $0x1E83  }
.Ltmp4:
0x4c: {  	_ = 	snop;
	(pc) =	sbr.rel @p1 .LBB2_8-.Ltmp4, $1  }
0x4d: {  	_ =	sdelay $0x3  }
0x4e: {  	p1 =	sgt.u32 s23, $0x1E63  }
0x4f: {  	s1 =	sshll.u32 @!p1 s23, $0x7  }
0x50: {  	s2 =	simm.s32 @!p1 $0x400;
	s1 =	sadd.s32 @!p1 s1, s0  }
0x51: {  	s3 =	simm.s32 @!p1 $0x7A1400;
	s11 =	simm.s32 @!p1 $0x2000;
	s1 =	sadd.s32 @!p1 $0x1000, s1  }
0x52: {  	[tilespmem:s11], [sflag:$0x2] =	stream.strided.gather @!p1 [hbm4b:s1+s2], $0x2000, s3, s2, $0x38;
	[tilespmem:$0xA280] =	vst v63  }
0x53: {  	_ =	swait.ge [sflag:s13], $0x2000  }
0x54: {  	[sflag:s13] =	ssyncset.done $0x0  }
0x55: {  	s2 =	simm.s32 $0x100;
	s3 =	simm.s32 $0x3;
	[sflag:s13] =	ssyncadd.s32 $0xFFFFE000  }
0x56: {  	s11 =	simm.s32 $0x2;
	v9 =	vadd.s32 s3, v0;
	v8 =	vld [tilespmem:s2+$0x80]  }
0x57: {  	s30 =	simm.s32 $0x1;
	v13 =	vadd.s32 s11, v0;
	v12 =	vld [tilespmem:s2+$0x0]  }
0x58: {  	v11 =	vadd.s32 s30, v0;
	v10 =	vld [tilespmem:s2+$0xFFFFFF80];
	_ =	sdelay $0x1  }
0x59: {  	s31 =	simm.s32 $0x0  }
0x5a: {  	v15 =	vadd.s32 s31, v0;
	v14 =	vld [tilespmem:s2+$0xFFFFFF00];
	[tilespmem:v9+s14+$0x0] =	vst.idx.msk $0xffff, v8  }
0x5b: {  	v9 =	vadd.s32 s3, v1;
	[tilespmem:v13+s14+$0x0] =	vst.idx.msk $0xffff, v12;
	v8 =	vld [tilespmem:s2+$0x90]  }
0x5c: {  	[tilespmem:v11+s14+$0x0] =	vst.idx.msk $0xffff, v10;
	v13 =	vadd.s32 s11, v1;
	v12 =	vld [tilespmem:s2+$0x10]  }
0x5d: {  	v11 =	vadd.s32 s30, v1;
	v10 =	vld [tilespmem:s2+$0xFFFFFF90];
	_ =	sdelay $0x1  }
0x5e: {  	[tilespmem:v15+s14+$0x0] =	vst.idx.msk $0xffff, v14  }
0x5f: {  	v15 =	vadd.s32 s31, v1;
	v14 =	vld [tilespmem:s2+$0xFFFFFF10];
	[tilespmem:v9+s14+$0x0] =	vst.idx.msk $0xffff, v8  }
0x60: {  	v9 =	vadd.s32 s3, v2;
	[tilespmem:v13+s14+$0x0] =	vst.idx.msk $0xffff, v12;
	v8 =	vld [tilespmem:s2+$0xA0]  }
0x61: {  	[tilespmem:v11+s14+$0x0] =	vst.idx.msk $0xffff, v10;
	v13 =	vadd.s32 s11, v2;
	v12 =	vld [tilespmem:s2+$0x20]  }
0x62: {  	v11 =	vadd.s32 s30, v2;
	v10 =	vld [tilespmem:s2+$0xFFFFFFA0];
	_ =	sdelay $0x1  }
0x63: {  	[tilespmem:v15+s14+$0x0] =	vst.idx.msk $0xffff, v14  }
0x64: {  	v15 =	vadd.s32 s31, v2;
	v14 =	vld [tilespmem:s2+$0xFFFFFF20];
	[tilespmem:v9+s14+$0x0] =	vst.idx.msk $0xffff, v8  }
0x65: {  	v9 =	vadd.s32 s3, v3;
	[tilespmem:v13+s14+$0x0] =	vst.idx.msk $0xffff, v12;
	v8 =	vld [tilespmem:s2+$0xB0]  }
0x66: {  	[tilespmem:v11+s14+$0x0] =	vst.idx.msk $0xffff, v10;
	v13 =	vadd.s32 s11, v3;
	v12 =	vld [tilespmem:s2+$0x30]  }
0x67: {  	v11 =	vadd.s32 s30, v3;
	v10 =	vld [tilespmem:s2+$0xFFFFFFB0];
	_ =	sdelay $0x1  }
0x68: {  	[tilespmem:v15+s14+$0x0] =	vst.idx.msk $0xffff, v14  }
0x69: {  	v15 =	vadd.s32 s31, v3;
	v14 =	vld [tilespmem:s2+$0xFFFFFF30];
	[tilespmem:v9+s14+$0x0] =	vst.idx.msk $0xffff, v8  }
0x6a: {  	v9 =	vadd.s32 s3, v4;
	[tilespmem:v13+s14+$0x0] =	vst.idx.msk $0xffff, v12;
	v8 =	vld [tilespmem:s2+$0xC0]  }
0x6b: {  	[tilespmem:v11+s14+$0x0] =	vst.idx.msk $0xffff, v10;
	v13 =	vadd.s32 s11, v4;
	v12 =	vld [tilespmem:s2+$0x40]  }
0x6c: {  	v11 =	vadd.s32 s30, v4;
	v10 =	vld [tilespmem:s2+$0xFFFFFFC0]  }
0x6d: {  	s29 =	simm.s32 $0x7;
	s24 =	simm.s32 $0x300  }
0x6e: {  	v17 =	vadd.s32 s29, v0;
	v16 =	vld [tilespmem:s24+$0x80];
	[tilespmem:v15+s14+$0x0] =	vst.idx.msk $0xffff, v14  }
0x6f: {  	s28 =	simm.s32 $0x5;
	v15 =	vadd.s32 s31, v4;
	v14 =	vld [tilespmem:s2+$0xFFFFFF40];
	[tilespmem:v9+s14+$0x0] =	vst.idx.msk $0xffff, v8  }
0x70: {  	[tilespmem:v13+s14+$0x0] =	vst.idx.msk $0xffff, v12;
	v12 =	vld [tilespmem:s24+$0xFFFFFF80];
	v13 =	vadd.s32 s28, v0  }
0x71: {  	[tilespmem:v11+s14+$0x0] =	vst.idx.msk $0xffff, v10;
	v9 =	vadd.s32 s3, v5;
	v8 =	vld [tilespmem:s2+$0xD0]  }
0x72: {  	v11 =	vadd.s32 s30, v5;
	v10 =	vld [tilespmem:s2+$0xFFFFFFD0]  }
0x73: {  	s26 =	simm.s32 $0x6;
	[tilespmem:v17+s14+$0x0] =	vst.idx.msk $0xffff, v16  }
0x74: {  	s25 =	simm.s32 $0x4;
	[tilespmem:v15+s14+$0x0] =	vst.idx.msk $0xffff, v14;
	v14 =	vld [tilespmem:s24+$0x0];
	v15 =	vadd.s32 s26, v0  }
0x75: {  	v19 =	vadd.s32 s25, v0;
	v18 =	vld [tilespmem:s24+$0xFFFFFF00];
	[tilespmem:v13+s14+$0x0] =	vst.idx.msk $0xffff, v12  }
0x76: {  	v12 =	vld [tilespmem:s24+$0x90];
	v13 =	vadd.s32 s29, v1;
	[tilespmem:v9+s14+$0x0] =	vst.idx.msk $0xffff, v8  }
0x77: {  	[tilespmem:v11+s14+$0x0] =	vst.idx.msk $0xffff, v10;
	v10 =	vld [tilespmem:s2+$0x50];
	v11 =	vadd.s32 s11, v5  }
0x78: {  	v9 =	vadd.s32 s3, v6;
	v8 =	vld [tilespmem:s2+$0xE0]  }
0x79: {  	v17 =	vadd.s32 s28, v1;
	[tilespmem:v15+s14+$0x0] =	vst.idx.msk $0xffff, v14;
	v16 =	vld [tilespmem:s24+$0xFFFFFF90]  }
0x7a: {  	[tilespmem:v19+s14+$0x0] =	vst.idx.msk $0xffff, v18;
	v15 =	vadd.s32 s26, v1;
	v14 =	vld [tilespmem:s24+$0x10]  }
0x7b: {  	v19 =	vadd.s32 s25, v1;
	v18 =	vld [tilespmem:s24+$0xFFFFFF10];
	[tilespmem:v13+s14+$0x0] =	vst.idx.msk $0xffff, v12  }
0x7c: {  	v13 =	vadd.s32 s29, v2;
	[tilespmem:v11+s14+$0x0] =	vst.idx.msk $0xffff, v10;
	v12 =	vld [tilespmem:s24+$0xA0]  }
0x7d: {  	v10 =	vld [tilespmem:s2+$0xFFFFFF50];
	v11 =	vadd.s32 s31, v5;
	[tilespmem:v9+s14+$0x0] =	vst.idx.msk $0xffff, v8  }
0x7e: {  	[tilespmem:v17+s14+$0x0] =	vst.idx.msk $0xffff, v16;
	v9 =	vadd.s32 s3, v7;
	v8 =	vld [tilespmem:s2+$0xF0]  }
0x7f: {  	v17 =	vadd.s32 s28, v2;
	[tilespmem:v15+s14+$0x0] =	vst.idx.msk $0xffff, v14;
	v16 =	vld [tilespmem:s24+$0xFFFFFFA0]  }
0x80: {  	[tilespmem:v19+s14+$0x0] =	vst.idx.msk $0xffff, v18;
	v15 =	vadd.s32 s26, v2;
	v14 =	vld [tilespmem:s24+$0x20]  }
0x81: {  	v19 =	vadd.s32 s25, v2;
	v18 =	vld [tilespmem:s24+$0xFFFFFF20];
	[tilespmem:v13+s14+$0x0] =	vst.idx.msk $0xffff, v12  }
0x82: {  	[tilespmem:v11+s14+$0x0] =	vst.idx.msk $0xffff, v10;
	v13 =	vadd.s32 s29, v3;
	v12 =	vld [tilespmem:s24+$0xB0]  }
0x83: {  	[tilespmem:v9+s14+$0x0] =	vst.idx.msk $0xffff, v8;
	v8 =	vld [tilespmem:s2+$0xFFFFFFE0];
	v9 =	vadd.s32 s30, v6  }
0x84: {  	v10 =	vld [tilespmem:s2+$0x60];
	v11 =	vadd.s32 s11, v6;
	[tilespmem:v17+s14+$0x0] =	vst.idx.msk $0xffff, v16  }
0x85: {  	v17 =	vadd.s32 s28, v3;
	[tilespmem:v15+s14+$0x0] =	vst.idx.msk $0xffff, v14;
	v16 =	vld [tilespmem:s24+$0xFFFFFFB0]  }
0x86: {  	[tilespmem:v19+s14+$0x0] =	vst.idx.msk $0xffff, v18;
	v15 =	vadd.s32 s26, v3;
	v14 =	vld [tilespmem:s24+$0x30]  }
0x87: {  	v19 =	vadd.s32 s25, v3;
	v18 =	vld [tilespmem:s24+$0xFFFFFF30];
	[tilespmem:v13+s14+$0x0] =	vst.idx.msk $0xffff, v12  }
0x88: {  	[tilespmem:v9+s14+$0x0] =	vst.idx.msk $0xffff, v8;
	v8 =	vld [tilespmem:s2+$0xFFFFFF60];
	v9 =	vadd.s32 s31, v6  }
0x89: {  	[tilespmem:v11+s14+$0x0] =	vst.idx.msk $0xffff, v10;
	v13 =	vadd.s32 s29, v4;
	v12 =	vld [tilespmem:s24+$0xC0]  }
0x8a: {  	v11 =	vadd.s32 s30, v7;
	[tilespmem:v17+s14+$0x0] =	vst.idx.msk $0xffff, v16;
	v10 =	vld [tilespmem:s2+$0xFFFFFFF0]  }
0x8b: {  	v21 =	vadd.s32 s28, v4;
	[tilespmem:v15+s14+$0x0] =	vst.idx.msk $0xffff, v14;
	v20 =	vld [tilespmem:s24+$0xFFFFFFC0]  }
0x8c: {  	[tilespmem:v19+s14+$0x0] =	vst.idx.msk $0xffff, v18;
	v19 =	vadd.s32 s26, v4;
	v18 =	vld [tilespmem:s24+$0x40]  }
0x8d: {  	v16 =	vld [tilespmem:s24+$0xFFFFFF40];
	v17 =	vadd.s32 s25, v4;
	[tilespmem:v9+s14+$0x0] =	vst.idx.msk $0xffff, v8  }
0x8e: {  	v15 =	vadd.s32 s11, v7;
	v9 =	vld [tilespmem:s2+$0x70];
	[tilespmem:v13+s14+$0x0] =	vst.idx.msk $0xffff, v12  }
0x8f: {  	v14 =	vadd.s32 s31, v7;
	[tilespmem:v11+s14+$0x0] =	vst.idx.msk $0xffff, v10;
	v11 =	vld [tilespmem:s2+$0xFFFFFF70]  }
0x90: {  	s3 =	simm.s32 $0xC;
	[tilespmem:v21+s14+$0x0] =	vst.idx.msk $0xffff, v20;
	v8 =	vld [tilespmem:s24+$0xD0];
	v10 =	vadd.s32 s29, v5  }
0x91: {  	s30 =	simm.s32 $0x8;
	s31 =	simm.s32 $0x500;
	v13 =	vadd.s32 s28, v5;
	s2 =	simm.s32 $0xB;
	[tilespmem:v19+s14+$0x0] =	vst.idx.msk $0xffff, v18;
	v12 =	vld [tilespmem:s24+$0xFFFFFFD0]  }
.LBB2_4:
0x92: {  	p1 =	slt.u32 s3, $0x3C;
	s11 =	sadd.s32 $0x1, s30;
	v18 =	vld [tilespmem:s31+$0x80];
	v19 =	vadd.s32 s2, v0;
	[tilespmem:v17+s14+$0x0] =	vst.idx.msk $0xffff, v16  }
0x93: {  	s1 =	sadd.s32 $0x2, s30;
	v16 =	vld [tilespmem:s31+$0xFFFFFF80];
	v17 =	vadd.s32 s11, v0;
	[tilespmem:v15+s14+$0x0] =	vst.idx.msk $0xffff, v9  }
0x94: {  	v15 =	vadd.s32 s1, v0;
	v9 =	vld [tilespmem:s31+$0x0];
	[tilespmem:v14+s14+$0x0] =	vst.idx.msk $0xffff, v11  }
0x95: {  	v14 =	vadd.s32 s30, v0;
	v11 =	vld [tilespmem:s31+$0xFFFFFF00];
	[tilespmem:v10+s14+$0x0] =	vst.idx.msk $0xffff, v8  }
0x96: {  	v10 =	vadd.s32 s29, v6;
	[tilespmem:v13+s14+$0x0] =	vst.idx.msk $0xffff, v12;
	v8 =	vld [tilespmem:s24+$0xE0]  }
0x97: {  	v13 =	vadd.s32 s26, v5;
	[tilespmem:v19+s14+$0x0] =	vst.idx.msk $0xffff, v18;
	v12 =	vld [tilespmem:s24+$0x50]  }
0x98: {  	[tilespmem:v17+s14+$0x0] =	vst.idx.msk $0xffff, v16;
	v16 =	vld [tilespmem:s31+$0x90];
	v17 =	vadd.s32 s2, v1  }
0x99: {  	v19 =	vadd.s32 s11, v1;
	v18 =	vld [tilespmem:s31+$0xFFFFFF90];
	[tilespmem:v15+s14+$0x0] =	vst.idx.msk $0xffff, v9  }
0x9a: {  	[tilespmem:v14+s14+$0x0] =	vst.idx.msk $0xffff, v11;
	v9 =	vld [tilespmem:s31+$0x10];
	v11 =	vadd.s32 s1, v1  }
0x9b: {  	v15 =	vadd.s32 s30, v1;
	v14 =	vld [tilespmem:s31+$0xFFFFFF10];
	[tilespmem:v10+s14+$0x0] =	vst.idx.msk $0xffff, v8  }
0x9c: {  	v10 =	vadd.s32 s29, v7;
	s29 =	smov.u32 s2;
	[tilespmem:v13+s14+$0x0] =	vst.idx.msk $0xffff, v12;
	v8 =	vld [tilespmem:s24+$0xF0]  }
0x9d: {  	v13 =	vadd.s32 s25, v5;
	[tilespmem:v17+s14+$0x0] =	vst.idx.msk $0xffff, v16;
	v12 =	vld [tilespmem:s24+$0xFFFFFF50]  }
0x9e: {  	v17 =	vadd.s32 s29, v2;
	[tilespmem:v19+s14+$0x0] =	vst.idx.msk $0xffff, v18;
	v16 =	vld [tilespmem:s31+$0xA0]  }
0x9f: {  	v19 =	vadd.s32 s11, v2;
	v18 =	vld [tilespmem:s31+$0xFFFFFFA0];
	[tilespmem:v11+s14+$0x0] =	vst.idx.msk $0xffff, v9  }
0xa0: {  	v11 =	vadd.s32 s1, v2;
	[tilespmem:v15+s14+$0x0] =	vst.idx.msk $0xffff, v14;
	v9 =	vld [tilespmem:s31+$0x20]  }
0xa1: {  	v15 =	vadd.s32 s30, v2;
	v14 =	vld [tilespmem:s31+$0xFFFFFF20];
	[tilespmem:v10+s14+$0x0] =	vst.idx.msk $0xffff, v8  }
0xa2: {  	v10 =	vadd.s32 s28, v6;
	[tilespmem:v13+s14+$0x0] =	vst.idx.msk $0xffff, v12;
	v8 =	vld [tilespmem:s24+$0xFFFFFFE0]  }
0xa3: {  	v13 =	vadd.s32 s26, v6;
	[tilespmem:v17+s14+$0x0] =	vst.idx.msk $0xffff, v16;
	v12 =	vld [tilespmem:s24+$0x60]  }
0xa4: {  	v17 =	vadd.s32 s29, v3;
	[tilespmem:v19+s14+$0x0] =	vst.idx.msk $0xffff, v18;
	v16 =	vld [tilespmem:s31+$0xB0]  }
0xa5: {  	v19 =	vadd.s32 s11, v3;
	v18 =	vld [tilespmem:s31+$0xFFFFFFB0];
	[tilespmem:v11+s14+$0x0] =	vst.idx.msk $0xffff, v9  }
0xa6: {  	v11 =	vadd.s32 s1, v3;
	[tilespmem:v15+s14+$0x0] =	vst.idx.msk $0xffff, v14;
	v9 =	vld [tilespmem:s31+$0x30]  }
0xa7: {  	v15 =	vadd.s32 s30, v3;
	v14 =	vld [tilespmem:s31+$0xFFFFFF30];
	[tilespmem:v10+s14+$0x0] =	vst.idx.msk $0xffff, v8  }
0xa8: {  	v10 =	vadd.s32 s25, v6;
	v8 =	vld [tilespmem:s24+$0xFFFFFF60];
	[tilespmem:v13+s14+$0x0] =	vst.idx.msk $0xffff, v12  }
0xa9: {  	v13 =	vadd.s32 s28, v7;
	s28 =	smov.u32 s11;
	[tilespmem:v17+s14+$0x0] =	vst.idx.msk $0xffff, v16;
	v12 =	vld [tilespmem:s24+$0xFFFFFFF0]  }
0xaa: {  	[tilespmem:v19+s14+$0x0] =	vst.idx.msk $0xffff, v18;
	v18 =	vld [tilespmem:s31+$0xC0];
	v19 =	vadd.s32 s29, v4  }
0xab: {  	v21 =	vadd.s32 s28, v4;
	v20 =	vld [tilespmem:s31+$0xFFFFFFC0];
	[tilespmem:v11+s14+$0x0] =	vst.idx.msk $0xffff, v9  }
0xac: {  	v23 =	vadd.s32 s1, v4;
	[tilespmem:v15+s14+$0x0] =	vst.idx.msk $0xffff, v14;
	v22 =	vld [tilespmem:s31+$0x40]  }
.Ltmp5:
0xad: {  	v17 =	vadd.s32 s30, v4;
	v16 =	vld [tilespmem:s31+$0xFFFFFF40];
	[tilespmem:v10+s14+$0x0] =	vst.idx.msk $0xffff, v8;
	(pc) =	sbr.rel @p1 .LBB2_4-.Ltmp5, $4  }
0xae: {  	v15 =	vadd.s32 s26, v7;
	s26 =	smov.u32 s1;
	[tilespmem:v13+s14+$0x0] =	vst.idx.msk $0xffff, v12;
	v9 =	vld [tilespmem:s24+$0x70]  }
0xaf: {  	v14 =	vadd.s32 s25, v7;
	s25 =	smov.u32 s30;
	s30 =	smov.u32 s3;
	[tilespmem:v19+s14+$0x0] =	vst.idx.msk $0xffff, v18;
	v11 =	vld [tilespmem:s24+$0xFFFFFF70];
	s24 =	smov.u32 s31  }
0xb0: {  	v10 =	vadd.s32 s29, v5;
	[tilespmem:v21+s14+$0x0] =	vst.idx.msk $0xffff, v20;
	v8 =	vld [tilespmem:s31+$0xD0]  }
0xb1: {  	s3 =	sadd.s32 $0x4, s3;
	s2 =	sadd.s32 $0x3, s30;
	v13 =	vadd.s32 s28, v5;
	s31 =	sadd.s32 $0x200, s31;
	v12 =	vld [tilespmem:s24+$0xFFFFFFD0];
	[tilespmem:v23+s14+$0x0] =	vst.idx.msk $0xffff, v22  }
0xb2: {  	_ = 	snop  }
0xb3: {  	v18 =	vld [tilespmem:s31+$0x80];
	v19 =	vadd.s32 s2, v0  }
0xb4: {  	s1 =	sadd.s32 $0x2, s30;
	v24 =	vld [tilespmem:s31+$0xFFFFFF00];
	v25 =	vadd.s32 s30, v0  }
0xb5: {  	s3 =	sadd.s32 $0x1, s30;
	v22 =	vld [tilespmem:s31+$0x0];
	v23 =	vadd.s32 s1, v0  }
0xb6: {  	v20 =	vld [tilespmem:s31+$0xFFFFFF80];
	v21 =	vadd.s32 s3, v0;
	[tilespmem:v15+s14+$0x0] =	vst.idx.msk $0xffff, v9  }
0xb7: {  	[tilespmem:v14+s14+$0x0] =	vst.idx.msk $0xffff, v11  }
0xb8: {  	[tilespmem:v19+s14+$0x0] =	vst.idx.msk $0xffff, v18  }
0xb9: {  	v42 =	vadd.s32 s2, v1;
	[tilespmem:v25+s14+$0x0] =	vst.idx.msk $0xffff, v24;
	v41 =	vld [tilespmem:s31+$0x90]  }
0xba: {  	v15 =	vadd.s32 s30, v1;
	[tilespmem:v23+s14+$0x0] =	vst.idx.msk $0xffff, v22;
	v9 =	vld [tilespmem:s31+$0xFFFFFF10]  }
0xbb: {  	v46 =	vadd.s32 s1, v1;
	[tilespmem:v21+s14+$0x0] =	vst.idx.msk $0xffff, v20;
	v45 =	vld [tilespmem:s31+$0x10]  }
0xbc: {  	v44 =	vadd.s32 s3, v1;
	[tilespmem:v10+s14+$0x0] =	vst.idx.msk $0xffff, v8;
	v43 =	vld [tilespmem:s31+$0xFFFFFF90]  }
0xbd: {  	[tilespmem:v13+s14+$0x0] =	vst.idx.msk $0xffff, v12  }
0xbe: {  	v12 =	vld [tilespmem:s24+$0xE0];
	v13 =	vadd.s32 s29, v6;
	[tilespmem:v42+s14+$0x0] =	vst.idx.msk $0xffff, v41  }
0xbf: {  	v14 =	vadd.s32 s2, v2;
	[tilespmem:v15+s14+$0x0] =	vst.idx.msk $0xffff, v9;
	v11 =	vld [tilespmem:s31+$0xA0]  }
0xc0: {  	v10 =	vadd.s32 s30, v2;
	[tilespmem:v46+s14+$0x0] =	vst.idx.msk $0xffff, v45;
	v8 =	vld [tilespmem:s31+$0xFFFFFF20]  }
0xc1: {  	v15 =	vadd.s32 s1, v2;
	[tilespmem:v44+s14+$0x0] =	vst.idx.msk $0xffff, v43;
	v9 =	vld [tilespmem:s31+$0x20]  }
0xc2: {  	v48 =	vadd.s32 s3, v2;
	v47 =	vld [tilespmem:s31+$0xFFFFFFA0]  }
0xc3: {  	[tilespmem:v13+s14+$0x0] =	vst.idx.msk $0xffff, v12  }
0xc4: {  	v49 =	vld [tilespmem:s24+$0x50];
	v50 =	vadd.s32 s26, v5;
	[tilespmem:v14+s14+$0x0] =	vst.idx.msk $0xffff, v11  }
0xc5: {  	v14 =	vadd.s32 s2, v3;
	[tilespmem:v10+s14+$0x0] =	vst.idx.msk $0xffff, v8;
	v11 =	vld [tilespmem:s31+$0xB0]  }
0xc6: {  	v13 =	vld [tilespmem:s24+$0xF0];
	[tilespmem:v15+s14+$0x0] =	vst.idx.msk $0xffff, v9;
	v15 =	vadd.s32 s29, v7  }
0xc7: {  	v12 =	vadd.s32 s30, v3;
	[tilespmem:v48+s14+$0x0] =	vst.idx.msk $0xffff, v47;
	v10 =	vld [tilespmem:s31+$0xFFFFFF30]  }
0xc8: {  	[tilespmem:v17+s14+$0x0] =	vst.idx.msk $0xffff, v16;
	v51 =	vadd.s32 s3, v3;
	v16 =	vld [tilespmem:s31+$0xFFFFFFB0]  }
0xc9: {  	[tilespmem:v50+s14+$0x0] =	vst.idx.msk $0xffff, v49;
	v9 =	vadd.s32 s1, v3;
	v8 =	vld [tilespmem:s31+$0x30]  }
0xca: {  	v53 =	vadd.s32 s25, v5;
	v52 =	vld [tilespmem:s24+$0xFFFFFF50];
	[tilespmem:v14+s14+$0x0] =	vst.idx.msk $0xffff, v11  }
0xcb: {  	[tilespmem:v15+s14+$0x0] =	vst.idx.msk $0xffff, v13;
	v13 =	vld [tilespmem:s24+$0xFFFFFFE0];
	v15 =	vadd.s32 s28, v6  }
0xcc: {  	v14 =	vadd.s32 s2, v4;
	[tilespmem:v12+s14+$0x0] =	vst.idx.msk $0xffff, v10;
	v11 =	vld [tilespmem:s31+$0xC0]  }
0xcd: {  	v12 =	vadd.s32 s30, v4;
	[tilespmem:v51+s14+$0x0] =	vst.idx.msk $0xffff, v16;
	v10 =	vld [tilespmem:s31+$0xFFFFFF40]  }
0xce: {  	v54 =	vadd.s32 s3, v4;
	[tilespmem:v9+s14+$0x0] =	vst.idx.msk $0xffff, v8;
	v16 =	vld [tilespmem:s31+$0xFFFFFFC0]  }
0xcf: {  	[tilespmem:v53+s14+$0x0] =	vst.idx.msk $0xffff, v52;
	v9 =	vadd.s32 s1, v4;
	v8 =	vld [tilespmem:s31+$0x40]  }
0xd0: {  	v56 =	vadd.s32 s26, v6;
	v55 =	vld [tilespmem:s24+$0x60];
	[tilespmem:v15+s14+$0x0] =	vst.idx.msk $0xffff, v13  }
0xd1: {  	v13 =	vld [tilespmem:s24+$0xFFFFFF60];
	v15 =	vadd.s32 s25, v6;
	[tilespmem:v14+s14+$0x0] =	vst.idx.msk $0xffff, v11  }
0xd2: {  	v14 =	vadd.s32 s2, v5;
	[tilespmem:v12+s14+$0x0] =	vst.idx.msk $0xffff, v10;
	v11 =	vld [tilespmem:s31+$0xD0]  }
0xd3: {  	v12 =	vadd.s32 s30, v5;
	[tilespmem:v54+s14+$0x0] =	vst.idx.msk $0xffff, v16;
	v10 =	vld [tilespmem:s31+$0xFFFFFF50]  }
0xd4: {  	v57 =	vadd.s32 s3, v5;
	[tilespmem:v9+s14+$0x0] =	vst.idx.msk $0xffff, v8;
	v16 =	vld [tilespmem:s31+$0xFFFFFFD0]  }
0xd5: {  	[tilespmem:v56+s14+$0x0] =	vst.idx.msk $0xffff, v55;
	v9 =	vadd.s32 s1, v5;
	v8 =	vld [tilespmem:s31+$0x50]  }
0xd6: {  	[tilespmem:v15+s14+$0x0] =	vst.idx.msk $0xffff, v13  }
0xd7: {  	v61 =	vadd.s32 s26, v7;
	v60 =	vld [tilespmem:s24+$0x70];
	[tilespmem:v14+s14+$0x0] =	vst.idx.msk $0xffff, v11  }
0xd8: {  	v14 =	vadd.s32 s2, v6;
	[tilespmem:v12+s14+$0x0] =	vst.idx.msk $0xffff, v10;
	v11 =	vld [tilespmem:s31+$0xE0]  }
0xd9: {  	v15 =	vadd.s32 s30, v6;
	[tilespmem:v57+s14+$0x0] =	vst.idx.msk $0xffff, v16;
	v13 =	vld [tilespmem:s31+$0xFFFFFF60]  }
0xda: {  	[tilespmem:v9+s14+$0x0] =	vst.idx.msk $0xffff, v8;
	v9 =	vadd.s32 s3, v6;
	v8 =	vld [tilespmem:s31+$0xFFFFFFE0]  }
0xdb: {  	v12 =	vadd.s32 s1, v6;
	v10 =	vld [tilespmem:s31+$0x60]  }
0xdc: {  	v59 =	vadd.s32 s28, v7;
	[tilespmem:v61+s14+$0x0] =	vst.idx.msk $0xffff, v60;
	v58 =	vld [tilespmem:s24+$0xFFFFFFF0]  }
0xdd: {  	v63 =	vadd.s32 s25, v7;
	v62 =	vld [tilespmem:s24+$0xFFFFFF70];
	[tilespmem:v14+s14+$0x0] =	vst.idx.msk $0xffff, v11  }
0xde: {  	v14 =	vadd.s32 s2, v7;
	[tilespmem:v15+s14+$0x0] =	vst.idx.msk $0xffff, v13;
	v11 =	vld [tilespmem:s31+$0xF0]  }
0xdf: {  	v15 =	vadd.s32 s30, v7;
	[tilespmem:v9+s14+$0x0] =	vst.idx.msk $0xffff, v8;
	v13 =	vld [tilespmem:s31+$0xFFFFFF70]  }
0xe0: {  	[tilespmem:v12+s14+$0x0] =	vst.idx.msk $0xffff, v10;
	v9 =	vadd.s32 s3, v7;
	v8 =	vld [tilespmem:s31+$0xFFFFFFF0]  }
0xe1: {  	[tilespmem:v59+s14+$0x0] =	vst.idx.msk $0xffff, v58;
	v12 =	vadd.s32 s1, v7;
	v10 =	vld [tilespmem:s31+$0x70]  }
0xe2: {  	[tilespmem:v63+s14+$0x0] =	vst.idx.msk $0xffff, v62  }
0xe3: {  	[tilespmem:v14+s14+$0x0] =	vst.idx.msk $0xffff, v11  }
0xe4: {  	[tilespmem:v15+s14+$0x0] =	vst.idx.msk $0xffff, v13  }
0xe5: {  	p1 =	seq.s32 s21, $0x0;
	[tilespmem:v9+s14+$0x0] =	vst.idx.msk $0xffff, v8  }
0xe6: {  	s1 =	simm.s32 @!p1 $0x3;
	[tilespmem:v12+s14+$0x0] =	vst.idx.msk $0xffff, v10  }
0xe7: {  	_ =	swait.ge @!p1 [sflag:s1], $0x2000  }
0xe8: {  	[sflag:s1] =	ssyncset.done @!p1 $0x0  }
0xe9: {  	s31 =	simm.s32 $0x4112;
	[sflag:s1] =	ssyncadd.s32 @!p1 $0xFFFFE000  }
0xea: {  	v8 =	vld [tilespmem:s31+$0x89]  }
0xeb: {  	v10 =	vld [tilespmem:s31+$0x0]  }
0xec: {  	v9 =	vld [tilespmem:s31+$0xFFFFFF77]  }
0xed: {  	v11 =	vld [tilespmem:s31+$0xFFFFFEEE]  }
0xee: {  	s24 =	simm.s32 $0x6380  }
0xef: {  	[tilespmem:s24+$0x80] =	vst v8  }
0xf0: {  	[tilespmem:s24+$0x0] =	vst v10;
	v8 =	vld [tilespmem:s31+$0x99]  }
0xf1: {  	[tilespmem:s24+$0xFFFFFF80] =	vst v9;
	v10 =	vld [tilespmem:s31+$0x10]  }
0xf2: {  	[tilespmem:s24+$0xFFFFFF00] =	vst v11;
	v9 =	vld [tilespmem:s31+$0xFFFFFF87]  }
0xf3: {  	v11 =	vld [tilespmem:s31+$0xFFFFFEFE];
	_ =	sdelay $0x1  }
0xf4: {  	[tilespmem:s24+$0x90] =	vst v8  }
0xf5: {  	[tilespmem:s24+$0x10] =	vst v10;
	v8 =	vld [tilespmem:s31+$0xA9]  }
0xf6: {  	[tilespmem:s24+$0xFFFFFF90] =	vst v9;
	v10 =	vld [tilespmem:s31+$0x20]  }
0xf7: {  	[tilespmem:s24+$0xFFFFFF10] =	vst v11;
	v9 =	vld [tilespmem:s31+$0xFFFFFF97]  }
0xf8: {  	v11 =	vld [tilespmem:s31+$0xFFFFFF0E];
	_ =	sdelay $0x1  }
0xf9: {  	[tilespmem:s24+$0xA0] =	vst v8  }
0xfa: {  	[tilespmem:s24+$0x20] =	vst v10;
	v8 =	vld [tilespmem:s31+$0xB9]  }
0xfb: {  	[tilespmem:s24+$0xFFFFFFA0] =	vst v9;
	v10 =	vld [tilespmem:s31+$0x30]  }
0xfc: {  	[tilespmem:s24+$0xFFFFFF20] =	vst v11;
	v9 =	vld [tilespmem:s31+$0xFFFFFFA7]  }
0xfd: {  	v11 =	vld [tilespmem:s31+$0xFFFFFF1E];
	_ =	sdelay $0x1  }
0xfe: {  	[tilespmem:s24+$0xB0] =	vst v8  }
0xff: {  	[tilespmem:s24+$0x30] =	vst v10;
	v8 =	vld [tilespmem:s31+$0xD1]  }
0x100: {  	[tilespmem:s24+$0xFFFFFFB0] =	vst v9;
	v10 =	vld [tilespmem:s31+$0x48]  }
0x101: {  	[tilespmem:s24+$0xFFFFFF30] =	vst v11;
	v9 =	vld [tilespmem:s31+$0xFFFFFFBF]  }
0x102: {  	v11 =	vld [tilespmem:s31+$0xFFFFFF36]  }
0x103: {  	s25 =	simm.s32 $0x4336  }
0x104: {  	v12 =	vld [tilespmem:s25+$0x89];
	[tilespmem:s24+$0xC0] =	vst v8  }
0x105: {  	[tilespmem:s24+$0x40] =	vst v10;
	v10 =	vld [tilespmem:s25+$0xFFFFFF77]  }
0x106: {  	[tilespmem:s24+$0xFFFFFFC0] =	vst v9;
	v8 =	vld [tilespmem:s31+$0xE1]  }
0x107: {  	[tilespmem:s24+$0xFFFFFF40] =	vst v11;
	v11 =	vld [tilespmem:s25+$0x0]  }
0x108: {  	s26 =	simm.s32 $0x6580;
	v9 =	vld [tilespmem:s31+$0xFFFFFFCF]  }
0x109: {  	v13 =	vld [tilespmem:s25+$0xFFFFFEEE];
	[tilespmem:s26+$0x80] =	vst v12  }
0x10a: {  	[tilespmem:s26+$0xFFFFFF80] =	vst v10;
	v10 =	vld [tilespmem:s25+$0x99]  }
0x10b: {  	[tilespmem:s24+$0xD0] =	vst v8;
	v12 =	vld [tilespmem:s25+$0xFFFFFF87]  }
0x10c: {  	[tilespmem:s26+$0x0] =	vst v11;
	v8 =	vld [tilespmem:s31+$0xF1]  }
0x10d: {  	[tilespmem:s24+$0xFFFFFFD0] =	vst v9;
	v9 =	vld [tilespmem:s31+$0xFFFFFF46]  }
0x10e: {  	[tilespmem:s26+$0xFFFFFF00] =	vst v13;
	v11 =	vld [tilespmem:s25+$0x10]  }
0x10f: {  	v13 =	vld [tilespmem:s25+$0xFFFFFEFE];
	[tilespmem:s26+$0x90] =	vst v10  }
0x110: {  	[tilespmem:s26+$0xFFFFFF90] =	vst v12;
	v10 =	vld [tilespmem:s25+$0xA9]  }
0x111: {  	[tilespmem:s24+$0xE0] =	vst v8;
	v12 =	vld [tilespmem:s25+$0xFFFFFF97]  }
0x112: {  	[tilespmem:s24+$0xFFFFFF50] =	vst v9;
	v8 =	vld [tilespmem:s31+$0x101]  }
0x113: {  	v9 =	vld [tilespmem:s31+$0x58];
	[tilespmem:s26+$0x10] =	vst v11  }
0x114: {  	[tilespmem:s26+$0xFFFFFF10] =	vst v13;
	v11 =	vld [tilespmem:s25+$0x20]  }
0x115: {  	v13 =	vld [tilespmem:s25+$0xFFFFFF0E];
	[tilespmem:s26+$0xA0] =	vst v10  }
0x116: {  	[tilespmem:s26+$0xFFFFFFA0] =	vst v12;
	v10 =	vld [tilespmem:s25+$0xB9]  }
0x117: {  	[tilespmem:s24+$0xF0] =	vst v8;
	v8 =	vld [tilespmem:s31+$0xFFFFFF56]  }
0x118: {  	[tilespmem:s24+$0x50] =	vst v9;
	v12 =	vld [tilespmem:s25+$0xFFFFFFA7]  }
0x119: {  	v9 =	vld [tilespmem:s31+$0xFFFFFFDF];
	[tilespmem:s26+$0x20] =	vst v11  }
0x11a: {  	[tilespmem:s26+$0xFFFFFF20] =	vst v13;
	v11 =	vld [tilespmem:s25+$0x30]  }
0x11b: {  	v13 =	vld [tilespmem:s25+$0xFFFFFF1E];
	[tilespmem:s26+$0xB0] =	vst v10  }
0x11c: {  	[tilespmem:s24+$0xFFFFFF60] =	vst v8;
	v8 =	vld [tilespmem:s31+$0x68]  }
0x11d: {  	[tilespmem:s26+$0xFFFFFFB0] =	vst v12;
	v12 =	vld [tilespmem:s25+$0xD1]  }
0x11e: {  	[tilespmem:s24+$0xFFFFFFE0] =	vst v9;
	v9 =	vld [tilespmem:s31+$0xFFFFFF66]  }
0x11f: {  	[tilespmem:s26+$0x30] =	vst v11;
	v14 =	vld [tilespmem:s25+$0xFFFFFFBF]  }
0x120: {  	[tilespmem:s26+$0xFFFFFF30] =	vst v13;
	v13 =	vld [tilespmem:s25+$0x48]  }
0x121: {  	v10 =	vld [tilespmem:s25+$0xFFFFFF36];
	[tilespmem:s24+$0x60] =	vst v8  }
0x122: {  	v8 =	vld [tilespmem:s31+$0xFFFFFFEF];
	[tilespmem:s26+$0xC0] =	vst v12  }
0x123: {  	[tilespmem:s24+$0xFFFFFF70] =	vst v9;
	v9 =	vld [tilespmem:s31+$0x78]  }
0x124: {  	[tilespmem:s26+$0xFFFFFFC0] =	vst v14;
	v12 =	vld [tilespmem:s25+$0xE1]  }
0x125: {  	s2 =	simm.s32 $0x455A;
	s1 =	simm.s32 $0x4;
	[tilespmem:s26+$0x40] =	vst v13;
	v11 =	vld [tilespmem:s25+$0xFFFFFFCF]  }
.LBB2_6:
0x126: {  	v13 =	vld [tilespmem:s2+$0x89];
	s1 =	sadd.s32 $0x4, s1;
	[tilespmem:s26+$0xFFFFFF40] =	vst v10  }
0x127: {  	v10 =	vld [tilespmem:s2+$0xFFFFFF77];
	p1 =	slt.u32 s1, $0x3C;
	[tilespmem:s24+$0xFFFFFFF0] =	vst v8  }
0x128: {  	v8 =	vld [tilespmem:s2+$0x0];
	[tilespmem:s24+$0x70] =	vst v9;
	s24 =	smov.u32 s26  }
0x129: {  	v9 =	vld [tilespmem:s2+$0xFFFFFEEE];
	[tilespmem:s26+$0xD0] =	vst v12  }
0x12a: {  	s26 =	sadd.s32 $0x200, s26;
	[tilespmem:s24+$0xFFFFFFD0] =	vst v11;
	v11 =	vld [tilespmem:s25+$0xF1]  }
0x12b: {  	[tilespmem:s26+$0x80] =	vst v13;
	v12 =	vld [tilespmem:s25+$0xFFFFFF46]  }
0x12c: {  	[tilespmem:s26+$0xFFFFFF80] =	vst v10;
	v10 =	vld [tilespmem:s2+$0x99]  }
0x12d: {  	v13 =	vld [tilespmem:s2+$0xFFFFFF87];
	[tilespmem:s26+$0x0] =	vst v8  }
0x12e: {  	[tilespmem:s26+$0xFFFFFF00] =	vst v9;
	v8 =	vld [tilespmem:s2+$0x10]  }
0x12f: {  	v9 =	vld [tilespmem:s2+$0xFFFFFEFE];
	[tilespmem:s24+$0xE0] =	vst v11  }
0x130: {  	[tilespmem:s24+$0xFFFFFF50] =	vst v12;
	v11 =	vld [tilespmem:s25+$0x101]  }
0x131: {  	[tilespmem:s26+$0x90] =	vst v10;
	v10 =	vld [tilespmem:s25+$0x58]  }
0x132: {  	[tilespmem:s26+$0xFFFFFF90] =	vst v13;
	v12 =	vld [tilespmem:s2+$0xA9]  }
0x133: {  	v13 =	vld [tilespmem:s2+$0xFFFFFF97];
	[tilespmem:s26+$0x10] =	vst v8  }
0x134: {  	[tilespmem:s26+$0xFFFFFF10] =	vst v9;
	v8 =	vld [tilespmem:s2+$0x20]  }
0x135: {  	v9 =	vld [tilespmem:s2+$0xFFFFFF0E];
	[tilespmem:s24+$0xF0] =	vst v11  }
0x136: {  	v11 =	vld [tilespmem:s25+$0xFFFFFF56];
	[tilespmem:s24+$0x50] =	vst v10  }
0x137: {  	[tilespmem:s26+$0xA0] =	vst v12;
	v10 =	vld [tilespmem:s25+$0xFFFFFFDF]  }
0x138: {  	[tilespmem:s26+$0xFFFFFFA0] =	vst v13;
	v12 =	vld [tilespmem:s2+$0xB9]  }
0x139: {  	v13 =	vld [tilespmem:s2+$0xFFFFFFA7];
	[tilespmem:s26+$0x20] =	vst v8  }
0x13a: {  	[tilespmem:s26+$0xFFFFFF20] =	vst v9;
	v8 =	vld [tilespmem:s2+$0x30]  }
0x13b: {  	v9 =	vld [tilespmem:s2+$0xFFFFFF1E];
	[tilespmem:s24+$0xFFFFFF60] =	vst v11  }
0x13c: {  	[tilespmem:s24+$0xFFFFFFE0] =	vst v10;
	v11 =	vld [tilespmem:s25+$0x68]  }
0x13d: {  	[tilespmem:s26+$0xB0] =	vst v12;
	v12 =	vld [tilespmem:s25+$0xFFFFFF66]  }
0x13e: {  	[tilespmem:s26+$0xFFFFFFB0] =	vst v13;
	v13 =	vld [tilespmem:s2+$0xD1]  }
0x13f: {  	v14 =	vld [tilespmem:s2+$0xFFFFFFBF];
	[tilespmem:s26+$0x30] =	vst v8  }
0x140: {  	[tilespmem:s26+$0xFFFFFF30] =	vst v9;
	v15 =	vld [tilespmem:s2+$0x48]  }
.Ltmp6:
0x141: {  	v10 =	vld [tilespmem:s2+$0xFFFFFF36];
	[tilespmem:s24+$0x60] =	vst v11;
	(pc) =	sbr.rel @p1 .LBB2_6-.Ltmp6, $4  }
0x142: {  	[tilespmem:s24+$0xFFFFFF70] =	vst v12;
	v8 =	vld [tilespmem:s25+$0xFFFFFFEF]  }
0x143: {  	[tilespmem:s26+$0xC0] =	vst v13;
	v9 =	vld [tilespmem:s25+$0x78];
	s25 =	smov.u32 s2  }
0x144: {  	[tilespmem:s26+$0xFFFFFFC0] =	vst v14;
	v12 =	vld [tilespmem:s2+$0xE1]  }
0x145: {  	s2 =	sadd.s32 $0x224, s2;
	v11 =	vld [tilespmem:s25+$0xFFFFFFCF];
	[tilespmem:s26+$0x40] =	vst v15  }
0x146: {  	[tilespmem:s26+$0xFFFFFF40] =	vst v10;
	v13 =	vld [tilespmem:s25+$0x58]  }
0x147: {  	v10 =	vld [tilespmem:s25+$0xFFFFFF46];
	_ =	sdelay $0x1  }
0x148: {  	[tilespmem:s26+$0xD0] =	vst v12  }
0x149: {  	v12 =	vld [tilespmem:s25+$0xF1];
	[tilespmem:s26+$0xFFFFFFD0] =	vst v11  }
0x14a: {  	[tilespmem:s26+$0x50] =	vst v13;
	v11 =	vld [tilespmem:s25+$0xFFFFFFDF]  }
0x14b: {  	[tilespmem:s26+$0xFFFFFF50] =	vst v10;
	v13 =	vld [tilespmem:s25+$0x68]  }
0x14c: {  	v10 =	vld [tilespmem:s25+$0xFFFFFF56]  }
0x14d: {  	[tilespmem:s24+$0xFFFFFFF0] =	vst v8  }
0x14e: {  	[tilespmem:s26+$0xE0] =	vst v12  }
0x14f: {  	v61 =	vld [tilespmem:s25+$0x101];
	[tilespmem:s26+$0xFFFFFFE0] =	vst v11  }
0x150: {  	[tilespmem:s26+$0x60] =	vst v13;
	v63 =	vld [tilespmem:s25+$0xFFFFFFEF]  }
0x151: {  	[tilespmem:s26+$0xFFFFFF60] =	vst v10;
	v8 =	vld [tilespmem:s25+$0x78]  }
0x152: {  	v62 =	vld [tilespmem:s25+$0xFFFFFF66]  }
0x153: {  	[tilespmem:s24+$0x70] =	vst v9  }
0x154: {  	[tilespmem:s26+$0xF0] =	vst v61  }
0x155: {  	[tilespmem:s26+$0xFFFFFFF0] =	vst v63  }
0x156: {  	s1 =	sshll.u32 s23, $0xA;
	[tilespmem:s26+$0x70] =	vst v8  }
0x157: {  	s1 =	sadd.s32 s6, s1;
	[tilespmem:s26+$0xFFFFFF70] =	vst v62  }
0x158: {  	[hbm4b:s1+s4] =	stream.linear.scatter [tilespmem:s15], [sflag:$0x3], $0x2000, $0x38;
	[tilespmem:$0xA280] =	vst v63  }
.LBB2_8:
0x159: {  	s23 =	sor.u32 $0x20, s23  }
0x15a: {  	p1 =	sgt.u32 s23, $0x1E83  }
.Ltmp7:
0x15b: {  	_ = 	snop;
	(pc) =	sbr.rel @p1 .LBB2_14-.Ltmp7, $1  }
0x15c: {  	_ =	sdelay $0x3  }
0x15d: {  	p1 =	sgt.u32 s23, $0x1E63  }
0x15e: {  	s1 =	sadd.s32 @!p1 s8, s22  }
0x15f: {  	s2 =	simm.s32 @!p1 $0x400;
	s1 =	sshll.u32 @!p1 s1, $0x7  }
0x160: {  	s3 =	simm.s32 @!p1 $0x7A1400;
	s11 =	simm.s32 @!p1 $0x0;
	s1 =	sadd.s32 @!p1 s0, s1  }
0x161: {  	[tilespmem:s11], [sflag:$0x1] =	stream.strided.gather @!p1 [hbm4b:s1+s2], $0x2000, s3, s2, $0x38;
	[tilespmem:$0xA280] =	vst v63  }
0x162: {  	_ =	swait.ge [sflag:s16], $0x2000  }
0x163: {  	[sflag:s16] =	ssyncset.done $0x0  }
0x164: {  	s3 =	simm.s32 $0x2100;
	s11 =	simm.s32 $0x3;
	[sflag:s16] =	ssyncadd.s32 $0xFFFFE000  }
0x165: {  	s31 =	simm.s32 $0x2;
	v9 =	vadd.s32 s11, v0;
	v8 =	vld [tilespmem:s3+$0x80]  }
0x166: {  	s29 =	simm.s32 $0x1;
	v13 =	vadd.s32 s31, v0;
	v12 =	vld [tilespmem:s3+$0x0]  }
0x167: {  	v11 =	vadd.s32 s29, v0;
	v10 =	vld [tilespmem:s3+$0xFFFFFF80];
	_ =	sdelay $0x1  }
0x168: {  	s30 =	simm.s32 $0x0  }
0x169: {  	v15 =	vadd.s32 s30, v0;
	v14 =	vld [tilespmem:s3+$0xFFFFFF00];
	[tilespmem:v9+s14+$0x0] =	vst.idx.msk $0xffff, v8  }
0x16a: {  	v9 =	vadd.s32 s11, v1;
	[tilespmem:v13+s14+$0x0] =	vst.idx.msk $0xffff, v12;
	v8 =	vld [tilespmem:s3+$0x90]  }
0x16b: {  	[tilespmem:v11+s14+$0x0] =	vst.idx.msk $0xffff, v10;
	v13 =	vadd.s32 s31, v1;
	v12 =	vld [tilespmem:s3+$0x10]  }
0x16c: {  	v11 =	vadd.s32 s29, v1;
	v10 =	vld [tilespmem:s3+$0xFFFFFF90];
	_ =	sdelay $0x1  }
0x16d: {  	[tilespmem:v15+s14+$0x0] =	vst.idx.msk $0xffff, v14  }
0x16e: {  	v15 =	vadd.s32 s30, v1;
	v14 =	vld [tilespmem:s3+$0xFFFFFF10];
	[tilespmem:v9+s14+$0x0] =	vst.idx.msk $0xffff, v8  }
0x16f: {  	v9 =	vadd.s32 s11, v2;
	[tilespmem:v13+s14+$0x0] =	vst.idx.msk $0xffff, v12;
	v8 =	vld [tilespmem:s3+$0xA0]  }
0x170: {  	[tilespmem:v11+s14+$0x0] =	vst.idx.msk $0xffff, v10;
	v13 =	vadd.s32 s31, v2;
	v12 =	vld [tilespmem:s3+$0x20]  }
0x171: {  	v11 =	vadd.s32 s29, v2;
	v10 =	vld [tilespmem:s3+$0xFFFFFFA0];
	_ =	sdelay $0x1  }
0x172: {  	[tilespmem:v15+s14+$0x0] =	vst.idx.msk $0xffff, v14  }
0x173: {  	v15 =	vadd.s32 s30, v2;
	v14 =	vld [tilespmem:s3+$0xFFFFFF20];
	[tilespmem:v9+s14+$0x0] =	vst.idx.msk $0xffff, v8  }
0x174: {  	v9 =	vadd.s32 s11, v3;
	[tilespmem:v13+s14+$0x0] =	vst.idx.msk $0xffff, v12;
	v8 =	vld [tilespmem:s3+$0xB0]  }
0x175: {  	[tilespmem:v11+s14+$0x0] =	vst.idx.msk $0xffff, v10;
	v13 =	vadd.s32 s31, v3;
	v12 =	vld [tilespmem:s3+$0x30]  }
0x176: {  	v11 =	vadd.s32 s29, v3;
	v10 =	vld [tilespmem:s3+$0xFFFFFFB0];
	_ =	sdelay $0x1  }
0x177: {  	[tilespmem:v15+s14+$0x0] =	vst.idx.msk $0xffff, v14  }
0x178: {  	v15 =	vadd.s32 s30, v3;
	v14 =	vld [tilespmem:s3+$0xFFFFFF30];
	[tilespmem:v9+s14+$0x0] =	vst.idx.msk $0xffff, v8  }
0x179: {  	v9 =	vadd.s32 s11, v4;
	[tilespmem:v13+s14+$0x0] =	vst.idx.msk $0xffff, v12;
	v8 =	vld [tilespmem:s3+$0xC0]  }
0x17a: {  	[tilespmem:v11+s14+$0x0] =	vst.idx.msk $0xffff, v10;
	v13 =	vadd.s32 s31, v4;
	v12 =	vld [tilespmem:s3+$0x40]  }
0x17b: {  	v11 =	vadd.s32 s29, v4;
	v10 =	vld [tilespmem:s3+$0xFFFFFFC0]  }
0x17c: {  	s28 =	simm.s32 $0x7;
	s22 =	simm.s32 $0x2300  }
0x17d: {  	v17 =	vadd.s32 s28, v0;
	v16 =	vld [tilespmem:s22+$0x80];
	[tilespmem:v15+s14+$0x0] =	vst.idx.msk $0xffff, v14  }
0x17e: {  	s26 =	simm.s32 $0x5;
	v15 =	vadd.s32 s30, v4;
	v14 =	vld [tilespmem:s3+$0xFFFFFF40];
	[tilespmem:v9+s14+$0x0] =	vst.idx.msk $0xffff, v8  }
0x17f: {  	[tilespmem:v13+s14+$0x0] =	vst.idx.msk $0xffff, v12;
	v12 =	vld [tilespmem:s22+$0xFFFFFF80];
	v13 =	vadd.s32 s26, v0  }
0x180: {  	[tilespmem:v11+s14+$0x0] =	vst.idx.msk $0xffff, v10;
	v9 =	vadd.s32 s11, v5;
	v8 =	vld [tilespmem:s3+$0xD0]  }
0x181: {  	v11 =	vadd.s32 s29, v5;
	v10 =	vld [tilespmem:s3+$0xFFFFFFD0]  }
0x182: {  	s25 =	simm.s32 $0x6;
	[tilespmem:v17+s14+$0x0] =	vst.idx.msk $0xffff, v16  }
0x183: {  	s24 =	simm.s32 $0x4;
	[tilespmem:v15+s14+$0x0] =	vst.idx.msk $0xffff, v14;
	v14 =	vld [tilespmem:s22+$0x0];
	v15 =	vadd.s32 s25, v0  }
0x184: {  	v19 =	vadd.s32 s24, v0;
	v18 =	vld [tilespmem:s22+$0xFFFFFF00];
	[tilespmem:v13+s14+$0x0] =	vst.idx.msk $0xffff, v12  }
0x185: {  	v12 =	vld [tilespmem:s22+$0x90];
	v13 =	vadd.s32 s28, v1;
	[tilespmem:v9+s14+$0x0] =	vst.idx.msk $0xffff, v8  }
0x186: {  	[tilespmem:v11+s14+$0x0] =	vst.idx.msk $0xffff, v10;
	v10 =	vld [tilespmem:s3+$0x50];
	v11 =	vadd.s32 s31, v5  }
0x187: {  	v9 =	vadd.s32 s11, v6;
	v8 =	vld [tilespmem:s3+$0xE0]  }
0x188: {  	v17 =	vadd.s32 s26, v1;
	[tilespmem:v15+s14+$0x0] =	vst.idx.msk $0xffff, v14;
	v16 =	vld [tilespmem:s22+$0xFFFFFF90]  }
0x189: {  	[tilespmem:v19+s14+$0x0] =	vst.idx.msk $0xffff, v18;
	v15 =	vadd.s32 s25, v1;
	v14 =	vld [tilespmem:s22+$0x10]  }
0x18a: {  	v19 =	vadd.s32 s24, v1;
	v18 =	vld [tilespmem:s22+$0xFFFFFF10];
	[tilespmem:v13+s14+$0x0] =	vst.idx.msk $0xffff, v12  }
0x18b: {  	v13 =	vadd.s32 s28, v2;
	[tilespmem:v11+s14+$0x0] =	vst.idx.msk $0xffff, v10;
	v12 =	vld [tilespmem:s22+$0xA0]  }
0x18c: {  	v10 =	vld [tilespmem:s3+$0xFFFFFF50];
	v11 =	vadd.s32 s30, v5;
	[tilespmem:v9+s14+$0x0] =	vst.idx.msk $0xffff, v8  }
0x18d: {  	[tilespmem:v17+s14+$0x0] =	vst.idx.msk $0xffff, v16;
	v9 =	vadd.s32 s11, v7;
	v8 =	vld [tilespmem:s3+$0xF0]  }
0x18e: {  	v17 =	vadd.s32 s26, v2;
	[tilespmem:v15+s14+$0x0] =	vst.idx.msk $0xffff, v14;
	v16 =	vld [tilespmem:s22+$0xFFFFFFA0]  }
0x18f: {  	[tilespmem:v19+s14+$0x0] =	vst.idx.msk $0xffff, v18;
	v15 =	vadd.s32 s25, v2;
	v14 =	vld [tilespmem:s22+$0x20]  }
0x190: {  	v19 =	vadd.s32 s24, v2;
	v18 =	vld [tilespmem:s22+$0xFFFFFF20];
	[tilespmem:v13+s14+$0x0] =	vst.idx.msk $0xffff, v12  }
0x191: {  	[tilespmem:v11+s14+$0x0] =	vst.idx.msk $0xffff, v10;
	v13 =	vadd.s32 s28, v3;
	v12 =	vld [tilespmem:s22+$0xB0]  }
0x192: {  	[tilespmem:v9+s14+$0x0] =	vst.idx.msk $0xffff, v8;
	v8 =	vld [tilespmem:s3+$0xFFFFFFE0];
	v9 =	vadd.s32 s29, v6  }
0x193: {  	v10 =	vld [tilespmem:s3+$0x60];
	v11 =	vadd.s32 s31, v6;
	[tilespmem:v17+s14+$0x0] =	vst.idx.msk $0xffff, v16  }
0x194: {  	v17 =	vadd.s32 s26, v3;
	[tilespmem:v15+s14+$0x0] =	vst.idx.msk $0xffff, v14;
	v16 =	vld [tilespmem:s22+$0xFFFFFFB0]  }
0x195: {  	[tilespmem:v19+s14+$0x0] =	vst.idx.msk $0xffff, v18;
	v15 =	vadd.s32 s25, v3;
	v14 =	vld [tilespmem:s22+$0x30]  }
0x196: {  	v19 =	vadd.s32 s24, v3;
	v18 =	vld [tilespmem:s22+$0xFFFFFF30];
	[tilespmem:v13+s14+$0x0] =	vst.idx.msk $0xffff, v12  }
0x197: {  	[tilespmem:v9+s14+$0x0] =	vst.idx.msk $0xffff, v8;
	v8 =	vld [tilespmem:s3+$0xFFFFFF60];
	v9 =	vadd.s32 s30, v6  }
0x198: {  	[tilespmem:v11+s14+$0x0] =	vst.idx.msk $0xffff, v10;
	v13 =	vadd.s32 s28, v4;
	v12 =	vld [tilespmem:s22+$0xC0]  }
0x199: {  	v11 =	vadd.s32 s29, v7;
	[tilespmem:v17+s14+$0x0] =	vst.idx.msk $0xffff, v16;
	v10 =	vld [tilespmem:s3+$0xFFFFFFF0]  }
0x19a: {  	v21 =	vadd.s32 s26, v4;
	[tilespmem:v15+s14+$0x0] =	vst.idx.msk $0xffff, v14;
	v20 =	vld [tilespmem:s22+$0xFFFFFFC0]  }
0x19b: {  	[tilespmem:v19+s14+$0x0] =	vst.idx.msk $0xffff, v18;
	v19 =	vadd.s32 s25, v4;
	v18 =	vld [tilespmem:s22+$0x40]  }
0x19c: {  	v16 =	vld [tilespmem:s22+$0xFFFFFF40];
	v17 =	vadd.s32 s24, v4;
	[tilespmem:v9+s14+$0x0] =	vst.idx.msk $0xffff, v8  }
0x19d: {  	v15 =	vadd.s32 s31, v7;
	v9 =	vld [tilespmem:s3+$0x70];
	[tilespmem:v13+s14+$0x0] =	vst.idx.msk $0xffff, v12  }
0x19e: {  	v14 =	vadd.s32 s30, v7;
	[tilespmem:v11+s14+$0x0] =	vst.idx.msk $0xffff, v10;
	v11 =	vld [tilespmem:s3+$0xFFFFFF70]  }
0x19f: {  	s2 =	simm.s32 $0xB;
	[tilespmem:v21+s14+$0x0] =	vst.idx.msk $0xffff, v20;
	v8 =	vld [tilespmem:s22+$0xD0];
	v10 =	vadd.s32 s28, v5  }
0x1a0: {  	s29 =	simm.s32 $0x8;
	s30 =	simm.s32 $0x2500;
	v13 =	vadd.s32 s26, v5;
	s3 =	simm.s32 $0xC;
	[tilespmem:v19+s14+$0x0] =	vst.idx.msk $0xffff, v18;
	v12 =	vld [tilespmem:s22+$0xFFFFFFD0]  }
.LBB2_10:
0x1a1: {  	p1 =	slt.u32 s3, $0x3C;
	s11 =	sadd.s32 $0x1, s29;
	v18 =	vld [tilespmem:s30+$0x80];
	v19 =	vadd.s32 s2, v0;
	[tilespmem:v17+s14+$0x0] =	vst.idx.msk $0xffff, v16  }
0x1a2: {  	s1 =	sadd.s32 $0x2, s29;
	v16 =	vld [tilespmem:s30+$0xFFFFFF80];
	v17 =	vadd.s32 s11, v0;
	[tilespmem:v15+s14+$0x0] =	vst.idx.msk $0xffff, v9  }
0x1a3: {  	v15 =	vadd.s32 s1, v0;
	v9 =	vld [tilespmem:s30+$0x0];
	[tilespmem:v14+s14+$0x0] =	vst.idx.msk $0xffff, v11  }
0x1a4: {  	v14 =	vadd.s32 s29, v0;
	v11 =	vld [tilespmem:s30+$0xFFFFFF00];
	[tilespmem:v10+s14+$0x0] =	vst.idx.msk $0xffff, v8  }
0x1a5: {  	v10 =	vadd.s32 s28, v6;
	[tilespmem:v13+s14+$0x0] =	vst.idx.msk $0xffff, v12;
	v8 =	vld [tilespmem:s22+$0xE0]  }
0x1a6: {  	v13 =	vadd.s32 s25, v5;
	[tilespmem:v19+s14+$0x0] =	vst.idx.msk $0xffff, v18;
	v12 =	vld [tilespmem:s22+$0x50]  }
0x1a7: {  	[tilespmem:v17+s14+$0x0] =	vst.idx.msk $0xffff, v16;
	v16 =	vld [tilespmem:s30+$0x90];
	v17 =	vadd.s32 s2, v1  }
0x1a8: {  	v19 =	vadd.s32 s11, v1;
	v18 =	vld [tilespmem:s30+$0xFFFFFF90];
	[tilespmem:v15+s14+$0x0] =	vst.idx.msk $0xffff, v9  }
0x1a9: {  	[tilespmem:v14+s14+$0x0] =	vst.idx.msk $0xffff, v11;
	v9 =	vld [tilespmem:s30+$0x10];
	v11 =	vadd.s32 s1, v1  }
0x1aa: {  	v15 =	vadd.s32 s29, v1;
	v14 =	vld [tilespmem:s30+$0xFFFFFF10];
	[tilespmem:v10+s14+$0x0] =	vst.idx.msk $0xffff, v8  }
0x1ab: {  	v10 =	vadd.s32 s28, v7;
	s28 =	smov.u32 s2;
	[tilespmem:v13+s14+$0x0] =	vst.idx.msk $0xffff, v12;
	v8 =	vld [tilespmem:s22+$0xF0]  }
0x1ac: {  	v13 =	vadd.s32 s24, v5;
	[tilespmem:v17+s14+$0x0] =	vst.idx.msk $0xffff, v16;
	v12 =	vld [tilespmem:s22+$0xFFFFFF50]  }
0x1ad: {  	v17 =	vadd.s32 s28, v2;
	[tilespmem:v19+s14+$0x0] =	vst.idx.msk $0xffff, v18;
	v16 =	vld [tilespmem:s30+$0xA0]  }
0x1ae: {  	v19 =	vadd.s32 s11, v2;
	v18 =	vld [tilespmem:s30+$0xFFFFFFA0];
	[tilespmem:v11+s14+$0x0] =	vst.idx.msk $0xffff, v9  }
0x1af: {  	v11 =	vadd.s32 s1, v2;
	[tilespmem:v15+s14+$0x0] =	vst.idx.msk $0xffff, v14;
	v9 =	vld [tilespmem:s30+$0x20]  }
0x1b0: {  	v15 =	vadd.s32 s29, v2;
	v14 =	vld [tilespmem:s30+$0xFFFFFF20];
	[tilespmem:v10+s14+$0x0] =	vst.idx.msk $0xffff, v8  }
0x1b1: {  	v10 =	vadd.s32 s26, v6;
	[tilespmem:v13+s14+$0x0] =	vst.idx.msk $0xffff, v12;
	v8 =	vld [tilespmem:s22+$0xFFFFFFE0]  }
0x1b2: {  	v13 =	vadd.s32 s25, v6;
	[tilespmem:v17+s14+$0x0] =	vst.idx.msk $0xffff, v16;
	v12 =	vld [tilespmem:s22+$0x60]  }
0x1b3: {  	v17 =	vadd.s32 s28, v3;
	[tilespmem:v19+s14+$0x0] =	vst.idx.msk $0xffff, v18;
	v16 =	vld [tilespmem:s30+$0xB0]  }
0x1b4: {  	v19 =	vadd.s32 s11, v3;
	v18 =	vld [tilespmem:s30+$0xFFFFFFB0];
	[tilespmem:v11+s14+$0x0] =	vst.idx.msk $0xffff, v9  }
0x1b5: {  	v11 =	vadd.s32 s1, v3;
	[tilespmem:v15+s14+$0x0] =	vst.idx.msk $0xffff, v14;
	v9 =	vld [tilespmem:s30+$0x30]  }
0x1b6: {  	v15 =	vadd.s32 s29, v3;
	v14 =	vld [tilespmem:s30+$0xFFFFFF30];
	[tilespmem:v10+s14+$0x0] =	vst.idx.msk $0xffff, v8  }
0x1b7: {  	v10 =	vadd.s32 s24, v6;
	v8 =	vld [tilespmem:s22+$0xFFFFFF60];
	[tilespmem:v13+s14+$0x0] =	vst.idx.msk $0xffff, v12  }
0x1b8: {  	v13 =	vadd.s32 s26, v7;
	s26 =	smov.u32 s11;
	[tilespmem:v17+s14+$0x0] =	vst.idx.msk $0xffff, v16;
	v12 =	vld [tilespmem:s22+$0xFFFFFFF0]  }
0x1b9: {  	[tilespmem:v19+s14+$0x0] =	vst.idx.msk $0xffff, v18;
	v18 =	vld [tilespmem:s30+$0xC0];
	v19 =	vadd.s32 s28, v4  }
0x1ba: {  	v21 =	vadd.s32 s26, v4;
	v20 =	vld [tilespmem:s30+$0xFFFFFFC0];
	[tilespmem:v11+s14+$0x0] =	vst.idx.msk $0xffff, v9  }
0x1bb: {  	v23 =	vadd.s32 s1, v4;
	[tilespmem:v15+s14+$0x0] =	vst.idx.msk $0xffff, v14;
	v22 =	vld [tilespmem:s30+$0x40]  }
.Ltmp8:
0x1bc: {  	v17 =	vadd.s32 s29, v4;
	v16 =	vld [tilespmem:s30+$0xFFFFFF40];
	[tilespmem:v10+s14+$0x0] =	vst.idx.msk $0xffff, v8;
	(pc) =	sbr.rel @p1 .LBB2_10-.Ltmp8, $4  }
0x1bd: {  	v15 =	vadd.s32 s25, v7;
	s25 =	smov.u32 s1;
	[tilespmem:v13+s14+$0x0] =	vst.idx.msk $0xffff, v12;
	v9 =	vld [tilespmem:s22+$0x70]  }
0x1be: {  	v14 =	vadd.s32 s24, v7;
	s24 =	smov.u32 s29;
	s29 =	smov.u32 s3;
	[tilespmem:v19+s14+$0x0] =	vst.idx.msk $0xffff, v18;
	v11 =	vld [tilespmem:s22+$0xFFFFFF70];
	s22 =	smov.u32 s30  }
0x1bf: {  	v10 =	vadd.s32 s28, v5;
	[tilespmem:v21+s14+$0x0] =	vst.idx.msk $0xffff, v20;
	v8 =	vld [tilespmem:s30+$0xD0]  }
0x1c0: {  	s3 =	sadd.s32 $0x4, s3;
	s2 =	sadd.s32 $0x3, s29;
	v13 =	vadd.s32 s26, v5;
	s30 =	sadd.s32 $0x200, s30;
	v12 =	vld [tilespmem:s22+$0xFFFFFFD0];
	[tilespmem:v23+s14+$0x0] =	vst.idx.msk $0xffff, v22  }
0x1c1: {  	_ = 	snop  }
0x1c2: {  	v18 =	vld [tilespmem:s30+$0x80];
	v19 =	vadd.s32 s2, v0  }
0x1c3: {  	s1 =	sadd.s32 $0x2, s29;
	v24 =	vld [tilespmem:s30+$0xFFFFFF00];
	v25 =	vadd.s32 s29, v0  }
0x1c4: {  	s3 =	sadd.s32 $0x1, s29;
	v22 =	vld [tilespmem:s30+$0x0];
	v23 =	vadd.s32 s1, v0  }
0x1c5: {  	v20 =	vld [tilespmem:s30+$0xFFFFFF80];
	v21 =	vadd.s32 s3, v0;
	[tilespmem:v15+s14+$0x0] =	vst.idx.msk $0xffff, v9  }
0x1c6: {  	[tilespmem:v14+s14+$0x0] =	vst.idx.msk $0xffff, v11  }
0x1c7: {  	[tilespmem:v19+s14+$0x0] =	vst.idx.msk $0xffff, v18  }
0x1c8: {  	v42 =	vadd.s32 s2, v1;
	[tilespmem:v25+s14+$0x0] =	vst.idx.msk $0xffff, v24;
	v41 =	vld [tilespmem:s30+$0x90]  }
0x1c9: {  	v15 =	vadd.s32 s29, v1;
	[tilespmem:v23+s14+$0x0] =	vst.idx.msk $0xffff, v22;
	v9 =	vld [tilespmem:s30+$0xFFFFFF10]  }
0x1ca: {  	v46 =	vadd.s32 s1, v1;
	[tilespmem:v21+s14+$0x0] =	vst.idx.msk $0xffff, v20;
	v45 =	vld [tilespmem:s30+$0x10]  }
0x1cb: {  	v44 =	vadd.s32 s3, v1;
	[tilespmem:v10+s14+$0x0] =	vst.idx.msk $0xffff, v8;
	v43 =	vld [tilespmem:s30+$0xFFFFFF90]  }
0x1cc: {  	[tilespmem:v13+s14+$0x0] =	vst.idx.msk $0xffff, v12  }
0x1cd: {  	v12 =	vld [tilespmem:s22+$0xE0];
	v13 =	vadd.s32 s28, v6;
	[tilespmem:v42+s14+$0x0] =	vst.idx.msk $0xffff, v41  }
0x1ce: {  	v14 =	vadd.s32 s2, v2;
	[tilespmem:v15+s14+$0x0] =	vst.idx.msk $0xffff, v9;
	v11 =	vld [tilespmem:s30+$0xA0]  }
0x1cf: {  	v10 =	vadd.s32 s29, v2;
	[tilespmem:v46+s14+$0x0] =	vst.idx.msk $0xffff, v45;
	v8 =	vld [tilespmem:s30+$0xFFFFFF20]  }
0x1d0: {  	v15 =	vadd.s32 s1, v2;
	[tilespmem:v44+s14+$0x0] =	vst.idx.msk $0xffff, v43;
	v9 =	vld [tilespmem:s30+$0x20]  }
0x1d1: {  	v48 =	vadd.s32 s3, v2;
	v47 =	vld [tilespmem:s30+$0xFFFFFFA0]  }
0x1d2: {  	[tilespmem:v13+s14+$0x0] =	vst.idx.msk $0xffff, v12  }
0x1d3: {  	v49 =	vld [tilespmem:s22+$0x50];
	v50 =	vadd.s32 s25, v5;
	[tilespmem:v14+s14+$0x0] =	vst.idx.msk $0xffff, v11  }
0x1d4: {  	v14 =	vadd.s32 s2, v3;
	[tilespmem:v10+s14+$0x0] =	vst.idx.msk $0xffff, v8;
	v11 =	vld [tilespmem:s30+$0xB0]  }
0x1d5: {  	v13 =	vld [tilespmem:s22+$0xF0];
	[tilespmem:v15+s14+$0x0] =	vst.idx.msk $0xffff, v9;
	v15 =	vadd.s32 s28, v7  }
0x1d6: {  	v12 =	vadd.s32 s29, v3;
	[tilespmem:v48+s14+$0x0] =	vst.idx.msk $0xffff, v47;
	v10 =	vld [tilespmem:s30+$0xFFFFFF30]  }
0x1d7: {  	[tilespmem:v17+s14+$0x0] =	vst.idx.msk $0xffff, v16;
	v51 =	vadd.s32 s3, v3;
	v16 =	vld [tilespmem:s30+$0xFFFFFFB0]  }
0x1d8: {  	[tilespmem:v50+s14+$0x0] =	vst.idx.msk $0xffff, v49;
	v9 =	vadd.s32 s1, v3;
	v8 =	vld [tilespmem:s30+$0x30]  }
0x1d9: {  	v53 =	vadd.s32 s24, v5;
	v52 =	vld [tilespmem:s22+$0xFFFFFF50];
	[tilespmem:v14+s14+$0x0] =	vst.idx.msk $0xffff, v11  }
0x1da: {  	[tilespmem:v15+s14+$0x0] =	vst.idx.msk $0xffff, v13;
	v13 =	vld [tilespmem:s22+$0xFFFFFFE0];
	v15 =	vadd.s32 s26, v6  }
0x1db: {  	v14 =	vadd.s32 s2, v4;
	[tilespmem:v12+s14+$0x0] =	vst.idx.msk $0xffff, v10;
	v11 =	vld [tilespmem:s30+$0xC0]  }
0x1dc: {  	v12 =	vadd.s32 s29, v4;
	[tilespmem:v51+s14+$0x0] =	vst.idx.msk $0xffff, v16;
	v10 =	vld [tilespmem:s30+$0xFFFFFF40]  }
0x1dd: {  	v54 =	vadd.s32 s3, v4;
	[tilespmem:v9+s14+$0x0] =	vst.idx.msk $0xffff, v8;
	v16 =	vld [tilespmem:s30+$0xFFFFFFC0]  }
0x1de: {  	[tilespmem:v53+s14+$0x0] =	vst.idx.msk $0xffff, v52;
	v9 =	vadd.s32 s1, v4;
	v8 =	vld [tilespmem:s30+$0x40]  }
0x1df: {  	v56 =	vadd.s32 s25, v6;
	v55 =	vld [tilespmem:s22+$0x60];
	[tilespmem:v15+s14+$0x0] =	vst.idx.msk $0xffff, v13  }
0x1e0: {  	v13 =	vld [tilespmem:s22+$0xFFFFFF60];
	v15 =	vadd.s32 s24, v6;
	[tilespmem:v14+s14+$0x0] =	vst.idx.msk $0xffff, v11  }
0x1e1: {  	v14 =	vadd.s32 s2, v5;
	[tilespmem:v12+s14+$0x0] =	vst.idx.msk $0xffff, v10;
	v11 =	vld [tilespmem:s30+$0xD0]  }
0x1e2: {  	v12 =	vadd.s32 s29, v5;
	[tilespmem:v54+s14+$0x0] =	vst.idx.msk $0xffff, v16;
	v10 =	vld [tilespmem:s30+$0xFFFFFF50]  }
0x1e3: {  	v57 =	vadd.s32 s3, v5;
	[tilespmem:v9+s14+$0x0] =	vst.idx.msk $0xffff, v8;
	v16 =	vld [tilespmem:s30+$0xFFFFFFD0]  }
0x1e4: {  	[tilespmem:v56+s14+$0x0] =	vst.idx.msk $0xffff, v55;
	v9 =	vadd.s32 s1, v5;
	v8 =	vld [tilespmem:s30+$0x50]  }
0x1e5: {  	[tilespmem:v15+s14+$0x0] =	vst.idx.msk $0xffff, v13  }
0x1e6: {  	v61 =	vadd.s32 s25, v7;
	v60 =	vld [tilespmem:s22+$0x70];
	[tilespmem:v14+s14+$0x0] =	vst.idx.msk $0xffff, v11  }
0x1e7: {  	v14 =	vadd.s32 s2, v6;
	[tilespmem:v12+s14+$0x0] =	vst.idx.msk $0xffff, v10;
	v11 =	vld [tilespmem:s30+$0xE0]  }
0x1e8: {  	v15 =	vadd.s32 s29, v6;
	[tilespmem:v57+s14+$0x0] =	vst.idx.msk $0xffff, v16;
	v13 =	vld [tilespmem:s30+$0xFFFFFF60]  }
0x1e9: {  	[tilespmem:v9+s14+$0x0] =	vst.idx.msk $0xffff, v8;
	v9 =	vadd.s32 s3, v6;
	v8 =	vld [tilespmem:s30+$0xFFFFFFE0]  }
0x1ea: {  	v12 =	vadd.s32 s1, v6;
	v10 =	vld [tilespmem:s30+$0x60]  }
0x1eb: {  	v59 =	vadd.s32 s26, v7;
	[tilespmem:v61+s14+$0x0] =	vst.idx.msk $0xffff, v60;
	v58 =	vld [tilespmem:s22+$0xFFFFFFF0]  }
0x1ec: {  	v63 =	vadd.s32 s24, v7;
	v62 =	vld [tilespmem:s22+$0xFFFFFF70];
	[tilespmem:v14+s14+$0x0] =	vst.idx.msk $0xffff, v11  }
0x1ed: {  	v14 =	vadd.s32 s2, v7;
	[tilespmem:v15+s14+$0x0] =	vst.idx.msk $0xffff, v13;
	v11 =	vld [tilespmem:s30+$0xF0]  }
0x1ee: {  	v15 =	vadd.s32 s29, v7;
	[tilespmem:v9+s14+$0x0] =	vst.idx.msk $0xffff, v8;
	v13 =	vld [tilespmem:s30+$0xFFFFFF70]  }
0x1ef: {  	[tilespmem:v12+s14+$0x0] =	vst.idx.msk $0xffff, v10;
	v9 =	vadd.s32 s3, v7;
	v8 =	vld [tilespmem:s30+$0xFFFFFFF0]  }
0x1f0: {  	[tilespmem:v59+s14+$0x0] =	vst.idx.msk $0xffff, v58;
	v12 =	vadd.s32 s1, v7;
	v10 =	vld [tilespmem:s30+$0x70]  }
0x1f1: {  	[tilespmem:v63+s14+$0x0] =	vst.idx.msk $0xffff, v62  }
0x1f2: {  	[tilespmem:v14+s14+$0x0] =	vst.idx.msk $0xffff, v11  }
0x1f3: {  	[tilespmem:v15+s14+$0x0] =	vst.idx.msk $0xffff, v13  }
0x1f4: {  	p1 =	seq.s32 s21, $0x0;
	[tilespmem:v9+s14+$0x0] =	vst.idx.msk $0xffff, v8  }
0x1f5: {  	s1 =	simm.s32 @!p1 $0x4;
	[tilespmem:v12+s14+$0x0] =	vst.idx.msk $0xffff, v10  }
0x1f6: {  	_ =	swait.ge @!p1 [sflag:s1], $0x2000  }
0x1f7: {  	[sflag:s1] =	ssyncset.done @!p1 $0x0  }
0x1f8: {  	s31 =	simm.s32 $0x4112;
	[sflag:s1] =	ssyncadd.s32 @!p1 $0xFFFFE000  }
0x1f9: {  	v8 =	vld [tilespmem:s31+$0x89]  }
0x1fa: {  	v10 =	vld [tilespmem:s31+$0x0]  }
0x1fb: {  	v9 =	vld [tilespmem:s31+$0xFFFFFF77]  }
0x1fc: {  	v11 =	vld [tilespmem:s31+$0xFFFFFEEE]  }
0x1fd: {  	s22 =	simm.s32 $0x8380  }
0x1fe: {  	[tilespmem:s22+$0x80] =	vst v8  }
0x1ff: {  	[tilespmem:s22+$0x0] =	vst v10;
	v8 =	vld [tilespmem:s31+$0x99]  }
0x200: {  	[tilespmem:s22+$0xFFFFFF80] =	vst v9;
	v10 =	vld [tilespmem:s31+$0x10]  }
0x201: {  	[tilespmem:s22+$0xFFFFFF00] =	vst v11;
	v9 =	vld [tilespmem:s31+$0xFFFFFF87]  }
0x202: {  	v11 =	vld [tilespmem:s31+$0xFFFFFEFE];
	_ =	sdelay $0x1  }
0x203: {  	[tilespmem:s22+$0x90] =	vst v8  }
0x204: {  	[tilespmem:s22+$0x10] =	vst v10;
	v8 =	vld [tilespmem:s31+$0xA9]  }
0x205: {  	[tilespmem:s22+$0xFFFFFF90] =	vst v9;
	v10 =	vld [tilespmem:s31+$0x20]  }
0x206: {  	[tilespmem:s22+$0xFFFFFF10] =	vst v11;
	v9 =	vld [tilespmem:s31+$0xFFFFFF97]  }
0x207: {  	v11 =	vld [tilespmem:s31+$0xFFFFFF0E];
	_ =	sdelay $0x1  }
0x208: {  	[tilespmem:s22+$0xA0] =	vst v8  }
0x209: {  	[tilespmem:s22+$0x20] =	vst v10;
	v8 =	vld [tilespmem:s31+$0xB9]  }
0x20a: {  	[tilespmem:s22+$0xFFFFFFA0] =	vst v9;
	v10 =	vld [tilespmem:s31+$0x30]  }
0x20b: {  	[tilespmem:s22+$0xFFFFFF20] =	vst v11;
	v9 =	vld [tilespmem:s31+$0xFFFFFFA7]  }
0x20c: {  	v11 =	vld [tilespmem:s31+$0xFFFFFF1E];
	_ =	sdelay $0x1  }
0x20d: {  	[tilespmem:s22+$0xB0] =	vst v8  }
0x20e: {  	[tilespmem:s22+$0x30] =	vst v10;
	v8 =	vld [tilespmem:s31+$0xD1]  }
0x20f: {  	[tilespmem:s22+$0xFFFFFFB0] =	vst v9;
	v10 =	vld [tilespmem:s31+$0x48]  }
0x210: {  	[tilespmem:s22+$0xFFFFFF30] =	vst v11;
	v9 =	vld [tilespmem:s31+$0xFFFFFFBF]  }
0x211: {  	v11 =	vld [tilespmem:s31+$0xFFFFFF36]  }
0x212: {  	s24 =	simm.s32 $0x4336  }
0x213: {  	v12 =	vld [tilespmem:s24+$0x89];
	[tilespmem:s22+$0xC0] =	vst v8  }
0x214: {  	[tilespmem:s22+$0x40] =	vst v10;
	v10 =	vld [tilespmem:s24+$0xFFFFFF77]  }
0x215: {  	[tilespmem:s22+$0xFFFFFFC0] =	vst v9;
	v8 =	vld [tilespmem:s31+$0xE1]  }
0x216: {  	[tilespmem:s22+$0xFFFFFF40] =	vst v11;
	v11 =	vld [tilespmem:s24+$0x0]  }
0x217: {  	s25 =	simm.s32 $0x8580;
	v9 =	vld [tilespmem:s31+$0xFFFFFFCF]  }
0x218: {  	v13 =	vld [tilespmem:s24+$0xFFFFFEEE];
	[tilespmem:s25+$0x80] =	vst v12  }
0x219: {  	[tilespmem:s25+$0xFFFFFF80] =	vst v10;
	v10 =	vld [tilespmem:s24+$0x99]  }
0x21a: {  	[tilespmem:s22+$0xD0] =	vst v8;
	v12 =	vld [tilespmem:s24+$0xFFFFFF87]  }
0x21b: {  	[tilespmem:s25+$0x0] =	vst v11;
	v8 =	vld [tilespmem:s31+$0xF1]  }
0x21c: {  	[tilespmem:s22+$0xFFFFFFD0] =	vst v9;
	v9 =	vld [tilespmem:s31+$0xFFFFFF46]  }
0x21d: {  	[tilespmem:s25+$0xFFFFFF00] =	vst v13;
	v11 =	vld [tilespmem:s24+$0x10]  }
0x21e: {  	v13 =	vld [tilespmem:s24+$0xFFFFFEFE];
	[tilespmem:s25+$0x90] =	vst v10  }
0x21f: {  	[tilespmem:s25+$0xFFFFFF90] =	vst v12;
	v10 =	vld [tilespmem:s24+$0xA9]  }
0x220: {  	[tilespmem:s22+$0xE0] =	vst v8;
	v12 =	vld [tilespmem:s24+$0xFFFFFF97]  }
0x221: {  	[tilespmem:s22+$0xFFFFFF50] =	vst v9;
	v8 =	vld [tilespmem:s31+$0x101]  }
0x222: {  	v9 =	vld [tilespmem:s31+$0x58];
	[tilespmem:s25+$0x10] =	vst v11  }
0x223: {  	[tilespmem:s25+$0xFFFFFF10] =	vst v13;
	v11 =	vld [tilespmem:s24+$0x20]  }
0x224: {  	v13 =	vld [tilespmem:s24+$0xFFFFFF0E];
	[tilespmem:s25+$0xA0] =	vst v10  }
0x225: {  	[tilespmem:s25+$0xFFFFFFA0] =	vst v12;
	v10 =	vld [tilespmem:s24+$0xB9]  }
0x226: {  	[tilespmem:s22+$0xF0] =	vst v8;
	v8 =	vld [tilespmem:s31+$0xFFFFFF56]  }
0x227: {  	[tilespmem:s22+$0x50] =	vst v9;
	v12 =	vld [tilespmem:s24+$0xFFFFFFA7]  }
0x228: {  	v9 =	vld [tilespmem:s31+$0xFFFFFFDF];
	[tilespmem:s25+$0x20] =	vst v11  }
0x229: {  	[tilespmem:s25+$0xFFFFFF20] =	vst v13;
	v11 =	vld [tilespmem:s24+$0x30]  }
0x22a: {  	v13 =	vld [tilespmem:s24+$0xFFFFFF1E];
	[tilespmem:s25+$0xB0] =	vst v10  }
0x22b: {  	[tilespmem:s22+$0xFFFFFF60] =	vst v8;
	v8 =	vld [tilespmem:s31+$0x68]  }
0x22c: {  	[tilespmem:s25+$0xFFFFFFB0] =	vst v12;
	v12 =	vld [tilespmem:s24+$0xD1]  }
0x22d: {  	[tilespmem:s22+$0xFFFFFFE0] =	vst v9;
	v9 =	vld [tilespmem:s31+$0xFFFFFF66]  }
0x22e: {  	[tilespmem:s25+$0x30] =	vst v11;
	v14 =	vld [tilespmem:s24+$0xFFFFFFBF]  }
0x22f: {  	[tilespmem:s25+$0xFFFFFF30] =	vst v13;
	v13 =	vld [tilespmem:s24+$0x48]  }
0x230: {  	v10 =	vld [tilespmem:s24+$0xFFFFFF36];
	[tilespmem:s22+$0x60] =	vst v8  }
0x231: {  	v8 =	vld [tilespmem:s31+$0xFFFFFFEF];
	[tilespmem:s25+$0xC0] =	vst v12  }
0x232: {  	[tilespmem:s22+$0xFFFFFF70] =	vst v9;
	v9 =	vld [tilespmem:s31+$0x78]  }
0x233: {  	[tilespmem:s25+$0xFFFFFFC0] =	vst v14;
	v12 =	vld [tilespmem:s24+$0xE1]  }
0x234: {  	s2 =	simm.s32 $0x455A;
	s1 =	simm.s32 $0x4;
	[tilespmem:s25+$0x40] =	vst v13;
	v11 =	vld [tilespmem:s24+$0xFFFFFFCF]  }
.LBB2_12:
0x235: {  	v13 =	vld [tilespmem:s2+$0x89];
	s1 =	sadd.s32 $0x4, s1;
	[tilespmem:s25+$0xFFFFFF40] =	vst v10  }
0x236: {  	v10 =	vld [tilespmem:s2+$0xFFFFFF77];
	p1 =	slt.u32 s1, $0x3C;
	[tilespmem:s22+$0xFFFFFFF0] =	vst v8  }
0x237: {  	v8 =	vld [tilespmem:s2+$0x0];
	[tilespmem:s22+$0x70] =	vst v9;
	s22 =	smov.u32 s25  }
0x238: {  	v9 =	vld [tilespmem:s2+$0xFFFFFEEE];
	[tilespmem:s25+$0xD0] =	vst v12  }
0x239: {  	s25 =	sadd.s32 $0x200, s25;
	[tilespmem:s22+$0xFFFFFFD0] =	vst v11;
	v11 =	vld [tilespmem:s24+$0xF1]  }
0x23a: {  	[tilespmem:s25+$0x80] =	vst v13;
	v12 =	vld [tilespmem:s24+$0xFFFFFF46]  }
0x23b: {  	[tilespmem:s25+$0xFFFFFF80] =	vst v10;
	v10 =	vld [tilespmem:s2+$0x99]  }
0x23c: {  	v13 =	vld [tilespmem:s2+$0xFFFFFF87];
	[tilespmem:s25+$0x0] =	vst v8  }
0x23d: {  	[tilespmem:s25+$0xFFFFFF00] =	vst v9;
	v8 =	vld [tilespmem:s2+$0x10]  }
0x23e: {  	v9 =	vld [tilespmem:s2+$0xFFFFFEFE];
	[tilespmem:s22+$0xE0] =	vst v11  }
0x23f: {  	[tilespmem:s22+$0xFFFFFF50] =	vst v12;
	v11 =	vld [tilespmem:s24+$0x101]  }
0x240: {  	[tilespmem:s25+$0x90] =	vst v10;
	v10 =	vld [tilespmem:s24+$0x58]  }
0x241: {  	[tilespmem:s25+$0xFFFFFF90] =	vst v13;
	v12 =	vld [tilespmem:s2+$0xA9]  }
0x242: {  	v13 =	vld [tilespmem:s2+$0xFFFFFF97];
	[tilespmem:s25+$0x10] =	vst v8  }
0x243: {  	[tilespmem:s25+$0xFFFFFF10] =	vst v9;
	v8 =	vld [tilespmem:s2+$0x20]  }
0x244: {  	v9 =	vld [tilespmem:s2+$0xFFFFFF0E];
	[tilespmem:s22+$0xF0] =	vst v11  }
0x245: {  	v11 =	vld [tilespmem:s24+$0xFFFFFF56];
	[tilespmem:s22+$0x50] =	vst v10  }
0x246: {  	[tilespmem:s25+$0xA0] =	vst v12;
	v10 =	vld [tilespmem:s24+$0xFFFFFFDF]  }
0x247: {  	[tilespmem:s25+$0xFFFFFFA0] =	vst v13;
	v12 =	vld [tilespmem:s2+$0xB9]  }
0x248: {  	v13 =	vld [tilespmem:s2+$0xFFFFFFA7];
	[tilespmem:s25+$0x20] =	vst v8  }
0x249: {  	[tilespmem:s25+$0xFFFFFF20] =	vst v9;
	v8 =	vld [tilespmem:s2+$0x30]  }
0x24a: {  	v9 =	vld [tilespmem:s2+$0xFFFFFF1E];
	[tilespmem:s22+$0xFFFFFF60] =	vst v11  }
0x24b: {  	[tilespmem:s22+$0xFFFFFFE0] =	vst v10;
	v11 =	vld [tilespmem:s24+$0x68]  }
0x24c: {  	[tilespmem:s25+$0xB0] =	vst v12;
	v12 =	vld [tilespmem:s24+$0xFFFFFF66]  }
0x24d: {  	[tilespmem:s25+$0xFFFFFFB0] =	vst v13;
	v13 =	vld [tilespmem:s2+$0xD1]  }
0x24e: {  	v14 =	vld [tilespmem:s2+$0xFFFFFFBF];
	[tilespmem:s25+$0x30] =	vst v8  }
0x24f: {  	[tilespmem:s25+$0xFFFFFF30] =	vst v9;
	v15 =	vld [tilespmem:s2+$0x48]  }
.Ltmp9:
0x250: {  	v10 =	vld [tilespmem:s2+$0xFFFFFF36];
	[tilespmem:s22+$0x60] =	vst v11;
	(pc) =	sbr.rel @p1 .LBB2_12-.Ltmp9, $4  }
0x251: {  	[tilespmem:s22+$0xFFFFFF70] =	vst v12;
	v8 =	vld [tilespmem:s24+$0xFFFFFFEF]  }
0x252: {  	[tilespmem:s25+$0xC0] =	vst v13;
	v9 =	vld [tilespmem:s24+$0x78];
	s24 =	smov.u32 s2  }
0x253: {  	[tilespmem:s25+$0xFFFFFFC0] =	vst v14;
	v12 =	vld [tilespmem:s2+$0xE1]  }
0x254: {  	s2 =	sadd.s32 $0x224, s2;
	v11 =	vld [tilespmem:s24+$0xFFFFFFCF];
	[tilespmem:s25+$0x40] =	vst v15  }
0x255: {  	[tilespmem:s25+$0xFFFFFF40] =	vst v10;
	v13 =	vld [tilespmem:s24+$0x58]  }
0x256: {  	v10 =	vld [tilespmem:s24+$0xFFFFFF46];
	_ =	sdelay $0x1  }
0x257: {  	[tilespmem:s25+$0xD0] =	vst v12  }
0x258: {  	v12 =	vld [tilespmem:s24+$0xF1];
	[tilespmem:s25+$0xFFFFFFD0] =	vst v11  }
0x259: {  	[tilespmem:s25+$0x50] =	vst v13;
	v11 =	vld [tilespmem:s24+$0xFFFFFFDF]  }
0x25a: {  	[tilespmem:s25+$0xFFFFFF50] =	vst v10;
	v13 =	vld [tilespmem:s24+$0x68]  }
0x25b: {  	v10 =	vld [tilespmem:s24+$0xFFFFFF56]  }
0x25c: {  	[tilespmem:s22+$0xFFFFFFF0] =	vst v8  }
0x25d: {  	[tilespmem:s25+$0xE0] =	vst v12  }
0x25e: {  	v61 =	vld [tilespmem:s24+$0x101];
	[tilespmem:s25+$0xFFFFFFE0] =	vst v11  }
0x25f: {  	[tilespmem:s25+$0x60] =	vst v13;
	v63 =	vld [tilespmem:s24+$0xFFFFFFEF]  }
0x260: {  	[tilespmem:s25+$0xFFFFFF60] =	vst v10;
	v8 =	vld [tilespmem:s24+$0x78]  }
0x261: {  	v62 =	vld [tilespmem:s24+$0xFFFFFF66]  }
0x262: {  	[tilespmem:s22+$0x70] =	vst v9  }
.Ltmp10:
0x263: {  	[tilespmem:s25+$0xF0] =	vst v61;
	(pc) =	sbr.rel .LBB2_14-.Ltmp10, $4  }
0x264: {  	[tilespmem:s25+$0xFFFFFFF0] =	vst v63  }
0x265: {  	s1 =	sshll.u32 s23, $0xA;
	[tilespmem:s25+$0x70] =	vst v8  }
0x266: {  	s1 =	sadd.s32 s6, s1;
	[tilespmem:s25+$0xFFFFFF70] =	vst v62  }
0x267: {  	[hbm4b:s1+s4] =	stream.linear.scatter [tilespmem:s17], [sflag:$0x4], $0x2000, $0x38;
	[tilespmem:$0xA280] =	vst v63  }
.LBB2_16:
0x268: {  	_ =	sfence.sel $0x180000  }
0x269: {  	[bflag:$0x0] =	sbarrier.arrive $0xFFFF  }
0x26a: {  	_ =	strace $0x90000047  }
0x26b: {  	s0 =	stileid.u32;
	[bflag:$0x2] =	sbarrier.arrive $0xFFFF  }
0x26c: {  	p0 =	sne.s32 s0, $0x0;
	s0 =	rddreg [dreg:$0x3]  }
0x26d: {  	s0 =	sadd.s32 @!p0 $0x100000, s0  }
0x26e: {  	[sflag:s0] =	ssyncadd.tile.s32 @!p0 $0x1;
	_ =	shalt  }
.Lfunc_end2:
_tile_overlayer_lowered:
.L_overlay_start_2:
0x26f: {  	(tag) =	ssettag $0x2  }
0x270: {  	s0 =	rddreg [dreg:$0x0];
	s2 =	stileid.u32  }
0x271: {  	s1 =	rddreg [dreg:$0x1];
	p0 =	sne.s32 s2, $0x0  }
0x272: {  	s3 =	rddreg [dreg:$0x2];
	[bflag:$0x3] =	sbarrier.arrive $0xFFFF;
	s2 =	simm.s32 @!p0 $0x1C05  }
0x273: {  	[timem:s3], [sflag:s2] =	dma.local @!p0 [hbm:s0], s1  }
0x274: {  	s0 =	simm.s32 @!p0 $0x5  }
0x275: {  	_ =	swait.ge @!p0 [sflag:s0], s1  }
0x276: {  	s1 =	ssub.s32 @!p0 $0x0, s1;
	[sflag:s0] =	ssyncset.done @!p0 $0x0  }
0x277: {  	[sflag:s0] =	ssyncadd.s32 @!p0 s1  }
0x278: {  	[bflag:$0x3] =	sbarrier.arrive $0xFFFF  }
0x279: {  	_ =	shalt  }

// kernel: kernel.7.cloned.1.call-start
scs
__scs_entry_jumppad:
0x0: {  	(pc) =	sbr.rel $0x88, $3  }
0x1: {  	(tag) =	ssettag $0x0;
	lr =	simm.s32 $0x1  }
0x2: {  	[smem:$0x3F9F] =	sst lr;
	_ =	strace $0xD0000000  }
0x3: {  	_ = 	snop  }
0x4: {  	_ = 	snop  }
0x5: {  	_ = 	snop  }
0x6: {  	_ = 	snop  }
0x7: {  	_ = 	snop  }
__scs_overlays_trampoline_lowered:
0x8: {  	[smem:$0x3FAE] =	sst s0  }
0x9: {  	[smem:$0x3FAF] =	sst s1  }
0xa: {  	[smem:$0x3FB0] =	sst s2  }
0xb: {  	[smem:$0x3FB1] =	sst s3  }
0xc: {  	[smem:$0x3FB2] =	sst s4  }
0xd: {  	[smem:$0x3FB3] =	sst s5  }
0xe: {  	[smem:$0x3FB4] =	sst s6  }
0xf: {  	[smem:$0x3FB5] =	sst s7  }
0x10: {  	[smem:$0x3FB6] =	sst s8  }
0x11: {  	[smem:$0x3FB7] =	sst s9;
	s0 =	simm.s32 @!p0 $0x0  }
0x12: {  	s1 =	sld [smem:$0x3F9D];
	s0 =	simm.s32 @p0 $0x1  }
0x13: {  	[smem:$0x3FB8] =	sst s0;
	s0 =	simm.s32 @!p1 $0x0  }
0x14: {  	s2 =	sld [smem:$0x3F9C];
	s0 =	simm.s32 @p1 $0x1  }
0x15: {  	[smem:$0x3FB9] =	sst s0;
	s0 =	simm.s32 @!p2 $0x0  }
0x16: {  	s3 =	sld [smem:$0x3FDB];
	s0 =	simm.s32 @p2 $0x1  }
0x17: {  	s4 =	simm.s32 $0x1BF5;
	[smem:$0x3FBB] =	sst s0  }
0x18: {  	s0 =	sld [smem:$0x3F9E];
	_ =	swait.ge [sflag:s4], $0x0  }
0x19: {  	s7 =	sld [smem:$0x3F9F]  }
0x1a: {  	s8 =	sadd.s32 $0xFFFFE003, lr  }
0x1b: {  	s9 =	sadd.s32 $0xFFFFFEF7, lr;
	s5 =	simm.s32 $0xFFFFFFFF;
	p2 =	slt.u32 s8, $0xFFFFF086  }
0x1c: {  	p1 =	slt.u32 s9, $0xF7A;
	s5 =	simm.s32 @!p2 $0x0  }
0x1d: {  	s5 =	simm.s32 @p1 $0x1;
	p0 =	seq.s32 s7, s2  }
0x1e: {  	s7 =	smul.u32 @!p0 $0xF7A, s2;
	p2 =	seq.s32 @!p0 s5, $0x0  }
0x1f: {  	s9 =	smul.u32 $0xF7A, s1;
	s8 =	simm.s32 @!p0 $0x1BF5;
	p2 =	por !p2, p0  }
0x20: {  	[sflag:s8] =	ssyncset.s32 @!p0 $0xFFFFF086;
	s6 =	sadd.s32 @!p0 s3, s7;
	s7 =	simm.s32 @!p0 $0x108  }
0x21: {  	s3 =	sadd.s32 s3, s9;
	s6 =	sadd.s32 @!p0 $0x88, s6;
	s7 =	simm.s32 @p2 $0x1082  }
0x22: {  	[simem:s7], [sflag:s8] =	dma.local @!p0 [hbm:s6], $0xF7A  }
0x23: {  	s9 =	sor.u32 $0xD0000000, s2;
	s6 =	simm.s32 $0x108;
	_ =	swait.ge @!p0 [sflag:s8], $0x0  }
0x24: {  	s3 =	sadd.s32 $0x88, s3;
	s6 =	simm.s32 @!p1 $0x1082;
	[sflag:s4] =	ssyncset.s32 $0xFFFFF086  }
0x25: {  	[simem:s6], [sflag:s4] =	dma.local [hbm:s3], $0xF7A  }
0x26: {  	[smem:$0x3F9F] =	sst s1;
	(tag) =	ssettag s2;
	_ =	strace s9  }
0x27: {  	s1 =	sld [smem:$0x3FAF]  }
0x28: {  	s2 =	sld [smem:$0x3FB0]  }
0x29: {  	s4 =	sld [smem:$0x3FB2]  }
0x2a: {  	p0 =	seq.s32 s5, $0x0;
	s5 =	sld [smem:$0x3FB3]  }
0x2b: {  	s6 =	sld [smem:$0x3FB4]  }
0x2c: {  	s7 =	sld [smem:$0x3FB5]  }
0x2d: {  	s3 =	simm.s32 $0x108;
	s8 =	sld [smem:$0x3FB6]  }
0x2e: {  	s3 =	simm.s32 @!p0 $0x1082;
	s9 =	sld [smem:$0x3FB7]  }
0x2f: {  	lr =	sadd.s32 s0, s3;
	s0 =	sld [smem:$0x3FAE]  }
0x30: {  	s3 =	sld [smem:$0x3FB1]  }
0x31: {  	[smem:$0x3FBA] =	sst s10  }
0x32: {  	s10 =	sld [smem:$0x3FB8];
	_ =	sdelay $0x3  }
0x33: {  	p0 =	seq.s32 s10, $0x1;
	s10 =	sld [smem:$0x3FBA];
	_ =	sdelay $0x3  }
0x34: {  	[smem:$0x3FBA] =	sst s10  }
0x35: {  	s10 =	sld [smem:$0x3FB9];
	_ =	sdelay $0x3  }
0x36: {  	p1 =	seq.s32 s10, $0x1;
	s10 =	sld [smem:$0x3FBA];
	_ =	sdelay $0x3  }
0x37: {  	[smem:$0x3FBA] =	sst s10  }
0x38: {  	s10 =	sld [smem:$0x3FBB]  }
0x39: {  	_ = 	snop;
	(pc) =	sbr.ind lr, $3  }
0x3a: {  	_ = 	snop  }
0x3b: {  	_ = 	snop  }
0x3c: {  	p2 =	seq.s32 s10, $0x1;
	s10 =	sld [smem:$0x3FBA]  }
0x3d: {  	_ =	shalt  }
0x3e: {  	_ =	shalt  }
0x3f: {  	_ =	shalt  }
0x40: {  	_ =	shalt  }
0x41: {  	_ =	shalt  }
0x42: {  	_ =	shalt  }
0x43: {  	_ =	shalt  }
0x44: {  	_ =	shalt  }
0x45: {  	_ =	shalt  }
0x46: {  	_ =	shalt  }
0x47: {  	_ =	shalt  }
0x48: {  	_ =	shalt  }
0x49: {  	_ =	shalt  }
0x4a: {  	_ =	shalt  }
0x4b: {  	_ =	shalt  }
0x4c: {  	_ =	shalt  }
0x4d: {  	_ =	shalt  }
0x4e: {  	_ =	shalt  }
0x4f: {  	_ =	shalt  }
0x50: {  	_ =	shalt  }
0x51: {  	_ =	shalt  }
0x52: {  	_ =	shalt  }
0x53: {  	_ =	shalt  }
0x54: {  	_ =	shalt  }
0x55: {  	_ =	shalt  }
0x56: {  	_ =	shalt  }
0x57: {  	_ =	shalt  }
0x58: {  	_ =	shalt  }
0x59: {  	_ =	shalt  }
0x5a: {  	_ =	shalt  }
0x5b: {  	_ =	shalt  }
0x5c: {  	_ =	shalt  }
0x5d: {  	_ =	shalt  }
0x5e: {  	_ =	shalt  }
0x5f: {  	_ =	shalt  }
0x60: {  	_ =	shalt  }
0x61: {  	_ =	shalt  }
0x62: {  	_ =	shalt  }
0x63: {  	_ =	shalt  }
0x64: {  	_ =	shalt  }
0x65: {  	_ =	shalt  }
0x66: {  	_ =	shalt  }
0x67: {  	_ =	shalt  }
0x68: {  	_ =	shalt  }
0x69: {  	_ =	shalt  }
0x6a: {  	_ =	shalt  }
0x6b: {  	_ =	shalt  }
0x6c: {  	_ =	shalt  }
0x6d: {  	_ =	shalt  }
0x6e: {  	_ =	shalt  }
0x6f: {  	_ =	shalt  }
0x70: {  	_ =	shalt  }
0x71: {  	_ =	shalt  }
0x72: {  	_ =	shalt  }
0x73: {  	_ =	shalt  }
0x74: {  	_ =	shalt  }
0x75: {  	_ =	shalt  }
0x76: {  	_ =	shalt  }
0x77: {  	_ =	shalt  }
0x78: {  	_ =	shalt  }
0x79: {  	_ =	shalt  }
0x7a: {  	_ =	shalt  }
0x7b: {  	_ =	shalt  }
0x7c: {  	_ =	shalt  }
0x7d: {  	_ =	shalt  }
0x7e: {  	_ =	shalt  }
0x7f: {  	_ =	shalt  }
0x80: {  	_ =	shalt  }
0x81: {  	_ =	shalt  }
0x82: {  	_ =	shalt  }
0x83: {  	_ =	shalt  }
0x84: {  	_ =	shalt  }
0x85: {  	_ =	shalt  }
0x86: {  	_ =	shalt  }
0x87: {  	_ =	shalt  }
.Lfunc_end0:
.L_simem_size_0:
called_computation.1_lowered:
.L_overlay_start_0:
0x88: {  	s2 =	sld [smem:$0x3FD9]  }
0x89: {  	s3 =	sld [smem:$0x3FFE];
	_ =	sdelay $0x1  }
0x8a: {  	s1 =	srdreg.scid  }
0x8b: {  	s0 =	sand.u32 $0x1, s1  }
0x8c: {  	s17 =	sshll.u32 s0, $0xA;
	s2 =	sadd.s32 s3, s2  }
0x8d: {  	s2 =	sadd.s32 s2, s17  }
0x8e: {  	[smem:$0x3FC6] =	sst s2  }
0x8f: {  	_ = 	snop  }
0x90: {  	s2 =	sld [smem:$0x3FD0];
	(tm) =	ssettm $0x1  }
0x91: {  	s18 =	sld [smem:$0x3FFB];
	_ =	sdelay $0x3  }
0x92: {  	_ =	strace s18  }
0x93: {  	s3 =	sld [smem:$0x3FFC];
	_ =	sdelay $0x3  }
0x94: {  	_ =	strace s3  }
0x95: {  	s3 =	sld [smem:$0x3FFD];
	_ =	sdelay $0x3  }
0x96: {  	_ =	strace s3  }
0x97: {  	_ =	strace $0x8FFFFFFF  }
0x98: {  	s19 =	sld [smem:$0x3FDB];
	_ =	sdelay $0x1  }
0x99: {  	s4 =	simm.s32 $_scs_section_size  }
0x9a: {  	s5 =	simm.s32 $_size__tile_overlayer_lowered;
	s6 =	simm.s32 $_tile_overlayer_lowered  }
0x9b: {  	s22 =	simm.s32 $0x1BFF;
	s21 =	sshll.u32 s6, $0x1;
	s3 =	sadd.s32 s4, s19  }
0x9c: {  	s7 =	simm.s32 $0x0;
	s20 =	sshll.u32 s5, $0x1;
	s5 =	sadd.s32 s21, s3  }
0x9d: {  	[timem:s7], [sflag:s22] =	dma.local [hbm:s5], s20  }
0x9e: {  	_ =	swait.ge [sflag:s22], s20  }
0x9f: {  	s4 =	ssub.s32 $0x0, s20;
	[sflag:s22] =	ssyncset.done $0x0  }
0xa0: {  	[sflag:s22] =	ssyncadd.s32 s4;
	_ =	sdelay $0x1  }
0xa1: {  	s23 =	simm.s32 $0x1B8B  }
0xa2: {  	_ =	swait.ge [sflag:s23], $0x1  }
0xa3: {  	[sflag:s23] =	ssyncset.done $0x0  }
0xa4: {  	s25 =	simm.s32 $0x1B8E;
	s24 =	sld [smem:$0x3FFE];
	[sflag:s23] =	ssyncadd.s32 $0xFFFFFFFF  }
0xa5: {  	s26 =	simm.s32 $execute0_lowered;
	[smem:$0x3FD2] =	sst s25  }
0xa6: {  	s5 =	sshll.u32 s26, $0x1;
	_ =	strace $0x80000049;
	[dreg:$0x1] =	wrdreg $0xFFFFFFFF  }
0xa7: {  	s28 =	simm.s32 $_size_execute0_lowered;
	s3 =	sadd.s32 s3, s5;
	[dreg:$0x0] =	wrdreg $0x0  }
0xa8: {  	s5 =	sshll.u32 s28, $0x1;
	[dreg:$0x2] =	wrdreg s3  }
0xa9: {  	[dreg:$0x3] =	wrdreg s5  }
0xaa: {  	[dreg:$0x4] =	wrdreg $0xC0  }
0xab: {  	_ =	task [dreg:s7], $0x5FFFF  }
0xac: {  	[dreg:$0x1] =	wrdreg $0xFFFFFFFF  }
0xad: {  	[dreg:$0x0] =	wrdreg $0x60  }
0xae: {  	[dreg:$0x2] =	wrdreg s24  }
0xaf: {  	[dreg:$0x3] =	wrdreg s2  }
0xb0: {  	[dreg:$0x4] =	wrdreg $0x9  }
0xb1: {  	_ =	task.clear_ibuf [dreg:s7], $0x5FFFF;
	_ =	strace $0x90000049  }
0xb2: {  	s29 =	simm.s32 $0x9;
	_ =	strace $0x8000004B  }
0xb3: {  	_ =	swait.ge [sflag:s29], $0x1  }
0xb4: {  	[sflag:s29] =	ssyncadd.s32 $0xFFFFFFFF  }
0xb5: {  	_ =	strace $0x9000004B  }
0xb6: {  	_ =	sfence  }
0xb7: {  	s30 =	sld [smem:$0x0];
	_ =	sdelay $0x2  }
0xb8: {  	s31 =	sshll.u32 s1, $0xD;
	s1 =	sshrl.u32 s1, $0x2  }
0xb9: {  	s3 =	sand.u32 $0x4000, s31;
	s1 =	sadd.s32 s1, s30  }
0xba: {  	s0 =	sor.u32 s3, s0;
	s1 =	sshll.u32 s1, $0x11  }
0xbb: {  	s0 =	sor.u32 s1, s0  }
0xbc: {  	s0 =	sadd.s32 $0x8F2B, s0  }
0xbd: {  	[sflag:s0] =	ssyncadd.remote.s32 $0x1  }
0xbe: {  	_ =	sfence.sel $0xFFFF  }
0xbf: {  	[dreg:$0x0] =	wrdreg $0xFFFFFFFF;
	(pc) =	sbr.abs _section_cstart, $3  }
0xc0: {  	[dreg:$0x1] =	wrdreg $0xFFFFFFFF  }
0xc1: {  	_ =	task.clear_ibuf [dreg:s7], $0x2FFFF;
	_ =	strace $0x9FFFFFFF  }
0xc2: {  	(tm) =	ssettm $0x7FFFFFFF  }
0xc3: {  	_ =	shalt  }
tec
execute0_lowered:
.L_overlay_start_1:
0x0: {  	(tag) =	ssettag $0x1  }
0x1: {  	s0 =	rddreg [dreg:$0x0]  }
0x2: {  	s2 =	rddreg [dreg:$0x1];
	s1 =	srdreg.scid  }
0x3: {  	s4 =	stileid.u32;
	s3 =	simm.s32 $0x0;
	s17 =	simm.s32 $0x5  }
0x4: {  	s20 =	simm.s32 $0x1;
	s23 =	simm.s32 $0x4180;
	s31 =	simm.s32 $0x2  }
0x5: {  	s25 =	simm.s32 $0x83E8;
	s28 =	simm.s32 $0x84F8;
	s29 =	simm.s32 $0x4  }
0x6: {  	s1 =	sand.u32 $0x1, s1;
	s4 =	sshll.u32 s4, $0x1;
	[smem:$0x7FF] =	sst s3  }
0x7: {  	s5 =	sadd.s32 $0x7A1E00, s0;
	s8 =	sadd.s32 $0x4000, s2;
	s9 =	sadd.s32 $0x8000, s2  }
0x8: {  	s10 =	sadd.s32 $0xC000, s2;
	s11 =	sadd.s32 $0x10000, s2;
	s12 =	sadd.s32 $0x14000, s2  }
0x9: {  	s13 =	sadd.s32 $0x18000, s2;
	s14 =	sadd.s32 $0x1C000, s2;
	s6 =	sor.u32 s1, s4  }
0xa: {  	_ =	strace $0x8000004A;
	s1 =	ssub.s32 $0x2, s1;
	s7 =	smul.u32 $0x500, s6  }
0xb: {  	v0 =	vlaneseq.u32;
	s4 =	sadd.s32 $0xA00, s0;
	s26 =	sshrl.u32 s1, $0x1;
	s6 =	smul.u32 $0x50, s6  }
0xc: {  	v0 =	vmul.u32 $0x88, v0;
	s0 =	ssub.s32 s1, s26;
	s26 =	simm.s32 $0x8470;
	s30 =	sadd.s32 s5, s7  }
0xd: {  	s15 =	sor.u32 $0x2, s6;
	s0 =	smax.u32 s0, $0x1;
	[dreg:$0x3] =	wrdreg s30  }
0xe: {  	v1 =	vadd.s32 $0x880, v0;
	v2 =	vadd.s32 $0x1100, v0;
	v3 =	vadd.s32 $0x1980, v0;
	s7 =	simm.s32 $0x0;
	[dreg:$0x4] =	wrdreg s0;
	s0 =	simm.s32 $0x6380  }
.LBB2_1:
0xf: {  	[dreg:$0x5] =	wrdreg s7  }
0x10: {  	s1 =	rddreg [dreg:$0x3]  }
0x11: {  	[tilespmem:s3], [sflag:$0x5] =	stream.linear.gather [hbm4b:s1+s3], $0x80, $0x38;
	[tilespmem:$0x8580] =	vst v63  }
0x12: {  	_ =	swait.ge [sflag:s17], $0x80  }
0x13: {  	[sflag:s17] =	ssyncset.done $0x0  }
0x14: {  	[sflag:s17] =	ssyncadd.s32 $0xFFFFFF80  }
0x15: {  	v4 =	vld [tilespmem:$0x0]  }
0x16: {  	v5 =	vld [tilespmem:$0x10]  }
0x17: {  	v6 =	vld [tilespmem:$0x20]  }
0x18: {  	v7 =	vld [tilespmem:$0x30]  }
0x19: {  	v9 =	vld [tilespmem:$0x40]  }
0x1a: {  	v11 =	vld [tilespmem:$0x50]  }
0x1b: {  	v8 =	vshll.u32 v4, $0x1  }
0x1c: {  	vm0 =	vlt.s32 v4, $0xF4200;
	v10 =	vshll.u32 v5, $0x1;
	vm11 =	vlt.s32 v5, $0xF4200  }
0x1d: {  	v13 =	vld [tilespmem:$0x60];
	vm1 =	vlt.s32 v6, $0xF4200;
	v59 =	vshll.u32 v6, $0x1;
	v12 =	vshll.u32 v7, $0x1  }
0x1e: {  	vm2 =	vlt.s32 v7, $0xF4200;
	vm12 =	vlt.s32 v9, $0xF4200;
	v8 =	vadd.s32 $0xFFF0BE00, v8  }
0x1f: {  	v14 =	vld [tilespmem:$0x70];
	v61 =	vshll.u32 v11, $0x1;
	v58 =	vadd.s32 $0xFFF0BE00, v10;
	v4 =	vsel vm0, v4, v8  }
0x20: {  	vm13 =	vlt.s32 v11, $0xF4200;
	v10 =	vadd.s32 $0xFFF0BE00, v59;
	v5 =	vsel vm11, v5, v58;
	[tilespmem:$0x80] =	vst v4  }
0x21: {  	v12 =	vadd.s32 $0xFFF0BE00, v12;
	v4 =	vsel vm1, v6, v10;
	[tilespmem:$0x90] =	vst v5;
	v5 =	vshll.u32 v9, $0x1  }
0x22: {  	v62 =	vshll.u32 v13, $0x1;
	v60 =	vsel vm2, v7, v12;
	[tilespmem:$0xA0] =	vst v4;
	v4 =	vadd.s32 $0xFFF0BE00, v5  }
0x23: {  	vm14 =	vlt.s32 v13, $0xF4200;
	[tilespmem:$0xB0] =	vst v60;
	v5 =	vadd.s32 $0xFFF0BE00, v61;
	v4 =	vsel vm12, v9, v4  }
0x24: {  	v63 =	vshll.u32 v14, $0x1;
	v5 =	vsel vm13, v11, v5;
	[tilespmem:$0xC0] =	vst v4;
	v4 =	vadd.s32 $0xFFF0BE00, v62  }
0x25: {  	vm15 =	vlt.s32 v14, $0xF4200;
	[tilespmem:$0xD0] =	vst v5;
	v5 =	vadd.s32 $0xFFF0BE00, v63;
	v4 =	vsel vm14, v13, v4  }
0x26: {  	[tilespmem:$0xE0] =	vst v4;
	v4 =	vsel vm15, v14, v5  }
0x27: {  	s22 =	simm.s32 $0x80;
	s24 =	simm.s32 $0x180;
	s30 =	simm.s32 $0x0;
	[tilespmem:$0xF0] =	vst v4  }
0x28: {  	[tilespmem:s24], [sflag:$0x1] =	stream.indirect.gather [hbm4b:s4+s22], $0x40, s22, s22, $0xb8;
	[tilespmem:$0x8580] =	vst v63  }
.LBB2_2:
0x29: {  	s18 =	sshll.u32 s30, $0x1  }
0x2a: {  	s19 =	sadd.s32 s6, s18  }
0x2b: {  	s1 =	sadd.s32 $0x1, s19  }
0x2c: {  	_ =	swait.ge [sflag:s20], $0x2000;
	s7 =	sshll.u32 s1, $0x4  }
0x2d: {  	[sflag:s20] =	ssyncset.done $0x0;
	s7 =	sand.u32 $0xFFFFFF0, s7  }
0x2e: {  	[sflag:s20] =	ssyncadd.s32 $0xFFFFE000;
	s7 =	sadd.s32 s5, s7  }
0x2f: {  	[tilespmem:s3], [sflag:$0x5] =	stream.linear.gather [hbm4b:s7+s3], $0x80, $0x38;
	[tilespmem:$0x8580] =	vst v63  }
0x30: {  	_ =	swait.ge [sflag:s17], $0x80  }
0x31: {  	[sflag:s17] =	ssyncset.done $0x0  }
0x32: {  	[sflag:s17] =	ssyncadd.s32 $0xFFFFFF80  }
0x33: {  	v4 =	vld [tilespmem:$0x0]  }
0x34: {  	v5 =	vld [tilespmem:$0x10]  }
0x35: {  	v6 =	vld [tilespmem:$0x20]  }
0x36: {  	v7 =	vld [tilespmem:$0x30]  }
0x37: {  	v9 =	vld [tilespmem:$0x40]  }
0x38: {  	v11 =	vld [tilespmem:$0x50];
	_ =	sdelay $0x1  }
0x39: {  	v13 =	vld [tilespmem:$0x60];
	v8 =	vshll.u32 v4, $0x1  }
0x3a: {  	vm0 =	vlt.s32 v4, $0xF4200;
	v10 =	vshll.u32 v5, $0x1;
	vm11 =	vlt.s32 v5, $0xF4200  }
0x3b: {  	vm1 =	vlt.s32 v6, $0xF4200;
	v12 =	vshll.u32 v7, $0x1;
	vm2 =	vlt.s32 v7, $0xF4200  }
0x3c: {  	vm12 =	vlt.s32 v9, $0xF4200;
	vm13 =	vlt.s32 v11, $0xF4200;
	v8 =	vadd.s32 $0xFFF0BE00, v8  }
0x3d: {  	v14 =	vld [tilespmem:$0x70];
	v4 =	vsel vm0, v4, v8;
	v8 =	vadd.s32 $0xFFF0BE00, v10;
	v10 =	vshll.u32 v6, $0x1  }
0x3e: {  	vm14 =	vlt.s32 v13, $0xF4200;
	v10 =	vadd.s32 $0xFFF0BE00, v10;
	v5 =	vsel vm11, v5, v8;
	[tilespmem:$0x100] =	vst v4  }
0x3f: {  	v12 =	vadd.s32 $0xFFF0BE00, v12;
	v4 =	vsel vm1, v6, v10;
	[tilespmem:$0x110] =	vst v5;
	v5 =	vshll.u32 v9, $0x1  }
0x40: {  	v6 =	vsel vm2, v7, v12;
	v7 =	vshll.u32 v11, $0x1;
	[tilespmem:$0x120] =	vst v4;
	v4 =	vadd.s32 $0xFFF0BE00, v5  }
0x41: {  	v5 =	vadd.s32 $0xFFF0BE00, v7;
	[tilespmem:$0x130] =	vst v6;
	v6 =	vshll.u32 v13, $0x1;
	v4 =	vsel vm12, v9, v4  }
0x42: {  	v5 =	vsel vm13, v11, v5;
	[tilespmem:$0x140] =	vst v4;
	v4 =	vadd.s32 $0xFFF0BE00, v6;
	v6 =	vshll.u32 v14, $0x1  }
0x43: {  	vm15 =	vlt.s32 v14, $0xF4200;
	[tilespmem:$0x150] =	vst v5;
	v4 =	vsel vm14, v13, v4;
	v5 =	vadd.s32 $0xFFF0BE00, v6  }
0x44: {  	s22 =	simm.s32 $0x80;
	p0 =	seq.s32 s30, $0x0;
	[tilespmem:$0x160] =	vst v4;
	v4 =	vsel vm15, v14, v5  }
0x45: {  	s16 =	simm.s32 $0x100;
	s21 =	simm.s32 $0x2180;
	s7 =	simm.s32 @!p0 $0x3;
	[tilespmem:$0x170] =	vst v4  }
0x46: {  	[tilespmem:s21], [sflag:$0x2] =	stream.indirect.gather [hbm4b:s4+s22], $0x40, s16, s22, $0xb8;
	[tilespmem:$0x8580] =	vst v63  }
0x47: {  	_ =	swait.ge @!p0 [sflag:s7], $0x400  }
0x48: {  	[sflag:s7] =	ssyncset.done @!p0 $0x0  }
0x49: {  	[sflag:s7] =	ssyncadd.s32 @!p0 $0xFFFFFC00  }
0x4a: {  	_ =	swait.ge @!p0 [sflag:s7], $0x400  }
0x4b: {  	[sflag:s7] =	ssyncset.done @!p0 $0x0  }
0x4c: {  	[sflag:s7] =	ssyncadd.s32 @!p0 $0xFFFFFC00  }
0x4d: {  	_ =	swait.ge @!p0 [sflag:s7], $0x400  }
0x4e: {  	[sflag:s7] =	ssyncset.done @!p0 $0x0  }
0x4f: {  	[sflag:s7] =	ssyncadd.s32 @!p0 $0xFFFFFC00  }
0x50: {  	_ =	swait.ge @!p0 [sflag:s7], $0x400  }
0x51: {  	[sflag:s7] =	ssyncset.done @!p0 $0x0  }
0x52: {  	[sflag:s7] =	ssyncadd.s32 @!p0 $0xFFFFFC00  }
0x53: {  	_ =	swait.ge @!p0 [sflag:s7], $0x400  }
0x54: {  	[sflag:s7] =	ssyncset.done @!p0 $0x0  }
0x55: {  	[sflag:s7] =	ssyncadd.s32 @!p0 $0xFFFFFC00  }
0x56: {  	_ =	swait.ge @!p0 [sflag:s7], $0x400  }
0x57: {  	[sflag:s7] =	ssyncset.done @!p0 $0x0  }
0x58: {  	[sflag:s7] =	ssyncadd.s32 @!p0 $0xFFFFFC00  }
0x59: {  	_ =	swait.ge @!p0 [sflag:s7], $0x400  }
0x5a: {  	[sflag:s7] =	ssyncset.done @!p0 $0x0  }
0x5b: {  	[sflag:s7] =	ssyncadd.s32 @!p0 $0xFFFFFC00  }
0x5c: {  	_ =	swait.ge @!p0 [sflag:s7], $0x400  }
0x5d: {  	[sflag:s7] =	ssyncset.done @!p0 $0x0  }
0x5e: {  	s24 =	simm.s32 $0x3;
	s22 =	simm.s32 $0x200;
	[sflag:s7] =	ssyncadd.s32 @!p0 $0xFFFFFC00  }
0x5f: {  	v4 =	vmov s24;
	v5 =	vld [tilespmem:s22+$0x40]  }
0x60: {  	v9 =	vand.u32 $0x7F, v4  }
0x61: {  	s16 =	simm.s32 $0x0;
	v4 =	vadd.s32 v0, v9  }
0x62: {  	s24 =	simm.s32 $0x2;
	s21 =	simm.s32 $0x1;
	v6 =	vmov s16;
	v7 =	vld [tilespmem:s22+$0xFFFFFF80]  }
0x63: {  	v11 =	vmov s24;
	v8 =	vand.u32 $0x7C, v6;
	v6 =	vmov s21;
	v10 =	vld [tilespmem:s22+$0xFFFFFFC0]  }
0x64: {  	v12 =	vadd.s32 v0, v8;
	v15 =	vand.u32 $0x7D, v6;
	v6 =	vld [tilespmem:s22+$0x0];
	v5 =	vmul.f32 $8.000000000e+00, v5  }
0x65: {  	v17 =	vand.u32 $0x7E, v11;
	v13 =	vadd.s32 v0, v15  }
0x66: {  	v11 =	vadd.s32 v0, v17;
	[tilespmem:v4+s23+$0x0] =	vst.idx.msk $0xffff, v5  }
0x67: {  	v4 =	vmul.f32 $8.000000000e+00, v7;
	v5 =	vld [tilespmem:s22+$0x50]  }
0x68: {  	v7 =	vmul.f32 $8.000000000e+00, v10  }
0x69: {  	[tilespmem:v12+s23+$0x0] =	vst.idx.msk $0xffff, v4;
	v4 =	vmul.f32 $8.000000000e+00, v6;
	v6 =	vadd.s32 v1, v9  }
0x6a: {  	[tilespmem:v13+s23+$0x0] =	vst.idx.msk $0xffff, v7;
	v10 =	vld [tilespmem:s22+$0xFFFFFF90]  }
0x6b: {  	v7 =	vld [tilespmem:s22+$0xFFFFFFD0];
	[tilespmem:v11+s23+$0x0] =	vst.idx.msk $0xffff, v4  }
0x6c: {  	v11 =	vld [tilespmem:s22+$0x10];
	v4 =	vmul.f32 $8.000000000e+00, v5  }
0x6d: {  	s24 =	simm.s32 $0x7;
	s21 =	simm.s32 $0x4;
	s7 =	simm.s32 $0x300;
	v12 =	vadd.s32 v1, v15  }
0x6e: {  	v14 =	vld [tilespmem:s7+$0x40];
	v13 =	vadd.s32 v1, v17;
	v5 =	vmov s21;
	[tilespmem:v6+s23+$0x0] =	vst.idx.msk $0xffff, v4;
	v6 =	vmov s24  }
0x6f: {  	v16 =	vadd.s32 v1, v8;
	v4 =	vand.u32 $0x7C, v5;
	v5 =	vand.u32 $0x7F, v6;
	v18 =	vld [tilespmem:s22+$0x60]  }
0x70: {  	v22 =	vadd.s32 v2, v9;
	v19 =	vld [tilespmem:s7+$0xFFFFFF80];
	s21 =	simm.s32 $0x5;
	v6 =	vmul.f32 $8.000000000e+00, v7;
	v20 =	vadd.s32 v0, v5  }
0x71: {  	v21 =	vld [tilespmem:s7+$0xFFFFFFC0];
	v10 =	vmul.f32 $8.000000000e+00, v10;
	s24 =	simm.s32 $0x6;
	v7 =	vmul.f32 $8.000000000e+00, v11;
	v11 =	vmov s21  }
0x72: {  	v23 =	vadd.s32 v0, v4;
	[tilespmem:v12+s23+$0x0] =	vst.idx.msk $0xffff, v6;
	v12 =	vmov s24;
	v6 =	vand.u32 $0x7D, v11;
	v11 =	vld [tilespmem:s7+$0x0]  }
0x73: {  	[tilespmem:v13+s23+$0x0] =	vst.idx.msk $0xffff, v7;
	v13 =	vadd.s32 v0, v6;
	v7 =	vand.u32 $0x7E, v12;
	v12 =	vmul.f32 $8.000000000e+00, v14;
	v14 =	vld [tilespmem:s22+$0xFFFFFFE0]  }
0x74: {  	[tilespmem:v16+s23+$0x0] =	vst.idx.msk $0xffff, v10;
	v10 =	vadd.s32 v0, v7;
	v16 =	vld [tilespmem:s22+$0x20];
	v18 =	vmul.f32 $8.000000000e+00, v18  }
0x75: {  	v19 =	vmul.f32 $8.000000000e+00, v19;
	[tilespmem:v20+s23+$0x0] =	vst.idx.msk $0xffff, v12;
	v12 =	vld [tilespmem:s22+$0xFFFFFFA0];
	v20 =	vadd.s32 v2, v15  }
0x76: {  	v25 =	vadd.s32 v2, v17;
	v21 =	vmul.f32 $8.000000000e+00, v21;
	v24 =	vld [tilespmem:s7+$0x50];
	[tilespmem:v22+s23+$0x0] =	vst.idx.msk $0xffff, v18  }
0x77: {  	[tilespmem:v23+s23+$0x0] =	vst.idx.msk $0xffff, v19;
	v19 =	vadd.s32 v2, v8;
	v11 =	vmul.f32 $8.000000000e+00, v11;
	v22 =	vld [tilespmem:s22+$0x70]  }
0x78: {  	v23 =	vld [tilespmem:s7+$0xFFFFFF90];
	[tilespmem:v13+s23+$0x0] =	vst.idx.msk $0xffff, v21;
	v21 =	vadd.s32 v1, v5;
	v14 =	vmul.f32 $8.000000000e+00, v14  }
0x79: {  	v27 =	vadd.s32 v3, v9;
	v26 =	vld [tilespmem:s7+$0xFFFFFFD0];
	[tilespmem:v10+s23+$0x0] =	vst.idx.msk $0xffff, v11;
	v10 =	vmul.f32 $8.000000000e+00, v16  }
0x7a: {  	v18 =	vadd.s32 v1, v4;
	v13 =	vld [tilespmem:s7+$0x10];
	v9 =	vmul.f32 $8.000000000e+00, v12;
	[tilespmem:v20+s23+$0x0] =	vst.idx.msk $0xffff, v14  }
0x7b: {  	s21 =	simm.s32 $0x8;
	v16 =	vadd.s32 v1, v6;
	[tilespmem:v25+s23+$0x0] =	vst.idx.msk $0xffff, v10;
	v14 =	vmul.f32 $8.000000000e+00, v24;
	v12 =	vld [tilespmem:s22+$0xFFFFFFF0]  }
0x7c: {  	v20 =	vmov s21;
	v10 =	vadd.s32 v1, v7;
	v11 =	vld [tilespmem:s22+$0x30];
	[tilespmem:v19+s23+$0x0] =	vst.idx.msk $0xffff, v9;
	v63 =	vmul.f32 $8.000000000e+00, v22  }
0x7d: {  	s16 =	simm.s32 $0x400;
	s24 =	simm.s32 $0xB;
	v15 =	vadd.s32 v3, v15;
	v9 =	vand.u32 $0x7C, v20;
	v20 =	vmul.f32 $8.000000000e+00, v23;
	[tilespmem:v21+s23+$0x0] =	vst.idx.msk $0xffff, v14;
	v14 =	vld [tilespmem:s22+$0xFFFFFFB0]  }
0x7e: {  	v17 =	vadd.s32 v3, v17;
	v22 =	vmov s24;
	v19 =	vld [tilespmem:s16+$0x40];
	s22 =	simm.s32 $0xC;
	v21 =	vmul.f32 $8.000000000e+00, v26;
	[tilespmem:v27+s23+$0x0] =	vst.idx.msk $0xffff, v63  }
.LBB2_3:
0x7f: {  	p0 =	slt.u32 s22, $0x7C;
	s24 =	sadd.s32 $0x1, s21;
	v22 =	vand.u32 $0x7F, v22;
	[tilespmem:v18+s23+$0x0] =	vst.idx.msk $0xffff, v20;
	v13 =	vmul.f32 $8.000000000e+00, v13;
	v18 =	vld [tilespmem:s7+$0x60];
	v20 =	vadd.s32 v3, v8;
	v8 =	vmovc v4  }
0x80: {  	v4 =	vmovc v9;
	v23 =	vld [tilespmem:s16+$0xFFFFFF80];
	v24 =	vmov s24;
	s24 =	sadd.s32 $0x2, s21;
	v25 =	vadd.s32 v0, v22;
	[tilespmem:v16+s23+$0x0] =	vst.idx.msk $0xffff, v21;
	v12 =	vmul.f32 $8.000000000e+00, v12;
	s21 =	smov.u32 s22  }
0x81: {  	v9 =	vld [tilespmem:s16+$0xFFFFFFC0];
	v16 =	vmov s24;
	[tilespmem:v10+s23+$0x0] =	vst.idx.msk $0xffff, v13;
	v10 =	vadd.s32 v2, v5;
	v11 =	vmul.f32 $8.000000000e+00, v11  }
0x82: {  	v13 =	vadd.s32 v0, v4;
	v21 =	vand.u32 $0x7D, v24;
	v24 =	vld [tilespmem:s16+$0x0];
	v14 =	vmul.f32 $8.000000000e+00, v14;
	[tilespmem:v15+s23+$0x0] =	vst.idx.msk $0xffff, v12  }
0x83: {  	v12 =	vadd.s32 v0, v21;
	v26 =	vand.u32 $0x7E, v16;
	v15 =	vmul.f32 $8.000000000e+00, v19;
	v16 =	vld [tilespmem:s7+$0xFFFFFFE0];
	[tilespmem:v17+s23+$0x0] =	vst.idx.msk $0xffff, v11  }
0x84: {  	v11 =	vadd.s32 v0, v26;
	v17 =	vld [tilespmem:s7+$0x20];
	v18 =	vmul.f32 $8.000000000e+00, v18;
	[tilespmem:v20+s23+$0x0] =	vst.idx.msk $0xffff, v14  }
0x85: {  	v19 =	vadd.s32 v2, v6;
	v14 =	vmul.f32 $8.000000000e+00, v23;
	[tilespmem:v25+s23+$0x0] =	vst.idx.msk $0xffff, v15;
	v15 =	vld [tilespmem:s7+$0xFFFFFFA0]  }
0x86: {  	v23 =	vadd.s32 v2, v7;
	v9 =	vmul.f32 $8.000000000e+00, v9;
	v20 =	vld [tilespmem:s16+$0x50];
	[tilespmem:v10+s23+$0x0] =	vst.idx.msk $0xffff, v18  }
0x87: {  	[tilespmem:v13+s23+$0x0] =	vst.idx.msk $0xffff, v14;
	v10 =	vmul.f32 $8.000000000e+00, v24;
	v14 =	vadd.s32 v2, v8;
	v24 =	vld [tilespmem:s7+$0x70]  }
0x88: {  	v27 =	vadd.s32 v1, v22;
	v25 =	vld [tilespmem:s16+$0xFFFFFF90];
	[tilespmem:v12+s23+$0x0] =	vst.idx.msk $0xffff, v9;
	v9 =	vmul.f32 $8.000000000e+00, v16  }
0x89: {  	v29 =	vadd.s32 v3, v5;
	v5 =	vmov v22;
	v28 =	vld [tilespmem:s16+$0xFFFFFFD0];
	[tilespmem:v11+s23+$0x0] =	vst.idx.msk $0xffff, v10;
	v10 =	vmul.f32 $8.000000000e+00, v17  }
.Ltmp0:
0x8a: {  	v18 =	vadd.s32 v1, v4;
	v13 =	vld [tilespmem:s16+$0x10];
	v11 =	vmul.f32 $8.000000000e+00, v15;
	[tilespmem:v19+s23+$0x0] =	vst.idx.msk $0xffff, v9;
	(pc) =	sbr.rel @p0 .LBB2_3-.Ltmp0, $4  }
0x8b: {  	v16 =	vadd.s32 v1, v21;
	v15 =	vmul.f32 $8.000000000e+00, v20;
	v12 =	vld [tilespmem:s7+$0xFFFFFFF0];
	[tilespmem:v23+s23+$0x0] =	vst.idx.msk $0xffff, v10  }
0x8c: {  	v9 =	vmov s22;
	v10 =	vadd.s32 v1, v26;
	[tilespmem:v14+s23+$0x0] =	vst.idx.msk $0xffff, v11;
	v11 =	vld [tilespmem:s7+$0x30];
	v23 =	vmul.f32 $8.000000000e+00, v24  }
0x8d: {  	s24 =	sadd.s32 $0x3, s22;
	v9 =	vand.u32 $0x7C, v9;
	v20 =	vmul.f32 $8.000000000e+00, v25;
	[tilespmem:v27+s23+$0x0] =	vst.idx.msk $0xffff, v15;
	v14 =	vld [tilespmem:s7+$0xFFFFFFB0];
	v15 =	vadd.s32 v3, v6;
	v6 =	vmovc v21;
	s7 =	smov.u32 s16;
	s16 =	sadd.s32 $0x100, s16  }
0x8e: {  	v22 =	vmov s24;
	v17 =	vadd.s32 v3, v7;
	v7 =	vmovc v26;
	s22 =	sadd.s32 $0x4, s22;
	v19 =	vld [tilespmem:s16+$0x40];
	v21 =	vmul.f32 $8.000000000e+00, v28;
	[tilespmem:v29+s23+$0x0] =	vst.idx.msk $0xffff, v23  }
0x8f: {  	s22 =	sadd.s32 $0x1, s21  }
0x90: {  	v22 =	vand.u32 $0x7F, v22;
	s24 =	sadd.s32 $0x2, s21;
	v24 =	vld [tilespmem:s16+$0xFFFFFFC0];
	v23 =	vmov s22  }
0x91: {  	v27 =	vld [tilespmem:s16+$0x0];
	v25 =	vmov s24;
	v26 =	vadd.s32 v0, v22;
	v23 =	vand.u32 $0x7D, v23  }
0x92: {  	v28 =	vld [tilespmem:s16+$0xFFFFFF80];
	v25 =	vand.u32 $0x7E, v25;
	v29 =	vadd.s32 v0, v23  }
0x93: {  	v30 =	vadd.s32 v0, v25  }
0x94: {  	[tilespmem:v18+s23+$0x0] =	vst.idx.msk $0xffff, v20;
	v18 =	vadd.s32 v0, v9;
	v19 =	vmul.f32 $8.000000000e+00, v19  }
0x95: {  	[tilespmem:v16+s23+$0x0] =	vst.idx.msk $0xffff, v21;
	v16 =	vmul.f32 $8.000000000e+00, v24  }
0x96: {  	[tilespmem:v26+s23+$0x0] =	vst.idx.msk $0xffff, v19;
	v19 =	vmul.f32 $8.000000000e+00, v27  }
0x97: {  	v20 =	vmul.f32 $8.000000000e+00, v28;
	[tilespmem:v29+s23+$0x0] =	vst.idx.msk $0xffff, v16;
	v16 =	vld [tilespmem:s16+$0x50]  }
0x98: {  	v13 =	vmul.f32 $8.000000000e+00, v13;
	v8 =	vadd.s32 v3, v8;
	[tilespmem:v30+s23+$0x0] =	vst.idx.msk $0xffff, v19;
	v21 =	vld [tilespmem:s16+$0xFFFFFFD0]  }
0x99: {  	v12 =	vmul.f32 $8.000000000e+00, v12;
	[tilespmem:v18+s23+$0x0] =	vst.idx.msk $0xffff, v20;
	v18 =	vadd.s32 v1, v22;
	v19 =	vld [tilespmem:s16+$0x10]  }
0x9a: {  	[tilespmem:v10+s23+$0x0] =	vst.idx.msk $0xffff, v13;
	v10 =	vmul.f32 $8.000000000e+00, v11;
	v13 =	vadd.s32 v1, v23;
	v11 =	vld [tilespmem:s16+$0xFFFFFF90]  }
0x9b: {  	v14 =	vmul.f32 $8.000000000e+00, v14;
	[tilespmem:v15+s23+$0x0] =	vst.idx.msk $0xffff, v12;
	v12 =	vadd.s32 v1, v25;
	v20 =	vld [tilespmem:s7+$0x60]  }
0x9c: {  	v15 =	vld [tilespmem:s7+$0xFFFFFFE0];
	[tilespmem:v17+s23+$0x0] =	vst.idx.msk $0xffff, v10;
	v10 =	vadd.s32 v1, v9;
	v16 =	vmul.f32 $8.000000000e+00, v16  }
0x9d: {  	v58 =	vld [tilespmem:s7+$0x20];
	v17 =	vadd.s32 v2, v5;
	[tilespmem:v8+s23+$0x0] =	vst.idx.msk $0xffff, v14;
	v8 =	vmul.f32 $8.000000000e+00, v21  }
0x9e: {  	v14 =	vld [tilespmem:s7+$0xFFFFFFA0];
	v21 =	vadd.s32 v2, v6;
	[tilespmem:v18+s23+$0x0] =	vst.idx.msk $0xffff, v16;
	v16 =	vmul.f32 $8.000000000e+00, v19  }
0x9f: {  	v11 =	vmul.f32 $8.000000000e+00, v11;
	v18 =	vadd.s32 v2, v7;
	v19 =	vld [tilespmem:s16+$0x60];
	[tilespmem:v13+s23+$0x0] =	vst.idx.msk $0xffff, v8  }
0xa0: {  	v8 =	vmul.f32 $8.000000000e+00, v20;
	v13 =	vadd.s32 v2, v4;
	[tilespmem:v12+s23+$0x0] =	vst.idx.msk $0xffff, v16;
	v12 =	vld [tilespmem:s16+$0xFFFFFFE0]  }
0xa1: {  	v15 =	vmul.f32 $8.000000000e+00, v15;
	[tilespmem:v10+s23+$0x0] =	vst.idx.msk $0xffff, v11;
	v10 =	vadd.s32 v2, v22;
	v11 =	vld [tilespmem:s16+$0x20]  }
0xa2: {  	v16 =	vld [tilespmem:s16+$0xFFFFFFA0];
	[tilespmem:v17+s23+$0x0] =	vst.idx.msk $0xffff, v8;
	v8 =	vmul.f32 $8.000000000e+00, v58;
	v17 =	vadd.s32 v2, v23  }
0xa3: {  	v14 =	vmul.f32 $8.000000000e+00, v14;
	v20 =	vld [tilespmem:s7+$0x70];
	[tilespmem:v21+s23+$0x0] =	vst.idx.msk $0xffff, v15;
	v15 =	vadd.s32 v2, v25  }
0xa4: {  	v21 =	vld [tilespmem:s7+$0xFFFFFFF0];
	[tilespmem:v18+s23+$0x0] =	vst.idx.msk $0xffff, v8;
	v18 =	vadd.s32 v2, v9;
	v8 =	vmul.f32 $8.000000000e+00, v19  }
0xa5: {  	v5 =	vadd.s32 v3, v5;
	[tilespmem:v13+s23+$0x0] =	vst.idx.msk $0xffff, v14;
	v13 =	vld [tilespmem:s7+$0x30];
	v12 =	vmul.f32 $8.000000000e+00, v12  }
0xa6: {  	v6 =	vadd.s32 v3, v6;
	v14 =	vld [tilespmem:s7+$0xFFFFFFB0];
	[tilespmem:v10+s23+$0x0] =	vst.idx.msk $0xffff, v8;
	v8 =	vmul.f32 $8.000000000e+00, v11  }
0xa7: {  	v7 =	vadd.s32 v3, v7;
	v11 =	vmul.f32 $8.000000000e+00, v16;
	v10 =	vld [tilespmem:s16+$0x70];
	[tilespmem:v17+s23+$0x0] =	vst.idx.msk $0xffff, v12  }
0xa8: {  	v4 =	vadd.s32 v3, v4;
	v12 =	vmul.f32 $8.000000000e+00, v20;
	v16 =	vld [tilespmem:s16+$0xFFFFFFF0];
	[tilespmem:v15+s23+$0x0] =	vst.idx.msk $0xffff, v8  }
0xa9: {  	v8 =	vmul.f32 $8.000000000e+00, v21;
	v15 =	vadd.s32 v3, v22;
	[tilespmem:v18+s23+$0x0] =	vst.idx.msk $0xffff, v11;
	v11 =	vld [tilespmem:s16+$0x30]  }
0xaa: {  	[tilespmem:v5+s23+$0x0] =	vst.idx.msk $0xffff, v12;
	v5 =	vmul.f32 $8.000000000e+00, v13;
	v12 =	vld [tilespmem:s16+$0xFFFFFFB0];
	v13 =	vadd.s32 v3, v23  }
0xab: {  	v14 =	vmul.f32 $8.000000000e+00, v14;
	[tilespmem:v6+s23+$0x0] =	vst.idx.msk $0xffff, v8;
	v6 =	vadd.s32 v3, v25  }
0xac: {  	[tilespmem:v7+s23+$0x0] =	vst.idx.msk $0xffff, v5;
	v7 =	vadd.s32 v3, v9;
	v5 =	vmul.f32 $8.000000000e+00, v10  }
0xad: {  	[tilespmem:v4+s23+$0x0] =	vst.idx.msk $0xffff, v14;
	v4 =	vmul.f32 $8.000000000e+00, v16  }
0xae: {  	s21 =	sshll.u32 s19, $0x7;
	s16 =	sshll.u32 s19, $0xA;
	[tilespmem:v15+s23+$0x0] =	vst.idx.msk $0xffff, v5;
	v5 =	vmul.f32 $8.000000000e+00, v11  }
0xaf: {  	s7 =	sand.u32 $0xFFE0000, s16;
	s16 =	sand.u32 $0x3F00, s21;
	v8 =	vmul.f32 $8.000000000e+00, v12;
	[tilespmem:v13+s23+$0x0] =	vst.idx.msk $0xffff, v4  }
0xb0: {  	s7 =	sor.u32 s16, s7;
	[tilespmem:v6+s23+$0x0] =	vst.idx.msk $0xffff, v5  }
0xb1: {  	s16 =	sadd.s32 s2, s7;
	[tilespmem:v7+s23+$0x0] =	vst.idx.msk $0xffff, v8  }
0xb2: {  	[hbm4b:s16+s3] =	stream.linear.scatter [tilespmem:s23], [sflag:$0x3], $0x80, $0x38;
	[tilespmem:$0x8580] =	vst v63  }
0xb3: {  	s24 =	simm.s32 $0x4208;
	s22 =	sadd.s32 $0x10, s16  }
0xb4: {  	[hbm4b:s22+s3] =	stream.linear.scatter [tilespmem:s24], [sflag:$0x3], $0x80, $0x38;
	[tilespmem:$0x8580] =	vst v63  }
0xb5: {  	s22 =	sadd.s32 $0x20, s16;
	s24 =	simm.s32 $0x4290  }
0xb6: {  	[hbm4b:s22+s3] =	stream.linear.scatter [tilespmem:s24], [sflag:$0x3], $0x80, $0x38;
	[tilespmem:$0x8580] =	vst v63  }
0xb7: {  	s22 =	sadd.s32 $0x30, s16;
	s24 =	simm.s32 $0x4318  }
0xb8: {  	[hbm4b:s22+s3] =	stream.linear.scatter [tilespmem:s24], [sflag:$0x3], $0x80, $0x38;
	[tilespmem:$0x8580] =	vst v63  }
0xb9: {  	s22 =	sadd.s32 $0x40, s16;
	s24 =	simm.s32 $0x43A0  }
0xba: {  	[hbm4b:s22+s3] =	stream.linear.scatter [tilespmem:s24], [sflag:$0x3], $0x80, $0x38;
	[tilespmem:$0x8580] =	vst v63  }
0xbb: {  	s22 =	sadd.s32 $0x50, s16;
	s24 =	simm.s32 $0x4428  }
0xbc: {  	[hbm4b:s22+s3] =	stream.linear.scatter [tilespmem:s24], [sflag:$0x3], $0x80, $0x38;
	[tilespmem:$0x8580] =	vst v63  }
0xbd: {  	s21 =	sadd.s32 $0x60, s16;
	s22 =	simm.s32 $0x44B0  }
0xbe: {  	[hbm4b:s21+s3] =	stream.linear.scatter [tilespmem:s22], [sflag:$0x3], $0x80, $0x38;
	[tilespmem:$0x8580] =	vst v63  }
0xbf: {  	s16 =	sadd.s32 $0x70, s16;
	s24 =	simm.s32 $0x4538  }
0xc0: {  	[hbm4b:s16+s3] =	stream.linear.scatter [tilespmem:s24], [sflag:$0x3], $0x80, $0x38;
	[tilespmem:$0x8580] =	vst v63  }
0xc1: {  	s21 =	simm.s32 $0x45C0;
	s16 =	sadd.s32 s7, s8  }
0xc2: {  	[hbm4b:s16+s3] =	stream.linear.scatter [tilespmem:s21], [sflag:$0x3], $0x80, $0x38;
	[tilespmem:$0x8580] =	vst v63  }
0xc3: {  	s24 =	simm.s32 $0x4648;
	s22 =	sadd.s32 $0x10, s16  }
0xc4: {  	[hbm4b:s22+s3] =	stream.linear.scatter [tilespmem:s24], [sflag:$0x3], $0x80, $0x38;
	[tilespmem:$0x8580] =	vst v63  }
0xc5: {  	s22 =	sadd.s32 $0x20, s16;
	s24 =	simm.s32 $0x46D0  }
0xc6: {  	[hbm4b:s22+s3] =	stream.linear.scatter [tilespmem:s24], [sflag:$0x3], $0x80, $0x38;
	[tilespmem:$0x8580] =	vst v63  }
0xc7: {  	s22 =	sadd.s32 $0x30, s16;
	s24 =	simm.s32 $0x4758  }
0xc8: {  	[hbm4b:s22+s3] =	stream.linear.scatter [tilespmem:s24], [sflag:$0x3], $0x80, $0x38;
	[tilespmem:$0x8580] =	vst v63  }
0xc9: {  	s22 =	sadd.s32 $0x40, s16;
	s24 =	simm.s32 $0x47E0  }
0xca: {  	[hbm4b:s22+s3] =	stream.linear.scatter [tilespmem:s24], [sflag:$0x3], $0x80, $0x38;
	[tilespmem:$0x8580] =	vst v63  }
0xcb: {  	s22 =	sadd.s32 $0x50, s16;
	s24 =	simm.s32 $0x4868  }
0xcc: {  	[hbm4b:s22+s3] =	stream.linear.scatter [tilespmem:s24], [sflag:$0x3], $0x80, $0x38;
	[tilespmem:$0x8580] =	vst v63  }
0xcd: {  	s21 =	sadd.s32 $0x60, s16;
	s22 =	simm.s32 $0x48F0  }
0xce: {  	[hbm4b:s21+s3] =	stream.linear.scatter [tilespmem:s22], [sflag:$0x3], $0x80, $0x38;
	[tilespmem:$0x8580] =	vst v63  }
0xcf: {  	s16 =	sadd.s32 $0x70, s16;
	s24 =	simm.s32 $0x4978  }
0xd0: {  	[hbm4b:s16+s3] =	stream.linear.scatter [tilespmem:s24], [sflag:$0x3], $0x80, $0x38;
	[tilespmem:$0x8580] =	vst v63  }
0xd1: {  	s21 =	simm.s32 $0x4A00;
	s16 =	sadd.s32 s7, s9  }
0xd2: {  	[hbm4b:s16+s3] =	stream.linear.scatter [tilespmem:s21], [sflag:$0x3], $0x80, $0x38;
	[tilespmem:$0x8580] =	vst v63  }
0xd3: {  	s24 =	simm.s32 $0x4A88;
	s22 =	sadd.s32 $0x10, s16  }
0xd4: {  	[hbm4b:s22+s3] =	stream.linear.scatter [tilespmem:s24], [sflag:$0x3], $0x80, $0x38;
	[tilespmem:$0x8580] =	vst v63  }
0xd5: {  	s22 =	sadd.s32 $0x20, s16;
	s24 =	simm.s32 $0x4B10  }
0xd6: {  	[hbm4b:s22+s3] =	stream.linear.scatter [tilespmem:s24], [sflag:$0x3], $0x80, $0x38;
	[tilespmem:$0x8580] =	vst v63  }
0xd7: {  	s22 =	sadd.s32 $0x30, s16;
	s24 =	simm.s32 $0x4B98  }
0xd8: {  	[hbm4b:s22+s3] =	stream.linear.scatter [tilespmem:s24], [sflag:$0x3], $0x80, $0x38;
	[tilespmem:$0x8580] =	vst v63  }
0xd9: {  	s22 =	sadd.s32 $0x40, s16;
	s24 =	simm.s32 $0x4C20  }
0xda: {  	[hbm4b:s22+s3] =	stream.linear.scatter [tilespmem:s24], [sflag:$0x3], $0x80, $0x38;
	[tilespmem:$0x8580] =	vst v63  }
0xdb: {  	s22 =	sadd.s32 $0x50, s16;
	s24 =	simm.s32 $0x4CA8  }
0xdc: {  	[hbm4b:s22+s3] =	stream.linear.scatter [tilespmem:s24], [sflag:$0x3], $0x80, $0x38;
	[tilespmem:$0x8580] =	vst v63  }
0xdd: {  	s21 =	sadd.s32 $0x60, s16;
	s22 =	simm.s32 $0x4D30  }
0xde: {  	[hbm4b:s21+s3] =	stream.linear.scatter [tilespmem:s22], [sflag:$0x3], $0x80, $0x38;
	[tilespmem:$0x8580] =	vst v63  }
0xdf: {  	s16 =	sadd.s32 $0x70, s16;
	s24 =	simm.s32 $0x4DB8  }
0xe0: {  	[hbm4b:s16+s3] =	stream.linear.scatter [tilespmem:s24], [sflag:$0x3], $0x80, $0x38;
	[tilespmem:$0x8580] =	vst v63  }
0xe1: {  	s21 =	simm.s32 $0x4E40;
	s16 =	sadd.s32 s7, s10  }
0xe2: {  	[hbm4b:s16+s3] =	stream.linear.scatter [tilespmem:s21], [sflag:$0x3], $0x80, $0x38;
	[tilespmem:$0x8580] =	vst v63  }
0xe3: {  	s24 =	simm.s32 $0x4EC8;
	s22 =	sadd.s32 $0x10, s16  }
0xe4: {  	[hbm4b:s22+s3] =	stream.linear.scatter [tilespmem:s24], [sflag:$0x3], $0x80, $0x38;
	[tilespmem:$0x8580] =	vst v63  }
0xe5: {  	s22 =	sadd.s32 $0x20, s16;
	s24 =	simm.s32 $0x4F50  }
0xe6: {  	[hbm4b:s22+s3] =	stream.linear.scatter [tilespmem:s24], [sflag:$0x3], $0x80, $0x38;
	[tilespmem:$0x8580] =	vst v63  }
0xe7: {  	s22 =	sadd.s32 $0x30, s16;
	s24 =	simm.s32 $0x4FD8  }
0xe8: {  	[hbm4b:s22+s3] =	stream.linear.scatter [tilespmem:s24], [sflag:$0x3], $0x80, $0x38;
	[tilespmem:$0x8580] =	vst v63  }
0xe9: {  	s22 =	sadd.s32 $0x40, s16;
	s24 =	simm.s32 $0x5060  }
0xea: {  	[hbm4b:s22+s3] =	stream.linear.scatter [tilespmem:s24], [sflag:$0x3], $0x80, $0x38;
	[tilespmem:$0x8580] =	vst v63  }
0xeb: {  	s22 =	sadd.s32 $0x50, s16;
	s24 =	simm.s32 $0x50E8  }
0xec: {  	[hbm4b:s22+s3] =	stream.linear.scatter [tilespmem:s24], [sflag:$0x3], $0x80, $0x38;
	[tilespmem:$0x8580] =	vst v63  }
0xed: {  	s21 =	sadd.s32 $0x60, s16;
	s22 =	simm.s32 $0x5170  }
0xee: {  	[hbm4b:s21+s3] =	stream.linear.scatter [tilespmem:s22], [sflag:$0x3], $0x80, $0x38;
	[tilespmem:$0x8580] =	vst v63  }
0xef: {  	s16 =	sadd.s32 $0x70, s16;
	s24 =	simm.s32 $0x51F8  }
0xf0: {  	[hbm4b:s16+s3] =	stream.linear.scatter [tilespmem:s24], [sflag:$0x3], $0x80, $0x38;
	[tilespmem:$0x8580] =	vst v63  }
0xf1: {  	s21 =	simm.s32 $0x5280;
	s16 =	sadd.s32 s7, s11  }
0xf2: {  	[hbm4b:s16+s3] =	stream.linear.scatter [tilespmem:s21], [sflag:$0x3], $0x80, $0x38;
	[tilespmem:$0x8580] =	vst v63  }
0xf3: {  	s24 =	simm.s32 $0x5308;
	s22 =	sadd.s32 $0x10, s16  }
0xf4: {  	[hbm4b:s22+s3] =	stream.linear.scatter [tilespmem:s24], [sflag:$0x3], $0x80, $0x38;
	[tilespmem:$0x8580] =	vst v63  }
0xf5: {  	s22 =	sadd.s32 $0x20, s16;
	s24 =	simm.s32 $0x5390  }
0xf6: {  	[hbm4b:s22+s3] =	stream.linear.scatter [tilespmem:s24], [sflag:$0x3], $0x80, $0x38;
	[tilespmem:$0x8580] =	vst v63  }
0xf7: {  	s22 =	sadd.s32 $0x30, s16;
	s24 =	simm.s32 $0x5418  }
0xf8: {  	[hbm4b:s22+s3] =	stream.linear.scatter [tilespmem:s24], [sflag:$0x3], $0x80, $0x38;
	[tilespmem:$0x8580] =	vst v63  }
0xf9: {  	s22 =	sadd.s32 $0x40, s16;
	s24 =	simm.s32 $0x54A0  }
0xfa: {  	[hbm4b:s22+s3] =	stream.linear.scatter [tilespmem:s24], [sflag:$0x3], $0x80, $0x38;
	[tilespmem:$0x8580] =	vst v63  }
0xfb: {  	s22 =	sadd.s32 $0x50, s16;
	s24 =	simm.s32 $0x5528  }
0xfc: {  	[hbm4b:s22+s3] =	stream.linear.scatter [tilespmem:s24], [sflag:$0x3], $0x80, $0x38;
	[tilespmem:$0x8580] =	vst v63  }
0xfd: {  	s21 =	sadd.s32 $0x60, s16;
	s22 =	simm.s32 $0x55B0  }
0xfe: {  	[hbm4b:s21+s3] =	stream.linear.scatter [tilespmem:s22], [sflag:$0x3], $0x80, $0x38;
	[tilespmem:$0x8580] =	vst v63  }
0xff: {  	s16 =	sadd.s32 $0x70, s16;
	s24 =	simm.s32 $0x5638  }
0x100: {  	[hbm4b:s16+s3] =	stream.linear.scatter [tilespmem:s24], [sflag:$0x3], $0x80, $0x38;
	[tilespmem:$0x8580] =	vst v63  }
0x101: {  	s21 =	simm.s32 $0x56C0;
	s16 =	sadd.s32 s7, s12  }
0x102: {  	[hbm4b:s16+s3] =	stream.linear.scatter [tilespmem:s21], [sflag:$0x3], $0x80, $0x38;
	[tilespmem:$0x8580] =	vst v63  }
0x103: {  	s24 =	simm.s32 $0x5748;
	s22 =	sadd.s32 $0x10, s16  }
0x104: {  	[hbm4b:s22+s3] =	stream.linear.scatter [tilespmem:s24], [sflag:$0x3], $0x80, $0x38;
	[tilespmem:$0x8580] =	vst v63  }
0x105: {  	s22 =	sadd.s32 $0x20, s16;
	s24 =	simm.s32 $0x57D0  }
0x106: {  	[hbm4b:s22+s3] =	stream.linear.scatter [tilespmem:s24], [sflag:$0x3], $0x80, $0x38;
	[tilespmem:$0x8580] =	vst v63  }
0x107: {  	s22 =	sadd.s32 $0x30, s16;
	s24 =	simm.s32 $0x5858  }
0x108: {  	[hbm4b:s22+s3] =	stream.linear.scatter [tilespmem:s24], [sflag:$0x3], $0x80, $0x38;
	[tilespmem:$0x8580] =	vst v63  }
0x109: {  	s22 =	sadd.s32 $0x40, s16;
	s24 =	simm.s32 $0x58E0  }
0x10a: {  	[hbm4b:s22+s3] =	stream.linear.scatter [tilespmem:s24], [sflag:$0x3], $0x80, $0x38;
	[tilespmem:$0x8580] =	vst v63  }
0x10b: {  	s22 =	sadd.s32 $0x50, s16;
	s24 =	simm.s32 $0x5968  }
0x10c: {  	[hbm4b:s22+s3] =	stream.linear.scatter [tilespmem:s24], [sflag:$0x3], $0x80, $0x38;
	[tilespmem:$0x8580] =	vst v63  }
0x10d: {  	s21 =	sadd.s32 $0x60, s16;
	s22 =	simm.s32 $0x59F0  }
0x10e: {  	[hbm4b:s21+s3] =	stream.linear.scatter [tilespmem:s22], [sflag:$0x3], $0x80, $0x38;
	[tilespmem:$0x8580] =	vst v63  }
0x10f: {  	s16 =	sadd.s32 $0x70, s16;
	s24 =	simm.s32 $0x5A78  }
0x110: {  	[hbm4b:s16+s3] =	stream.linear.scatter [tilespmem:s24], [sflag:$0x3], $0x80, $0x38;
	[tilespmem:$0x8580] =	vst v63  }
0x111: {  	s21 =	simm.s32 $0x5B00;
	s16 =	sadd.s32 s7, s13  }
0x112: {  	[hbm4b:s16+s3] =	stream.linear.scatter [tilespmem:s21], [sflag:$0x3], $0x80, $0x38;
	[tilespmem:$0x8580] =	vst v63  }
0x113: {  	s24 =	simm.s32 $0x5B88;
	s22 =	sadd.s32 $0x10, s16  }
0x114: {  	[hbm4b:s22+s3] =	stream.linear.scatter [tilespmem:s24], [sflag:$0x3], $0x80, $0x38;
	[tilespmem:$0x8580] =	vst v63  }
0x115: {  	s22 =	sadd.s32 $0x20, s16;
	s24 =	simm.s32 $0x5C10  }
0x116: {  	[hbm4b:s22+s3] =	stream.linear.scatter [tilespmem:s24], [sflag:$0x3], $0x80, $0x38;
	[tilespmem:$0x8580] =	vst v63  }
0x117: {  	s22 =	sadd.s32 $0x30, s16;
	s24 =	simm.s32 $0x5C98  }
0x118: {  	[hbm4b:s22+s3] =	stream.linear.scatter [tilespmem:s24], [sflag:$0x3], $0x80, $0x38;
	[tilespmem:$0x8580] =	vst v63  }
0x119: {  	s22 =	sadd.s32 $0x40, s16;
	s24 =	simm.s32 $0x5D20  }
0x11a: {  	[hbm4b:s22+s3] =	stream.linear.scatter [tilespmem:s24], [sflag:$0x3], $0x80, $0x38;
	[tilespmem:$0x8580] =	vst v63  }
0x11b: {  	s22 =	sadd.s32 $0x50, s16;
	s24 =	simm.s32 $0x5DA8  }
0x11c: {  	[hbm4b:s22+s3] =	stream.linear.scatter [tilespmem:s24], [sflag:$0x3], $0x80, $0x38;
	[tilespmem:$0x8580] =	vst v63  }
0x11d: {  	s21 =	sadd.s32 $0x60, s16;
	s22 =	simm.s32 $0x5E30  }
0x11e: {  	[hbm4b:s21+s3] =	stream.linear.scatter [tilespmem:s22], [sflag:$0x3], $0x80, $0x38;
	[tilespmem:$0x8580] =	vst v63  }
0x11f: {  	s16 =	sadd.s32 $0x70, s16;
	s24 =	simm.s32 $0x5EB8  }
0x120: {  	[hbm4b:s16+s3] =	stream.linear.scatter [tilespmem:s24], [sflag:$0x3], $0x80, $0x38;
	[tilespmem:$0x8580] =	vst v63  }
0x121: {  	s7 =	sadd.s32 s7, s14;
	s21 =	simm.s32 $0x5F40  }
0x122: {  	[hbm4b:s7+s3] =	stream.linear.scatter [tilespmem:s21], [sflag:$0x3], $0x80, $0x38;
	[tilespmem:$0x8580] =	vst v63  }
0x123: {  	s22 =	sadd.s32 $0x10, s7;
	s24 =	simm.s32 $0x5FC8  }
0x124: {  	[hbm4b:s22+s3] =	stream.linear.scatter [tilespmem:s24], [sflag:$0x3], $0x80, $0x38;
	[tilespmem:$0x8580] =	vst v63  }
0x125: {  	s19 =	sadd.s32 $0x20, s7;
	s21 =	simm.s32 $0x6050  }
0x126: {  	[hbm4b:s19+s3] =	stream.linear.scatter [tilespmem:s21], [sflag:$0x3], $0x80, $0x38;
	[tilespmem:$0x8580] =	vst v63  }
0x127: {  	s22 =	sadd.s32 $0x30, s7;
	s24 =	simm.s32 $0x60D8  }
0x128: {  	[hbm4b:s22+s3] =	stream.linear.scatter [tilespmem:s24], [sflag:$0x3], $0x80, $0x38;
	[tilespmem:$0x8580] =	vst v63  }
0x129: {  	s19 =	sadd.s32 $0x40, s7;
	s21 =	simm.s32 $0x6160  }
0x12a: {  	[hbm4b:s19+s3] =	stream.linear.scatter [tilespmem:s21], [sflag:$0x3], $0x80, $0x38;
	[tilespmem:$0x8580] =	vst v63  }
0x12b: {  	s22 =	sadd.s32 $0x50, s7;
	s24 =	simm.s32 $0x61E8  }
0x12c: {  	[hbm4b:s22+s3] =	stream.linear.scatter [tilespmem:s24], [sflag:$0x3], $0x80, $0x38;
	[tilespmem:$0x8580] =	vst v63  }
0x12d: {  	s19 =	sadd.s32 $0x60, s7;
	s21 =	simm.s32 $0x6270  }
0x12e: {  	[hbm4b:s19+s3] =	stream.linear.scatter [tilespmem:s21], [sflag:$0x3], $0x80, $0x38;
	[tilespmem:$0x8580] =	vst v63  }
0x12f: {  	p0 =	seq.s32 s30, $0x27;
	s7 =	sadd.s32 $0x70, s7;
	s22 =	simm.s32 $0x62F8  }
0x130: {  	[hbm4b:s7+s3] =	stream.linear.scatter [tilespmem:s22], [sflag:$0x3], $0x80, $0x38;
	[tilespmem:$0x8580] =	vst v63  }
0x131: {  	s7 =	sadd.s32 @!p0 s18, s15  }
0x132: {  	_ =	swait.ge [sflag:s31], $0x2000;
	s7 =	sshll.u32 @!p0 s7, $0x4  }
0x133: {  	[sflag:s31] =	ssyncset.done $0x0;
	s7 =	sand.u32 @!p0 $0xFFFFFE0, s7  }
0x134: {  	s16 =	simm.s32 @!p0 $0x0;
	[sflag:s31] =	ssyncadd.s32 $0xFFFFE000;
	s7 =	sadd.s32 @!p0 s5, s7  }
0x135: {  	[tilespmem:s16], [sflag:$0x5] =	stream.linear.gather @!p0 [hbm4b:s7+s16], $0x80, $0x38;
	[tilespmem:$0x8580] =	vst v63  }
0x136: {  	s7 =	simm.s32 @!p0 $0x5  }
0x137: {  	_ =	swait.ge @!p0 [sflag:s7], $0x80  }
0x138: {  	[sflag:s7] =	ssyncset.done @!p0 $0x0  }
0x139: {  	[sflag:s7] =	ssyncadd.s32 @!p0 $0xFFFFFF80  }
0x13a: {  	v4 =	vld @!p0 [tilespmem:$0x0]  }
0x13b: {  	v5 =	vld @!p0 [tilespmem:$0x10]  }
0x13c: {  	v6 =	vld @!p0 [tilespmem:$0x20]  }
0x13d: {  	v7 =	vld @!p0 [tilespmem:$0x30];
	_ =	sdelay $0x2  }
0x13e: {  	v9 =	vld @!p0 [tilespmem:$0x40];
	v8 =	vshll.u32 @!p0 v4, $0x1  }
0x13f: {  	v11 =	vld @!p0 [tilespmem:$0x50];
	vm0 =	vlt.s32 @!p0 v4, $0xF4200;
	v10 =	vshll.u32 @!p0 v5, $0x1;
	vm1 =	vlt.s32 @!p0 v6, $0xF4200  }
0x140: {  	v12 =	vshll.u32 @!p0 v7, $0x1;
	vm2 =	vlt.s32 @!p0 v7, $0xF4200;
	v8 =	vadd.s32 @!p0 $0xFFF0BE00, v8  }
0x141: {  	v13 =	vld @!p0 [tilespmem:$0x60];
	v4 =	vsel @!p0 vm0, v4, v8;
	v8 =	vadd.s32 @!p0 $0xFFF0BE00, v10;
	v10 =	vshll.u32 @!p0 v6, $0x1  }
0x142: {  	v14 =	vld @!p0 [tilespmem:$0x70];
	v12 =	vadd.s32 @!p0 $0xFFF0BE00, v12;
	vm0 =	vlt.s32 @!p0 v5, $0xF4200;
	v10 =	vadd.s32 @!p0 $0xFFF0BE00, v10  }
0x143: {  	v5 =	vsel @!p0 vm0, v5, v8;
	[tilespmem:$0x80] =	vst @!p0 v4;
	vm0 =	vlt.s32 @!p0 v9, $0xF4200;
	v4 =	vsel @!p0 vm1, v6, v10  }
0x144: {  	v6 =	vsel @!p0 vm2, v7, v12;
	[tilespmem:$0x90] =	vst @!p0 v5;
	v5 =	vshll.u32 @!p0 v9, $0x1;
	v7 =	vshll.u32 @!p0 v11, $0x1  }
0x145: {  	vm1 =	vlt.s32 @!p0 v11, $0xF4200;
	[tilespmem:$0xA0] =	vst @!p0 v4;
	v4 =	vadd.s32 @!p0 $0xFFF0BE00, v5;
	v5 =	vadd.s32 @!p0 $0xFFF0BE00, v7  }
0x146: {  	[tilespmem:$0xB0] =	vst @!p0 v6;
	v6 =	vshll.u32 @!p0 v13, $0x1;
	v4 =	vsel @!p0 vm0, v9, v4;
	v5 =	vsel @!p0 vm1, v11, v5  }
0x147: {  	vm0 =	vlt.s32 @!p0 v13, $0xF4200;
	[tilespmem:$0xC0] =	vst @!p0 v4;
	v4 =	vadd.s32 @!p0 $0xFFF0BE00, v6;
	v6 =	vshll.u32 @!p0 v14, $0x1  }
0x148: {  	[tilespmem:$0xD0] =	vst @!p0 v5;
	v4 =	vsel @!p0 vm0, v13, v4;
	vm0 =	vlt.s32 @!p0 v14, $0xF4200;
	v5 =	vadd.s32 @!p0 $0xFFF0BE00, v6  }
0x149: {  	[tilespmem:$0xE0] =	vst @!p0 v4;
	v4 =	vsel @!p0 vm0, v14, v5  }
0x14a: {  	p1 =	seq.s32 @!p0 s30, $0x0;
	s16 =	simm.s32 @!p0 $0x180;
	s7 =	simm.s32 @!p0 $0x80;
	[tilespmem:$0xF0] =	vst @!p0 v4  }
0x14b: {  	[tilespmem:s16], [sflag:$0x1] =	stream.indirect.gather @!p0 [hbm4b:s4+s7], $0x40, s7, s7, $0xb8;
	[tilespmem:$0x8580] =	vst v63  }
0x14c: {  	p0 =	por p0, !p1  }
0x14d: {  	_ =	swait.ge @p0 [sflag:s29], $0x400  }
0x14e: {  	[sflag:s29] =	ssyncset.done @p0 $0x0  }
0x14f: {  	[sflag:s29] =	ssyncadd.s32 @p0 $0xFFFFFC00  }
0x150: {  	_ =	swait.ge @p0 [sflag:s29], $0x400  }
0x151: {  	[sflag:s29] =	ssyncset.done @p0 $0x0  }
0x152: {  	[sflag:s29] =	ssyncadd.s32 @p0 $0xFFFFFC00  }
0x153: {  	_ =	swait.ge @p0 [sflag:s29], $0x400  }
0x154: {  	[sflag:s29] =	ssyncset.done @p0 $0x0  }
0x155: {  	[sflag:s29] =	ssyncadd.s32 @p0 $0xFFFFFC00  }
0x156: {  	_ =	swait.ge @p0 [sflag:s29], $0x400  }
0x157: {  	[sflag:s29] =	ssyncset.done @p0 $0x0  }
0x158: {  	[sflag:s29] =	ssyncadd.s32 @p0 $0xFFFFFC00  }
0x159: {  	_ =	swait.ge @p0 [sflag:s29], $0x400  }
0x15a: {  	[sflag:s29] =	ssyncset.done @p0 $0x0  }
0x15b: {  	[sflag:s29] =	ssyncadd.s32 @p0 $0xFFFFFC00  }
0x15c: {  	_ =	swait.ge @p0 [sflag:s29], $0x400  }
0x15d: {  	[sflag:s29] =	ssyncset.done @p0 $0x0  }
0x15e: {  	[sflag:s29] =	ssyncadd.s32 @p0 $0xFFFFFC00  }
0x15f: {  	_ =	swait.ge @p0 [sflag:s29], $0x400  }
0x160: {  	[sflag:s29] =	ssyncset.done @p0 $0x0  }
0x161: {  	[sflag:s29] =	ssyncadd.s32 @p0 $0xFFFFFC00  }
0x162: {  	_ =	swait.ge @p0 [sflag:s29], $0x400  }
0x163: {  	[sflag:s29] =	ssyncset.done @p0 $0x0  }
0x164: {  	s24 =	simm.s32 $0x3;
	s19 =	simm.s32 $0x2200;
	[sflag:s29] =	ssyncadd.s32 @p0 $0xFFFFFC00  }
0x165: {  	v4 =	vmov s24;
	v5 =	vld [tilespmem:s19+$0x40]  }
0x166: {  	v9 =	vand.u32 $0x7F, v4  }
0x167: {  	s16 =	simm.s32 $0x0;
	v4 =	vadd.s32 v0, v9  }
0x168: {  	s21 =	simm.s32 $0x2;
	s18 =	simm.s32 $0x1;
	v6 =	vmov s16;
	v7 =	vld [tilespmem:s19+$0xFFFFFF80]  }
0x169: {  	v11 =	vmov s21;
	v8 =	vand.u32 $0x7C, v6;
	v6 =	vmov s18;
	v10 =	vld [tilespmem:s19+$0xFFFFFFC0]  }
0x16a: {  	v12 =	vadd.s32 v0, v8;
	v15 =	vand.u32 $0x7D, v6;
	v6 =	vld [tilespmem:s19+$0x0];
	v5 =	vmul.f32 $8.000000000e+00, v5  }
0x16b: {  	v17 =	vand.u32 $0x7E, v11;
	v13 =	vadd.s32 v0, v15  }
0x16c: {  	v11 =	vadd.s32 v0, v17;
	[tilespmem:v4+s0+$0x0] =	vst.idx.msk $0xffff, v5  }
0x16d: {  	v4 =	vmul.f32 $8.000000000e+00, v7;
	v5 =	vld [tilespmem:s19+$0x50]  }
0x16e: {  	v7 =	vmul.f32 $8.000000000e+00, v10  }
0x16f: {  	[tilespmem:v12+s0+$0x0] =	vst.idx.msk $0xffff, v4;
	v4 =	vmul.f32 $8.000000000e+00, v6;
	v6 =	vadd.s32 v1, v9  }
0x170: {  	[tilespmem:v13+s0+$0x0] =	vst.idx.msk $0xffff, v7;
	v10 =	vld [tilespmem:s19+$0xFFFFFF90]  }
0x171: {  	v7 =	vld [tilespmem:s19+$0xFFFFFFD0];
	[tilespmem:v11+s0+$0x0] =	vst.idx.msk $0xffff, v4  }
0x172: {  	v11 =	vld [tilespmem:s19+$0x10];
	v4 =	vmul.f32 $8.000000000e+00, v5  }
0x173: {  	s22 =	simm.s32 $0x4;
	s24 =	simm.s32 $0x7;
	s7 =	simm.s32 $0x2300;
	v12 =	vadd.s32 v1, v15  }
0x174: {  	v14 =	vld [tilespmem:s7+$0x40];
	v13 =	vadd.s32 v1, v17;
	v5 =	vmov s22;
	[tilespmem:v6+s0+$0x0] =	vst.idx.msk $0xffff, v4;
	v6 =	vmov s24  }
0x175: {  	v16 =	vadd.s32 v1, v8;
	v4 =	vand.u32 $0x7C, v5;
	v5 =	vand.u32 $0x7F, v6;
	v18 =	vld [tilespmem:s19+$0x60]  }
0x176: {  	s21 =	simm.s32 $0x5;
	v22 =	vadd.s32 v2, v9;
	v19 =	vld [tilespmem:s7+$0xFFFFFF80];
	v6 =	vmul.f32 $8.000000000e+00, v7;
	v20 =	vadd.s32 v0, v5  }
0x177: {  	v21 =	vld [tilespmem:s7+$0xFFFFFFC0];
	s22 =	simm.s32 $0x6;
	v10 =	vmul.f32 $8.000000000e+00, v10;
	v7 =	vmul.f32 $8.000000000e+00, v11;
	v11 =	vmov s21  }
0x178: {  	v23 =	vadd.s32 v0, v4;
	[tilespmem:v12+s0+$0x0] =	vst.idx.msk $0xffff, v6;
	v12 =	vmov s22;
	v6 =	vand.u32 $0x7D, v11;
	v11 =	vld [tilespmem:s7+$0x0]  }
0x179: {  	[tilespmem:v13+s0+$0x0] =	vst.idx.msk $0xffff, v7;
	v13 =	vadd.s32 v0, v6;
	v7 =	vand.u32 $0x7E, v12;
	v12 =	vmul.f32 $8.000000000e+00, v14;
	v14 =	vld [tilespmem:s19+$0xFFFFFFE0]  }
0x17a: {  	[tilespmem:v16+s0+$0x0] =	vst.idx.msk $0xffff, v10;
	v10 =	vadd.s32 v0, v7;
	v16 =	vld [tilespmem:s19+$0x20];
	v18 =	vmul.f32 $8.000000000e+00, v18  }
0x17b: {  	v19 =	vmul.f32 $8.000000000e+00, v19;
	[tilespmem:v20+s0+$0x0] =	vst.idx.msk $0xffff, v12;
	v12 =	vld [tilespmem:s19+$0xFFFFFFA0];
	v20 =	vadd.s32 v2, v15  }
0x17c: {  	v60 =	vadd.s32 v2, v17;
	v21 =	vmul.f32 $8.000000000e+00, v21;
	v59 =	vld [tilespmem:s7+$0x50];
	[tilespmem:v22+s0+$0x0] =	vst.idx.msk $0xffff, v18  }
0x17d: {  	[tilespmem:v23+s0+$0x0] =	vst.idx.msk $0xffff, v19;
	v19 =	vadd.s32 v2, v8;
	v11 =	vmul.f32 $8.000000000e+00, v11;
	v22 =	vld [tilespmem:s19+$0x70]  }
0x17e: {  	v23 =	vld [tilespmem:s7+$0xFFFFFF90];
	[tilespmem:v13+s0+$0x0] =	vst.idx.msk $0xffff, v21;
	v21 =	vadd.s32 v1, v5;
	v14 =	vmul.f32 $8.000000000e+00, v14  }
0x17f: {  	v62 =	vadd.s32 v3, v9;
	v61 =	vld [tilespmem:s7+$0xFFFFFFD0];
	[tilespmem:v10+s0+$0x0] =	vst.idx.msk $0xffff, v11;
	v10 =	vmul.f32 $8.000000000e+00, v16  }
0x180: {  	v18 =	vadd.s32 v1, v4;
	v13 =	vld [tilespmem:s7+$0x10];
	v9 =	vmul.f32 $8.000000000e+00, v12;
	[tilespmem:v20+s0+$0x0] =	vst.idx.msk $0xffff, v14  }
0x181: {  	s18 =	simm.s32 $0x8;
	v16 =	vadd.s32 v1, v6;
	[tilespmem:v60+s0+$0x0] =	vst.idx.msk $0xffff, v10;
	v14 =	vmul.f32 $8.000000000e+00, v59;
	v12 =	vld [tilespmem:s19+$0xFFFFFFF0]  }
0x182: {  	v20 =	vmov s18;
	v10 =	vadd.s32 v1, v7;
	v11 =	vld [tilespmem:s19+$0x30];
	[tilespmem:v19+s0+$0x0] =	vst.idx.msk $0xffff, v9;
	v63 =	vmul.f32 $8.000000000e+00, v22  }
0x183: {  	s16 =	simm.s32 $0x2400;
	s24 =	simm.s32 $0xB;
	v15 =	vadd.s32 v3, v15;
	v9 =	vand.u32 $0x7C, v20;
	v20 =	vmul.f32 $8.000000000e+00, v23;
	[tilespmem:v21+s0+$0x0] =	vst.idx.msk $0xffff, v14;
	v14 =	vld [tilespmem:s19+$0xFFFFFFB0]  }
0x184: {  	v17 =	vadd.s32 v3, v17;
	v22 =	vmov s24;
	v19 =	vld [tilespmem:s16+$0x40];
	s19 =	simm.s32 $0xC;
	v21 =	vmul.f32 $8.000000000e+00, v61;
	[tilespmem:v62+s0+$0x0] =	vst.idx.msk $0xffff, v63  }
.LBB2_5:
0x185: {  	p0 =	slt.u32 s19, $0x7C;
	s21 =	sadd.s32 $0x1, s18;
	v22 =	vand.u32 $0x7F, v22;
	[tilespmem:v18+s0+$0x0] =	vst.idx.msk $0xffff, v20;
	v13 =	vmul.f32 $8.000000000e+00, v13;
	v18 =	vld [tilespmem:s7+$0x60];
	v20 =	vadd.s32 v3, v8;
	v8 =	vmovc v4  }
0x186: {  	v4 =	vmovc v9;
	v23 =	vld [tilespmem:s16+$0xFFFFFF80];
	v24 =	vmov s21;
	s21 =	sadd.s32 $0x2, s18;
	v25 =	vadd.s32 v0, v22;
	[tilespmem:v16+s0+$0x0] =	vst.idx.msk $0xffff, v21;
	v12 =	vmul.f32 $8.000000000e+00, v12;
	s18 =	smov.u32 s19  }
0x187: {  	v9 =	vld [tilespmem:s16+$0xFFFFFFC0];
	v16 =	vmov s21;
	[tilespmem:v10+s0+$0x0] =	vst.idx.msk $0xffff, v13;
	v10 =	vadd.s32 v2, v5;
	v11 =	vmul.f32 $8.000000000e+00, v11  }
0x188: {  	v13 =	vadd.s32 v0, v4;
	v21 =	vand.u32 $0x7D, v24;
	v24 =	vld [tilespmem:s16+$0x0];
	v14 =	vmul.f32 $8.000000000e+00, v14;
	[tilespmem:v15+s0+$0x0] =	vst.idx.msk $0xffff, v12  }
0x189: {  	v12 =	vadd.s32 v0, v21;
	v26 =	vand.u32 $0x7E, v16;
	v15 =	vmul.f32 $8.000000000e+00, v19;
	v16 =	vld [tilespmem:s7+$0xFFFFFFE0];
	[tilespmem:v17+s0+$0x0] =	vst.idx.msk $0xffff, v11  }
0x18a: {  	v11 =	vadd.s32 v0, v26;
	v17 =	vld [tilespmem:s7+$0x20];
	v18 =	vmul.f32 $8.000000000e+00, v18;
	[tilespmem:v20+s0+$0x0] =	vst.idx.msk $0xffff, v14  }
0x18b: {  	v19 =	vadd.s32 v2, v6;
	v14 =	vmul.f32 $8.000000000e+00, v23;
	[tilespmem:v25+s0+$0x0] =	vst.idx.msk $0xffff, v15;
	v15 =	vld [tilespmem:s7+$0xFFFFFFA0]  }
0x18c: {  	v23 =	vadd.s32 v2, v7;
	v9 =	vmul.f32 $8.000000000e+00, v9;
	v20 =	vld [tilespmem:s16+$0x50];
	[tilespmem:v10+s0+$0x0] =	vst.idx.msk $0xffff, v18  }
0x18d: {  	[tilespmem:v13+s0+$0x0] =	vst.idx.msk $0xffff, v14;
	v10 =	vmul.f32 $8.000000000e+00, v24;
	v14 =	vadd.s32 v2, v8;
	v24 =	vld [tilespmem:s7+$0x70]  }
0x18e: {  	v27 =	vadd.s32 v1, v22;
	v25 =	vld [tilespmem:s16+$0xFFFFFF90];
	[tilespmem:v12+s0+$0x0] =	vst.idx.msk $0xffff, v9;
	v9 =	vmul.f32 $8.000000000e+00, v16  }
0x18f: {  	v29 =	vadd.s32 v3, v5;
	v5 =	vmov v22;
	v28 =	vld [tilespmem:s16+$0xFFFFFFD0];
	[tilespmem:v11+s0+$0x0] =	vst.idx.msk $0xffff, v10;
	v10 =	vmul.f32 $8.000000000e+00, v17  }
.Ltmp1:
0x190: {  	v18 =	vadd.s32 v1, v4;
	v13 =	vld [tilespmem:s16+$0x10];
	v11 =	vmul.f32 $8.000000000e+00, v15;
	[tilespmem:v19+s0+$0x0] =	vst.idx.msk $0xffff, v9;
	(pc) =	sbr.rel @p0 .LBB2_5-.Ltmp1, $4  }
0x191: {  	v16 =	vadd.s32 v1, v21;
	v15 =	vmul.f32 $8.000000000e+00, v20;
	v12 =	vld [tilespmem:s7+$0xFFFFFFF0];
	[tilespmem:v23+s0+$0x0] =	vst.idx.msk $0xffff, v10  }
0x192: {  	v9 =	vmov s19;
	v10 =	vadd.s32 v1, v26;
	[tilespmem:v14+s0+$0x0] =	vst.idx.msk $0xffff, v11;
	v11 =	vld [tilespmem:s7+$0x30];
	v23 =	vmul.f32 $8.000000000e+00, v24  }
0x193: {  	s21 =	sadd.s32 $0x3, s19;
	v9 =	vand.u32 $0x7C, v9;
	v20 =	vmul.f32 $8.000000000e+00, v25;
	[tilespmem:v27+s0+$0x0] =	vst.idx.msk $0xffff, v15;
	v14 =	vld [tilespmem:s7+$0xFFFFFFB0];
	v15 =	vadd.s32 v3, v6;
	v6 =	vmovc v21;
	s7 =	smov.u32 s16;
	s16 =	sadd.s32 $0x100, s16  }
0x194: {  	v22 =	vmov s21;
	v17 =	vadd.s32 v3, v7;
	v7 =	vmovc v26;
	s19 =	sadd.s32 $0x4, s19;
	v19 =	vld [tilespmem:s16+$0x40];
	v21 =	vmul.f32 $8.000000000e+00, v28;
	[tilespmem:v29+s0+$0x0] =	vst.idx.msk $0xffff, v23  }
0x195: {  	s19 =	sadd.s32 $0x1, s18;
	v22 =	vand.u32 $0x7F, v22;
	v28 =	vld [tilespmem:s16+$0xFFFFFF80]  }
0x196: {  	s24 =	sadd.s32 $0x2, s18;
	v24 =	vld [tilespmem:s16+$0xFFFFFFC0];
	v23 =	vmov s19;
	v26 =	vadd.s32 v0, v22  }
0x197: {  	v27 =	vld [tilespmem:s16+$0x0];
	v51 =	vadd.s32 v0, v9;
	v25 =	vmov s24;
	v23 =	vand.u32 $0x7D, v23  }
0x198: {  	v25 =	vand.u32 $0x7E, v25;
	v29 =	vadd.s32 v0, v23  }
0x199: {  	[tilespmem:v18+s0+$0x0] =	vst.idx.msk $0xffff, v20;
	v30 =	vadd.s32 v0, v25;
	v19 =	vmul.f32 $8.000000000e+00, v19  }
0x19a: {  	[tilespmem:v16+s0+$0x0] =	vst.idx.msk $0xffff, v21;
	v54 =	vmul.f32 $8.000000000e+00, v28  }
0x19b: {  	v52 =	vmul.f32 $8.000000000e+00, v24;
	[tilespmem:v26+s0+$0x0] =	vst.idx.msk $0xffff, v19  }
0x19c: {  	v53 =	vmul.f32 $8.000000000e+00, v27;
	v55 =	vld [tilespmem:s16+$0x50];
	[tilespmem:v51+s0+$0x0] =	vst.idx.msk $0xffff, v54  }
0x19d: {  	v13 =	vmul.f32 $8.000000000e+00, v13;
	v8 =	vadd.s32 v3, v8;
	[tilespmem:v29+s0+$0x0] =	vst.idx.msk $0xffff, v52;
	v59 =	vld [tilespmem:s16+$0xFFFFFF90]  }
0x19e: {  	v12 =	vmul.f32 $8.000000000e+00, v12;
	v57 =	vadd.s32 v1, v22;
	[tilespmem:v30+s0+$0x0] =	vst.idx.msk $0xffff, v53;
	v56 =	vld [tilespmem:s16+$0xFFFFFFD0]  }
0x19f: {  	[tilespmem:v10+s0+$0x0] =	vst.idx.msk $0xffff, v13;
	v58 =	vmul.f32 $8.000000000e+00, v11;
	v28 =	vadd.s32 v1, v9;
	v19 =	vld [tilespmem:s16+$0x10]  }
0x1a0: {  	v61 =	vld [tilespmem:s7+$0x60];
	v60 =	vadd.s32 v1, v23;
	v14 =	vmul.f32 $8.000000000e+00, v14;
	[tilespmem:v15+s0+$0x0] =	vst.idx.msk $0xffff, v12  }
0x1a1: {  	v32 =	vld [tilespmem:s7+$0xFFFFFFA0];
	v62 =	vadd.s32 v1, v25;
	[tilespmem:v17+s0+$0x0] =	vst.idx.msk $0xffff, v58;
	v16 =	vmul.f32 $8.000000000e+00, v55  }
0x1a2: {  	[tilespmem:v8+s0+$0x0] =	vst.idx.msk $0xffff, v14;
	v29 =	vadd.s32 v2, v5;
	v30 =	vld [tilespmem:s7+$0x20];
	v11 =	vmul.f32 $8.000000000e+00, v59  }
0x1a3: {  	v38 =	vadd.s32 v2, v4;
	v63 =	vld [tilespmem:s7+$0xFFFFFFE0];
	v31 =	vmul.f32 $8.000000000e+00, v56;
	[tilespmem:v57+s0+$0x0] =	vst.idx.msk $0xffff, v16  }
0x1a4: {  	v35 =	vadd.s32 v2, v7;
	v34 =	vmul.f32 $8.000000000e+00, v19;
	v36 =	vld [tilespmem:s16+$0x60];
	[tilespmem:v28+s0+$0x0] =	vst.idx.msk $0xffff, v11  }
0x1a5: {  	v33 =	vadd.s32 v2, v6;
	v37 =	vmul.f32 $8.000000000e+00, v61;
	[tilespmem:v60+s0+$0x0] =	vst.idx.msk $0xffff, v31;
	v43 =	vld [tilespmem:s16+$0xFFFFFFA0]  }
0x1a6: {  	v40 =	vadd.s32 v2, v22;
	v14 =	vmul.f32 $8.000000000e+00, v32;
	[tilespmem:v62+s0+$0x0] =	vst.idx.msk $0xffff, v34;
	v39 =	vld [tilespmem:s16+$0xFFFFFFE0]  }
0x1a7: {  	v48 =	vadd.s32 v2, v9;
	[tilespmem:v29+s0+$0x0] =	vst.idx.msk $0xffff, v37;
	v42 =	vmul.f32 $8.000000000e+00, v30;
	v41 =	vld [tilespmem:s16+$0x20]  }
0x1a8: {  	v44 =	vadd.s32 v2, v23;
	v15 =	vmul.f32 $8.000000000e+00, v63;
	[tilespmem:v38+s0+$0x0] =	vst.idx.msk $0xffff, v14;
	v45 =	vld [tilespmem:s7+$0x70]  }
0x1a9: {  	v46 =	vadd.s32 v2, v25;
	v14 =	vld [tilespmem:s7+$0xFFFFFFB0];
	[tilespmem:v35+s0+$0x0] =	vst.idx.msk $0xffff, v42;
	v47 =	vmul.f32 $8.000000000e+00, v36  }
0x1aa: {  	v5 =	vadd.s32 v3, v5;
	[tilespmem:v33+s0+$0x0] =	vst.idx.msk $0xffff, v15;
	v49 =	vld [tilespmem:s7+$0x30];
	v53 =	vmul.f32 $8.000000000e+00, v43  }
0x1ab: {  	v4 =	vadd.s32 v3, v4;
	v21 =	vld [tilespmem:s7+$0xFFFFFFF0];
	v12 =	vmul.f32 $8.000000000e+00, v39;
	[tilespmem:v40+s0+$0x0] =	vst.idx.msk $0xffff, v47  }
0x1ac: {  	v52 =	vadd.s32 v3, v7;
	v51 =	vmul.f32 $8.000000000e+00, v41;
	v10 =	vld [tilespmem:s16+$0x70];
	[tilespmem:v48+s0+$0x0] =	vst.idx.msk $0xffff, v53  }
0x1ad: {  	v50 =	vadd.s32 v3, v6;
	v54 =	vmul.f32 $8.000000000e+00, v45;
	[tilespmem:v44+s0+$0x0] =	vst.idx.msk $0xffff, v12;
	v59 =	vld [tilespmem:s16+$0xFFFFFFB0]  }
0x1ae: {  	v57 =	vadd.s32 v3, v22;
	v14 =	vmul.f32 $8.000000000e+00, v14;
	[tilespmem:v46+s0+$0x0] =	vst.idx.msk $0xffff, v51;
	v55 =	vld [tilespmem:s16+$0xFFFFFFF0]  }
0x1af: {  	v62 =	vadd.s32 v3, v9;
	[tilespmem:v5+s0+$0x0] =	vst.idx.msk $0xffff, v54;
	v5 =	vmul.f32 $8.000000000e+00, v49;
	v58 =	vld [tilespmem:s16+$0x30]  }
0x1b0: {  	v56 =	vmul.f32 $8.000000000e+00, v21;
	v60 =	vadd.s32 v3, v23;
	[tilespmem:v4+s0+$0x0] =	vst.idx.msk $0xffff, v14  }
0x1b1: {  	v61 =	vadd.s32 v3, v25;
	[tilespmem:v52+s0+$0x0] =	vst.idx.msk $0xffff, v5;
	v5 =	vmul.f32 $8.000000000e+00, v10  }
0x1b2: {  	[tilespmem:v50+s0+$0x0] =	vst.idx.msk $0xffff, v56;
	v63 =	vmul.f32 $8.000000000e+00, v59  }
0x1b3: {  	s18 =	sshll.u32 s1, $0x7;
	s16 =	sshll.u32 s1, $0xA;
	v4 =	vmul.f32 $8.000000000e+00, v55;
	[tilespmem:v57+s0+$0x0] =	vst.idx.msk $0xffff, v5  }
0x1b4: {  	s1 =	sand.u32 $0x3F80, s18;
	s7 =	sand.u32 $0xFFE0000, s16;
	v5 =	vmul.f32 $8.000000000e+00, v58;
	[tilespmem:v62+s0+$0x0] =	vst.idx.msk $0xffff, v63  }
0x1b5: {  	s1 =	sor.u32 s1, s7;
	[tilespmem:v60+s0+$0x0] =	vst.idx.msk $0xffff, v4  }
0x1b6: {  	s7 =	sadd.s32 s2, s1;
	[tilespmem:v61+s0+$0x0] =	vst.idx.msk $0xffff, v5  }
0x1b7: {  	[hbm4b:s7+s3] =	stream.linear.scatter [tilespmem:s0], [sflag:$0x4], $0x80, $0x38;
	[tilespmem:$0x8580] =	vst v63  }
0x1b8: {  	s21 =	simm.s32 $0x6408;
	s19 =	sadd.s32 $0x10, s7  }
0x1b9: {  	[hbm4b:s19+s3] =	stream.linear.scatter [tilespmem:s21], [sflag:$0x4], $0x80, $0x38;
	[tilespmem:$0x8580] =	vst v63  }
0x1ba: {  	s24 =	simm.s32 $0x6490;
	s22 =	sadd.s32 $0x20, s7  }
0x1bb: {  	[hbm4b:s22+s3] =	stream.linear.scatter [tilespmem:s24], [sflag:$0x4], $0x80, $0x38;
	[tilespmem:$0x8580] =	vst v63  }
0x1bc: {  	s19 =	sadd.s32 $0x30, s7;
	s21 =	simm.s32 $0x6518  }
0x1bd: {  	[hbm4b:s19+s3] =	stream.linear.scatter [tilespmem:s21], [sflag:$0x4], $0x80, $0x38;
	[tilespmem:$0x8580] =	vst v63  }
0x1be: {  	s22 =	sadd.s32 $0x40, s7;
	s24 =	simm.s32 $0x65A0  }
0x1bf: {  	[hbm4b:s22+s3] =	stream.linear.scatter [tilespmem:s24], [sflag:$0x4], $0x80, $0x38;
	[tilespmem:$0x8580] =	vst v63  }
0x1c0: {  	s18 =	sadd.s32 $0x50, s7;
	s19 =	simm.s32 $0x6628  }
0x1c1: {  	[hbm4b:s18+s3] =	stream.linear.scatter [tilespmem:s19], [sflag:$0x4], $0x80, $0x38;
	[tilespmem:$0x8580] =	vst v63  }
0x1c2: {  	s21 =	sadd.s32 $0x60, s7;
	s22 =	simm.s32 $0x66B0  }
0x1c3: {  	[hbm4b:s21+s3] =	stream.linear.scatter [tilespmem:s22], [sflag:$0x4], $0x80, $0x38;
	[tilespmem:$0x8580] =	vst v63  }
0x1c4: {  	s7 =	sadd.s32 $0x70, s7;
	s24 =	simm.s32 $0x6738  }
0x1c5: {  	[hbm4b:s7+s3] =	stream.linear.scatter [tilespmem:s24], [sflag:$0x4], $0x80, $0x38;
	[tilespmem:$0x8580] =	vst v63  }
0x1c6: {  	s18 =	simm.s32 $0x67C0;
	s7 =	sadd.s32 s1, s8  }
0x1c7: {  	[hbm4b:s7+s3] =	stream.linear.scatter [tilespmem:s18], [sflag:$0x4], $0x80, $0x38;
	[tilespmem:$0x8580] =	vst v63  }
0x1c8: {  	s21 =	simm.s32 $0x6848;
	s19 =	sadd.s32 $0x10, s7  }
0x1c9: {  	[hbm4b:s19+s3] =	stream.linear.scatter [tilespmem:s21], [sflag:$0x4], $0x80, $0x38;
	[tilespmem:$0x8580] =	vst v63  }
0x1ca: {  	s24 =	simm.s32 $0x68D0;
	s22 =	sadd.s32 $0x20, s7  }
0x1cb: {  	[hbm4b:s22+s3] =	stream.linear.scatter [tilespmem:s24], [sflag:$0x4], $0x80, $0x38;
	[tilespmem:$0x8580] =	vst v63  }
0x1cc: {  	s19 =	sadd.s32 $0x30, s7;
	s21 =	simm.s32 $0x6958  }
0x1cd: {  	[hbm4b:s19+s3] =	stream.linear.scatter [tilespmem:s21], [sflag:$0x4], $0x80, $0x38;
	[tilespmem:$0x8580] =	vst v63  }
0x1ce: {  	s22 =	sadd.s32 $0x40, s7;
	s24 =	simm.s32 $0x69E0  }
0x1cf: {  	[hbm4b:s22+s3] =	stream.linear.scatter [tilespmem:s24], [sflag:$0x4], $0x80, $0x38;
	[tilespmem:$0x8580] =	vst v63  }
0x1d0: {  	s18 =	sadd.s32 $0x50, s7;
	s19 =	simm.s32 $0x6A68  }
0x1d1: {  	[hbm4b:s18+s3] =	stream.linear.scatter [tilespmem:s19], [sflag:$0x4], $0x80, $0x38;
	[tilespmem:$0x8580] =	vst v63  }
0x1d2: {  	s21 =	sadd.s32 $0x60, s7;
	s22 =	simm.s32 $0x6AF0  }
0x1d3: {  	[hbm4b:s21+s3] =	stream.linear.scatter [tilespmem:s22], [sflag:$0x4], $0x80, $0x38;
	[tilespmem:$0x8580] =	vst v63  }
0x1d4: {  	s7 =	sadd.s32 $0x70, s7;
	s24 =	simm.s32 $0x6B78  }
0x1d5: {  	[hbm4b:s7+s3] =	stream.linear.scatter [tilespmem:s24], [sflag:$0x4], $0x80, $0x38;
	[tilespmem:$0x8580] =	vst v63  }
0x1d6: {  	s18 =	simm.s32 $0x6C00;
	s7 =	sadd.s32 s1, s9  }
0x1d7: {  	[hbm4b:s7+s3] =	stream.linear.scatter [tilespmem:s18], [sflag:$0x4], $0x80, $0x38;
	[tilespmem:$0x8580] =	vst v63  }
0x1d8: {  	s21 =	simm.s32 $0x6C88;
	s19 =	sadd.s32 $0x10, s7  }
0x1d9: {  	[hbm4b:s19+s3] =	stream.linear.scatter [tilespmem:s21], [sflag:$0x4], $0x80, $0x38;
	[tilespmem:$0x8580] =	vst v63  }
0x1da: {  	s24 =	simm.s32 $0x6D10;
	s22 =	sadd.s32 $0x20, s7  }
0x1db: {  	[hbm4b:s22+s3] =	stream.linear.scatter [tilespmem:s24], [sflag:$0x4], $0x80, $0x38;
	[tilespmem:$0x8580] =	vst v63  }
0x1dc: {  	s19 =	sadd.s32 $0x30, s7;
	s21 =	simm.s32 $0x6D98  }
0x1dd: {  	[hbm4b:s19+s3] =	stream.linear.scatter [tilespmem:s21], [sflag:$0x4], $0x80, $0x38;
	[tilespmem:$0x8580] =	vst v63  }
0x1de: {  	s22 =	sadd.s32 $0x40, s7;
	s24 =	simm.s32 $0x6E20  }
0x1df: {  	[hbm4b:s22+s3] =	stream.linear.scatter [tilespmem:s24], [sflag:$0x4], $0x80, $0x38;
	[tilespmem:$0x8580] =	vst v63  }
0x1e0: {  	s18 =	sadd.s32 $0x50, s7;
	s19 =	simm.s32 $0x6EA8  }
0x1e1: {  	[hbm4b:s18+s3] =	stream.linear.scatter [tilespmem:s19], [sflag:$0x4], $0x80, $0x38;
	[tilespmem:$0x8580] =	vst v63  }
0x1e2: {  	s21 =	sadd.s32 $0x60, s7;
	s22 =	simm.s32 $0x6F30  }
0x1e3: {  	[hbm4b:s21+s3] =	stream.linear.scatter [tilespmem:s22], [sflag:$0x4], $0x80, $0x38;
	[tilespmem:$0x8580] =	vst v63  }
0x1e4: {  	s7 =	sadd.s32 $0x70, s7;
	s24 =	simm.s32 $0x6FB8  }
0x1e5: {  	[hbm4b:s7+s3] =	stream.linear.scatter [tilespmem:s24], [sflag:$0x4], $0x80, $0x38;
	[tilespmem:$0x8580] =	vst v63  }
0x1e6: {  	s18 =	simm.s32 $0x7040;
	s7 =	sadd.s32 s1, s10  }
0x1e7: {  	[hbm4b:s7+s3] =	stream.linear.scatter [tilespmem:s18], [sflag:$0x4], $0x80, $0x38;
	[tilespmem:$0x8580] =	vst v63  }
0x1e8: {  	s21 =	simm.s32 $0x70C8;
	s19 =	sadd.s32 $0x10, s7  }
0x1e9: {  	[hbm4b:s19+s3] =	stream.linear.scatter [tilespmem:s21], [sflag:$0x4], $0x80, $0x38;
	[tilespmem:$0x8580] =	vst v63  }
0x1ea: {  	s24 =	simm.s32 $0x7150;
	s22 =	sadd.s32 $0x20, s7  }
0x1eb: {  	[hbm4b:s22+s3] =	stream.linear.scatter [tilespmem:s24], [sflag:$0x4], $0x80, $0x38;
	[tilespmem:$0x8580] =	vst v63  }
0x1ec: {  	s19 =	sadd.s32 $0x30, s7;
	s21 =	simm.s32 $0x71D8  }
0x1ed: {  	[hbm4b:s19+s3] =	stream.linear.scatter [tilespmem:s21], [sflag:$0x4], $0x80, $0x38;
	[tilespmem:$0x8580] =	vst v63  }
0x1ee: {  	s22 =	sadd.s32 $0x40, s7;
	s24 =	simm.s32 $0x7260  }
0x1ef: {  	[hbm4b:s22+s3] =	stream.linear.scatter [tilespmem:s24], [sflag:$0x4], $0x80, $0x38;
	[tilespmem:$0x8580] =	vst v63  }
0x1f0: {  	s18 =	sadd.s32 $0x50, s7;
	s19 =	simm.s32 $0x72E8  }
0x1f1: {  	[hbm4b:s18+s3] =	stream.linear.scatter [tilespmem:s19], [sflag:$0x4], $0x80, $0x38;
	[tilespmem:$0x8580] =	vst v63  }
0x1f2: {  	s21 =	sadd.s32 $0x60, s7;
	s22 =	simm.s32 $0x7370  }
0x1f3: {  	[hbm4b:s21+s3] =	stream.linear.scatter [tilespmem:s22], [sflag:$0x4], $0x80, $0x38;
	[tilespmem:$0x8580] =	vst v63  }
0x1f4: {  	s7 =	sadd.s32 $0x70, s7;
	s24 =	simm.s32 $0x73F8  }
0x1f5: {  	[hbm4b:s7+s3] =	stream.linear.scatter [tilespmem:s24], [sflag:$0x4], $0x80, $0x38;
	[tilespmem:$0x8580] =	vst v63  }
0x1f6: {  	s18 =	simm.s32 $0x7480;
	s7 =	sadd.s32 s1, s11  }
0x1f7: {  	[hbm4b:s7+s3] =	stream.linear.scatter [tilespmem:s18], [sflag:$0x4], $0x80, $0x38;
	[tilespmem:$0x8580] =	vst v63  }
0x1f8: {  	s21 =	simm.s32 $0x7508;
	s19 =	sadd.s32 $0x10, s7  }
0x1f9: {  	[hbm4b:s19+s3] =	stream.linear.scatter [tilespmem:s21], [sflag:$0x4], $0x80, $0x38;
	[tilespmem:$0x8580] =	vst v63  }
0x1fa: {  	s24 =	simm.s32 $0x7590;
	s22 =	sadd.s32 $0x20, s7  }
0x1fb: {  	[hbm4b:s22+s3] =	stream.linear.scatter [tilespmem:s24], [sflag:$0x4], $0x80, $0x38;
	[tilespmem:$0x8580] =	vst v63  }
0x1fc: {  	s19 =	sadd.s32 $0x30, s7;
	s21 =	simm.s32 $0x7618  }
0x1fd: {  	[hbm4b:s19+s3] =	stream.linear.scatter [tilespmem:s21], [sflag:$0x4], $0x80, $0x38;
	[tilespmem:$0x8580] =	vst v63  }
0x1fe: {  	s22 =	sadd.s32 $0x40, s7;
	s24 =	simm.s32 $0x76A0  }
0x1ff: {  	[hbm4b:s22+s3] =	stream.linear.scatter [tilespmem:s24], [sflag:$0x4], $0x80, $0x38;
	[tilespmem:$0x8580] =	vst v63  }
0x200: {  	s18 =	sadd.s32 $0x50, s7;
	s19 =	simm.s32 $0x7728  }
0x201: {  	[hbm4b:s18+s3] =	stream.linear.scatter [tilespmem:s19], [sflag:$0x4], $0x80, $0x38;
	[tilespmem:$0x8580] =	vst v63  }
0x202: {  	s21 =	sadd.s32 $0x60, s7;
	s22 =	simm.s32 $0x77B0  }
0x203: {  	[hbm4b:s21+s3] =	stream.linear.scatter [tilespmem:s22], [sflag:$0x4], $0x80, $0x38;
	[tilespmem:$0x8580] =	vst v63  }
0x204: {  	s7 =	sadd.s32 $0x70, s7;
	s24 =	simm.s32 $0x7838  }
0x205: {  	[hbm4b:s7+s3] =	stream.linear.scatter [tilespmem:s24], [sflag:$0x4], $0x80, $0x38;
	[tilespmem:$0x8580] =	vst v63  }
0x206: {  	s18 =	simm.s32 $0x78C0;
	s7 =	sadd.s32 s1, s12  }
0x207: {  	[hbm4b:s7+s3] =	stream.linear.scatter [tilespmem:s18], [sflag:$0x4], $0x80, $0x38;
	[tilespmem:$0x8580] =	vst v63  }
0x208: {  	s21 =	simm.s32 $0x7948;
	s19 =	sadd.s32 $0x10, s7  }
0x209: {  	[hbm4b:s19+s3] =	stream.linear.scatter [tilespmem:s21], [sflag:$0x4], $0x80, $0x38;
	[tilespmem:$0x8580] =	vst v63  }
0x20a: {  	s24 =	simm.s32 $0x79D0;
	s22 =	sadd.s32 $0x20, s7  }
0x20b: {  	[hbm4b:s22+s3] =	stream.linear.scatter [tilespmem:s24], [sflag:$0x4], $0x80, $0x38;
	[tilespmem:$0x8580] =	vst v63  }
0x20c: {  	s19 =	sadd.s32 $0x30, s7;
	s21 =	simm.s32 $0x7A58  }
0x20d: {  	[hbm4b:s19+s3] =	stream.linear.scatter [tilespmem:s21], [sflag:$0x4], $0x80, $0x38;
	[tilespmem:$0x8580] =	vst v63  }
0x20e: {  	s22 =	sadd.s32 $0x40, s7;
	s24 =	simm.s32 $0x7AE0  }
0x20f: {  	[hbm4b:s22+s3] =	stream.linear.scatter [tilespmem:s24], [sflag:$0x4], $0x80, $0x38;
	[tilespmem:$0x8580] =	vst v63  }
0x210: {  	s18 =	sadd.s32 $0x50, s7;
	s19 =	simm.s32 $0x7B68  }
0x211: {  	[hbm4b:s18+s3] =	stream.linear.scatter [tilespmem:s19], [sflag:$0x4], $0x80, $0x38;
	[tilespmem:$0x8580] =	vst v63  }
0x212: {  	s21 =	sadd.s32 $0x60, s7;
	s22 =	simm.s32 $0x7BF0  }
0x213: {  	[hbm4b:s21+s3] =	stream.linear.scatter [tilespmem:s22], [sflag:$0x4], $0x80, $0x38;
	[tilespmem:$0x8580] =	vst v63  }
0x214: {  	s7 =	sadd.s32 $0x70, s7;
	s24 =	simm.s32 $0x7C78  }
0x215: {  	[hbm4b:s7+s3] =	stream.linear.scatter [tilespmem:s24], [sflag:$0x4], $0x80, $0x38;
	[tilespmem:$0x8580] =	vst v63  }
0x216: {  	s18 =	simm.s32 $0x7D00;
	s7 =	sadd.s32 s1, s13  }
0x217: {  	[hbm4b:s7+s3] =	stream.linear.scatter [tilespmem:s18], [sflag:$0x4], $0x80, $0x38;
	[tilespmem:$0x8580] =	vst v63  }
0x218: {  	s21 =	simm.s32 $0x7D88;
	s19 =	sadd.s32 $0x10, s7  }
0x219: {  	[hbm4b:s19+s3] =	stream.linear.scatter [tilespmem:s21], [sflag:$0x4], $0x80, $0x38;
	[tilespmem:$0x8580] =	vst v63  }
0x21a: {  	s24 =	simm.s32 $0x7E10;
	s22 =	sadd.s32 $0x20, s7  }
0x21b: {  	[hbm4b:s22+s3] =	stream.linear.scatter [tilespmem:s24], [sflag:$0x4], $0x80, $0x38;
	[tilespmem:$0x8580] =	vst v63  }
0x21c: {  	s19 =	sadd.s32 $0x30, s7;
	s21 =	simm.s32 $0x7E98  }
0x21d: {  	[hbm4b:s19+s3] =	stream.linear.scatter [tilespmem:s21], [sflag:$0x4], $0x80, $0x38;
	[tilespmem:$0x8580] =	vst v63  }
0x21e: {  	s22 =	sadd.s32 $0x40, s7;
	s24 =	simm.s32 $0x7F20  }
0x21f: {  	[hbm4b:s22+s3] =	stream.linear.scatter [tilespmem:s24], [sflag:$0x4], $0x80, $0x38;
	[tilespmem:$0x8580] =	vst v63  }
0x220: {  	s18 =	sadd.s32 $0x50, s7;
	s19 =	simm.s32 $0x7FA8  }
0x221: {  	[hbm4b:s18+s3] =	stream.linear.scatter [tilespmem:s19], [sflag:$0x4], $0x80, $0x38;
	[tilespmem:$0x8580] =	vst v63  }
0x222: {  	s21 =	sadd.s32 $0x60, s7;
	s22 =	simm.s32 $0x8030  }
0x223: {  	[hbm4b:s21+s3] =	stream.linear.scatter [tilespmem:s22], [sflag:$0x4], $0x80, $0x38;
	[tilespmem:$0x8580] =	vst v63  }
0x224: {  	s7 =	sadd.s32 $0x70, s7;
	s24 =	simm.s32 $0x80B8  }
0x225: {  	[hbm4b:s7+s3] =	stream.linear.scatter [tilespmem:s24], [sflag:$0x4], $0x80, $0x38;
	[tilespmem:$0x8580] =	vst v63  }
0x226: {  	s1 =	sadd.s32 s1, s14;
	s18 =	simm.s32 $0x8140  }
0x227: {  	[hbm4b:s1+s3] =	stream.linear.scatter [tilespmem:s18], [sflag:$0x4], $0x80, $0x38;
	[tilespmem:$0x8580] =	vst v63  }
0x228: {  	s19 =	sadd.s32 $0x10, s1;
	s21 =	simm.s32 $0x81C8  }
0x229: {  	[hbm4b:s19+s3] =	stream.linear.scatter [tilespmem:s21], [sflag:$0x4], $0x80, $0x38;
	[tilespmem:$0x8580] =	vst v63  }
0x22a: {  	s22 =	sadd.s32 $0x20, s1;
	s24 =	simm.s32 $0x8250  }
0x22b: {  	[hbm4b:s22+s3] =	stream.linear.scatter [tilespmem:s24], [sflag:$0x4], $0x80, $0x38;
	[tilespmem:$0x8580] =	vst v63  }
0x22c: {  	s16 =	sadd.s32 $0x30, s1;
	s18 =	simm.s32 $0x82D8  }
0x22d: {  	[hbm4b:s16+s3] =	stream.linear.scatter [tilespmem:s18], [sflag:$0x4], $0x80, $0x38;
	[tilespmem:$0x8580] =	vst v63  }
0x22e: {  	s30 =	sadd.s32 $0x1, s30;
	s19 =	sadd.s32 $0x40, s1;
	s21 =	simm.s32 $0x8360  }
0x22f: {  	[hbm4b:s19+s3] =	stream.linear.scatter [tilespmem:s21], [sflag:$0x4], $0x80, $0x38;
	[tilespmem:$0x8580] =	vst v63  }
0x230: {  	p0 =	sne.s32 s30, $0x28;
	s22 =	sadd.s32 $0x50, s1  }
0x231: {  	[hbm4b:s22+s3] =	stream.linear.scatter [tilespmem:s25], [sflag:$0x4], $0x80, $0x38;
	[tilespmem:$0x8580] =	vst v63  }
.Ltmp2:
0x232: {  	_ = 	snop;
	(pc) =	sbr.rel @p0 .LBB2_2-.Ltmp2, $4  }
0x233: {  	s24 =	sadd.s32 $0x60, s1  }
0x234: {  	[hbm4b:s24+s3] =	stream.linear.scatter [tilespmem:s26], [sflag:$0x4], $0x80, $0x38;
	[tilespmem:$0x8580] =	vst v63  }
0x235: {  	s1 =	sadd.s32 $0x70, s1  }
0x236: {  	[hbm4b:s1+s3] =	stream.linear.scatter [tilespmem:s28], [sflag:$0x4], $0x80, $0x38;
	[tilespmem:$0x8580] =	vst v63  }
0x237: {  	s1 =	simm.s32 $0x3  }
0x238: {  	_ =	swait.ge [sflag:s1], $0x400  }
0x239: {  	[sflag:s1] =	ssyncset.done $0x0  }
0x23a: {  	[sflag:s1] =	ssyncadd.s32 $0xFFFFFC00  }
0x23b: {  	_ =	swait.ge [sflag:s1], $0x400  }
0x23c: {  	[sflag:s1] =	ssyncset.done $0x0  }
0x23d: {  	[sflag:s1] =	ssyncadd.s32 $0xFFFFFC00  }
0x23e: {  	_ =	swait.ge [sflag:s1], $0x400  }
0x23f: {  	[sflag:s1] =	ssyncset.done $0x0  }
0x240: {  	[sflag:s1] =	ssyncadd.s32 $0xFFFFFC00  }
0x241: {  	_ =	swait.ge [sflag:s1], $0x400  }
0x242: {  	[sflag:s1] =	ssyncset.done $0x0  }
0x243: {  	[sflag:s1] =	ssyncadd.s32 $0xFFFFFC00  }
0x244: {  	_ =	swait.ge [sflag:s1], $0x400  }
0x245: {  	[sflag:s1] =	ssyncset.done $0x0  }
0x246: {  	[sflag:s1] =	ssyncadd.s32 $0xFFFFFC00  }
0x247: {  	_ =	swait.ge [sflag:s1], $0x400  }
0x248: {  	[sflag:s1] =	ssyncset.done $0x0  }
0x249: {  	[sflag:s1] =	ssyncadd.s32 $0xFFFFFC00  }
0x24a: {  	_ =	swait.ge [sflag:s1], $0x400  }
0x24b: {  	[sflag:s1] =	ssyncset.done $0x0  }
0x24c: {  	[sflag:s1] =	ssyncadd.s32 $0xFFFFFC00  }
0x24d: {  	_ =	swait.ge [sflag:s1], $0x400  }
0x24e: {  	[sflag:s1] =	ssyncset.done $0x0  }
0x24f: {  	[sflag:s1] =	ssyncadd.s32 $0xFFFFFC00  }
0x250: {  	_ =	swait.ge [sflag:s29], $0x400  }
0x251: {  	[sflag:s29] =	ssyncset.done $0x0  }
0x252: {  	[sflag:s29] =	ssyncadd.s32 $0xFFFFFC00  }
0x253: {  	_ =	swait.ge [sflag:s29], $0x400  }
0x254: {  	[sflag:s29] =	ssyncset.done $0x0  }
0x255: {  	[sflag:s29] =	ssyncadd.s32 $0xFFFFFC00  }
0x256: {  	_ =	swait.ge [sflag:s29], $0x400  }
0x257: {  	[sflag:s29] =	ssyncset.done $0x0  }
0x258: {  	[sflag:s29] =	ssyncadd.s32 $0xFFFFFC00  }
0x259: {  	_ =	swait.ge [sflag:s29], $0x400  }
0x25a: {  	[sflag:s29] =	ssyncset.done $0x0  }
0x25b: {  	[sflag:s29] =	ssyncadd.s32 $0xFFFFFC00  }
0x25c: {  	_ =	swait.ge [sflag:s29], $0x400  }
0x25d: {  	[sflag:s29] =	ssyncset.done $0x0  }
0x25e: {  	[sflag:s29] =	ssyncadd.s32 $0xFFFFFC00  }
0x25f: {  	_ =	swait.ge [sflag:s29], $0x400  }
0x260: {  	[sflag:s29] =	ssyncset.done $0x0  }
0x261: {  	[sflag:s29] =	ssyncadd.s32 $0xFFFFFC00  }
0x262: {  	_ =	swait.ge [sflag:s29], $0x400  }
0x263: {  	[sflag:s29] =	ssyncset.done $0x0  }
0x264: {  	[sflag:s29] =	ssyncadd.s32 $0xFFFFFC00  }
0x265: {  	_ =	swait.ge [sflag:s29], $0x400  }
0x266: {  	s7 =	rddreg [dreg:$0x5]  }
0x267: {  	s30 =	rddreg [dreg:$0x4];
	s7 =	sadd.s32 $0x1, s7  }
0x268: {  	p0 =	sne.s32 s7, s30  }
.Ltmp3:
0x269: {  	_ = 	snop;
	(pc) =	sbr.rel @p0 .LBB2_1-.Ltmp3, $3  }
0x26a: {  	_ =	sdelay $0x1  }
0x26b: {  	[sflag:s29] =	ssyncset.done $0x0  }
0x26c: {  	[sflag:s29] =	ssyncadd.s32 $0xFFFFFC00  }
0x26d: {  	_ =	sfence.sel $0x180000  }
0x26e: {  	[bflag:$0x0] =	sbarrier.arrive $0xFFFF  }
0x26f: {  	_ =	strace $0x9000004A  }
0x270: {  	s0 =	stileid.u32;
	[bflag:$0x2] =	sbarrier.arrive $0xFFFF  }
0x271: {  	p0 =	sne.s32 s0, $0x0;
	s0 =	rddreg [dreg:$0x2]  }
0x272: {  	s0 =	sadd.s32 @!p0 $0x100000, s0  }
0x273: {  	[sflag:s0] =	ssyncadd.tile.s32 @!p0 $0x1;
	_ =	shalt  }
.Lfunc_end2:
_tile_overlayer_lowered:
.L_overlay_start_2:
0x274: {  	(tag) =	ssettag $0x2  }
0x275: {  	s0 =	rddreg [dreg:$0x0];
	s2 =	stileid.u32  }
0x276: {  	s1 =	rddreg [dreg:$0x1];
	p0 =	sne.s32 s2, $0x0  }
0x277: {  	s3 =	rddreg [dreg:$0x2];
	[bflag:$0x3] =	sbarrier.arrive $0xFFFF;
	s2 =	simm.s32 @!p0 $0x1C05  }
0x278: {  	[timem:s3], [sflag:s2] =	dma.local @!p0 [hbm:s0], s1  }
0x279: {  	s0 =	simm.s32 @!p0 $0x5  }
0x27a: {  	_ =	swait.ge @!p0 [sflag:s0], s1  }
0x27b: {  	s1 =	ssub.s32 @!p0 $0x0, s1;
	[sflag:s0] =	ssyncset.done @!p0 $0x0  }
0x27c: {  	[sflag:s0] =	ssyncadd.s32 @!p0 s1  }
0x27d: {  	[bflag:$0x3] =	sbarrier.arrive $0xFFFF  }
0x27e: {  	_ =	shalt  }

</sc_bundles>
